<compile_context>
chip_gen: v7x
topology: tpu7x:2x2x1
jax: 0.10.2.dev20260603
libtpu: 0.0.44.dev20260713+nightly
codegen_flags: <defaults>
</compile_context>

<pallas_src>
import functools

import jax
import jax.numpy as jnp
from jax import lax
from jax.experimental import pallas as pl
from jax.experimental.pallas import tpu as pltpu
from jax.experimental.pallas import tpu_sc as plsc

NC = 2
NS = 16
LANES = 16
NW = NC * NS

B = 1024
SEQ = 200
D = 128
DCH = D // LANES

ROWS_PER_W = B // NW
FLAT_PER_W = ROWS_PER_W * SEQ
VCH_PER_ROW = -(-SEQ // LANES)
IDX_PAD = VCH_PER_ROW * LANES - SEQ
ZROWS = 128
BSEG = 8
NBB = 4
BITS = (128, 64, 32, 16, 8)
DRAIN_UNITS = ROWS_PER_W * (SEQ - BSEG) // ZROWS


def _vgather16(vec, idx):
    dnums = lax.GatherDimensionNumbers(
        offset_dims=(), collapsed_slice_dims=(0,), start_index_map=(0,)
    )
    return lax.gather(
        vec, idx[:, None], dnums, slice_sizes=(1,),
        mode=lax.GatherScatterMode.PROMISE_IN_BOUNDS,
    )


def _m8(x):
    return pl.multiple_of(x, 8)


def _sc_body(len_hbm, pe_hbm, out_hbm, pos_hbm, len_v, tz_v, idx_v,
             bbufs, dummy_v, psem, dsem, bsems):
    wid = lax.axis_index("s") * NC + lax.axis_index("c")
    flat_base = _m8(wid * FLAT_PER_W)
    row_base = _m8(wid * ROWS_PER_W)

    pltpu.sync_copy(len_hbm.at[pl.ds(row_base, ROWS_PER_W)],
                    len_v.at[pl.ds(0, ROWS_PER_W)])
    pltpu.sync_copy(pe_hbm, tz_v.at[pl.ds(0, SEQ)])

    iota = lax.iota(jnp.int32, LANES)
    zero16 = jnp.zeros((LANES,), jnp.float32)

    def zrow(r, carry):
        for c in range(DCH):
            tz_v[SEQ + r, pl.ds(c * LANES, LANES)] = zero16
        return carry

    lax.fori_loop(0, ZROWS, zrow, 0)

    lo16 = len_v[pl.ds(0, LANES)]
    hi16 = len_v[pl.ds(LANES, LANES)]

    def fill_row(r, carry):
        r_lane = jnp.full((LANES,), r, jnp.int32)
        lens = jnp.where(
            r < LANES,
            _vgather16(lo16, jnp.minimum(r_lane, LANES - 1)),
            _vgather16(hi16, jnp.maximum(r_lane - LANES, 0)),
        )
        for jc in range(VCH_PER_ROW):
            j1 = jc * LANES + iota + 1
            idx_v[pl.ds(r * SEQ + jc * LANES, LANES)] = jnp.where(
                j1 <= lens, j1, 0
            )
        return carry

    lax.fori_loop(0, ROWS_PER_W, fill_row, 0)

    pltpu.async_copy(idx_v.at[pl.ds(0, FLAT_PER_W)],
                     pos_hbm.at[pl.ds(flat_base, FLAT_PER_W)], psem)

    def row_body(r, carry):
        len_s = len_v[pl.ds(r, LANES)][0]
        q8 = _m8(lax.bitwise_and(len_s, -BSEG))
        s = lax.bitwise_and(len_s, BSEG - 1)
        rowflat = _m8(flat_base + r * SEQ)

        for sz in BITS:
            off = _m8(lax.bitwise_and(q8, -(2 * sz)))

            @pl.when(lax.bitwise_and(q8, sz) != 0)
            def _():
                pltpu.async_copy(
                    tz_v.at[pl.ds(off, sz)],
                    out_hbm.at[pl.ds(_m8(rowflat + off), sz)],
                    dsem,
                )

        for bb in range(NBB):
            @pl.when(lax.rem(r, NBB) == bb)
            def _():
                @pl.when(r >= NBB)
                def _():
                    pltpu.make_async_copy(
                        bbufs[bb],
                        out_hbm.at[pl.ds(flat_base, BSEG)],
                        bsems[bb],
                    ).wait()

                for i in range(BSEG):
                    for c in range(DCH):
                        tvec = tz_v[q8 + i, pl.ds(c * LANES, LANES)]
                        bbufs[bb][i, pl.ds(c * LANES, LANES)] = jnp.where(
                            i < s, tvec, zero16
                        )
                pltpu.async_copy(
                    bbufs[bb],
                    out_hbm.at[pl.ds(_m8(rowflat + q8), BSEG)],
                    bsems[bb],
                )

        z = (SEQ - BSEG) - q8
        for sz in BITS:
            zoff = q8 + BSEG + lax.bitwise_and(z, -(2 * sz))

            @pl.when(lax.bitwise_and(z, sz) != 0)
            def _():
                pltpu.async_copy(
                    tz_v.at[pl.ds(SEQ, sz)],
                    out_hbm.at[pl.ds(_m8(rowflat + zoff), sz)],
                    dsem,
                )

        return carry

    lax.fori_loop(0, ROWS_PER_W, row_body, 0)

    def drain(i, carry):
        pltpu.make_async_copy(
            out_hbm.at[pl.ds(flat_base, ZROWS)], dummy_v, dsem
        ).wait()
        return carry

    lax.fori_loop(0, DRAIN_UNITS, drain, 0)

    for bb in range(NBB):
        pltpu.make_async_copy(
            bbufs[bb], out_hbm.at[pl.ds(flat_base, BSEG)], bsems[bb]
        ).wait()

    pltpu.make_async_copy(
        idx_v.at[pl.ds(0, FLAT_PER_W)],
        pos_hbm.at[pl.ds(flat_base, FLAT_PER_W)], psem
    ).wait()


@functools.partial(jax.jit, static_argnames=())
def _run(lens, pe_shift):
    mesh = plsc.VectorSubcoreMesh(
        core_axis_name="c", subcore_axis_name="s", num_cores=NC, num_subcores=NS
    )
    out_flat, pos_flat = pl.kernel(
        _sc_body,
        out_type=[
            jax.ShapeDtypeStruct((B * SEQ, D), jnp.float32),
            jax.ShapeDtypeStruct((B * SEQ,), jnp.int32),
        ],
        mesh=mesh,
        scratch_types=[
            pltpu.VMEM((ROWS_PER_W + LANES,), jnp.int32),
            pltpu.VMEM((SEQ + ZROWS, D), jnp.float32),
            pltpu.VMEM((FLAT_PER_W + IDX_PAD,), jnp.int32),
            [pltpu.VMEM((BSEG, D), jnp.float32) for _ in range(NBB)],
            pltpu.VMEM((ZROWS, D), jnp.float32),
            pltpu.SemaphoreType.DMA,
            pltpu.SemaphoreType.DMA,
            [pltpu.SemaphoreType.DMA for _ in range(NBB)],
        ],
    )(lens, pe_shift)
    return out_flat, pos_flat


def kernel(input_len, position_encoding):
    lens = input_len.astype(jnp.int32)
    pe_shift = position_encoding[1:]
    out_flat, pos_flat = _run(lens, pe_shift)
    positions = out_flat.reshape(B, SEQ, D)
    input_pos = pos_flat.reshape(B, SEQ)
    return positions, input_pos

# --- scband reference (transcript-rebuilt; emitter-appended) ---
"""Pipeline reference for scband-positional-encoding-31834297598139 (READ-ONLY COPY).

The authoritative reference and input builder live on the scoring server;
editing this copy changes nothing except your own understanding.
"""

import jax, jax.numpy as jnp
import numpy as np

D_MODEL = 128
MAX_SEQ_LEN = 200
BATCH = 1024

def _build_position_encoding(d_model, max_seq_len):
    pe = np.array([[pos / np.power(10000, 2 * (j // 2) / d_model) for j in range(d_model)] for pos in range(max_seq_len)])
    pe[:, 0::2] = np.sin(pe[:, 0::2])
    pe[:, 1::2] = np.cos(pe[:, 1::2])
    pe = np.concatenate((np.zeros([1, d_model]), pe), axis=0)
    return jnp.asarray(pe, dtype=jnp.float32)

def setup_inputs(seed: int = 0) -> dict:
    key = jax.random.key(seed)
    input_len = jax.random.randint(key, (BATCH,), 0, MAX_SEQ_LEN).astype(jnp.int64)
    position_encoding = _build_position_encoding(D_MODEL, MAX_SEQ_LEN)
    return {"input_len": input_len, "position_encoding": position_encoding}

def reference(input_len, position_encoding):
    input_len = input_len.astype(jnp.int32)
    max_len = position_encoding.shape[0] - 1
    batch = input_len.shape[0]
    input_pos = jnp.arange(1, max_len + 1, dtype=jnp.int32)
    input_pos = jnp.broadcast_to(input_pos, (batch, max_len))
    # tf.sequence_mask(lengths, maxlen): mask[b, j] = j < lengths[b]
    mask = input_pos <= input_len[:, None]
    input_pos = jnp.where(mask, input_pos, 0)
    positions = jnp.take(position_encoding, input_pos, axis=0)
    return (positions, input_pos)

if __name__ == "__main__":
    import jax
    _d = setup_inputs()
    print(jax.jit(kernel)(*tuple(_d.values())))

</pallas_src>

<mosaic_0001>
#map = affine_map<(d0, d1) -> (0)>
#map1 = affine_map<(d0, d1) -> (0, 0)>
module attributes {stable_mosaic.version = 14 : i64} {
  func.func @_sc_body(%arg0: i32, %arg1: i32, %arg2: memref<1024xi32, #tpu.memory_space<hbm>>, %arg3: memref<200x128xf32, #tpu.memory_space<hbm>>, %arg4: memref<204800x128xf32, #tpu.memory_space<hbm>>, %arg5: memref<204800xi32, #tpu.memory_space<hbm>>, %arg6: memref<48xi32, #tpu.memory_space<vmem>>, %arg7: memref<328x128xf32, #tpu.memory_space<vmem>>, %arg8: memref<6408xi32, #tpu.memory_space<vmem>>, %arg9: memref<8x128xf32, #tpu.memory_space<vmem>>, %arg10: memref<8x128xf32, #tpu.memory_space<vmem>>, %arg11: memref<8x128xf32, #tpu.memory_space<vmem>>, %arg12: memref<8x128xf32, #tpu.memory_space<vmem>>, %arg13: memref<128x128xf32, #tpu.memory_space<vmem>>, %arg14: memref<!tpu.dma_semaphore, #tpu.memory_space<semaphore_mem>>, %arg15: memref<!tpu.dma_semaphore, #tpu.memory_space<semaphore_mem>>, %arg16: memref<!tpu.dma_semaphore, #tpu.memory_space<semaphore_mem>>, %arg17: memref<!tpu.dma_semaphore, #tpu.memory_space<semaphore_mem>>, %arg18: memref<!tpu.dma_semaphore, #tpu.memory_space<semaphore_mem>>, %arg19: memref<!tpu.dma_semaphore, #tpu.memory_space<semaphore_mem>>) attributes {dimension_semantics = [#tpu.dimension_semantics<core_parallel>, #tpu.dimension_semantics<subcore_parallel>], iteration_bounds = array<i64: 2, 16>, scalar_prefetch = 0 : i64, scratch_operands = 14 : i64, tpu.core_type = #tpu.core_type<sc_vector_subcore>, window_params = [{transform_indices = #map}, {transform_indices = #map1}, {transform_indices = #map1}, {transform_indices = #map}]} {
    %mul3A = arith.constant 2 : i32
    %mul3A_0 = arith.muli %arg1, %mul3A : i32
    %add3A = arith.addi %mul3A_0, %arg0 : i32
    %mul3A_1 = arith.constant 6400 : i32
    %mul3A_2 = arith.muli %add3A, %mul3A_1 : i32
    %multiple_of3A = tpu.assume_multiple %mul3A_2, 8 : i32
    %mul3A_3 = arith.constant 32 : i32
    %mul3A_4 = arith.muli %add3A, %mul3A_3 : i32
    %multiple_of3A_5 = tpu.assume_multiple %mul3A_4, 8 : i32
    "tpu.region"() ({
      %run_scoped3A = tpu.sem_alloc : memref<!tpu.dma_semaphore, #tpu.memory_space<semaphore_mem>>
      %dma_start3A_61 = arith.constant 0 : i32
      %dma_start3A_62 = tpu.memref_slice %arg6[%dma_start3A_61] : memref<48xi32, #tpu.memory_space<vmem>> -> memref<32xi32, #tpu.memory_space<vmem>>
      %dma_start3A_63 = tpu.memref_slice %arg2[%multiple_of3A_5] : memref<1024xi32, #tpu.memory_space<hbm>> -> memref<32xi32, #tpu.memory_space<hbm>>
      %dma_start3A_64 = arith.constant 0 : i32
      %dma_start3A_65 = tpu.memref_slice %arg6[%dma_start3A_64] : memref<48xi32, #tpu.memory_space<vmem>> -> memref<32xi32, #tpu.memory_space<vmem>>
      %dma_start3A_66 = tpu.memref_slice %arg2[%multiple_of3A_5] : memref<1024xi32, #tpu.memory_space<hbm>> -> memref<32xi32, #tpu.memory_space<hbm>>
      tpu.enqueue_dma source(%dma_start3A_66 : memref<32xi32, #tpu.memory_space<hbm>>) target(%dma_start3A_65 : memref<32xi32, #tpu.memory_space<vmem>>) target_semaphore(%run_scoped3A : memref<!tpu.dma_semaphore, #tpu.memory_space<semaphore_mem>>)
      %dma_wait3A_67 = arith.constant 0 : i32
      %dma_wait3A_68 = tpu.memref_slice %arg6[%dma_wait3A_67] : memref<48xi32, #tpu.memory_space<vmem>> -> memref<32xi32, #tpu.memory_space<vmem>>
      %dma_wait3A_69 = tpu.memref_slice %arg2[%multiple_of3A_5] : memref<1024xi32, #tpu.memory_space<hbm>> -> memref<32xi32, #tpu.memory_space<hbm>>
      %dma_wait3A_70 = arith.constant 0 : i32
      %dma_wait3A_71 = tpu.memref_slice %arg6[%dma_wait3A_70] : memref<48xi32, #tpu.memory_space<vmem>> -> memref<32xi32, #tpu.memory_space<vmem>>
      %dma_wait3A_72 = tpu.memref_slice %arg2[%multiple_of3A_5] : memref<1024xi32, #tpu.memory_space<hbm>> -> memref<32xi32, #tpu.memory_space<hbm>>
      tpu.wait_dma2 semaphore(%run_scoped3A : memref<!tpu.dma_semaphore, #tpu.memory_space<semaphore_mem>>) src(%dma_wait3A_72 : memref<32xi32, #tpu.memory_space<hbm>>) dst(%dma_wait3A_71 : memref<32xi32, #tpu.memory_space<vmem>>)
      tpu.yield
    }) : () -> ()
    "tpu.region"() ({
      %run_scoped3A = tpu.sem_alloc : memref<!tpu.dma_semaphore, #tpu.memory_space<semaphore_mem>>
      %dma_start3A_61 = arith.constant 0 : i32
      %dma_start3A_62 = arith.constant 0 : i32
      %dma_start3A_63 = tpu.memref_slice %arg7[%dma_start3A_61, %dma_start3A_62] : memref<328x128xf32, #tpu.memory_space<vmem>> -> memref<200x128xf32, #tpu.memory_space<vmem>>
      %dma_start3A_64 = arith.constant 0 : i32
      %dma_start3A_65 = arith.constant 0 : i32
      %dma_start3A_66 = tpu.memref_slice %arg7[%dma_start3A_64, %dma_start3A_65] : memref<328x128xf32, #tpu.memory_space<vmem>> -> memref<200x128xf32, #tpu.memory_space<vmem>>
      tpu.enqueue_dma source(%arg3 : memref<200x128xf32, #tpu.memory_space<hbm>>) target(%dma_start3A_66 : memref<200x128xf32, #tpu.memory_space<vmem>>) target_semaphore(%run_scoped3A : memref<!tpu.dma_semaphore, #tpu.memory_space<semaphore_mem>>)
      %dma_wait3A_67 = arith.constant 0 : i32
      %dma_wait3A_68 = arith.constant 0 : i32
      %dma_wait3A_69 = tpu.memref_slice %arg7[%dma_wait3A_67, %dma_wait3A_68] : memref<328x128xf32, #tpu.memory_space<vmem>> -> memref<200x128xf32, #tpu.memory_space<vmem>>
      %dma_wait3A_70 = arith.constant 0 : i32
      %dma_wait3A_71 = arith.constant 0 : i32
      %dma_wait3A_72 = tpu.memref_slice %arg7[%dma_wait3A_70, %dma_wait3A_71] : memref<328x128xf32, #tpu.memory_space<vmem>> -> memref<200x128xf32, #tpu.memory_space<vmem>>
      tpu.wait_dma2 semaphore(%run_scoped3A : memref<!tpu.dma_semaphore, #tpu.memory_space<semaphore_mem>>) src(%arg3 : memref<200x128xf32, #tpu.memory_space<hbm>>) dst(%dma_wait3A_72 : memref<200x128xf32, #tpu.memory_space<vmem>>)
      tpu.yield
    }) : () -> ()
    %iota3A = tpu.iota {dimensions = array<i32: 0>} : vector<16xi32>
    %broadcast_in_dim3A = arith.constant 0.000000e+00 : f32
    %broadcast_in_dim3A_6 = vector.broadcast %broadcast_in_dim3A : f32 to vector<16xf32>
    %scan3A = arith.constant 0 : i32
    %scan3A_7 = arith.constant 0 : i32
    %scan3A_8 = arith.constant 128 : i32
    %scan3A_9 = arith.addi %scan3A_7, %scan3A_8 : i32
    %scan3A_10 = arith.constant 1 : i32
    scf.for %scan3A_61 = %scan3A_7 to %scan3A_9 step %scan3A_10  : i32 {
      %add3A_62 = arith.constant 200 : i32
      %add3A_63 = arith.addi %add3A_62, %scan3A_61 : i32
      %swap3A = arith.index_cast %add3A_63 : i32 to index
      %swap3A_64 = arith.constant 0 : index
      %swap3A_65 = tpu.vector_load %arg7[%swap3A, %swap3A_64] {strides = array<i32>} : memref<328x128xf32, #tpu.memory_space<vmem>>, vector<1x16xf32>,
      %swap3A_66 = vector.shape_cast %swap3A_65 : vector<1x16xf32> to vector<16xf32>
      %swap3A_67 = vector.shape_cast %broadcast_in_dim3A_6 : vector<16xf32> to vector<1x16xf32>
      tpu.vector_store %arg7[%swap3A, %swap3A_64], %swap3A_67 {strides = array<i32>} : memref<328x128xf32, #tpu.memory_space<vmem>>, vector<1x16xf32>,
      %add3A_68 = arith.constant 200 : i32
      %add3A_69 = arith.addi %add3A_68, %scan3A_61 : i32
      %swap3A_70 = arith.index_cast %add3A_69 : i32 to index
      %swap3A_71 = arith.constant 16 : index
      %swap3A_72 = tpu.vector_load %arg7[%swap3A_70, %swap3A_71] {strides = array<i32>} : memref<328x128xf32, #tpu.memory_space<vmem>>, vector<1x16xf32>,
      %swap3A_73 = vector.shape_cast %swap3A_72 : vector<1x16xf32> to vector<16xf32>
      %swap3A_74 = vector.shape_cast %broadcast_in_dim3A_6 : vector<16xf32> to vector<1x16xf32>
      tpu.vector_store %arg7[%swap3A_70, %swap3A_71], %swap3A_74 {strides = array<i32>} : memref<328x128xf32, #tpu.memory_space<vmem>>, vector<1x16xf32>,
      %add3A_75 = arith.constant 200 : i32
      %add3A_76 = arith.addi %add3A_75, %scan3A_61 : i32
      %swap3A_77 = arith.index_cast %add3A_76 : i32 to index
      %swap3A_78 = arith.constant 32 : index
      %swap3A_79 = tpu.vector_load %arg7[%swap3A_77, %swap3A_78] {strides = array<i32>} : memref<328x128xf32, #tpu.memory_space<vmem>>, vector<1x16xf32>,
      %swap3A_80 = vector.shape_cast %swap3A_79 : vector<1x16xf32> to vector<16xf32>
      %swap3A_81 = vector.shape_cast %broadcast_in_dim3A_6 : vector<16xf32> to vector<1x16xf32>
      tpu.vector_store %arg7[%swap3A_77, %swap3A_78], %swap3A_81 {strides = array<i32>} : memref<328x128xf32, #tpu.memory_space<vmem>>, vector<1x16xf32>,
      %add3A_82 = arith.constant 200 : i32
      %add3A_83 = arith.addi %add3A_82, %scan3A_61 : i32
      %swap3A_84 = arith.index_cast %add3A_83 : i32 to index
      %swap3A_85 = arith.constant 48 : index
      %swap3A_86 = tpu.vector_load %arg7[%swap3A_84, %swap3A_85] {strides = array<i32>} : memref<328x128xf32, #tpu.memory_space<vmem>>, vector<1x16xf32>,
      %swap3A_87 = vector.shape_cast %swap3A_86 : vector<1x16xf32> to vector<16xf32>
      %swap3A_88 = vector.shape_cast %broadcast_in_dim3A_6 : vector<16xf32> to vector<1x16xf32>
      tpu.vector_store %arg7[%swap3A_84, %swap3A_85], %swap3A_88 {strides = array<i32>} : memref<328x128xf32, #tpu.memory_space<vmem>>, vector<1x16xf32>,
      %add3A_89 = arith.constant 200 : i32
      %add3A_90 = arith.addi %add3A_89, %scan3A_61 : i32
      %swap3A_91 = arith.index_cast %add3A_90 : i32 to index
      %swap3A_92 = arith.constant 64 : index
      %swap3A_93 = tpu.vector_load %arg7[%swap3A_91, %swap3A_92] {strides = array<i32>} : memref<328x128xf32, #tpu.memory_space<vmem>>, vector<1x16xf32>,
      %swap3A_94 = vector.shape_cast %swap3A_93 : vector<1x16xf32> to vector<16xf32>
      %swap3A_95 = vector.shape_cast %broadcast_in_dim3A_6 : vector<16xf32> to vector<1x16xf32>
      tpu.vector_store %arg7[%swap3A_91, %swap3A_92], %swap3A_95 {strides = array<i32>} : memref<328x128xf32, #tpu.memory_space<vmem>>, vector<1x16xf32>,
      %add3A_96 = arith.constant 200 : i32
      %add3A_97 = arith.addi %add3A_96, %scan3A_61 : i32
      %swap3A_98 = arith.index_cast %add3A_97 : i32 to index
      %swap3A_99 = arith.constant 80 : index
      %swap3A_100 = tpu.vector_load %arg7[%swap3A_98, %swap3A_99] {strides = array<i32>} : memref<328x128xf32, #tpu.memory_space<vmem>>, vector<1x16xf32>,
      %swap3A_101 = vector.shape_cast %swap3A_100 : vector<1x16xf32> to vector<16xf32>
      %swap3A_102 = vector.shape_cast %broadcast_in_dim3A_6 : vector<16xf32> to vector<1x16xf32>
      tpu.vector_store %arg7[%swap3A_98, %swap3A_99], %swap3A_102 {strides = array<i32>} : memref<328x128xf32, #tpu.memory_space<vmem>>, vector<1x16xf32>,
      %add3A_103 = arith.constant 200 : i32
      %add3A_104 = arith.addi %add3A_103, %scan3A_61 : i32
      %swap3A_105 = arith.index_cast %add3A_104 : i32 to index
      %swap3A_106 = arith.constant 96 : index
      %swap3A_107 = tpu.vector_load %arg7[%swap3A_105, %swap3A_106] {strides = array<i32>} : memref<328x128xf32, #tpu.memory_space<vmem>>, vector<1x16xf32>,
      %swap3A_108 = vector.shape_cast %swap3A_107 : vector<1x16xf32> to vector<16xf32>
      %swap3A_109 = vector.shape_cast %broadcast_in_dim3A_6 : vector<16xf32> to vector<1x16xf32>
      tpu.vector_store %arg7[%swap3A_105, %swap3A_106], %swap3A_109 {strides = array<i32>} : memref<328x128xf32, #tpu.memory_space<vmem>>, vector<1x16xf32>,
      %add3A_110 = arith.constant 200 : i32
      %add3A_111 = arith.addi %add3A_110, %scan3A_61 : i32
      %swap3A_112 = arith.index_cast %add3A_111 : i32 to index
      %swap3A_113 = arith.constant 112 : index
      %swap3A_114 = tpu.vector_load %arg7[%swap3A_112, %swap3A_113] {strides = array<i32>} : memref<328x128xf32, #tpu.memory_space<vmem>>, vector<1x16xf32>,
      %swap3A_115 = vector.shape_cast %swap3A_114 : vector<1x16xf32> to vector<16xf32>
      %swap3A_116 = vector.shape_cast %broadcast_in_dim3A_6 : vector<16xf32> to vector<1x16xf32>
      tpu.vector_store %arg7[%swap3A_112, %swap3A_113], %swap3A_116 {strides = array<i32>} : memref<328x128xf32, #tpu.memory_space<vmem>>, vector<1x16xf32>,
    }
    %scan3A_11 = arith.constant 128 : i32
    %get3A = arith.constant 0 : index
    %get3A_12 = tpu.vector_load %arg6[%get3A] {strides = array<i32>} : memref<48xi32, #tpu.memory_space<vmem>>, vector<16xi32>,
    %get3A_13 = vector.shape_cast %get3A_12 : vector<16xi32> to vector<16xi32>
    %get3A_14 = arith.constant 16 : index
    %get3A_15 = tpu.vector_load %arg6[%get3A_14] {strides = array<i32>} : memref<48xi32, #tpu.memory_space<vmem>>, vector<16xi32>,
    %get3A_16 = vector.shape_cast %get3A_15 : vector<16xi32> to vector<16xi32>
    %scan3A_17 = arith.constant 0 : i32
    %scan3A_18 = arith.constant 0 : i32
    %scan3A_19 = arith.constant 32 : i32
    %scan3A_20 = arith.addi %scan3A_18, %scan3A_19 : i32
    %scan3A_21 = arith.constant 1 : i32
    scf.for %scan3A_61 = %scan3A_18 to %scan3A_20 step %scan3A_21  : i32 {
      %broadcast_in_dim3A_62 = vector.broadcast %scan3A_61 : i32 to vector<16xi32>
      %lt3A = arith.constant 16 : i32
      %lt3A_63 = arith.cmpi slt, %scan3A_61, %lt3A : i32
      %min3A = arith.constant 15 : i32
      %min3A_64 = vector.broadcast %min3A : i32 to vector<16xi32>
      %min3A_65 = arith.minsi %broadcast_in_dim3A_62, %min3A_64 : vector<16xi32>
      %broadcast_in_dim3A_66 = vector.shape_cast %min3A_65 : vector<16xi32> to vector<16x1xi32>
      %gather3A = vector.shape_cast %broadcast_in_dim3A_66 : vector<16x1xi32> to vector<16xi32>
      %gather3A_67 = tpu.dynamic_gather %get3A_13[%gather3A] in [0] : vector<16xi32>, vector<16xi32> -> vector<16xi32>
      %sub3A = arith.constant 16 : i32
      %sub3A_68 = vector.broadcast %sub3A : i32 to vector<16xi32>
      %sub3A_69 = arith.subi %broadcast_in_dim3A_62, %sub3A_68 : vector<16xi32>
      %max3A = arith.constant 0 : i32
      %max3A_70 = vector.broadcast %max3A : i32 to vector<16xi32>
      %max3A_71 = arith.maxsi %sub3A_69, %max3A_70 : vector<16xi32>
      %broadcast_in_dim3A_72 = vector.shape_cast %max3A_71 : vector<16xi32> to vector<16x1xi32>
      %gather3A_73 = vector.shape_cast %broadcast_in_dim3A_72 : vector<16x1xi32> to vector<16xi32>
      %gather3A_74 = tpu.dynamic_gather %get3A_16[%gather3A_73] in [0] : vector<16xi32>, vector<16xi32> -> vector<16xi32>
      %select_n3A = arith.select %lt3A_63, %gather3A_67, %gather3A_74 : vector<16xi32>
      %add3A_75 = arith.constant 0 : i32
      %add3A_76 = vector.broadcast %add3A_75 : i32 to vector<16xi32>
      %add3A_77 = arith.addi %add3A_76, %iota3A : vector<16xi32>
      %add3A_78 = arith.constant 1 : i32
      %add3A_79 = vector.broadcast %add3A_78 : i32 to vector<16xi32>
      %add3A_80 = arith.addi %add3A_77, %add3A_79 : vector<16xi32>
      %le3A = arith.cmpi sle, %add3A_80, %select_n3A : vector<16xi32>
      %jit3A = arith.constant 0 : i32
      %broadcast_in_dim3A_81 = vector.broadcast %jit3A : i32 to vector<16xi32>
      %select_n3A_82 = arith.select %le3A, %add3A_80, %broadcast_in_dim3A_81 : vector<16xi1>, vector<16xi32>
      %mul3A_83 = arith.constant 200 : i32
      %mul3A_84 = arith.muli %scan3A_61, %mul3A_83 : i32
      %add3A_85 = arith.constant 0 : i32
      %add3A_86 = arith.addi %mul3A_84, %add3A_85 : i32
      %swap3A = arith.index_cast %add3A_86 : i32 to index
      %swap3A_87 = tpu.vector_load %arg8[%swap3A] {strides = array<i32>} : memref<6408xi32, #tpu.memory_space<vmem>>, vector<16xi32>,
      %swap3A_88 = vector.shape_cast %swap3A_87 : vector<16xi32> to vector<16xi32>
      %swap3A_89 = vector.shape_cast %select_n3A_82 : vector<16xi32> to vector<16xi32>
      tpu.vector_store %arg8[%swap3A], %swap3A_89 {strides = array<i32>} : memref<6408xi32, #tpu.memory_space<vmem>>, vector<16xi32>,
      %add3A_90 = arith.constant 16 : i32
      %add3A_91 = vector.broadcast %add3A_90 : i32 to vector<16xi32>
      %add3A_92 = arith.addi %add3A_91, %iota3A : vector<16xi32>
      %add3A_93 = arith.constant 1 : i32
      %add3A_94 = vector.broadcast %add3A_93 : i32 to vector<16xi32>
      %add3A_95 = arith.addi %add3A_92, %add3A_94 : vector<16xi32>
      %le3A_96 = arith.cmpi sle, %add3A_95, %select_n3A : vector<16xi32>
      %jit3A_97 = arith.constant 0 : i32
      %broadcast_in_dim3A_98 = vector.broadcast %jit3A_97 : i32 to vector<16xi32>
      %select_n3A_99 = arith.select %le3A_96, %add3A_95, %broadcast_in_dim3A_98 : vector<16xi1>, vector<16xi32>
      %mul3A_100 = arith.constant 200 : i32
      %mul3A_101 = arith.muli %scan3A_61, %mul3A_100 : i32
      %add3A_102 = arith.constant 16 : i32
      %add3A_103 = arith.addi %mul3A_101, %add3A_102 : i32
      %swap3A_104 = arith.index_cast %add3A_103 : i32 to index
      %swap3A_105 = tpu.vector_load %arg8[%swap3A_104] {strides = array<i32>} : memref<6408xi32, #tpu.memory_space<vmem>>, vector<16xi32>,
      %swap3A_106 = vector.shape_cast %swap3A_105 : vector<16xi32> to vector<16xi32>
      %swap3A_107 = vector.shape_cast %select_n3A_99 : vector<16xi32> to vector<16xi32>
      tpu.vector_store %arg8[%swap3A_104], %swap3A_107 {strides = array<i32>} : memref<6408xi32, #tpu.memory_space<vmem>>, vector<16xi32>,
      %add3A_108 = arith.constant 32 : i32
      %add3A_109 = vector.broadcast %add3A_108 : i32 to vector<16xi32>
      %add3A_110 = arith.addi %add3A_109, %iota3A : vector<16xi32>
      %add3A_111 = arith.constant 1 : i32
      %add3A_112 = vector.broadcast %add3A_111 : i32 to vector<16xi32>
      %add3A_113 = arith.addi %add3A_110, %add3A_112 : vector<16xi32>
      %le3A_114 = arith.cmpi sle, %add3A_113, %select_n3A : vector<16xi32>
      %jit3A_115 = arith.constant 0 : i32
      %broadcast_in_dim3A_116 = vector.broadcast %jit3A_115 : i32 to vector<16xi32>
      %select_n3A_117 = arith.select %le3A_114, %add3A_113, %broadcast_in_dim3A_116 : vector<16xi1>, vector<16xi32>
      %mul3A_118 = arith.constant 200 : i32
      %mul3A_119 = arith.muli %scan3A_61, %mul3A_118 : i32
      %add3A_120 = arith.constant 32 : i32
      %add3A_121 = arith.addi %mul3A_119, %add3A_120 : i32
      %swap3A_122 = arith.index_cast %add3A_121 : i32 to index
      %swap3A_123 = tpu.vector_load %arg8[%swap3A_122] {strides = array<i32>} : memref<6408xi32, #tpu.memory_space<vmem>>, vector<16xi32>,
      %swap3A_124 = vector.shape_cast %swap3A_123 : vector<16xi32> to vector<16xi32>
      %swap3A_125 = vector.shape_cast %select_n3A_117 : vector<16xi32> to vector<16xi32>
      tpu.vector_store %arg8[%swap3A_122], %swap3A_125 {strides = array<i32>} : memref<6408xi32, #tpu.memory_space<vmem>>, vector<16xi32>,
      %add3A_126 = arith.constant 48 : i32
      %add3A_127 = vector.broadcast %add3A_126 : i32 to vector<16xi32>
      %add3A_128 = arith.addi %add3A_127, %iota3A : vector<16xi32>
      %add3A_129 = arith.constant 1 : i32
      %add3A_130 = vector.broadcast %add3A_129 : i32 to vector<16xi32>
      %add3A_131 = arith.addi %add3A_128, %add3A_130 : vector<16xi32>
      %le3A_132 = arith.cmpi sle, %add3A_131, %select_n3A : vector<16xi32>
      %jit3A_133 = arith.constant 0 : i32
      %broadcast_in_dim3A_134 = vector.broadcast %jit3A_133 : i32 to vector<16xi32>
      %select_n3A_135 = arith.select %le3A_132, %add3A_131, %broadcast_in_dim3A_134 : vector<16xi1>, vector<16xi32>
      %mul3A_136 = arith.constant 200 : i32
      %mul3A_137 = arith.muli %scan3A_61, %mul3A_136 : i32
      %add3A_138 = arith.constant 48 : i32
      %add3A_139 = arith.addi %mul3A_137, %add3A_138 : i32
      %swap3A_140 = arith.index_cast %add3A_139 : i32 to index
      %swap3A_141 = tpu.vector_load %arg8[%swap3A_140] {strides = array<i32>} : memref<6408xi32, #tpu.memory_space<vmem>>, vector<16xi32>,
      %swap3A_142 = vector.shape_cast %swap3A_141 : vector<16xi32> to vector<16xi32>
      %swap3A_143 = vector.shape_cast %select_n3A_135 : vector<16xi32> to vector<16xi32>
      tpu.vector_store %arg8[%swap3A_140], %swap3A_143 {strides = array<i32>} : memref<6408xi32, #tpu.memory_space<vmem>>, vector<16xi32>,
      %add3A_144 = arith.constant 64 : i32
      %add3A_145 = vector.broadcast %add3A_144 : i32 to vector<16xi32>
      %add3A_146 = arith.addi %add3A_145, %iota3A : vector<16xi32>
      %add3A_147 = arith.constant 1 : i32
      %add3A_148 = vector.broadcast %add3A_147 : i32 to vector<16xi32>
      %add3A_149 = arith.addi %add3A_146, %add3A_148 : vector<16xi32>
      %le3A_150 = arith.cmpi sle, %add3A_149, %select_n3A : vector<16xi32>
      %jit3A_151 = arith.constant 0 : i32
      %broadcast_in_dim3A_152 = vector.broadcast %jit3A_151 : i32 to vector<16xi32>
      %select_n3A_153 = arith.select %le3A_150, %add3A_149, %broadcast_in_dim3A_152 : vector<16xi1>, vector<16xi32>
      %mul3A_154 = arith.constant 200 : i32
      %mul3A_155 = arith.muli %scan3A_61, %mul3A_154 : i32
      %add3A_156 = arith.constant 64 : i32
      %add3A_157 = arith.addi %mul3A_155, %add3A_156 : i32
      %swap3A_158 = arith.index_cast %add3A_157 : i32 to index
      %swap3A_159 = tpu.vector_load %arg8[%swap3A_158] {strides = array<i32>} : memref<6408xi32, #tpu.memory_space<vmem>>, vector<16xi32>,
      %swap3A_160 = vector.shape_cast %swap3A_159 : vector<16xi32> to vector<16xi32>
      %swap3A_161 = vector.shape_cast %select_n3A_153 : vector<16xi32> to vector<16xi32>
      tpu.vector_store %arg8[%swap3A_158], %swap3A_161 {strides = array<i32>} : memref<6408xi32, #tpu.memory_space<vmem>>, vector<16xi32>,
      %add3A_162 = arith.constant 80 : i32
      %add3A_163 = vector.broadcast %add3A_162 : i32 to vector<16xi32>
      %add3A_164 = arith.addi %add3A_163, %iota3A : vector<16xi32>
      %add3A_165 = arith.constant 1 : i32
      %add3A_166 = vector.broadcast %add3A_165 : i32 to vector<16xi32>
      %add3A_167 = arith.addi %add3A_164, %add3A_166 : vector<16xi32>
      %le3A_168 = arith.cmpi sle, %add3A_167, %select_n3A : vector<16xi32>
      %jit3A_169 = arith.constant 0 : i32
      %broadcast_in_dim3A_170 = vector.broadcast %jit3A_169 : i32 to vector<16xi32>
      %select_n3A_171 = arith.select %le3A_168, %add3A_167, %broadcast_in_dim3A_170 : vector<16xi1>, vector<16xi32>
      %mul3A_172 = arith.constant 200 : i32
      %mul3A_173 = arith.muli %scan3A_61, %mul3A_172 : i32
      %add3A_174 = arith.constant 80 : i32
      %add3A_175 = arith.addi %mul3A_173, %add3A_174 : i32
      %swap3A_176 = arith.index_cast %add3A_175 : i32 to index
      %swap3A_177 = tpu.vector_load %arg8[%swap3A_176] {strides = array<i32>} : memref<6408xi32, #tpu.memory_space<vmem>>, vector<16xi32>,
      %swap3A_178 = vector.shape_cast %swap3A_177 : vector<16xi32> to vector<16xi32>
      %swap3A_179 = vector.shape_cast %select_n3A_171 : vector<16xi32> to vector<16xi32>
      tpu.vector_store %arg8[%swap3A_176], %swap3A_179 {strides = array<i32>} : memref<6408xi32, #tpu.memory_space<vmem>>, vector<16xi32>,
      %add3A_180 = arith.constant 96 : i32
      %add3A_181 = vector.broadcast %add3A_180 : i32 to vector<16xi32>
      %add3A_182 = arith.addi %add3A_181, %iota3A : vector<16xi32>
      %add3A_183 = arith.constant 1 : i32
      %add3A_184 = vector.broadcast %add3A_183 : i32 to vector<16xi32>
      %add3A_185 = arith.addi %add3A_182, %add3A_184 : vector<16xi32>
      %le3A_186 = arith.cmpi sle, %add3A_185, %select_n3A : vector<16xi32>
      %jit3A_187 = arith.constant 0 : i32
      %broadcast_in_dim3A_188 = vector.broadcast %jit3A_187 : i32 to vector<16xi32>
      %select_n3A_189 = arith.select %le3A_186, %add3A_185, %broadcast_in_dim3A_188 : vector<16xi1>, vector<16xi32>
      %mul3A_190 = arith.constant 200 : i32
      %mul3A_191 = arith.muli %scan3A_61, %mul3A_190 : i32
      %add3A_192 = arith.constant 96 : i32
      %add3A_193 = arith.addi %mul3A_191, %add3A_192 : i32
      %swap3A_194 = arith.index_cast %add3A_193 : i32 to index
      %swap3A_195 = tpu.vector_load %arg8[%swap3A_194] {strides = array<i32>} : memref<6408xi32, #tpu.memory_space<vmem>>, vector<16xi32>,
      %swap3A_196 = vector.shape_cast %swap3A_195 : vector<16xi32> to vector<16xi32>
      %swap3A_197 = vector.shape_cast %select_n3A_189 : vector<16xi32> to vector<16xi32>
      tpu.vector_store %arg8[%swap3A_194], %swap3A_197 {strides = array<i32>} : memref<6408xi32, #tpu.memory_space<vmem>>, vector<16xi32>,
      %add3A_198 = arith.constant 112 : i32
      %add3A_199 = vector.broadcast %add3A_198 : i32 to vector<16xi32>
      %add3A_200 = arith.addi %add3A_199, %iota3A : vector<16xi32>
      %add3A_201 = arith.constant 1 : i32
      %add3A_202 = vector.broadcast %add3A_201 : i32 to vector<16xi32>
      %add3A_203 = arith.addi %add3A_200, %add3A_202 : vector<16xi32>
      %le3A_204 = arith.cmpi sle, %add3A_203, %select_n3A : vector<16xi32>
      %jit3A_205 = arith.constant 0 : i32
      %broadcast_in_dim3A_206 = vector.broadcast %jit3A_205 : i32 to vector<16xi32>
      %select_n3A_207 = arith.select %le3A_204, %add3A_203, %broadcast_in_dim3A_206 : vector<16xi1>, vector<16xi32>
      %mul3A_208 = arith.constant 200 : i32
      %mul3A_209 = arith.muli %scan3A_61, %mul3A_208 : i32
      %add3A_210 = arith.constant 112 : i32
      %add3A_211 = arith.addi %mul3A_209, %add3A_210 : i32
      %swap3A_212 = arith.index_cast %add3A_211 : i32 to index
      %swap3A_213 = tpu.vector_load %arg8[%swap3A_212] {strides = array<i32>} : memref<6408xi32, #tpu.memory_space<vmem>>, vector<16xi32>,
      %swap3A_214 = vector.shape_cast %swap3A_213 : vector<16xi32> to vector<16xi32>
      %swap3A_215 = vector.shape_cast %select_n3A_207 : vector<16xi32> to vector<16xi32>
      tpu.vector_store %arg8[%swap3A_212], %swap3A_215 {strides = array<i32>} : memref<6408xi32, #tpu.memory_space<vmem>>, vector<16xi32>,
      %add3A_216 = arith.constant 128 : i32
      %add3A_217 = vector.broadcast %add3A_216 : i32 to vector<16xi32>
      %add3A_218 = arith.addi %add3A_217, %iota3A : vector<16xi32>
      %add3A_219 = arith.constant 1 : i32
      %add3A_220 = vector.broadcast %add3A_219 : i32 to vector<16xi32>
      %add3A_221 = arith.addi %add3A_218, %add3A_220 : vector<16xi32>
      %le3A_222 = arith.cmpi sle, %add3A_221, %select_n3A : vector<16xi32>
      %jit3A_223 = arith.constant 0 : i32
      %broadcast_in_dim3A_224 = vector.broadcast %jit3A_223 : i32 to vector<16xi32>
      %select_n3A_225 = arith.select %le3A_222, %add3A_221, %broadcast_in_dim3A_224 : vector<16xi1>, vector<16xi32>
      %mul3A_226 = arith.constant 200 : i32
      %mul3A_227 = arith.muli %scan3A_61, %mul3A_226 : i32
      %add3A_228 = arith.constant 128 : i32
      %add3A_229 = arith.addi %mul3A_227, %add3A_228 : i32
      %swap3A_230 = arith.index_cast %add3A_229 : i32 to index
      %swap3A_231 = tpu.vector_load %arg8[%swap3A_230] {strides = array<i32>} : memref<6408xi32, #tpu.memory_space<vmem>>, vector<16xi32>,
      %swap3A_232 = vector.shape_cast %swap3A_231 : vector<16xi32> to vector<16xi32>
      %swap3A_233 = vector.shape_cast %select_n3A_225 : vector<16xi32> to vector<16xi32>
      tpu.vector_store %arg8[%swap3A_230], %swap3A_233 {strides = array<i32>} : memref<6408xi32, #tpu.memory_space<vmem>>, vector<16xi32>,
      %add3A_234 = arith.constant 144 : i32
      %add3A_235 = vector.broadcast %add3A_234 : i32 to vector<16xi32>
      %add3A_236 = arith.addi %add3A_235, %iota3A : vector<16xi32>
      %add3A_237 = arith.constant 1 : i32
      %add3A_238 = vector.broadcast %add3A_237 : i32 to vector<16xi32>
      %add3A_239 = arith.addi %add3A_236, %add3A_238 : vector<16xi32>
      %le3A_240 = arith.cmpi sle, %add3A_239, %select_n3A : vector<16xi32>
      %jit3A_241 = arith.constant 0 : i32
      %broadcast_in_dim3A_242 = vector.broadcast %jit3A_241 : i32 to vector<16xi32>
      %select_n3A_243 = arith.select %le3A_240, %add3A_239, %broadcast_in_dim3A_242 : vector<16xi1>, vector<16xi32>
      %mul3A_244 = arith.constant 200 : i32
      %mul3A_245 = arith.muli %scan3A_61, %mul3A_244 : i32
      %add3A_246 = arith.constant 144 : i32
      %add3A_247 = arith.addi %mul3A_245, %add3A_246 : i32
      %swap3A_248 = arith.index_cast %add3A_247 : i32 to index
      %swap3A_249 = tpu.vector_load %arg8[%swap3A_248] {strides = array<i32>} : memref<6408xi32, #tpu.memory_space<vmem>>, vector<16xi32>,
      %swap3A_250 = vector.shape_cast %swap3A_249 : vector<16xi32> to vector<16xi32>
      %swap3A_251 = vector.shape_cast %select_n3A_243 : vector<16xi32> to vector<16xi32>
      tpu.vector_store %arg8[%swap3A_248], %swap3A_251 {strides = array<i32>} : memref<6408xi32, #tpu.memory_space<vmem>>, vector<16xi32>,
      %add3A_252 = arith.constant 160 : i32
      %add3A_253 = vector.broadcast %add3A_252 : i32 to vector<16xi32>
      %add3A_254 = arith.addi %add3A_253, %iota3A : vector<16xi32>
      %add3A_255 = arith.constant 1 : i32
      %add3A_256 = vector.broadcast %add3A_255 : i32 to vector<16xi32>
      %add3A_257 = arith.addi %add3A_254, %add3A_256 : vector<16xi32>
      %le3A_258 = arith.cmpi sle, %add3A_257, %select_n3A : vector<16xi32>
      %jit3A_259 = arith.constant 0 : i32
      %broadcast_in_dim3A_260 = vector.broadcast %jit3A_259 : i32 to vector<16xi32>
      %select_n3A_261 = arith.select %le3A_258, %add3A_257, %broadcast_in_dim3A_260 : vector<16xi1>, vector<16xi32>
      %mul3A_262 = arith.constant 200 : i32
      %mul3A_263 = arith.muli %scan3A_61, %mul3A_262 : i32
      %add3A_264 = arith.constant 160 : i32
      %add3A_265 = arith.addi %mul3A_263, %add3A_264 : i32
      %swap3A_266 = arith.index_cast %add3A_265 : i32 to index
      %swap3A_267 = tpu.vector_load %arg8[%swap3A_266] {strides = array<i32>} : memref<6408xi32, #tpu.memory_space<vmem>>, vector<16xi32>,
      %swap3A_268 = vector.shape_cast %swap3A_267 : vector<16xi32> to vector<16xi32>
      %swap3A_269 = vector.shape_cast %select_n3A_261 : vector<16xi32> to vector<16xi32>
      tpu.vector_store %arg8[%swap3A_266], %swap3A_269 {strides = array<i32>} : memref<6408xi32, #tpu.memory_space<vmem>>, vector<16xi32>,
      %add3A_270 = arith.constant 176 : i32
      %add3A_271 = vector.broadcast %add3A_270 : i32 to vector<16xi32>
      %add3A_272 = arith.addi %add3A_271, %iota3A : vector<16xi32>
      %add3A_273 = arith.constant 1 : i32
      %add3A_274 = vector.broadcast %add3A_273 : i32 to vector<16xi32>
      %add3A_275 = arith.addi %add3A_272, %add3A_274 : vector<16xi32>
      %le3A_276 = arith.cmpi sle, %add3A_275, %select_n3A : vector<16xi32>
      %jit3A_277 = arith.constant 0 : i32
      %broadcast_in_dim3A_278 = vector.broadcast %jit3A_277 : i32 to vector<16xi32>
      %select_n3A_279 = arith.select %le3A_276, %add3A_275, %broadcast_in_dim3A_278 : vector<16xi1>, vector<16xi32>
      %mul3A_280 = arith.constant 200 : i32
      %mul3A_281 = arith.muli %scan3A_61, %mul3A_280 : i32
      %add3A_282 = arith.constant 176 : i32
      %add3A_283 = arith.addi %mul3A_281, %add3A_282 : i32
      %swap3A_284 = arith.index_cast %add3A_283 : i32 to index
      %swap3A_285 = tpu.vector_load %arg8[%swap3A_284] {strides = array<i32>} : memref<6408xi32, #tpu.memory_space<vmem>>, vector<16xi32>,
      %swap3A_286 = vector.shape_cast %swap3A_285 : vector<16xi32> to vector<16xi32>
      %swap3A_287 = vector.shape_cast %select_n3A_279 : vector<16xi32> to vector<16xi32>
      tpu.vector_store %arg8[%swap3A_284], %swap3A_287 {strides = array<i32>} : memref<6408xi32, #tpu.memory_space<vmem>>, vector<16xi32>,
      %add3A_288 = arith.constant 192 : i32
      %add3A_289 = vector.broadcast %add3A_288 : i32 to vector<16xi32>
      %add3A_290 = arith.addi %add3A_289, %iota3A : vector<16xi32>
      %add3A_291 = arith.constant 1 : i32
      %add3A_292 = vector.broadcast %add3A_291 : i32 to vector<16xi32>
      %add3A_293 = arith.addi %add3A_290, %add3A_292 : vector<16xi32>
      %le3A_294 = arith.cmpi sle, %add3A_293, %select_n3A : vector<16xi32>
      %jit3A_295 = arith.constant 0 : i32
      %broadcast_in_dim3A_296 = vector.broadcast %jit3A_295 : i32 to vector<16xi32>
      %select_n3A_297 = arith.select %le3A_294, %add3A_293, %broadcast_in_dim3A_296 : vector<16xi1>, vector<16xi32>
      %mul3A_298 = arith.constant 200 : i32
      %mul3A_299 = arith.muli %scan3A_61, %mul3A_298 : i32
      %add3A_300 = arith.constant 192 : i32
      %add3A_301 = arith.addi %mul3A_299, %add3A_300 : i32
      %swap3A_302 = arith.index_cast %add3A_301 : i32 to index
      %swap3A_303 = tpu.vector_load %arg8[%swap3A_302] {strides = array<i32>} : memref<6408xi32, #tpu.memory_space<vmem>>, vector<16xi32>,
      %swap3A_304 = vector.shape_cast %swap3A_303 : vector<16xi32> to vector<16xi32>
      %swap3A_305 = vector.shape_cast %select_n3A_297 : vector<16xi32> to vector<16xi32>
      tpu.vector_store %arg8[%swap3A_302], %swap3A_305 {strides = array<i32>} : memref<6408xi32, #tpu.memory_space<vmem>>, vector<16xi32>,
    }
    %scan3A_22 = arith.constant 32 : i32
    %dma_start3A = arith.constant 0 : i32
    %dma_start3A_23 = tpu.memref_slice %arg8[%dma_start3A] : memref<6408xi32, #tpu.memory_space<vmem>> -> memref<6400xi32, #tpu.memory_space<vmem>>
    %dma_start3A_24 = tpu.memref_slice %arg5[%multiple_of3A] : memref<204800xi32, #tpu.memory_space<hbm>> -> memref<6400xi32, #tpu.memory_space<hbm>>
    %dma_start3A_25 = tpu.memref_slice %arg5[%multiple_of3A] : memref<204800xi32, #tpu.memory_space<hbm>> -> memref<6400xi32, #tpu.memory_space<hbm>>
    %dma_start3A_26 = arith.constant 0 : i32
    %dma_start3A_27 = tpu.memref_slice %arg8[%dma_start3A_26] : memref<6408xi32, #tpu.memory_space<vmem>> -> memref<6400xi32, #tpu.memory_space<vmem>>
    tpu.enqueue_dma source(%dma_start3A_27 : memref<6400xi32, #tpu.memory_space<vmem>>) target(%dma_start3A_25 : memref<6400xi32, #tpu.memory_space<hbm>>) target_semaphore(%arg14 : memref<!tpu.dma_semaphore, #tpu.memory_space<semaphore_mem>>)
    %scan3A_28 = arith.constant 0 : i32
    %scan3A_29 = arith.constant 0 : i32
    %scan3A_30 = arith.constant 32 : i32
    %scan3A_31 = arith.addi %scan3A_29, %scan3A_30 : i32
    %scan3A_32 = arith.constant 1 : i32
    scf.for %scan3A_61 = %scan3A_29 to %scan3A_31 step %scan3A_32  : i32 {
      %get3A_62 = arith.index_cast %scan3A_61 : i32 to index
      %get3A_63 = tpu.vector_load %arg6[%get3A_62] {strides = array<i32>} : memref<48xi32, #tpu.memory_space<vmem>>, vector<16xi32>,
      %get3A_64 = vector.shape_cast %get3A_63 : vector<16xi32> to vector<16xi32>
      %slice3A = vector.extract_strided_slice %get3A_64 {offsets = [0], sizes = [1], strides = [1]} : vector<16xi32> to vector<1xi32>
      %squeeze3A = vector.extract %slice3A[0] : i32 from vector<1xi32>
      %and3A = arith.constant -8 : i32
      %and3A_65 = arith.andi %squeeze3A, %and3A : i32
      %multiple_of3A_66 = tpu.assume_multiple %and3A_65, 8 : i32
      %and3A_67 = arith.constant 7 : i32
      %and3A_68 = arith.andi %squeeze3A, %and3A_67 : i32
      %mul3A_69 = arith.constant 200 : i32
      %mul3A_70 = arith.muli %scan3A_61, %mul3A_69 : i32
      %add3A_71 = arith.addi %multiple_of3A, %mul3A_70 : i32
      %multiple_of3A_72 = tpu.assume_multiple %add3A_71, 8 : i32
      %and3A_73 = arith.constant -256 : i32
      %and3A_74 = arith.andi %multiple_of3A_66, %and3A_73 : i32
      %multiple_of3A_75 = tpu.assume_multiple %and3A_74, 8 : i32
      %and3A_76 = arith.constant 128 : i32
      %and3A_77 = arith.andi %multiple_of3A_66, %and3A_76 : i32
      %ne3A = arith.constant 0 : i32
      %ne3A_78 = arith.cmpi ne, %and3A_77, %ne3A : i32
      %convert_element_type3A = arith.extui %ne3A_78 : i1 to i32
      %cond3A = arith.constant 0 : i32
      %cond3A_79 = arith.cmpi ne, %convert_element_type3A, %cond3A : i32
      scf.if %cond3A_79 {
        %add3A_207 = arith.addi %multiple_of3A_72, %multiple_of3A_75 : i32
        %multiple_of3A_208 = tpu.assume_multiple %add3A_207, 8 : i32
        %dma_start3A_209 = arith.constant 0 : i32
        %dma_start3A_210 = tpu.memref_slice %arg7[%multiple_of3A_75, %dma_start3A_209] : memref<328x128xf32, #tpu.memory_space<vmem>> -> memref<128x128xf32, #tpu.memory_space<vmem>>
        %dma_start3A_211 = arith.constant 0 : i32
        %dma_start3A_212 = tpu.memref_slice %arg4[%multiple_of3A_208, %dma_start3A_211] : memref<204800x128xf32, #tpu.memory_space<hbm>> -> memref<128x128xf32, #tpu.memory_space<hbm>>
        %dma_start3A_213 = arith.constant 0 : i32
        %dma_start3A_214 = tpu.memref_slice %arg4[%multiple_of3A_208, %dma_start3A_213] : memref<204800x128xf32, #tpu.memory_space<hbm>> -> memref<128x128xf32, #tpu.memory_space<hbm>>
        %dma_start3A_215 = arith.constant 0 : i32
        %dma_start3A_216 = tpu.memref_slice %arg7[%multiple_of3A_75, %dma_start3A_215] : memref<328x128xf32, #tpu.memory_space<vmem>> -> memref<128x128xf32, #tpu.memory_space<vmem>>
        tpu.enqueue_dma source(%dma_start3A_216 : memref<128x128xf32, #tpu.memory_space<vmem>>) target(%dma_start3A_214 : memref<128x128xf32, #tpu.memory_space<hbm>>) target_semaphore(%arg15 : memref<!tpu.dma_semaphore, #tpu.memory_space<semaphore_mem>>)
      } else {
      }
      %and3A_80 = arith.constant -128 : i32
      %and3A_81 = arith.andi %multiple_of3A_66, %and3A_80 : i32
      %multiple_of3A_82 = tpu.assume_multiple %and3A_81, 8 : i32
      %and3A_83 = arith.constant 64 : i32
      %and3A_84 = arith.andi %multiple_of3A_66, %and3A_83 : i32
      %ne3A_85 = arith.constant 0 : i32
      %ne3A_86 = arith.cmpi ne, %and3A_84, %ne3A_85 : i32
      %convert_element_type3A_87 = arith.extui %ne3A_86 : i1 to i32
      %cond3A_88 = arith.constant 0 : i32
      %cond3A_89 = arith.cmpi ne, %convert_element_type3A_87, %cond3A_88 : i32
      scf.if %cond3A_89 {
        %add3A_207 = arith.addi %multiple_of3A_72, %multiple_of3A_82 : i32
        %multiple_of3A_208 = tpu.assume_multiple %add3A_207, 8 : i32
        %dma_start3A_209 = arith.constant 0 : i32
        %dma_start3A_210 = tpu.memref_slice %arg7[%multiple_of3A_82, %dma_start3A_209] : memref<328x128xf32, #tpu.memory_space<vmem>> -> memref<64x128xf32, #tpu.memory_space<vmem>>
        %dma_start3A_211 = arith.constant 0 : i32
        %dma_start3A_212 = tpu.memref_slice %arg4[%multiple_of3A_208, %dma_start3A_211] : memref<204800x128xf32, #tpu.memory_space<hbm>> -> memref<64x128xf32, #tpu.memory_space<hbm>>
        %dma_start3A_213 = arith.constant 0 : i32
        %dma_start3A_214 = tpu.memref_slice %arg4[%multiple_of3A_208, %dma_start3A_213] : memref<204800x128xf32, #tpu.memory_space<hbm>> -> memref<64x128xf32, #tpu.memory_space<hbm>>
        %dma_start3A_215 = arith.constant 0 : i32
        %dma_start3A_216 = tpu.memref_slice %arg7[%multiple_of3A_82, %dma_start3A_215] : memref<328x128xf32, #tpu.memory_space<vmem>> -> memref<64x128xf32, #tpu.memory_space<vmem>>
        tpu.enqueue_dma source(%dma_start3A_216 : memref<64x128xf32, #tpu.memory_space<vmem>>) target(%dma_start3A_214 : memref<64x128xf32, #tpu.memory_space<hbm>>) target_semaphore(%arg15 : memref<!tpu.dma_semaphore, #tpu.memory_space<semaphore_mem>>)
      } else {
      }
      %and3A_90 = arith.constant -64 : i32
      %and3A_91 = arith.andi %multiple_of3A_66, %and3A_90 : i32
      %multiple_of3A_92 = tpu.assume_multiple %and3A_91, 8 : i32
      %and3A_93 = arith.constant 32 : i32
      %and3A_94 = arith.andi %multiple_of3A_66, %and3A_93 : i32
      %ne3A_95 = arith.constant 0 : i32
      %ne3A_96 = arith.cmpi ne, %and3A_94, %ne3A_95 : i32
      %convert_element_type3A_97 = arith.extui %ne3A_96 : i1 to i32
      %cond3A_98 = arith.constant 0 : i32
      %cond3A_99 = arith.cmpi ne, %convert_element_type3A_97, %cond3A_98 : i32
      scf.if %cond3A_99 {
        %add3A_207 = arith.addi %multiple_of3A_72, %multiple_of3A_92 : i32
        %multiple_of3A_208 = tpu.assume_multiple %add3A_207, 8 : i32
        %dma_start3A_209 = arith.constant 0 : i32
        %dma_start3A_210 = tpu.memref_slice %arg7[%multiple_of3A_92, %dma_start3A_209] : memref<328x128xf32, #tpu.memory_space<vmem>> -> memref<32x128xf32, #tpu.memory_space<vmem>>
        %dma_start3A_211 = arith.constant 0 : i32
        %dma_start3A_212 = tpu.memref_slice %arg4[%multiple_of3A_208, %dma_start3A_211] : memref<204800x128xf32, #tpu.memory_space<hbm>> -> memref<32x128xf32, #tpu.memory_space<hbm>>
        %dma_start3A_213 = arith.constant 0 : i32
        %dma_start3A_214 = tpu.memref_slice %arg4[%multiple_of3A_208, %dma_start3A_213] : memref<204800x128xf32, #tpu.memory_space<hbm>> -> memref<32x128xf32, #tpu.memory_space<hbm>>
        %dma_start3A_215 = arith.constant 0 : i32
        %dma_start3A_216 = tpu.memref_slice %arg7[%multiple_of3A_92, %dma_start3A_215] : memref<328x128xf32, #tpu.memory_space<vmem>> -> memref<32x128xf32, #tpu.memory_space<vmem>>
        tpu.enqueue_dma source(%dma_start3A_216 : memref<32x128xf32, #tpu.memory_space<vmem>>) target(%dma_start3A_214 : memref<32x128xf32, #tpu.memory_space<hbm>>) target_semaphore(%arg15 : memref<!tpu.dma_semaphore, #tpu.memory_space<semaphore_mem>>)
      } else {
      }
      %and3A_100 = arith.constant -32 : i32
      %and3A_101 = arith.andi %multiple_of3A_66, %and3A_100 : i32
      %multiple_of3A_102 = tpu.assume_multiple %and3A_101, 8 : i32
      %and3A_103 = arith.constant 16 : i32
      %and3A_104 = arith.andi %multiple_of3A_66, %and3A_103 : i32
      %ne3A_105 = arith.constant 0 : i32
      %ne3A_106 = arith.cmpi ne, %and3A_104, %ne3A_105 : i32
      %convert_element_type3A_107 = arith.extui %ne3A_106 : i1 to i32
      %cond3A_108 = arith.constant 0 : i32
      %cond3A_109 = arith.cmpi ne, %convert_element_type3A_107, %cond3A_108 : i32
      scf.if %cond3A_109 {
        %add3A_207 = arith.addi %multiple_of3A_72, %multiple_of3A_102 : i32
        %multiple_of3A_208 = tpu.assume_multiple %add3A_207, 8 : i32
        %dma_start3A_209 = arith.constant 0 : i32
        %dma_start3A_210 = tpu.memref_slice %arg7[%multiple_of3A_102, %dma_start3A_209] : memref<328x128xf32, #tpu.memory_space<vmem>> -> memref<16x128xf32, #tpu.memory_space<vmem>>
        %dma_start3A_211 = arith.constant 0 : i32
        %dma_start3A_212 = tpu.memref_slice %arg4[%multiple_of3A_208, %dma_start3A_211] : memref<204800x128xf32, #tpu.memory_space<hbm>> -> memref<16x128xf32, #tpu.memory_space<hbm>>
        %dma_start3A_213 = arith.constant 0 : i32
        %dma_start3A_214 = tpu.memref_slice %arg4[%multiple_of3A_208, %dma_start3A_213] : memref<204800x128xf32, #tpu.memory_space<hbm>> -> memref<16x128xf32, #tpu.memory_space<hbm>>
        %dma_start3A_215 = arith.constant 0 : i32
        %dma_start3A_216 = tpu.memref_slice %arg7[%multiple_of3A_102, %dma_start3A_215] : memref<328x128xf32, #tpu.memory_space<vmem>> -> memref<16x128xf32, #tpu.memory_space<vmem>>
        tpu.enqueue_dma source(%dma_start3A_216 : memref<16x128xf32, #tpu.memory_space<vmem>>) target(%dma_start3A_214 : memref<16x128xf32, #tpu.memory_space<hbm>>) target_semaphore(%arg15 : memref<!tpu.dma_semaphore, #tpu.memory_space<semaphore_mem>>)
      } else {
      }
      %and3A_110 = arith.constant -16 : i32
      %and3A_111 = arith.andi %multiple_of3A_66, %and3A_110 : i32
      %multiple_of3A_112 = tpu.assume_multiple %and3A_111, 8 : i32
      %and3A_113 = arith.constant 8 : i32
      %and3A_114 = arith.andi %multiple_of3A_66, %and3A_113 : i32
      %ne3A_115 = arith.constant 0 : i32
      %ne3A_116 = arith.cmpi ne, %and3A_114, %ne3A_115 : i32
      %convert_element_type3A_117 = arith.extui %ne3A_116 : i1 to i32
      %cond3A_118 = arith.constant 0 : i32
      %cond3A_119 = arith.cmpi ne, %convert_element_type3A_117, %cond3A_118 : i32
      scf.if %cond3A_119 {
        %add3A_207 = arith.addi %multiple_of3A_72, %multiple_of3A_112 : i32
        %multiple_of3A_208 = tpu.assume_multiple %add3A_207, 8 : i32
        %dma_start3A_209 = arith.constant 0 : i32
        %dma_start3A_210 = tpu.memref_slice %arg7[%multiple_of3A_112, %dma_start3A_209] : memref<328x128xf32, #tpu.memory_space<vmem>> -> memref<8x128xf32, #tpu.memory_space<vmem>>
        %dma_start3A_211 = arith.constant 0 : i32
        %dma_start3A_212 = tpu.memref_slice %arg4[%multiple_of3A_208, %dma_start3A_211] : memref<204800x128xf32, #tpu.memory_space<hbm>> -> memref<8x128xf32, #tpu.memory_space<hbm>>
        %dma_start3A_213 = arith.constant 0 : i32
        %dma_start3A_214 = tpu.memref_slice %arg4[%multiple_of3A_208, %dma_start3A_213] : memref<204800x128xf32, #tpu.memory_space<hbm>> -> memref<8x128xf32, #tpu.memory_space<hbm>>
        %dma_start3A_215 = arith.constant 0 : i32
        %dma_start3A_216 = tpu.memref_slice %arg7[%multiple_of3A_112, %dma_start3A_215] : memref<328x128xf32, #tpu.memory_space<vmem>> -> memref<8x128xf32, #tpu.memory_space<vmem>>
        tpu.enqueue_dma source(%dma_start3A_216 : memref<8x128xf32, #tpu.memory_space<vmem>>) target(%dma_start3A_214 : memref<8x128xf32, #tpu.memory_space<hbm>>) target_semaphore(%arg15 : memref<!tpu.dma_semaphore, #tpu.memory_space<semaphore_mem>>)
      } else {
      }
      %rem3A = arith.constant 4 : i32
      %rem3A_120 = arith.remsi %scan3A_61, %rem3A : i32
      %eq3A = arith.constant 0 : i32
      %eq3A_121 = arith.cmpi eq, %rem3A_120, %eq3A : i32
      %convert_element_type3A_122 = arith.extui %eq3A_121 : i1 to i32
      %cond3A_123 = arith.constant 0 : i32
      %cond3A_124 = arith.cmpi ne, %convert_element_type3A_122, %cond3A_123 : i32
      scf.if %cond3A_124 {
        %ge3A = arith.constant 4 : i32
        %ge3A_207 = arith.cmpi sge, %scan3A_61, %ge3A : i32
        %convert_element_type3A_208 = arith.extui %ge3A_207 : i1 to i32
        %cond3A_209 = arith.constant 0 : i32
        %cond3A_210 = arith.cmpi ne, %convert_element_type3A_208, %cond3A_209 : i32
        scf.if %cond3A_210 {
          %dma_wait3A_1174 = arith.constant 0 : i32
          %dma_wait3A_1175 = tpu.memref_slice %arg4[%multiple_of3A, %dma_wait3A_1174] : memref<204800x128xf32, #tpu.memory_space<hbm>> -> memref<8x128xf32, #tpu.memory_space<hbm>>
          %dma_wait3A_1176 = arith.constant 0 : i32
          %dma_wait3A_1177 = tpu.memref_slice %arg4[%multiple_of3A, %dma_wait3A_1176] : memref<204800x128xf32, #tpu.memory_space<hbm>> -> memref<8x128xf32, #tpu.memory_space<hbm>>
          tpu.wait_dma2 semaphore(%arg16 : memref<!tpu.dma_semaphore, #tpu.memory_space<semaphore_mem>>) src(%arg9 : memref<8x128xf32, #tpu.memory_space<vmem>>) dst(%dma_wait3A_1177 : memref<8x128xf32, #tpu.memory_space<hbm>>)
        } else {
        }
        %add3A_211 = arith.constant 0 : i32
        %add3A_212 = arith.addi %multiple_of3A_66, %add3A_211 : i32
        %get3A_213 = arith.index_cast %add3A_212 : i32 to index
        %get3A_214 = arith.constant 0 : index
        %get3A_215 = tpu.vector_load %arg7[%get3A_213, %get3A_214] {strides = array<i32>} : memref<328x128xf32, #tpu.memory_space<vmem>>, vector<1x16xf32>,
        %get3A_216 = vector.shape_cast %get3A_215 : vector<1x16xf32> to vector<16xf32>
        %gt3A = arith.constant 0 : i32
        %gt3A_217 = arith.cmpi sgt, %and3A_68, %gt3A : i32
        %select_n3A = arith.select %gt3A_217, %get3A_216, %broadcast_in_dim3A_6 : vector<16xf32>
        %swap3A = arith.constant 0 : i32
        %swap3A_218 = arith.index_cast %swap3A : i32 to index
        %swap3A_219 = arith.constant 0 : index
        %swap3A_220 = tpu.vector_load %arg9[%swap3A_218, %swap3A_219] {strides = array<i32>} : memref<8x128xf32, #tpu.memory_space<vmem>>, vector<1x16xf32>,
        %swap3A_221 = vector.shape_cast %swap3A_220 : vector<1x16xf32> to vector<16xf32>
        %swap3A_222 = vector.shape_cast %select_n3A : vector<16xf32> to vector<1x16xf32>
        tpu.vector_store %arg9[%swap3A_218, %swap3A_219], %swap3A_222 {strides = array<i32>} : memref<8x128xf32, #tpu.memory_space<vmem>>, vector<1x16xf32>,
        %add3A_223 = arith.constant 0 : i32
        %add3A_224 = arith.addi %multiple_of3A_66, %add3A_223 : i32
        %get3A_225 = arith.index_cast %add3A_224 : i32 to index
        %get3A_226 = arith.constant 16 : index
        %get3A_227 = tpu.vector_load %arg7[%get3A_225, %get3A_226] {strides = array<i32>} : memref<328x128xf32, #tpu.memory_space<vmem>>, vector<1x16xf32>,
        %get3A_228 = vector.shape_cast %get3A_227 : vector<1x16xf32> to vector<16xf32>
        %gt3A_229 = arith.constant 0 : i32
        %gt3A_230 = arith.cmpi sgt, %and3A_68, %gt3A_229 : i32
        %select_n3A_231 = arith.select %gt3A_230, %get3A_228, %broadcast_in_dim3A_6 : vector<16xf32>
        %swap3A_232 = arith.constant 0 : i32
        %swap3A_233 = arith.index_cast %swap3A_232 : i32 to index
        %swap3A_234 = arith.constant 16 : index
        %swap3A_235 = tpu.vector_load %arg9[%swap3A_233, %swap3A_234] {strides = array<i32>} : memref<8x128xf32, #tpu.memory_space<vmem>>, vector<1x16xf32>,
        %swap3A_236 = vector.shape_cast %swap3A_235 : vector<1x16xf32> to vector<16xf32>
        %swap3A_237 = vector.shape_cast %select_n3A_231 : vector<16xf32> to vector<1x16xf32>
        tpu.vector_store %arg9[%swap3A_233, %swap3A_234], %swap3A_237 {strides = array<i32>} : memref<8x128xf32, #tpu.memory_space<vmem>>, vector<1x16xf32>,
        %add3A_238 = arith.constant 0 : i32
        %add3A_239 = arith.addi %multiple_of3A_66, %add3A_238 : i32
        %get3A_240 = arith.index_cast %add3A_239 : i32 to index
        %get3A_241 = arith.constant 32 : index
        %get3A_242 = tpu.vector_load %arg7[%get3A_240, %get3A_241] {strides = array<i32>} : memref<328x128xf32, #tpu.memory_space<vmem>>, vector<1x16xf32>,
        %get3A_243 = vector.shape_cast %get3A_242 : vector<1x16xf32> to vector<16xf32>
        %gt3A_244 = arith.constant 0 : i32
        %gt3A_245 = arith.cmpi sgt, %and3A_68, %gt3A_244 : i32
        %select_n3A_246 = arith.select %gt3A_245, %get3A_243, %broadcast_in_dim3A_6 : vector<16xf32>
        %swap3A_247 = arith.constant 0 : i32
        %swap3A_248 = arith.index_cast %swap3A_247 : i32 to index
        %swap3A_249 = arith.constant 32 : index
        %swap3A_250 = tpu.vector_load %arg9[%swap3A_248, %swap3A_249] {strides = array<i32>} : memref<8x128xf32, #tpu.memory_space<vmem>>, vector<1x16xf32>,
        %swap3A_251 = vector.shape_cast %swap3A_250 : vector<1x16xf32> to vector<16xf32>
        %swap3A_252 = vector.shape_cast %select_n3A_246 : vector<16xf32> to vector<1x16xf32>
        tpu.vector_store %arg9[%swap3A_248, %swap3A_249], %swap3A_252 {strides = array<i32>} : memref<8x128xf32, #tpu.memory_space<vmem>>, vector<1x16xf32>,
        %add3A_253 = arith.constant 0 : i32
        %add3A_254 = arith.addi %multiple_of3A_66, %add3A_253 : i32
        %get3A_255 = arith.index_cast %add3A_254 : i32 to index
        %get3A_256 = arith.constant 48 : index
        %get3A_257 = tpu.vector_load %arg7[%get3A_255, %get3A_256] {strides = array<i32>} : memref<328x128xf32, #tpu.memory_space<vmem>>, vector<1x16xf32>,
        %get3A_258 = vector.shape_cast %get3A_257 : vector<1x16xf32> to vector<16xf32>
        %gt3A_259 = arith.constant 0 : i32
        %gt3A_260 = arith.cmpi sgt, %and3A_68, %gt3A_259 : i32
        %select_n3A_261 = arith.select %gt3A_260, %get3A_258, %broadcast_in_dim3A_6 : vector<16xf32>
        %swap3A_262 = arith.constant 0 : i32
        %swap3A_263 = arith.index_cast %swap3A_262 : i32 to index
        %swap3A_264 = arith.constant 48 : index
        %swap3A_265 = tpu.vector_load %arg9[%swap3A_263, %swap3A_264] {strides = array<i32>} : memref<8x128xf32, #tpu.memory_space<vmem>>, vector<1x16xf32>,
        %swap3A_266 = vector.shape_cast %swap3A_265 : vector<1x16xf32> to vector<16xf32>
        %swap3A_267 = vector.shape_cast %select_n3A_261 : vector<16xf32> to vector<1x16xf32>
        tpu.vector_store %arg9[%swap3A_263, %swap3A_264], %swap3A_267 {strides = array<i32>} : memref<8x128xf32, #tpu.memory_space<vmem>>, vector<1x16xf32>,
        %add3A_268 = arith.constant 0 : i32
        %add3A_269 = arith.addi %multiple_of3A_66, %add3A_268 : i32
        %get3A_270 = arith.index_cast %add3A_269 : i32 to index
        %get3A_271 = arith.constant 64 : index
        %get3A_272 = tpu.vector_load %arg7[%get3A_270, %get3A_271] {strides = array<i32>} : memref<328x128xf32, #tpu.memory_space<vmem>>, vector<1x16xf32>,
        %get3A_273 = vector.shape_cast %get3A_272 : vector<1x16xf32> to vector<16xf32>
        %gt3A_274 = arith.constant 0 : i32
        %gt3A_275 = arith.cmpi sgt, %and3A_68, %gt3A_274 : i32
        %select_n3A_276 = arith.select %gt3A_275, %get3A_273, %broadcast_in_dim3A_6 : vector<16xf32>
        %swap3A_277 = arith.constant 0 : i32
        %swap3A_278 = arith.index_cast %swap3A_277 : i32 to index
        %swap3A_279 = arith.constant 64 : index
        %swap3A_280 = tpu.vector_load %arg9[%swap3A_278, %swap3A_279] {strides = array<i32>} : memref<8x128xf32, #tpu.memory_space<vmem>>, vector<1x16xf32>,
        %swap3A_281 = vector.shape_cast %swap3A_280 : vector<1x16xf32> to vector<16xf32>
        %swap3A_282 = vector.shape_cast %select_n3A_276 : vector<16xf32> to vector<1x16xf32>
        tpu.vector_store %arg9[%swap3A_278, %swap3A_279], %swap3A_282 {strides = array<i32>} : memref<8x128xf32, #tpu.memory_space<vmem>>, vector<1x16xf32>,
        %add3A_283 = arith.constant 0 : i32
        %add3A_284 = arith.addi %multiple_of3A_66, %add3A_283 : i32
        %get3A_285 = arith.index_cast %add3A_284 : i32 to index
        %get3A_286 = arith.constant 80 : index
        %get3A_287 = tpu.vector_load %arg7[%get3A_285, %get3A_286] {strides = array<i32>} : memref<328x128xf32, #tpu.memory_space<vmem>>, vector<1x16xf32>,
        %get3A_288 = vector.shape_cast %get3A_287 : vector<1x16xf32> to vector<16xf32>
        %gt3A_289 = arith.constant 0 : i32
        %gt3A_290 = arith.cmpi sgt, %and3A_68, %gt3A_289 : i32
        %select_n3A_291 = arith.select %gt3A_290, %get3A_288, %broadcast_in_dim3A_6 : vector<16xf32>
        %swap3A_292 = arith.constant 0 : i32
        %swap3A_293 = arith.index_cast %swap3A_292 : i32 to index
        %swap3A_294 = arith.constant 80 : index
        %swap3A_295 = tpu.vector_load %arg9[%swap3A_293, %swap3A_294] {strides = array<i32>} : memref<8x128xf32, #tpu.memory_space<vmem>>, vector<1x16xf32>,
        %swap3A_296 = vector.shape_cast %swap3A_295 : vector<1x16xf32> to vector<16xf32>
        %swap3A_297 = vector.shape_cast %select_n3A_291 : vector<16xf32> to vector<1x16xf32>
        tpu.vector_store %arg9[%swap3A_293, %swap3A_294], %swap3A_297 {strides = array<i32>} : memref<8x128xf32, #tpu.memory_space<vmem>>, vector<1x16xf32>,
        %add3A_298 = arith.constant 0 : i32
        %add3A_299 = arith.addi %multiple_of3A_66, %add3A_298 : i32
        %get3A_300 = arith.index_cast %add3A_299 : i32 to index
        %get3A_301 = arith.constant 96 : index
        %get3A_302 = tpu.vector_load %arg7[%get3A_300, %get3A_301] {strides = array<i32>} : memref<328x128xf32, #tpu.memory_space<vmem>>, vector<1x16xf32>,
        %get3A_303 = vector.shape_cast %get3A_302 : vector<1x16xf32> to vector<16xf32>
        %gt3A_304 = arith.constant 0 : i32
        %gt3A_305 = arith.cmpi sgt, %and3A_68, %gt3A_304 : i32
        %select_n3A_306 = arith.select %gt3A_305, %get3A_303, %broadcast_in_dim3A_6 : vector<16xf32>
        %swap3A_307 = arith.constant 0 : i32
        %swap3A_308 = arith.index_cast %swap3A_307 : i32 to index
        %swap3A_309 = arith.constant 96 : index
        %swap3A_310 = tpu.vector_load %arg9[%swap3A_308, %swap3A_309] {strides = array<i32>} : memref<8x128xf32, #tpu.memory_space<vmem>>, vector<1x16xf32>,
        %swap3A_311 = vector.shape_cast %swap3A_310 : vector<1x16xf32> to vector<16xf32>
        %swap3A_312 = vector.shape_cast %select_n3A_306 : vector<16xf32> to vector<1x16xf32>
        tpu.vector_store %arg9[%swap3A_308, %swap3A_309], %swap3A_312 {strides = array<i32>} : memref<8x128xf32, #tpu.memory_space<vmem>>, vector<1x16xf32>,
        %add3A_313 = arith.constant 0 : i32
        %add3A_314 = arith.addi %multiple_of3A_66, %add3A_313 : i32
        %get3A_315 = arith.index_cast %add3A_314 : i32 to index
        %get3A_316 = arith.constant 112 : index
        %get3A_317 = tpu.vector_load %arg7[%get3A_315, %get3A_316] {strides = array<i32>} : memref<328x128xf32, #tpu.memory_space<vmem>>, vector<1x16xf32>,
        %get3A_318 = vector.shape_cast %get3A_317 : vector<1x16xf32> to vector<16xf32>
        %gt3A_319 = arith.constant 0 : i32
        %gt3A_320 = arith.cmpi sgt, %and3A_68, %gt3A_319 : i32
        %select_n3A_321 = arith.select %gt3A_320, %get3A_318, %broadcast_in_dim3A_6 : vector<16xf32>
        %swap3A_322 = arith.constant 0 : i32
        %swap3A_323 = arith.index_cast %swap3A_322 : i32 to index
        %swap3A_324 = arith.constant 112 : index
        %swap3A_325 = tpu.vector_load %arg9[%swap3A_323, %swap3A_324] {strides = array<i32>} : memref<8x128xf32, #tpu.memory_space<vmem>>, vector<1x16xf32>,
        %swap3A_326 = vector.shape_cast %swap3A_325 : vector<1x16xf32> to vector<16xf32>
        %swap3A_327 = vector.shape_cast %select_n3A_321 : vector<16xf32> to vector<1x16xf32>
        tpu.vector_store %arg9[%swap3A_323, %swap3A_324], %swap3A_327 {strides = array<i32>} : memref<8x128xf32, #tpu.memory_space<vmem>>, vector<1x16xf32>,
        %add3A_328 = arith.constant 1 : i32
        %add3A_329 = arith.addi %multiple_of3A_66, %add3A_328 : i32
        %get3A_330 = arith.index_cast %add3A_329 : i32 to index
        %get3A_331 = arith.constant 0 : index
        %get3A_332 = tpu.vector_load %arg7[%get3A_330, %get3A_331] {strides = array<i32>} : memref<328x128xf32, #tpu.memory_space<vmem>>, vector<1x16xf32>,
        %get3A_333 = vector.shape_cast %get3A_332 : vector<1x16xf32> to vector<16xf32>
        %gt3A_334 = arith.constant 1 : i32
        %gt3A_335 = arith.cmpi sgt, %and3A_68, %gt3A_334 : i32
        %select_n3A_336 = arith.select %gt3A_335, %get3A_333, %broadcast_in_dim3A_6 : vector<16xf32>
        %swap3A_337 = arith.constant 1 : i32
        %swap3A_338 = arith.index_cast %swap3A_337 : i32 to index
        %swap3A_339 = arith.constant 0 : index
        %swap3A_340 = tpu.vector_load %arg9[%swap3A_338, %swap3A_339] {strides = array<i32>} : memref<8x128xf32, #tpu.memory_space<vmem>>, vector<1x16xf32>,
        %swap3A_341 = vector.shape_cast %swap3A_340 : vector<1x16xf32> to vector<16xf32>
        %swap3A_342 = vector.shape_cast %select_n3A_336 : vector<16xf32> to vector<1x16xf32>
        tpu.vector_store %arg9[%swap3A_338, %swap3A_339], %swap3A_342 {strides = array<i32>} : memref<8x128xf32, #tpu.memory_space<vmem>>, vector<1x16xf32>,
        %add3A_343 = arith.constant 1 : i32
        %add3A_344 = arith.addi %multiple_of3A_66, %add3A_343 : i32
        %get3A_345 = arith.index_cast %add3A_344 : i32 to index
        %get3A_346 = arith.constant 16 : index
        %get3A_347 = tpu.vector_load %arg7[%get3A_345, %get3A_346] {strides = array<i32>} : memref<328x128xf32, #tpu.memory_space<vmem>>, vector<1x16xf32>,
        %get3A_348 = vector.shape_cast %get3A_347 : vector<1x16xf32> to vector<16xf32>
        %gt3A_349 = arith.constant 1 : i32
        %gt3A_350 = arith.cmpi sgt, %and3A_68, %gt3A_349 : i32
        %select_n3A_351 = arith.select %gt3A_350, %get3A_348, %broadcast_in_dim3A_6 : vector<16xf32>
        %swap3A_352 = arith.constant 1 : i32
        %swap3A_353 = arith.index_cast %swap3A_352 : i32 to index
        %swap3A_354 = arith.constant 16 : index
        %swap3A_355 = tpu.vector_load %arg9[%swap3A_353, %swap3A_354] {strides = array<i32>} : memref<8x128xf32, #tpu.memory_space<vmem>>, vector<1x16xf32>,
        %swap3A_356 = vector.shape_cast %swap3A_355 : vector<1x16xf32> to vector<16xf32>
        %swap3A_357 = vector.shape_cast %select_n3A_351 : vector<16xf32> to vector<1x16xf32>
        tpu.vector_store %arg9[%swap3A_353, %swap3A_354], %swap3A_357 {strides = array<i32>} : memref<8x128xf32, #tpu.memory_space<vmem>>, vector<1x16xf32>,
        %add3A_358 = arith.constant 1 : i32
        %add3A_359 = arith.addi %multiple_of3A_66, %add3A_358 : i32
        %get3A_360 = arith.index_cast %add3A_359 : i32 to index
        %get3A_361 = arith.constant 32 : index
        %get3A_362 = tpu.vector_load %arg7[%get3A_360, %get3A_361] {strides = array<i32>} : memref<328x128xf32, #tpu.memory_space<vmem>>, vector<1x16xf32>,
        %get3A_363 = vector.shape_cast %get3A_362 : vector<1x16xf32> to vector<16xf32>
        %gt3A_364 = arith.constant 1 : i32
        %gt3A_365 = arith.cmpi sgt, %and3A_68, %gt3A_364 : i32
        %select_n3A_366 = arith.select %gt3A_365, %get3A_363, %broadcast_in_dim3A_6 : vector<16xf32>
        %swap3A_367 = arith.constant 1 : i32
        %swap3A_368 = arith.index_cast %swap3A_367 : i32 to index
        %swap3A_369 = arith.constant 32 : index
        %swap3A_370 = tpu.vector_load %arg9[%swap3A_368, %swap3A_369] {strides = array<i32>} : memref<8x128xf32, #tpu.memory_space<vmem>>, vector<1x16xf32>,
        %swap3A_371 = vector.shape_cast %swap3A_370 : vector<1x16xf32> to vector<16xf32>
        %swap3A_372 = vector.shape_cast %select_n3A_366 : vector<16xf32> to vector<1x16xf32>
        tpu.vector_store %arg9[%swap3A_368, %swap3A_369], %swap3A_372 {strides = array<i32>} : memref<8x128xf32, #tpu.memory_space<vmem>>, vector<1x16xf32>,
        %add3A_373 = arith.constant 1 : i32
        %add3A_374 = arith.addi %multiple_of3A_66, %add3A_373 : i32
        %get3A_375 = arith.index_cast %add3A_374 : i32 to index
        %get3A_376 = arith.constant 48 : index
        %get3A_377 = tpu.vector_load %arg7[%get3A_375, %get3A_376] {strides = array<i32>} : memref<328x128xf32, #tpu.memory_space<vmem>>, vector<1x16xf32>,
        %get3A_378 = vector.shape_cast %get3A_377 : vector<1x16xf32> to vector<16xf32>
        %gt3A_379 = arith.constant 1 : i32
        %gt3A_380 = arith.cmpi sgt, %and3A_68, %gt3A_379 : i32
        %select_n3A_381 = arith.select %gt3A_380, %get3A_378, %broadcast_in_dim3A_6 : vector<16xf32>
        %swap3A_382 = arith.constant 1 : i32
        %swap3A_383 = arith.index_cast %swap3A_382 : i32 to index
        %swap3A_384 = arith.constant 48 : index
        %swap3A_385 = tpu.vector_load %arg9[%swap3A_383, %swap3A_384] {strides = array<i32>} : memref<8x128xf32, #tpu.memory_space<vmem>>, vector<1x16xf32>,
        %swap3A_386 = vector.shape_cast %swap3A_385 : vector<1x16xf32> to vector<16xf32>
        %swap3A_387 = vector.shape_cast %select_n3A_381 : vector<16xf32> to vector<1x16xf32>
        tpu.vector_store %arg9[%swap3A_383, %swap3A_384], %swap3A_387 {strides = array<i32>} : memref<8x128xf32, #tpu.memory_space<vmem>>, vector<1x16xf32>,
        %add3A_388 = arith.constant 1 : i32
        %add3A_389 = arith.addi %multiple_of3A_66, %add3A_388 : i32
        %get3A_390 = arith.index_cast %add3A_389 : i32 to index
        %get3A_391 = arith.constant 64 : index
        %get3A_392 = tpu.vector_load %arg7[%get3A_390, %get3A_391] {strides = array<i32>} : memref<328x128xf32, #tpu.memory_space<vmem>>, vector<1x16xf32>,
        %get3A_393 = vector.shape_cast %get3A_392 : vector<1x16xf32> to vector<16xf32>
        %gt3A_394 = arith.constant 1 : i32
        %gt3A_395 = arith.cmpi sgt, %and3A_68, %gt3A_394 : i32
        %select_n3A_396 = arith.select %gt3A_395, %get3A_393, %broadcast_in_dim3A_6 : vector<16xf32>
        %swap3A_397 = arith.constant 1 : i32
        %swap3A_398 = arith.index_cast %swap3A_397 : i32 to index
        %swap3A_399 = arith.constant 64 : index
        %swap3A_400 = tpu.vector_load %arg9[%swap3A_398, %swap3A_399] {strides = array<i32>} : memref<8x128xf32, #tpu.memory_space<vmem>>, vector<1x16xf32>,
        %swap3A_401 = vector.shape_cast %swap3A_400 : vector<1x16xf32> to vector<16xf32>
        %swap3A_402 = vector.shape_cast %select_n3A_396 : vector<16xf32> to vector<1x16xf32>
        tpu.vector_store %arg9[%swap3A_398, %swap3A_399], %swap3A_402 {strides = array<i32>} : memref<8x128xf32, #tpu.memory_space<vmem>>, vector<1x16xf32>,
        %add3A_403 = arith.constant 1 : i32
        %add3A_404 = arith.addi %multiple_of3A_66, %add3A_403 : i32
        %get3A_405 = arith.index_cast %add3A_404 : i32 to index
        %get3A_406 = arith.constant 80 : index
        %get3A_407 = tpu.vector_load %arg7[%get3A_405, %get3A_406] {strides = array<i32>} : memref<328x128xf32, #tpu.memory_space<vmem>>, vector<1x16xf32>,
        %get3A_408 = vector.shape_cast %get3A_407 : vector<1x16xf32> to vector<16xf32>
        %gt3A_409 = arith.constant 1 : i32
        %gt3A_410 = arith.cmpi sgt, %and3A_68, %gt3A_409 : i32
        %select_n3A_411 = arith.select %gt3A_410, %get3A_408, %broadcast_in_dim3A_6 : vector<16xf32>
        %swap3A_412 = arith.constant 1 : i32
        %swap3A_413 = arith.index_cast %swap3A_412 : i32 to index
        %swap3A_414 = arith.constant 80 : index
        %swap3A_415 = tpu.vector_load %arg9[%swap3A_413, %swap3A_414] {strides = array<i32>} : memref<8x128xf32, #tpu.memory_space<vmem>>, vector<1x16xf32>,
        %swap3A_416 = vector.shape_cast %swap3A_415 : vector<1x16xf32> to vector<16xf32>
        %swap3A_417 = vector.shape_cast %select_n3A_411 : vector<16xf32> to vector<1x16xf32>
        tpu.vector_store %arg9[%swap3A_413, %swap3A_414], %swap3A_417 {strides = array<i32>} : memref<8x128xf32, #tpu.memory_space<vmem>>, vector<1x16xf32>,
        %add3A_418 = arith.constant 1 : i32
        %add3A_419 = arith.addi %multiple_of3A_66, %add3A_418 : i32
        %get3A_420 = arith.index_cast %add3A_419 : i32 to index
        %get3A_421 = arith.constant 96 : index
        %get3A_422 = tpu.vector_load %arg7[%get3A_420, %get3A_421] {strides = array<i32>} : memref<328x128xf32, #tpu.memory_space<vmem>>, vector<1x16xf32>,
        %get3A_423 = vector.shape_cast %get3A_422 : vector<1x16xf32> to vector<16xf32>
        %gt3A_424 = arith.constant 1 : i32
        %gt3A_425 = arith.cmpi sgt, %and3A_68, %gt3A_424 : i32
        %select_n3A_426 = arith.select %gt3A_425, %get3A_423, %broadcast_in_dim3A_6 : vector<16xf32>
        %swap3A_427 = arith.constant 1 : i32
        %swap3A_428 = arith.index_cast %swap3A_427 : i32 to index
        %swap3A_429 = arith.constant 96 : index
        %swap3A_430 = tpu.vector_load %arg9[%swap3A_428, %swap3A_429] {strides = array<i32>} : memref<8x128xf32, #tpu.memory_space<vmem>>, vector<1x16xf32>,
        %swap3A_431 = vector.shape_cast %swap3A_430 : vector<1x16xf32> to vector<16xf32>
        %swap3A_432 = vector.shape_cast %select_n3A_426 : vector<16xf32> to vector<1x16xf32>
        tpu.vector_store %arg9[%swap3A_428, %swap3A_429], %swap3A_432 {strides = array<i32>} : memref<8x128xf32, #tpu.memory_space<vmem>>, vector<1x16xf32>,
        %add3A_433 = arith.constant 1 : i32
        %add3A_434 = arith.addi %multiple_of3A_66, %add3A_433 : i32
        %get3A_435 = arith.index_cast %add3A_434 : i32 to index
        %get3A_436 = arith.constant 112 : index
        %get3A_437 = tpu.vector_load %arg7[%get3A_435, %get3A_436] {strides = array<i32>} : memref<328x128xf32, #tpu.memory_space<vmem>>, vector<1x16xf32>,
        %get3A_438 = vector.shape_cast %get3A_437 : vector<1x16xf32> to vector<16xf32>
        %gt3A_439 = arith.constant 1 : i32
        %gt3A_440 = arith.cmpi sgt, %and3A_68, %gt3A_439 : i32
        %select_n3A_441 = arith.select %gt3A_440, %get3A_438, %broadcast_in_dim3A_6 : vector<16xf32>
        %swap3A_442 = arith.constant 1 : i32
        %swap3A_443 = arith.index_cast %swap3A_442 : i32 to index
        %swap3A_444 = arith.constant 112 : index
        %swap3A_445 = tpu.vector_load %arg9[%swap3A_443, %swap3A_444] {strides = array<i32>} : memref<8x128xf32, #tpu.memory_space<vmem>>, vector<1x16xf32>,
        %swap3A_446 = vector.shape_cast %swap3A_445 : vector<1x16xf32> to vector<16xf32>
        %swap3A_447 = vector.shape_cast %select_n3A_441 : vector<16xf32> to vector<1x16xf32>
        tpu.vector_store %arg9[%swap3A_443, %swap3A_444], %swap3A_447 {strides = array<i32>} : memref<8x128xf32, #tpu.memory_space<vmem>>, vector<1x16xf32>,
        %add3A_448 = arith.constant 2 : i32
        %add3A_449 = arith.addi %multiple_of3A_66, %add3A_448 : i32
        %get3A_450 = arith.index_cast %add3A_449 : i32 to index
        %get3A_451 = arith.constant 0 : index
        %get3A_452 = tpu.vector_load %arg7[%get3A_450, %get3A_451] {strides = array<i32>} : memref<328x128xf32, #tpu.memory_space<vmem>>, vector<1x16xf32>,
        %get3A_453 = vector.shape_cast %get3A_452 : vector<1x16xf32> to vector<16xf32>
        %gt3A_454 = arith.constant 2 : i32
        %gt3A_455 = arith.cmpi sgt, %and3A_68, %gt3A_454 : i32
        %select_n3A_456 = arith.select %gt3A_455, %get3A_453, %broadcast_in_dim3A_6 : vector<16xf32>
        %swap3A_457 = arith.constant 2 : i32
        %swap3A_458 = arith.index_cast %swap3A_457 : i32 to index
        %swap3A_459 = arith.constant 0 : index
        %swap3A_460 = tpu.vector_load %arg9[%swap3A_458, %swap3A_459] {strides = array<i32>} : memref<8x128xf32, #tpu.memory_space<vmem>>, vector<1x16xf32>,
        %swap3A_461 = vector.shape_cast %swap3A_460 : vector<1x16xf32> to vector<16xf32>
        %swap3A_462 = vector.shape_cast %select_n3A_456 : vector<16xf32> to vector<1x16xf32>
        tpu.vector_store %arg9[%swap3A_458, %swap3A_459], %swap3A_462 {strides = array<i32>} : memref<8x128xf32, #tpu.memory_space<vmem>>, vector<1x16xf32>,
        %add3A_463 = arith.constant 2 : i32
        %add3A_464 = arith.addi %multiple_of3A_66, %add3A_463 : i32
        %get3A_465 = arith.index_cast %add3A_464 : i32 to index
        %get3A_466 = arith.constant 16 : index
        %get3A_467 = tpu.vector_load %arg7[%get3A_465, %get3A_466] {strides = array<i32>} : memref<328x128xf32, #tpu.memory_space<vmem>>, vector<1x16xf32>,
        %get3A_468 = vector.shape_cast %get3A_467 : vector<1x16xf32> to vector<16xf32>
        %gt3A_469 = arith.constant 2 : i32
        %gt3A_470 = arith.cmpi sgt, %and3A_68, %gt3A_469 : i32
        %select_n3A_471 = arith.select %gt3A_470, %get3A_468, %broadcast_in_dim3A_6 : vector<16xf32>
        %swap3A_472 = arith.constant 2 : i32
        %swap3A_473 = arith.index_cast %swap3A_472 : i32 to index
        %swap3A_474 = arith.constant 16 : index
        %swap3A_475 = tpu.vector_load %arg9[%swap3A_473, %swap3A_474] {strides = array<i32>} : memref<8x128xf32, #tpu.memory_space<vmem>>, vector<1x16xf32>,
        %swap3A_476 = vector.shape_cast %swap3A_475 : vector<1x16xf32> to vector<16xf32>
        %swap3A_477 = vector.shape_cast %select_n3A_471 : vector<16xf32> to vector<1x16xf32>
        tpu.vector_store %arg9[%swap3A_473, %swap3A_474], %swap3A_477 {strides = array<i32>} : memref<8x128xf32, #tpu.memory_space<vmem>>, vector<1x16xf32>,
        %add3A_478 = arith.constant 2 : i32
        %add3A_479 = arith.addi %multiple_of3A_66, %add3A_478 : i32
        %get3A_480 = arith.index_cast %add3A_479 : i32 to index
        %get3A_481 = arith.constant 32 : index
        %get3A_482 = tpu.vector_load %arg7[%get3A_480, %get3A_481] {strides = array<i32>} : memref<328x128xf32, #tpu.memory_space<vmem>>, vector<1x16xf32>,
        %get3A_483 = vector.shape_cast %get3A_482 : vector<1x16xf32> to vector<16xf32>
        %gt3A_484 = arith.constant 2 : i32
        %gt3A_485 = arith.cmpi sgt, %and3A_68, %gt3A_484 : i32
        %select_n3A_486 = arith.select %gt3A_485, %get3A_483, %broadcast_in_dim3A_6 : vector<16xf32>
        %swap3A_487 = arith.constant 2 : i32
        %swap3A_488 = arith.index_cast %swap3A_487 : i32 to index
        %swap3A_489 = arith.constant 32 : index
        %swap3A_490 = tpu.vector_load %arg9[%swap3A_488, %swap3A_489] {strides = array<i32>} : memref<8x128xf32, #tpu.memory_space<vmem>>, vector<1x16xf32>,
        %swap3A_491 = vector.shape_cast %swap3A_490 : vector<1x16xf32> to vector<16xf32>
        %swap3A_492 = vector.shape_cast %select_n3A_486 : vector<16xf32> to vector<1x16xf32>
        tpu.vector_store %arg9[%swap3A_488, %swap3A_489], %swap3A_492 {strides = array<i32>} : memref<8x128xf32, #tpu.memory_space<vmem>>, vector<1x16xf32>,
        %add3A_493 = arith.constant 2 : i32
        %add3A_494 = arith.addi %multiple_of3A_66, %add3A_493 : i32
        %get3A_495 = arith.index_cast %add3A_494 : i32 to index
        %get3A_496 = arith.constant 48 : index
        %get3A_497 = tpu.vector_load %arg7[%get3A_495, %get3A_496] {strides = array<i32>} : memref<328x128xf32, #tpu.memory_space<vmem>>, vector<1x16xf32>,
        %get3A_498 = vector.shape_cast %get3A_497 : vector<1x16xf32> to vector<16xf32>
        %gt3A_499 = arith.constant 2 : i32
        %gt3A_500 = arith.cmpi sgt, %and3A_68, %gt3A_499 : i32
        %select_n3A_501 = arith.select %gt3A_500, %get3A_498, %broadcast_in_dim3A_6 : vector<16xf32>
        %swap3A_502 = arith.constant 2 : i32
        %swap3A_503 = arith.index_cast %swap3A_502 : i32 to index
        %swap3A_504 = arith.constant 48 : index
        %swap3A_505 = tpu.vector_load %arg9[%swap3A_503, %swap3A_504] {strides = array<i32>} : memref<8x128xf32, #tpu.memory_space<vmem>>, vector<1x16xf32>,
        %swap3A_506 = vector.shape_cast %swap3A_505 : vector<1x16xf32> to vector<16xf32>
        %swap3A_507 = vector.shape_cast %select_n3A_501 : vector<16xf32> to vector<1x16xf32>
        tpu.vector_store %arg9[%swap3A_503, %swap3A_504], %swap3A_507 {strides = array<i32>} : memref<8x128xf32, #tpu.memory_space<vmem>>, vector<1x16xf32>,
        %add3A_508 = arith.constant 2 : i32
        %add3A_509 = arith.addi %multiple_of3A_66, %add3A_508 : i32
        %get3A_510 = arith.index_cast %add3A_509 : i32 to index
        %get3A_511 = arith.constant 64 : index
        %get3A_512 = tpu.vector_load %arg7[%get3A_510, %get3A_511] {strides = array<i32>} : memref<328x128xf32, #tpu.memory_space<vmem>>, vector<1x16xf32>,
        %get3A_513 = vector.shape_cast %get3A_512 : vector<1x16xf32> to vector<16xf32>
        %gt3A_514 = arith.constant 2 : i32
        %gt3A_515 = arith.cmpi sgt, %and3A_68, %gt3A_514 : i32
        %select_n3A_516 = arith.select %gt3A_515, %get3A_513, %broadcast_in_dim3A_6 : vector<16xf32>
        %swap3A_517 = arith.constant 2 : i32
        %swap3A_518 = arith.index_cast %swap3A_517 : i32 to index
        %swap3A_519 = arith.constant 64 : index
        %swap3A_520 = tpu.vector_load %arg9[%swap3A_518, %swap3A_519] {strides = array<i32>} : memref<8x128xf32, #tpu.memory_space<vmem>>, vector<1x16xf32>,
        %swap3A_521 = vector.shape_cast %swap3A_520 : vector<1x16xf32> to vector<16xf32>
        %swap3A_522 = vector.shape_cast %select_n3A_516 : vector<16xf32> to vector<1x16xf32>
        tpu.vector_store %arg9[%swap3A_518, %swap3A_519], %swap3A_522 {strides = array<i32>} : memref<8x128xf32, #tpu.memory_space<vmem>>, vector<1x16xf32>,
        %add3A_523 = arith.constant 2 : i32
        %add3A_524 = arith.addi %multiple_of3A_66, %add3A_523 : i32
        %get3A_525 = arith.index_cast %add3A_524 : i32 to index
        %get3A_526 = arith.constant 80 : index
        %get3A_527 = tpu.vector_load %arg7[%get3A_525, %get3A_526] {strides = array<i32>} : memref<328x128xf32, #tpu.memory_space<vmem>>, vector<1x16xf32>,
        %get3A_528 = vector.shape_cast %get3A_527 : vector<1x16xf32> to vector<16xf32>
        %gt3A_529 = arith.constant 2 : i32
        %gt3A_530 = arith.cmpi sgt, %and3A_68, %gt3A_529 : i32
        %select_n3A_531 = arith.select %gt3A_530, %get3A_528, %broadcast_in_dim3A_6 : vector<16xf32>
        %swap3A_532 = arith.constant 2 : i32
        %swap3A_533 = arith.index_cast %swap3A_532 : i32 to index
        %swap3A_534 = arith.constant 80 : index
        %swap3A_535 = tpu.vector_load %arg9[%swap3A_533, %swap3A_534] {strides = array<i32>} : memref<8x128xf32, #tpu.memory_space<vmem>>, vector<1x16xf32>,
        %swap3A_536 = vector.shape_cast %swap3A_535 : vector<1x16xf32> to vector<16xf32>
        %swap3A_537 = vector.shape_cast %select_n3A_531 : vector<16xf32> to vector<1x16xf32>
        tpu.vector_store %arg9[%swap3A_533, %swap3A_534], %swap3A_537 {strides = array<i32>} : memref<8x128xf32, #tpu.memory_space<vmem>>, vector<1x16xf32>,
        %add3A_538 = arith.constant 2 : i32
        %add3A_539 = arith.addi %multiple_of3A_66, %add3A_538 : i32
        %get3A_540 = arith.index_cast %add3A_539 : i32 to index
        %get3A_541 = arith.constant 96 : index
        %get3A_542 = tpu.vector_load %arg7[%get3A_540, %get3A_541] {strides = array<i32>} : memref<328x128xf32, #tpu.memory_space<vmem>>, vector<1x16xf32>,
        %get3A_543 = vector.shape_cast %get3A_542 : vector<1x16xf32> to vector<16xf32>
        %gt3A_544 = arith.constant 2 : i32
        %gt3A_545 = arith.cmpi sgt, %and3A_68, %gt3A_544 : i32
        %select_n3A_546 = arith.select %gt3A_545, %get3A_543, %broadcast_in_dim3A_6 : vector<16xf32>
        %swap3A_547 = arith.constant 2 : i32
        %swap3A_548 = arith.index_cast %swap3A_547 : i32 to index
        %swap3A_549 = arith.constant 96 : index
        %swap3A_550 = tpu.vector_load %arg9[%swap3A_548, %swap3A_549] {strides = array<i32>} : memref<8x128xf32, #tpu.memory_space<vmem>>, vector<1x16xf32>,
        %swap3A_551 = vector.shape_cast %swap3A_550 : vector<1x16xf32> to vector<16xf32>
        %swap3A_552 = vector.shape_cast %select_n3A_546 : vector<16xf32> to vector<1x16xf32>
        tpu.vector_store %arg9[%swap3A_548, %swap3A_549], %swap3A_552 {strides = array<i32>} : memref<8x128xf32, #tpu.memory_space<vmem>>, vector<1x16xf32>,
        %add3A_553 = arith.constant 2 : i32
        %add3A_554 = arith.addi %multiple_of3A_66, %add3A_553 : i32
        %get3A_555 = arith.index_cast %add3A_554 : i32 to index
        %get3A_556 = arith.constant 112 : index
        %get3A_557 = tpu.vector_load %arg7[%get3A_555, %get3A_556] {strides = array<i32>} : memref<328x128xf32, #tpu.memory_space<vmem>>, vector<1x16xf32>,
        %get3A_558 = vector.shape_cast %get3A_557 : vector<1x16xf32> to vector<16xf32>
        %gt3A_559 = arith.constant 2 : i32
        %gt3A_560 = arith.cmpi sgt, %and3A_68, %gt3A_559 : i32
        %select_n3A_561 = arith.select %gt3A_560, %get3A_558, %broadcast_in_dim3A_6 : vector<16xf32>
        %swap3A_562 = arith.constant 2 : i32
        %swap3A_563 = arith.index_cast %swap3A_562 : i32 to index
        %swap3A_564 = arith.constant 112 : index
        %swap3A_565 = tpu.vector_load %arg9[%swap3A_563, %swap3A_564] {strides = array<i32>} : memref<8x128xf32, #tpu.memory_space<vmem>>, vector<1x16xf32>,
        %swap3A_566 = vector.shape_cast %swap3A_565 : vector<1x16xf32> to vector<16xf32>
        %swap3A_567 = vector.shape_cast %select_n3A_561 : vector<16xf32> to vector<1x16xf32>
        tpu.vector_store %arg9[%swap3A_563, %swap3A_564], %swap3A_567 {strides = array<i32>} : memref<8x128xf32, #tpu.memory_space<vmem>>, vector<1x16xf32>,
        %add3A_568 = arith.constant 3 : i32
        %add3A_569 = arith.addi %multiple_of3A_66, %add3A_568 : i32
        %get3A_570 = arith.index_cast %add3A_569 : i32 to index
        %get3A_571 = arith.constant 0 : index
        %get3A_572 = tpu.vector_load %arg7[%get3A_570, %get3A_571] {strides = array<i32>} : memref<328x128xf32, #tpu.memory_space<vmem>>, vector<1x16xf32>,
        %get3A_573 = vector.shape_cast %get3A_572 : vector<1x16xf32> to vector<16xf32>
        %gt3A_574 = arith.constant 3 : i32
        %gt3A_575 = arith.cmpi sgt, %and3A_68, %gt3A_574 : i32
        %select_n3A_576 = arith.select %gt3A_575, %get3A_573, %broadcast_in_dim3A_6 : vector<16xf32>
        %swap3A_577 = arith.constant 3 : i32
        %swap3A_578 = arith.index_cast %swap3A_577 : i32 to index
        %swap3A_579 = arith.constant 0 : index
        %swap3A_580 = tpu.vector_load %arg9[%swap3A_578, %swap3A_579] {strides = array<i32>} : memref<8x128xf32, #tpu.memory_space<vmem>>, vector<1x16xf32>,
        %swap3A_581 = vector.shape_cast %swap3A_580 : vector<1x16xf32> to vector<16xf32>
        %swap3A_582 = vector.shape_cast %select_n3A_576 : vector<16xf32> to vector<1x16xf32>
        tpu.vector_store %arg9[%swap3A_578, %swap3A_579], %swap3A_582 {strides = array<i32>} : memref<8x128xf32, #tpu.memory_space<vmem>>, vector<1x16xf32>,
        %add3A_583 = arith.constant 3 : i32
        %add3A_584 = arith.addi %multiple_of3A_66, %add3A_583 : i32
        %get3A_585 = arith.index_cast %add3A_584 : i32 to index
        %get3A_586 = arith.constant 16 : index
        %get3A_587 = tpu.vector_load %arg7[%get3A_585, %get3A_586] {strides = array<i32>} : memref<328x128xf32, #tpu.memory_space<vmem>>, vector<1x16xf32>,
        %get3A_588 = vector.shape_cast %get3A_587 : vector<1x16xf32> to vector<16xf32>
        %gt3A_589 = arith.constant 3 : i32
        %gt3A_590 = arith.cmpi sgt, %and3A_68, %gt3A_589 : i32
        %select_n3A_591 = arith.select %gt3A_590, %get3A_588, %broadcast_in_dim3A_6 : vector<16xf32>
        %swap3A_592 = arith.constant 3 : i32
        %swap3A_593 = arith.index_cast %swap3A_592 : i32 to index
        %swap3A_594 = arith.constant 16 : index
        %swap3A_595 = tpu.vector_load %arg9[%swap3A_593, %swap3A_594] {strides = array<i32>} : memref<8x128xf32, #tpu.memory_space<vmem>>, vector<1x16xf32>,
        %swap3A_596 = vector.shape_cast %swap3A_595 : vector<1x16xf32> to vector<16xf32>
        %swap3A_597 = vector.shape_cast %select_n3A_591 : vector<16xf32> to vector<1x16xf32>
        tpu.vector_store %arg9[%swap3A_593, %swap3A_594], %swap3A_597 {strides = array<i32>} : memref<8x128xf32, #tpu.memory_space<vmem>>, vector<1x16xf32>,
        %add3A_598 = arith.constant 3 : i32
        %add3A_599 = arith.addi %multiple_of3A_66, %add3A_598 : i32
        %get3A_600 = arith.index_cast %add3A_599 : i32 to index
        %get3A_601 = arith.constant 32 : index
        %get3A_602 = tpu.vector_load %arg7[%get3A_600, %get3A_601] {strides = array<i32>} : memref<328x128xf32, #tpu.memory_space<vmem>>, vector<1x16xf32>,
        %get3A_603 = vector.shape_cast %get3A_602 : vector<1x16xf32> to vector<16xf32>
        %gt3A_604 = arith.constant 3 : i32
        %gt3A_605 = arith.cmpi sgt, %and3A_68, %gt3A_604 : i32
        %select_n3A_606 = arith.select %gt3A_605, %get3A_603, %broadcast_in_dim3A_6 : vector<16xf32>
        %swap3A_607 = arith.constant 3 : i32
        %swap3A_608 = arith.index_cast %swap3A_607 : i32 to index
        %swap3A_609 = arith.constant 32 : index
        %swap3A_610 = tpu.vector_load %arg9[%swap3A_608, %swap3A_609] {strides = array<i32>} : memref<8x128xf32, #tpu.memory_space<vmem>>, vector<1x16xf32>,
        %swap3A_611 = vector.shape_cast %swap3A_610 : vector<1x16xf32> to vector<16xf32>
        %swap3A_612 = vector.shape_cast %select_n3A_606 : vector<16xf32> to vector<1x16xf32>
        tpu.vector_store %arg9[%swap3A_608, %swap3A_609], %swap3A_612 {strides = array<i32>} : memref<8x128xf32, #tpu.memory_space<vmem>>, vector<1x16xf32>,
        %add3A_613 = arith.constant 3 : i32
        %add3A_614 = arith.addi %multiple_of3A_66, %add3A_613 : i32
        %get3A_615 = arith.index_cast %add3A_614 : i32 to index
        %get3A_616 = arith.constant 48 : index
        %get3A_617 = tpu.vector_load %arg7[%get3A_615, %get3A_616] {strides = array<i32>} : memref<328x128xf32, #tpu.memory_space<vmem>>, vector<1x16xf32>,
        %get3A_618 = vector.shape_cast %get3A_617 : vector<1x16xf32> to vector<16xf32>
        %gt3A_619 = arith.constant 3 : i32
        %gt3A_620 = arith.cmpi sgt, %and3A_68, %gt3A_619 : i32
        %select_n3A_621 = arith.select %gt3A_620, %get3A_618, %broadcast_in_dim3A_6 : vector<16xf32>
        %swap3A_622 = arith.constant 3 : i32
        %swap3A_623 = arith.index_cast %swap3A_622 : i32 to index
        %swap3A_624 = arith.constant 48 : index
        %swap3A_625 = tpu.vector_load %arg9[%swap3A_623, %swap3A_624] {strides = array<i32>} : memref<8x128xf32, #tpu.memory_space<vmem>>, vector<1x16xf32>,
        %swap3A_626 = vector.shape_cast %swap3A_625 : vector<1x16xf32> to vector<16xf32>
        %swap3A_627 = vector.shape_cast %select_n3A_621 : vector<16xf32> to vector<1x16xf32>
        tpu.vector_store %arg9[%swap3A_623, %swap3A_624], %swap3A_627 {strides = array<i32>} : memref<8x128xf32, #tpu.memory_space<vmem>>, vector<1x16xf32>,
        %add3A_628 = arith.constant 3 : i32
        %add3A_629 = arith.addi %multiple_of3A_66, %add3A_628 : i32
        %get3A_630 = arith.index_cast %add3A_629 : i32 to index
        %get3A_631 = arith.constant 64 : index
        %get3A_632 = tpu.vector_load %arg7[%get3A_630, %get3A_631] {strides = array<i32>} : memref<328x128xf32, #tpu.memory_space<vmem>>, vector<1x16xf32>,
        %get3A_633 = vector.shape_cast %get3A_632 : vector<1x16xf32> to vector<16xf32>
        %gt3A_634 = arith.constant 3 : i32
        %gt3A_635 = arith.cmpi sgt, %and3A_68, %gt3A_634 : i32
        %select_n3A_636 = arith.select %gt3A_635, %get3A_633, %broadcast_in_dim3A_6 : vector<16xf32>
        %swap3A_637 = arith.constant 3 : i32
        %swap3A_638 = arith.index_cast %swap3A_637 : i32 to index
        %swap3A_639 = arith.constant 64 : index
        %swap3A_640 = tpu.vector_load %arg9[%swap3A_638, %swap3A_639] {strides = array<i32>} : memref<8x128xf32, #tpu.memory_space<vmem>>, vector<1x16xf32>,
        %swap3A_641 = vector.shape_cast %swap3A_640 : vector<1x16xf32> to vector<16xf32>
        %swap3A_642 = vector.shape_cast %select_n3A_636 : vector<16xf32> to vector<1x16xf32>
        tpu.vector_store %arg9[%swap3A_638, %swap3A_639], %swap3A_642 {strides = array<i32>} : memref<8x128xf32, #tpu.memory_space<vmem>>, vector<1x16xf32>,
        %add3A_643 = arith.constant 3 : i32
        %add3A_644 = arith.addi %multiple_of3A_66, %add3A_643 : i32
        %get3A_645 = arith.index_cast %add3A_644 : i32 to index
        %get3A_646 = arith.constant 80 : index
        %get3A_647 = tpu.vector_load %arg7[%get3A_645, %get3A_646] {strides = array<i32>} : memref<328x128xf32, #tpu.memory_space<vmem>>, vector<1x16xf32>,
        %get3A_648 = vector.shape_cast %get3A_647 : vector<1x16xf32> to vector<16xf32>
        %gt3A_649 = arith.constant 3 : i32
        %gt3A_650 = arith.cmpi sgt, %and3A_68, %gt3A_649 : i32
        %select_n3A_651 = arith.select %gt3A_650, %get3A_648, %broadcast_in_dim3A_6 : vector<16xf32>
        %swap3A_652 = arith.constant 3 : i32
        %swap3A_653 = arith.index_cast %swap3A_652 : i32 to index
        %swap3A_654 = arith.constant 80 : index
        %swap3A_655 = tpu.vector_load %arg9[%swap3A_653, %swap3A_654] {strides = array<i32>} : memref<8x128xf32, #tpu.memory_space<vmem>>, vector<1x16xf32>,
        %swap3A_656 = vector.shape_cast %swap3A_655 : vector<1x16xf32> to vector<16xf32>
        %swap3A_657 = vector.shape_cast %select_n3A_651 : vector<16xf32> to vector<1x16xf32>
        tpu.vector_store %arg9[%swap3A_653, %swap3A_654], %swap3A_657 {strides = array<i32>} : memref<8x128xf32, #tpu.memory_space<vmem>>, vector<1x16xf32>,
        %add3A_658 = arith.constant 3 : i32
        %add3A_659 = arith.addi %multiple_of3A_66, %add3A_658 : i32
        %get3A_660 = arith.index_cast %add3A_659 : i32 to index
        %get3A_661 = arith.constant 96 : index
        %get3A_662 = tpu.vector_load %arg7[%get3A_660, %get3A_661] {strides = array<i32>} : memref<328x128xf32, #tpu.memory_space<vmem>>, vector<1x16xf32>,
        %get3A_663 = vector.shape_cast %get3A_662 : vector<1x16xf32> to vector<16xf32>
        %gt3A_664 = arith.constant 3 : i32
        %gt3A_665 = arith.cmpi sgt, %and3A_68, %gt3A_664 : i32
        %select_n3A_666 = arith.select %gt3A_665, %get3A_663, %broadcast_in_dim3A_6 : vector<16xf32>
        %swap3A_667 = arith.constant 3 : i32
        %swap3A_668 = arith.index_cast %swap3A_667 : i32 to index
        %swap3A_669 = arith.constant 96 : index
        %swap3A_670 = tpu.vector_load %arg9[%swap3A_668, %swap3A_669] {strides = array<i32>} : memref<8x128xf32, #tpu.memory_space<vmem>>, vector<1x16xf32>,
        %swap3A_671 = vector.shape_cast %swap3A_670 : vector<1x16xf32> to vector<16xf32>
        %swap3A_672 = vector.shape_cast %select_n3A_666 : vector<16xf32> to vector<1x16xf32>
        tpu.vector_store %arg9[%swap3A_668, %swap3A_669], %swap3A_672 {strides = array<i32>} : memref<8x128xf32, #tpu.memory_space<vmem>>, vector<1x16xf32>,
        %add3A_673 = arith.constant 3 : i32
        %add3A_674 = arith.addi %multiple_of3A_66, %add3A_673 : i32
        %get3A_675 = arith.index_cast %add3A_674 : i32 to index
        %get3A_676 = arith.constant 112 : index
        %get3A_677 = tpu.vector_load %arg7[%get3A_675, %get3A_676] {strides = array<i32>} : memref<328x128xf32, #tpu.memory_space<vmem>>, vector<1x16xf32>,
        %get3A_678 = vector.shape_cast %get3A_677 : vector<1x16xf32> to vector<16xf32>
        %gt3A_679 = arith.constant 3 : i32
        %gt3A_680 = arith.cmpi sgt, %and3A_68, %gt3A_679 : i32
        %select_n3A_681 = arith.select %gt3A_680, %get3A_678, %broadcast_in_dim3A_6 : vector<16xf32>
        %swap3A_682 = arith.constant 3 : i32
        %swap3A_683 = arith.index_cast %swap3A_682 : i32 to index
        %swap3A_684 = arith.constant 112 : index
        %swap3A_685 = tpu.vector_load %arg9[%swap3A_683, %swap3A_684] {strides = array<i32>} : memref<8x128xf32, #tpu.memory_space<vmem>>, vector<1x16xf32>,
        %swap3A_686 = vector.shape_cast %swap3A_685 : vector<1x16xf32> to vector<16xf32>
        %swap3A_687 = vector.shape_cast %select_n3A_681 : vector<16xf32> to vector<1x16xf32>
        tpu.vector_store %arg9[%swap3A_683, %swap3A_684], %swap3A_687 {strides = array<i32>} : memref<8x128xf32, #tpu.memory_space<vmem>>, vector<1x16xf32>,
        %add3A_688 = arith.constant 4 : i32
        %add3A_689 = arith.addi %multiple_of3A_66, %add3A_688 : i32
        %get3A_690 = arith.index_cast %add3A_689 : i32 to index
        %get3A_691 = arith.constant 0 : index
        %get3A_692 = tpu.vector_load %arg7[%get3A_690, %get3A_691] {strides = array<i32>} : memref<328x128xf32, #tpu.memory_space<vmem>>, vector<1x16xf32>,
        %get3A_693 = vector.shape_cast %get3A_692 : vector<1x16xf32> to vector<16xf32>
        %gt3A_694 = arith.constant 4 : i32
        %gt3A_695 = arith.cmpi sgt, %and3A_68, %gt3A_694 : i32
        %select_n3A_696 = arith.select %gt3A_695, %get3A_693, %broadcast_in_dim3A_6 : vector<16xf32>
        %swap3A_697 = arith.constant 4 : i32
        %swap3A_698 = arith.index_cast %swap3A_697 : i32 to index
        %swap3A_699 = arith.constant 0 : index
        %swap3A_700 = tpu.vector_load %arg9[%swap3A_698, %swap3A_699] {strides = array<i32>} : memref<8x128xf32, #tpu.memory_space<vmem>>, vector<1x16xf32>,
        %swap3A_701 = vector.shape_cast %swap3A_700 : vector<1x16xf32> to vector<16xf32>
        %swap3A_702 = vector.shape_cast %select_n3A_696 : vector<16xf32> to vector<1x16xf32>
        tpu.vector_store %arg9[%swap3A_698, %swap3A_699], %swap3A_702 {strides = array<i32>} : memref<8x128xf32, #tpu.memory_space<vmem>>, vector<1x16xf32>,
        %add3A_703 = arith.constant 4 : i32
        %add3A_704 = arith.addi %multiple_of3A_66, %add3A_703 : i32
        %get3A_705 = arith.index_cast %add3A_704 : i32 to index
        %get3A_706 = arith.constant 16 : index
        %get3A_707 = tpu.vector_load %arg7[%get3A_705, %get3A_706] {strides = array<i32>} : memref<328x128xf32, #tpu.memory_space<vmem>>, vector<1x16xf32>,
        %get3A_708 = vector.shape_cast %get3A_707 : vector<1x16xf32> to vector<16xf32>
        %gt3A_709 = arith.constant 4 : i32
        %gt3A_710 = arith.cmpi sgt, %and3A_68, %gt3A_709 : i32
        %select_n3A_711 = arith.select %gt3A_710, %get3A_708, %broadcast_in_dim3A_6 : vector<16xf32>
        %swap3A_712 = arith.constant 4 : i32
        %swap3A_713 = arith.index_cast %swap3A_712 : i32 to index
        %swap3A_714 = arith.constant 16 : index
        %swap3A_715 = tpu.vector_load %arg9[%swap3A_713, %swap3A_714] {strides = array<i32>} : memref<8x128xf32, #tpu.memory_space<vmem>>, vector<1x16xf32>,
        %swap3A_716 = vector.shape_cast %swap3A_715 : vector<1x16xf32> to vector<16xf32>
        %swap3A_717 = vector.shape_cast %select_n3A_711 : vector<16xf32> to vector<1x16xf32>
        tpu.vector_store %arg9[%swap3A_713, %swap3A_714], %swap3A_717 {strides = array<i32>} : memref<8x128xf32, #tpu.memory_space<vmem>>, vector<1x16xf32>,
        %add3A_718 = arith.constant 4 : i32
        %add3A_719 = arith.addi %multiple_of3A_66, %add3A_718 : i32
        %get3A_720 = arith.index_cast %add3A_719 : i32 to index
        %get3A_721 = arith.constant 32 : index
        %get3A_722 = tpu.vector_load %arg7[%get3A_720, %get3A_721] {strides = array<i32>} : memref<328x128xf32, #tpu.memory_space<vmem>>, vector<1x16xf32>,
        %get3A_723 = vector.shape_cast %get3A_722 : vector<1x16xf32> to vector<16xf32>
        %gt3A_724 = arith.constant 4 : i32
        %gt3A_725 = arith.cmpi sgt, %and3A_68, %gt3A_724 : i32
        %select_n3A_726 = arith.select %gt3A_725, %get3A_723, %broadcast_in_dim3A_6 : vector<16xf32>
        %swap3A_727 = arith.constant 4 : i32
        %swap3A_728 = arith.index_cast %swap3A_727 : i32 to index
        %swap3A_729 = arith.constant 32 : index
        %swap3A_730 = tpu.vector_load %arg9[%swap3A_728, %swap3A_729] {strides = array<i32>} : memref<8x128xf32, #tpu.memory_space<vmem>>, vector<1x16xf32>,
        %swap3A_731 = vector.shape_cast %swap3A_730 : vector<1x16xf32> to vector<16xf32>
        %swap3A_732 = vector.shape_cast %select_n3A_726 : vector<16xf32> to vector<1x16xf32>
        tpu.vector_store %arg9[%swap3A_728, %swap3A_729], %swap3A_732 {strides = array<i32>} : memref<8x128xf32, #tpu.memory_space<vmem>>, vector<1x16xf32>,
        %add3A_733 = arith.constant 4 : i32
        %add3A_734 = arith.addi %multiple_of3A_66, %add3A_733 : i32
        %get3A_735 = arith.index_cast %add3A_734 : i32 to index
        %get3A_736 = arith.constant 48 : index
        %get3A_737 = tpu.vector_load %arg7[%get3A_735, %get3A_736] {strides = array<i32>} : memref<328x128xf32, #tpu.memory_space<vmem>>, vector<1x16xf32>,
        %get3A_738 = vector.shape_cast %get3A_737 : vector<1x16xf32> to vector<16xf32>
        %gt3A_739 = arith.constant 4 : i32
        %gt3A_740 = arith.cmpi sgt, %and3A_68, %gt3A_739 : i32
        %select_n3A_741 = arith.select %gt3A_740, %get3A_738, %broadcast_in_dim3A_6 : vector<16xf32>
        %swap3A_742 = arith.constant 4 : i32
        %swap3A_743 = arith.index_cast %swap3A_742 : i32 to index
        %swap3A_744 = arith.constant 48 : index
        %swap3A_745 = tpu.vector_load %arg9[%swap3A_743, %swap3A_744] {strides = array<i32>} : memref<8x128xf32, #tpu.memory_space<vmem>>, vector<1x16xf32>,
        %swap3A_746 = vector.shape_cast %swap3A_745 : vector<1x16xf32> to vector<16xf32>
        %swap3A_747 = vector.shape_cast %select_n3A_741 : vector<16xf32> to vector<1x16xf32>
        tpu.vector_store %arg9[%swap3A_743, %swap3A_744], %swap3A_747 {strides = array<i32>} : memref<8x128xf32, #tpu.memory_space<vmem>>, vector<1x16xf32>,
        %add3A_748 = arith.constant 4 : i32
        %add3A_749 = arith.addi %multiple_of3A_66, %add3A_748 : i32
        %get3A_750 = arith.index_cast %add3A_749 : i32 to index
        %get3A_751 = arith.constant 64 : index
        %get3A_752 = tpu.vector_load %arg7[%get3A_750, %get3A_751] {strides = array<i32>} : memref<328x128xf32, #tpu.memory_space<vmem>>, vector<1x16xf32>,
        %get3A_753 = vector.shape_cast %get3A_752 : vector<1x16xf32> to vector<16xf32>
        %gt3A_754 = arith.constant 4 : i32
        %gt3A_755 = arith.cmpi sgt, %and3A_68, %gt3A_754 : i32
        %select_n3A_756 = arith.select %gt3A_755, %get3A_753, %broadcast_in_dim3A_6 : vector<16xf32>
        %swap3A_757 = arith.constant 4 : i32
        %swap3A_758 = arith.index_cast %swap3A_757 : i32 to index
        %swap3A_759 = arith.constant 64 : index
        %swap3A_760 = tpu.vector_load %arg9[%swap3A_758, %swap3A_759] {strides = array<i32>} : memref<8x128xf32, #tpu.memory_space<vmem>>, vector<1x16xf32>,
        %swap3A_761 = vector.shape_cast %swap3A_760 : vector<1x16xf32> to vector<16xf32>
        %swap3A_762 = vector.shape_cast %select_n3A_756 : vector<16xf32> to vector<1x16xf32>
        tpu.vector_store %arg9[%swap3A_758, %swap3A_759], %swap3A_762 {strides = array<i32>} : memref<8x128xf32, #tpu.memory_space<vmem>>, vector<1x16xf32>,
        %add3A_763 = arith.constant 4 : i32
        %add3A_764 = arith.addi %multiple_of3A_66, %add3A_763 : i32
        %get3A_765 = arith.index_cast %add3A_764 : i32 to index
        %get3A_766 = arith.constant 80 : index
        %get3A_767 = tpu.vector_load %arg7[%get3A_765, %get3A_766] {strides = array<i32>} : memref<328x128xf32, #tpu.memory_space<vmem>>, vector<1x16xf32>,
        %get3A_768 = vector.shape_cast %get3A_767 : vector<1x16xf32> to vector<16xf32>
        %gt3A_769 = arith.constant 4 : i32
        %gt3A_770 = arith.cmpi sgt, %and3A_68, %gt3A_769 : i32
        %select_n3A_771 = arith.select %gt3A_770, %get3A_768, %broadcast_in_dim3A_6 : vector<16xf32>
        %swap3A_772 = arith.constant 4 : i32
        %swap3A_773 = arith.index_cast %swap3A_772 : i32 to index
        %swap3A_774 = arith.constant 80 : index
        %swap3A_775 = tpu.vector_load %arg9[%swap3A_773, %swap3A_774] {strides = array<i32>} : memref<8x128xf32, #tpu.memory_space<vmem>>, vector<1x16xf32>,
        %swap3A_776 = vector.shape_cast %swap3A_775 : vector<1x16xf32> to vector<16xf32>
        %swap3A_777 = vector.shape_cast %select_n3A_771 : vector<16xf32> to vector<1x16xf32>
        tpu.vector_store %arg9[%swap3A_773, %swap3A_774], %swap3A_777 {strides = array<i32>} : memref<8x128xf32, #tpu.memory_space<vmem>>, vector<1x16xf32>,
        %add3A_778 = arith.constant 4 : i32
        %add3A_779 = arith.addi %multiple_of3A_66, %add3A_778 : i32
        %get3A_780 = arith.index_cast %add3A_779 : i32 to index
        %get3A_781 = arith.constant 96 : index
        %get3A_782 = tpu.vector_load %arg7[%get3A_780, %get3A_781] {strides = array<i32>} : memref<328x128xf32, #tpu.memory_space<vmem>>, vector<1x16xf32>,
        %get3A_783 = vector.shape_cast %get3A_782 : vector<1x16xf32> to vector<16xf32>
        %gt3A_784 = arith.constant 4 : i32
        %gt3A_785 = arith.cmpi sgt, %and3A_68, %gt3A_784 : i32
        %select_n3A_786 = arith.select %gt3A_785, %get3A_783, %broadcast_in_dim3A_6 : vector<16xf32>
        %swap3A_787 = arith.constant 4 : i32
        %swap3A_788 = arith.index_cast %swap3A_787 : i32 to index
        %swap3A_789 = arith.constant 96 : index
        %swap3A_790 = tpu.vector_load %arg9[%swap3A_788, %swap3A_789] {strides = array<i32>} : memref<8x128xf32, #tpu.memory_space<vmem>>, vector<1x16xf32>,
        %swap3A_791 = vector.shape_cast %swap3A_790 : vector<1x16xf32> to vector<16xf32>
        %swap3A_792 = vector.shape_cast %select_n3A_786 : vector<16xf32> to vector<1x16xf32>
        tpu.vector_store %arg9[%swap3A_788, %swap3A_789], %swap3A_792 {strides = array<i32>} : memref<8x128xf32, #tpu.memory_space<vmem>>, vector<1x16xf32>,
        %add3A_793 = arith.constant 4 : i32
        %add3A_794 = arith.addi %multiple_of3A_66, %add3A_793 : i32
        %get3A_795 = arith.index_cast %add3A_794 : i32 to index
        %get3A_796 = arith.constant 112 : index
        %get3A_797 = tpu.vector_load %arg7[%get3A_795, %get3A_796] {strides = array<i32>} : memref<328x128xf32, #tpu.memory_space<vmem>>, vector<1x16xf32>,
        %get3A_798 = vector.shape_cast %get3A_797 : vector<1x16xf32> to vector<16xf32>
        %gt3A_799 = arith.constant 4 : i32
        %gt3A_800 = arith.cmpi sgt, %and3A_68, %gt3A_799 : i32
        %select_n3A_801 = arith.select %gt3A_800, %get3A_798, %broadcast_in_dim3A_6 : vector<16xf32>
        %swap3A_802 = arith.constant 4 : i32
        %swap3A_803 = arith.index_cast %swap3A_802 : i32 to index
        %swap3A_804 = arith.constant 112 : index
        %swap3A_805 = tpu.vector_load %arg9[%swap3A_803, %swap3A_804] {strides = array<i32>} : memref<8x128xf32, #tpu.memory_space<vmem>>, vector<1x16xf32>,
        %swap3A_806 = vector.shape_cast %swap3A_805 : vector<1x16xf32> to vector<16xf32>
        %swap3A_807 = vector.shape_cast %select_n3A_801 : vector<16xf32> to vector<1x16xf32>
        tpu.vector_store %arg9[%swap3A_803, %swap3A_804], %swap3A_807 {strides = array<i32>} : memref<8x128xf32, #tpu.memory_space<vmem>>, vector<1x16xf32>,
        %add3A_808 = arith.constant 5 : i32
        %add3A_809 = arith.addi %multiple_of3A_66, %add3A_808 : i32
        %get3A_810 = arith.index_cast %add3A_809 : i32 to index
        %get3A_811 = arith.constant 0 : index
        %get3A_812 = tpu.vector_load %arg7[%get3A_810, %get3A_811] {strides = array<i32>} : memref<328x128xf32, #tpu.memory_space<vmem>>, vector<1x16xf32>,
        %get3A_813 = vector.shape_cast %get3A_812 : vector<1x16xf32> to vector<16xf32>
        %gt3A_814 = arith.constant 5 : i32
        %gt3A_815 = arith.cmpi sgt, %and3A_68, %gt3A_814 : i32
        %select_n3A_816 = arith.select %gt3A_815, %get3A_813, %broadcast_in_dim3A_6 : vector<16xf32>
        %swap3A_817 = arith.constant 5 : i32
        %swap3A_818 = arith.index_cast %swap3A_817 : i32 to index
        %swap3A_819 = arith.constant 0 : index
        %swap3A_820 = tpu.vector_load %arg9[%swap3A_818, %swap3A_819] {strides = array<i32>} : memref<8x128xf32, #tpu.memory_space<vmem>>, vector<1x16xf32>,
        %swap3A_821 = vector.shape_cast %swap3A_820 : vector<1x16xf32> to vector<16xf32>
        %swap3A_822 = vector.shape_cast %select_n3A_816 : vector<16xf32> to vector<1x16xf32>
        tpu.vector_store %arg9[%swap3A_818, %swap3A_819], %swap3A_822 {strides = array<i32>} : memref<8x128xf32, #tpu.memory_space<vmem>>, vector<1x16xf32>,
        %add3A_823 = arith.constant 5 : i32
        %add3A_824 = arith.addi %multiple_of3A_66, %add3A_823 : i32
        %get3A_825 = arith.index_cast %add3A_824 : i32 to index
        %get3A_826 = arith.constant 16 : index
        %get3A_827 = tpu.vector_load %arg7[%get3A_825, %get3A_826] {strides = array<i32>} : memref<328x128xf32, #tpu.memory_space<vmem>>, vector<1x16xf32>,
        %get3A_828 = vector.shape_cast %get3A_827 : vector<1x16xf32> to vector<16xf32>
        %gt3A_829 = arith.constant 5 : i32
        %gt3A_830 = arith.cmpi sgt, %and3A_68, %gt3A_829 : i32
        %select_n3A_831 = arith.select %gt3A_830, %get3A_828, %broadcast_in_dim3A_6 : vector<16xf32>
        %swap3A_832 = arith.constant 5 : i32
        %swap3A_833 = arith.index_cast %swap3A_832 : i32 to index
        %swap3A_834 = arith.constant 16 : index
        %swap3A_835 = tpu.vector_load %arg9[%swap3A_833, %swap3A_834] {strides = array<i32>} : memref<8x128xf32, #tpu.memory_space<vmem>>, vector<1x16xf32>,
        %swap3A_836 = vector.shape_cast %swap3A_835 : vector<1x16xf32> to vector<16xf32>
        %swap3A_837 = vector.shape_cast %select_n3A_831 : vector<16xf32> to vector<1x16xf32>
        tpu.vector_store %arg9[%swap3A_833, %swap3A_834], %swap3A_837 {strides = array<i32>} : memref<8x128xf32, #tpu.memory_space<vmem>>, vector<1x16xf32>,
        %add3A_838 = arith.constant 5 : i32
        %add3A_839 = arith.addi %multiple_of3A_66, %add3A_838 : i32
        %get3A_840 = arith.index_cast %add3A_839 : i32 to index
        %get3A_841 = arith.constant 32 : index
        %get3A_842 = tpu.vector_load %arg7[%get3A_840, %get3A_841] {strides = array<i32>} : memref<328x128xf32, #tpu.memory_space<vmem>>, vector<1x16xf32>,
        %get3A_843 = vector.shape_cast %get3A_842 : vector<1x16xf32> to vector<16xf32>
        %gt3A_844 = arith.constant 5 : i32
        %gt3A_845 = arith.cmpi sgt, %and3A_68, %gt3A_844 : i32
        %select_n3A_846 = arith.select %gt3A_845, %get3A_843, %broadcast_in_dim3A_6 : vector<16xf32>
        %swap3A_847 = arith.constant 5 : i32
        %swap3A_848 = arith.index_cast %swap3A_847 : i32 to index
        %swap3A_849 = arith.constant 32 : index
        %swap3A_850 = tpu.vector_load %arg9[%swap3A_848, %swap3A_849] {strides = array<i32>} : memref<8x128xf32, #tpu.memory_space<vmem>>, vector<1x16xf32>,
        %swap3A_851 = vector.shape_cast %swap3A_850 : vector<1x16xf32> to vector<16xf32>
        %swap3A_852 = vector.shape_cast %select_n3A_846 : vector<16xf32> to vector<1x16xf32>
        tpu.vector_store %arg9[%swap3A_848, %swap3A_849], %swap3A_852 {strides = array<i32>} : memref<8x128xf32, #tpu.memory_space<vmem>>, vector<1x16xf32>,
        %add3A_853 = arith.constant 5 : i32
        %add3A_854 = arith.addi %multiple_of3A_66, %add3A_853 : i32
        %get3A_855 = arith.index_cast %add3A_854 : i32 to index
        %get3A_856 = arith.constant 48 : index
        %get3A_857 = tpu.vector_load %arg7[%get3A_855, %get3A_856] {strides = array<i32>} : memref<328x128xf32, #tpu.memory_space<vmem>>, vector<1x16xf32>,
        %get3A_858 = vector.shape_cast %get3A_857 : vector<1x16xf32> to vector<16xf32>
        %gt3A_859 = arith.constant 5 : i32
        %gt3A_860 = arith.cmpi sgt, %and3A_68, %gt3A_859 : i32
        %select_n3A_861 = arith.select %gt3A_860, %get3A_858, %broadcast_in_dim3A_6 : vector<16xf32>
        %swap3A_862 = arith.constant 5 : i32
        %swap3A_863 = arith.index_cast %swap3A_862 : i32 to index
        %swap3A_864 = arith.constant 48 : index
        %swap3A_865 = tpu.vector_load %arg9[%swap3A_863, %swap3A_864] {strides = array<i32>} : memref<8x128xf32, #tpu.memory_space<vmem>>, vector<1x16xf32>,
        %swap3A_866 = vector.shape_cast %swap3A_865 : vector<1x16xf32> to vector<16xf32>
        %swap3A_867 = vector.shape_cast %select_n3A_861 : vector<16xf32> to vector<1x16xf32>
        tpu.vector_store %arg9[%swap3A_863, %swap3A_864], %swap3A_867 {strides = array<i32>} : memref<8x128xf32, #tpu.memory_space<vmem>>, vector<1x16xf32>,
        %add3A_868 = arith.constant 5 : i32
        %add3A_869 = arith.addi %multiple_of3A_66, %add3A_868 : i32
        %get3A_870 = arith.index_cast %add3A_869 : i32 to index
        %get3A_871 = arith.constant 64 : index
        %get3A_872 = tpu.vector_load %arg7[%get3A_870, %get3A_871] {strides = array<i32>} : memref<328x128xf32, #tpu.memory_space<vmem>>, vector<1x16xf32>,
        %get3A_873 = vector.shape_cast %get3A_872 : vector<1x16xf32> to vector<16xf32>
        %gt3A_874 = arith.constant 5 : i32
        %gt3A_875 = arith.cmpi sgt, %and3A_68, %gt3A_874 : i32
        %select_n3A_876 = arith.select %gt3A_875, %get3A_873, %broadcast_in_dim3A_6 : vector<16xf32>
        %swap3A_877 = arith.constant 5 : i32
        %swap3A_878 = arith.index_cast %swap3A_877 : i32 to index
        %swap3A_879 = arith.constant 64 : index
        %swap3A_880 = tpu.vector_load %arg9[%swap3A_878, %swap3A_879] {strides = array<i32>} : memref<8x128xf32, #tpu.memory_space<vmem>>, vector<1x16xf32>,
        %swap3A_881 = vector.shape_cast %swap3A_880 : vector<1x16xf32> to vector<16xf32>
        %swap3A_882 = vector.shape_cast %select_n3A_876 : vector<16xf32> to vector<1x16xf32>
        tpu.vector_store %arg9[%swap3A_878, %swap3A_879], %swap3A_882 {strides = array<i32>} : memref<8x128xf32, #tpu.memory_space<vmem>>, vector<1x16xf32>,
        %add3A_883 = arith.constant 5 : i32
        %add3A_884 = arith.addi %multiple_of3A_66, %add3A_883 : i32
        %get3A_885 = arith.index_cast %add3A_884 : i32 to index
        %get3A_886 = arith.constant 80 : index
        %get3A_887 = tpu.vector_load %arg7[%get3A_885, %get3A_886] {strides = array<i32>} : memref<328x128xf32, #tpu.memory_space<vmem>>, vector<1x16xf32>,
        %get3A_888 = vector.shape_cast %get3A_887 : vector<1x16xf32> to vector<16xf32>
        %gt3A_889 = arith.constant 5 : i32
        %gt3A_890 = arith.cmpi sgt, %and3A_68, %gt3A_889 : i32
        %select_n3A_891 = arith.select %gt3A_890, %get3A_888, %broadcast_in_dim3A_6 : vector<16xf32>
        %swap3A_892 = arith.constant 5 : i32
        %swap3A_893 = arith.index_cast %swap3A_892 : i32 to index
        %swap3A_894 = arith.constant 80 : index
        %swap3A_895 = tpu.vector_load %arg9[%swap3A_893, %swap3A_894] {strides = array<i32>} : memref<8x128xf32, #tpu.memory_space<vmem>>, vector<1x16xf32>,
        %swap3A_896 = vector.shape_cast %swap3A_895 : vector<1x16xf32> to vector<16xf32>
        %swap3A_897 = vector.shape_cast %select_n3A_891 : vector<16xf32> to vector<1x16xf32>
        tpu.vector_store %arg9[%swap3A_893, %swap3A_894], %swap3A_897 {strides = array<i32>} : memref<8x128xf32, #tpu.memory_space<vmem>>, vector<1x16xf32>,
        %add3A_898 = arith.constant 5 : i32
        %add3A_899 = arith.addi %multiple_of3A_66, %add3A_898 : i32
        %get3A_900 = arith.index_cast %add3A_899 : i32 to index
        %get3A_901 = arith.constant 96 : index
        %get3A_902 = tpu.vector_load %arg7[%get3A_900, %get3A_901] {strides = array<i32>} : memref<328x128xf32, #tpu.memory_space<vmem>>, vector<1x16xf32>,
        %get3A_903 = vector.shape_cast %get3A_902 : vector<1x16xf32> to vector<16xf32>
        %gt3A_904 = arith.constant 5 : i32
        %gt3A_905 = arith.cmpi sgt, %and3A_68, %gt3A_904 : i32
        %select_n3A_906 = arith.select %gt3A_905, %get3A_903, %broadcast_in_dim3A_6 : vector<16xf32>
        %swap3A_907 = arith.constant 5 : i32
        %swap3A_908 = arith.index_cast %swap3A_907 : i32 to index
        %swap3A_909 = arith.constant 96 : index
        %swap3A_910 = tpu.vector_load %arg9[%swap3A_908, %swap3A_909] {strides = array<i32>} : memref<8x128xf32, #tpu.memory_space<vmem>>, vector<1x16xf32>,
        %swap3A_911 = vector.shape_cast %swap3A_910 : vector<1x16xf32> to vector<16xf32>
        %swap3A_912 = vector.shape_cast %select_n3A_906 : vector<16xf32> to vector<1x16xf32>
        tpu.vector_store %arg9[%swap3A_908, %swap3A_909], %swap3A_912 {strides = array<i32>} : memref<8x128xf32, #tpu.memory_space<vmem>>, vector<1x16xf32>,
        %add3A_913 = arith.constant 5 : i32
        %add3A_914 = arith.addi %multiple_of3A_66, %add3A_913 : i32
        %get3A_915 = arith.index_cast %add3A_914 : i32 to index
        %get3A_916 = arith.constant 112 : index
        %get3A_917 = tpu.vector_load %arg7[%get3A_915, %get3A_916] {strides = array<i32>} : memref<328x128xf32, #tpu.memory_space<vmem>>, vector<1x16xf32>,
        %get3A_918 = vector.shape_cast %get3A_917 : vector<1x16xf32> to vector<16xf32>
        %gt3A_919 = arith.constant 5 : i32
        %gt3A_920 = arith.cmpi sgt, %and3A_68, %gt3A_919 : i32
        %select_n3A_921 = arith.select %gt3A_920, %get3A_918, %broadcast_in_dim3A_6 : vector<16xf32>
        %swap3A_922 = arith.constant 5 : i32
        %swap3A_923 = arith.index_cast %swap3A_922 : i32 to index
        %swap3A_924 = arith.constant 112 : index
        %swap3A_925 = tpu.vector_load %arg9[%swap3A_923, %swap3A_924] {strides = array<i32>} : memref<8x128xf32, #tpu.memory_space<vmem>>, vector<1x16xf32>,
        %swap3A_926 = vector.shape_cast %swap3A_925 : vector<1x16xf32> to vector<16xf32>
        %swap3A_927 = vector.shape_cast %select_n3A_921 : vector<16xf32> to vector<1x16xf32>
        tpu.vector_store %arg9[%swap3A_923, %swap3A_924], %swap3A_927 {strides = array<i32>} : memref<8x128xf32, #tpu.memory_space<vmem>>, vector<1x16xf32>,
        %add3A_928 = arith.constant 6 : i32
        %add3A_929 = arith.addi %multiple_of3A_66, %add3A_928 : i32
        %get3A_930 = arith.index_cast %add3A_929 : i32 to index
        %get3A_931 = arith.constant 0 : index
        %get3A_932 = tpu.vector_load %arg7[%get3A_930, %get3A_931] {strides = array<i32>} : memref<328x128xf32, #tpu.memory_space<vmem>>, vector<1x16xf32>,
        %get3A_933 = vector.shape_cast %get3A_932 : vector<1x16xf32> to vector<16xf32>
        %gt3A_934 = arith.constant 6 : i32
        %gt3A_935 = arith.cmpi sgt, %and3A_68, %gt3A_934 : i32
        %select_n3A_936 = arith.select %gt3A_935, %get3A_933, %broadcast_in_dim3A_6 : vector<16xf32>
        %swap3A_937 = arith.constant 6 : i32
        %swap3A_938 = arith.index_cast %swap3A_937 : i32 to index
        %swap3A_939 = arith.constant 0 : index
        %swap3A_940 = tpu.vector_load %arg9[%swap3A_938, %swap3A_939] {strides = array<i32>} : memref<8x128xf32, #tpu.memory_space<vmem>>, vector<1x16xf32>,
        %swap3A_941 = vector.shape_cast %swap3A_940 : vector<1x16xf32> to vector<16xf32>
        %swap3A_942 = vector.shape_cast %select_n3A_936 : vector<16xf32> to vector<1x16xf32>
        tpu.vector_store %arg9[%swap3A_938, %swap3A_939], %swap3A_942 {strides = array<i32>} : memref<8x128xf32, #tpu.memory_space<vmem>>, vector<1x16xf32>,
        %add3A_943 = arith.constant 6 : i32
        %add3A_944 = arith.addi %multiple_of3A_66, %add3A_943 : i32
        %get3A_945 = arith.index_cast %add3A_944 : i32 to index
        %get3A_946 = arith.constant 16 : index
        %get3A_947 = tpu.vector_load %arg7[%get3A_945, %get3A_946] {strides = array<i32>} : memref<328x128xf32, #tpu.memory_space<vmem>>, vector<1x16xf32>,
        %get3A_948 = vector.shape_cast %get3A_947 : vector<1x16xf32> to vector<16xf32>
        %gt3A_949 = arith.constant 6 : i32
        %gt3A_950 = arith.cmpi sgt, %and3A_68, %gt3A_949 : i32
        %select_n3A_951 = arith.select %gt3A_950, %get3A_948, %broadcast_in_dim3A_6 : vector<16xf32>
        %swap3A_952 = arith.constant 6 : i32
        %swap3A_953 = arith.index_cast %swap3A_952 : i32 to index
        %swap3A_954 = arith.constant 16 : index
        %swap3A_955 = tpu.vector_load %arg9[%swap3A_953, %swap3A_954] {strides = array<i32>} : memref<8x128xf32, #tpu.memory_space<vmem>>, vector<1x16xf32>,
        %swap3A_956 = vector.shape_cast %swap3A_955 : vector<1x16xf32> to vector<16xf32>
        %swap3A_957 = vector.shape_cast %select_n3A_951 : vector<16xf32> to vector<1x16xf32>
        tpu.vector_store %arg9[%swap3A_953, %swap3A_954], %swap3A_957 {strides = array<i32>} : memref<8x128xf32, #tpu.memory_space<vmem>>, vector<1x16xf32>,
        %add3A_958 = arith.constant 6 : i32
        %add3A_959 = arith.addi %multiple_of3A_66, %add3A_958 : i32
        %get3A_960 = arith.index_cast %add3A_959 : i32 to index
        %get3A_961 = arith.constant 32 : index
        %get3A_962 = tpu.vector_load %arg7[%get3A_960, %get3A_961] {strides = array<i32>} : memref<328x128xf32, #tpu.memory_space<vmem>>, vector<1x16xf32>,
        %get3A_963 = vector.shape_cast %get3A_962 : vector<1x16xf32> to vector<16xf32>
        %gt3A_964 = arith.constant 6 : i32
        %gt3A_965 = arith.cmpi sgt, %and3A_68, %gt3A_964 : i32
        %select_n3A_966 = arith.select %gt3A_965, %get3A_963, %broadcast_in_dim3A_6 : vector<16xf32>
        %swap3A_967 = arith.constant 6 : i32
        %swap3A_968 = arith.index_cast %swap3A_967 : i32 to index
        %swap3A_969 = arith.constant 32 : index
        %swap3A_970 = tpu.vector_load %arg9[%swap3A_968, %swap3A_969] {strides = array<i32>} : memref<8x128xf32, #tpu.memory_space<vmem>>, vector<1x16xf32>,
        %swap3A_971 = vector.shape_cast %swap3A_970 : vector<1x16xf32> to vector<16xf32>
        %swap3A_972 = vector.shape_cast %select_n3A_966 : vector<16xf32> to vector<1x16xf32>
        tpu.vector_store %arg9[%swap3A_968, %swap3A_969], %swap3A_972 {strides = array<i32>} : memref<8x128xf32, #tpu.memory_space<vmem>>, vector<1x16xf32>,
        %add3A_973 = arith.constant 6 : i32
        %add3A_974 = arith.addi %multiple_of3A_66, %add3A_973 : i32
        %get3A_975 = arith.index_cast %add3A_974 : i32 to index
        %get3A_976 = arith.constant 48 : index
        %get3A_977 = tpu.vector_load %arg7[%get3A_975, %get3A_976] {strides = array<i32>} : memref<328x128xf32, #tpu.memory_space<vmem>>, vector<1x16xf32>,
        %get3A_978 = vector.shape_cast %get3A_977 : vector<1x16xf32> to vector<16xf32>
        %gt3A_979 = arith.constant 6 : i32
        %gt3A_980 = arith.cmpi sgt, %and3A_68, %gt3A_979 : i32
        %select_n3A_981 = arith.select %gt3A_980, %get3A_978, %broadcast_in_dim3A_6 : vector<16xf32>
        %swap3A_982 = arith.constant 6 : i32
        %swap3A_983 = arith.index_cast %swap3A_982 : i32 to index
        %swap3A_984 = arith.constant 48 : index
        %swap3A_985 = tpu.vector_load %arg9[%swap3A_983, %swap3A_984] {strides = array<i32>} : memref<8x128xf32, #tpu.memory_space<vmem>>, vector<1x16xf32>,
        %swap3A_986 = vector.shape_cast %swap3A_985 : vector<1x16xf32> to vector<16xf32>
        %swap3A_987 = vector.shape_cast %select_n3A_981 : vector<16xf32> to vector<1x16xf32>
        tpu.vector_store %arg9[%swap3A_983, %swap3A_984], %swap3A_987 {strides = array<i32>} : memref<8x128xf32, #tpu.memory_space<vmem>>, vector<1x16xf32>,
        %add3A_988 = arith.constant 6 : i32
        %add3A_989 = arith.addi %multiple_of3A_66, %add3A_988 : i32
        %get3A_990 = arith.index_cast %add3A_989 : i32 to index
        %get3A_991 = arith.constant 64 : index
        %get3A_992 = tpu.vector_load %arg7[%get3A_990, %get3A_991] {strides = array<i32>} : memref<328x128xf32, #tpu.memory_space<vmem>>, vector<1x16xf32>,
        %get3A_993 = vector.shape_cast %get3A_992 : vector<1x16xf32> to vector<16xf32>
        %gt3A_994 = arith.constant 6 : i32
        %gt3A_995 = arith.cmpi sgt, %and3A_68, %gt3A_994 : i32
        %select_n3A_996 = arith.select %gt3A_995, %get3A_993, %broadcast_in_dim3A_6 : vector<16xf32>
        %swap3A_997 = arith.constant 6 : i32
        %swap3A_998 = arith.index_cast %swap3A_997 : i32 to index
        %swap3A_999 = arith.constant 64 : index
        %swap3A_1000 = tpu.vector_load %arg9[%swap3A_998, %swap3A_999] {strides = array<i32>} : memref<8x128xf32, #tpu.memory_space<vmem>>, vector<1x16xf32>,
        %swap3A_1001 = vector.shape_cast %swap3A_1000 : vector<1x16xf32> to vector<16xf32>
        %swap3A_1002 = vector.shape_cast %select_n3A_996 : vector<16xf32> to vector<1x16xf32>
        tpu.vector_store %arg9[%swap3A_998, %swap3A_999], %swap3A_1002 {strides = array<i32>} : memref<8x128xf32, #tpu.memory_space<vmem>>, vector<1x16xf32>,
        %add3A_1003 = arith.constant 6 : i32
        %add3A_1004 = arith.addi %multiple_of3A_66, %add3A_1003 : i32
        %get3A_1005 = arith.index_cast %add3A_1004 : i32 to index
        %get3A_1006 = arith.constant 80 : index
        %get3A_1007 = tpu.vector_load %arg7[%get3A_1005, %get3A_1006] {strides = array<i32>} : memref<328x128xf32, #tpu.memory_space<vmem>>, vector<1x16xf32>,
        %get3A_1008 = vector.shape_cast %get3A_1007 : vector<1x16xf32> to vector<16xf32>
        %gt3A_1009 = arith.constant 6 : i32
        %gt3A_1010 = arith.cmpi sgt, %and3A_68, %gt3A_1009 : i32
        %select_n3A_1011 = arith.select %gt3A_1010, %get3A_1008, %broadcast_in_dim3A_6 : vector<16xf32>
        %swap3A_1012 = arith.constant 6 : i32
        %swap3A_1013 = arith.index_cast %swap3A_1012 : i32 to index
        %swap3A_1014 = arith.constant 80 : index
        %swap3A_1015 = tpu.vector_load %arg9[%swap3A_1013, %swap3A_1014] {strides = array<i32>} : memref<8x128xf32, #tpu.memory_space<vmem>>, vector<1x16xf32>,
        %swap3A_1016 = vector.shape_cast %swap3A_1015 : vector<1x16xf32> to vector<16xf32>
        %swap3A_1017 = vector.shape_cast %select_n3A_1011 : vector<16xf32> to vector<1x16xf32>
        tpu.vector_store %arg9[%swap3A_1013, %swap3A_1014], %swap3A_1017 {strides = array<i32>} : memref<8x128xf32, #tpu.memory_space<vmem>>, vector<1x16xf32>,
        %add3A_1018 = arith.constant 6 : i32
        %add3A_1019 = arith.addi %multiple_of3A_66, %add3A_1018 : i32
        %get3A_1020 = arith.index_cast %add3A_1019 : i32 to index
        %get3A_1021 = arith.constant 96 : index
        %get3A_1022 = tpu.vector_load %arg7[%get3A_1020, %get3A_1021] {strides = array<i32>} : memref<328x128xf32, #tpu.memory_space<vmem>>, vector<1x16xf32>,
        %get3A_1023 = vector.shape_cast %get3A_1022 : vector<1x16xf32> to vector<16xf32>
        %gt3A_1024 = arith.constant 6 : i32
        %gt3A_1025 = arith.cmpi sgt, %and3A_68, %gt3A_1024 : i32
        %select_n3A_1026 = arith.select %gt3A_1025, %get3A_1023, %broadcast_in_dim3A_6 : vector<16xf32>
        %swap3A_1027 = arith.constant 6 : i32
        %swap3A_1028 = arith.index_cast %swap3A_1027 : i32 to index
        %swap3A_1029 = arith.constant 96 : index
        %swap3A_1030 = tpu.vector_load %arg9[%swap3A_1028, %swap3A_1029] {strides = array<i32>} : memref<8x128xf32, #tpu.memory_space<vmem>>, vector<1x16xf32>,
        %swap3A_1031 = vector.shape_cast %swap3A_1030 : vector<1x16xf32> to vector<16xf32>
        %swap3A_1032 = vector.shape_cast %select_n3A_1026 : vector<16xf32> to vector<1x16xf32>
        tpu.vector_store %arg9[%swap3A_1028, %swap3A_1029], %swap3A_1032 {strides = array<i32>} : memref<8x128xf32, #tpu.memory_space<vmem>>, vector<1x16xf32>,
        %add3A_1033 = arith.constant 6 : i32
        %add3A_1034 = arith.addi %multiple_of3A_66, %add3A_1033 : i32
        %get3A_1035 = arith.index_cast %add3A_1034 : i32 to index
        %get3A_1036 = arith.constant 112 : index
        %get3A_1037 = tpu.vector_load %arg7[%get3A_1035, %get3A_1036] {strides = array<i32>} : memref<328x128xf32, #tpu.memory_space<vmem>>, vector<1x16xf32>,
        %get3A_1038 = vector.shape_cast %get3A_1037 : vector<1x16xf32> to vector<16xf32>
        %gt3A_1039 = arith.constant 6 : i32
        %gt3A_1040 = arith.cmpi sgt, %and3A_68, %gt3A_1039 : i32
        %select_n3A_1041 = arith.select %gt3A_1040, %get3A_1038, %broadcast_in_dim3A_6 : vector<16xf32>
        %swap3A_1042 = arith.constant 6 : i32
        %swap3A_1043 = arith.index_cast %swap3A_1042 : i32 to index
        %swap3A_1044 = arith.constant 112 : index
        %swap3A_1045 = tpu.vector_load %arg9[%swap3A_1043, %swap3A_1044] {strides = array<i32>} : memref<8x128xf32, #tpu.memory_space<vmem>>, vector<1x16xf32>,
        %swap3A_1046 = vector.shape_cast %swap3A_1045 : vector<1x16xf32> to vector<16xf32>
        %swap3A_1047 = vector.shape_cast %select_n3A_1041 : vector<16xf32> to vector<1x16xf32>
        tpu.vector_store %arg9[%swap3A_1043, %swap3A_1044], %swap3A_1047 {strides = array<i32>} : memref<8x128xf32, #tpu.memory_space<vmem>>, vector<1x16xf32>,
        %add3A_1048 = arith.constant 7 : i32
        %add3A_1049 = arith.addi %multiple_of3A_66, %add3A_1048 : i32
        %get3A_1050 = arith.index_cast %add3A_1049 : i32 to index
        %get3A_1051 = arith.constant 0 : index
        %get3A_1052 = tpu.vector_load %arg7[%get3A_1050, %get3A_1051] {strides = array<i32>} : memref<328x128xf32, #tpu.memory_space<vmem>>, vector<1x16xf32>,
        %get3A_1053 = vector.shape_cast %get3A_1052 : vector<1x16xf32> to vector<16xf32>
        %gt3A_1054 = arith.constant 7 : i32
        %gt3A_1055 = arith.cmpi sgt, %and3A_68, %gt3A_1054 : i32
        %select_n3A_1056 = arith.select %gt3A_1055, %get3A_1053, %broadcast_in_dim3A_6 : vector<16xf32>
        %swap3A_1057 = arith.constant 7 : i32
        %swap3A_1058 = arith.index_cast %swap3A_1057 : i32 to index
        %swap3A_1059 = arith.constant 0 : index
        %swap3A_1060 = tpu.vector_load %arg9[%swap3A_1058, %swap3A_1059] {strides = array<i32>} : memref<8x128xf32, #tpu.memory_space<vmem>>, vector<1x16xf32>,
        %swap3A_1061 = vector.shape_cast %swap3A_1060 : vector<1x16xf32> to vector<16xf32>
        %swap3A_1062 = vector.shape_cast %select_n3A_1056 : vector<16xf32> to vector<1x16xf32>
        tpu.vector_store %arg9[%swap3A_1058, %swap3A_1059], %swap3A_1062 {strides = array<i32>} : memref<8x128xf32, #tpu.memory_space<vmem>>, vector<1x16xf32>,
        %add3A_1063 = arith.constant 7 : i32
        %add3A_1064 = arith.addi %multiple_of3A_66, %add3A_1063 : i32
        %get3A_1065 = arith.index_cast %add3A_1064 : i32 to index
        %get3A_1066 = arith.constant 16 : index
        %get3A_1067 = tpu.vector_load %arg7[%get3A_1065, %get3A_1066] {strides = array<i32>} : memref<328x128xf32, #tpu.memory_space<vmem>>, vector<1x16xf32>,
        %get3A_1068 = vector.shape_cast %get3A_1067 : vector<1x16xf32> to vector<16xf32>
        %gt3A_1069 = arith.constant 7 : i32
        %gt3A_1070 = arith.cmpi sgt, %and3A_68, %gt3A_1069 : i32
        %select_n3A_1071 = arith.select %gt3A_1070, %get3A_1068, %broadcast_in_dim3A_6 : vector<16xf32>
        %swap3A_1072 = arith.constant 7 : i32
        %swap3A_1073 = arith.index_cast %swap3A_1072 : i32 to index
        %swap3A_1074 = arith.constant 16 : index
        %swap3A_1075 = tpu.vector_load %arg9[%swap3A_1073, %swap3A_1074] {strides = array<i32>} : memref<8x128xf32, #tpu.memory_space<vmem>>, vector<1x16xf32>,
        %swap3A_1076 = vector.shape_cast %swap3A_1075 : vector<1x16xf32> to vector<16xf32>
        %swap3A_1077 = vector.shape_cast %select_n3A_1071 : vector<16xf32> to vector<1x16xf32>
        tpu.vector_store %arg9[%swap3A_1073, %swap3A_1074], %swap3A_1077 {strides = array<i32>} : memref<8x128xf32, #tpu.memory_space<vmem>>, vector<1x16xf32>,
        %add3A_1078 = arith.constant 7 : i32
        %add3A_1079 = arith.addi %multiple_of3A_66, %add3A_1078 : i32
        %get3A_1080 = arith.index_cast %add3A_1079 : i32 to index
        %get3A_1081 = arith.constant 32 : index
        %get3A_1082 = tpu.vector_load %arg7[%get3A_1080, %get3A_1081] {strides = array<i32>} : memref<328x128xf32, #tpu.memory_space<vmem>>, vector<1x16xf32>,
        %get3A_1083 = vector.shape_cast %get3A_1082 : vector<1x16xf32> to vector<16xf32>
        %gt3A_1084 = arith.constant 7 : i32
        %gt3A_1085 = arith.cmpi sgt, %and3A_68, %gt3A_1084 : i32
        %select_n3A_1086 = arith.select %gt3A_1085, %get3A_1083, %broadcast_in_dim3A_6 : vector<16xf32>
        %swap3A_1087 = arith.constant 7 : i32
        %swap3A_1088 = arith.index_cast %swap3A_1087 : i32 to index
        %swap3A_1089 = arith.constant 32 : index
        %swap3A_1090 = tpu.vector_load %arg9[%swap3A_1088, %swap3A_1089] {strides = array<i32>} : memref<8x128xf32, #tpu.memory_space<vmem>>, vector<1x16xf32>,
        %swap3A_1091 = vector.shape_cast %swap3A_1090 : vector<1x16xf32> to vector<16xf32>
        %swap3A_1092 = vector.shape_cast %select_n3A_1086 : vector<16xf32> to vector<1x16xf32>
        tpu.vector_store %arg9[%swap3A_1088, %swap3A_1089], %swap3A_1092 {strides = array<i32>} : memref<8x128xf32, #tpu.memory_space<vmem>>, vector<1x16xf32>,
        %add3A_1093 = arith.constant 7 : i32
        %add3A_1094 = arith.addi %multiple_of3A_66, %add3A_1093 : i32
        %get3A_1095 = arith.index_cast %add3A_1094 : i32 to index
        %get3A_1096 = arith.constant 48 : index
        %get3A_1097 = tpu.vector_load %arg7[%get3A_1095, %get3A_1096] {strides = array<i32>} : memref<328x128xf32, #tpu.memory_space<vmem>>, vector<1x16xf32>,
        %get3A_1098 = vector.shape_cast %get3A_1097 : vector<1x16xf32> to vector<16xf32>
        %gt3A_1099 = arith.constant 7 : i32
        %gt3A_1100 = arith.cmpi sgt, %and3A_68, %gt3A_1099 : i32
        %select_n3A_1101 = arith.select %gt3A_1100, %get3A_1098, %broadcast_in_dim3A_6 : vector<16xf32>
        %swap3A_1102 = arith.constant 7 : i32
        %swap3A_1103 = arith.index_cast %swap3A_1102 : i32 to index
        %swap3A_1104 = arith.constant 48 : index
        %swap3A_1105 = tpu.vector_load %arg9[%swap3A_1103, %swap3A_1104] {strides = array<i32>} : memref<8x128xf32, #tpu.memory_space<vmem>>, vector<1x16xf32>,
        %swap3A_1106 = vector.shape_cast %swap3A_1105 : vector<1x16xf32> to vector<16xf32>
        %swap3A_1107 = vector.shape_cast %select_n3A_1101 : vector<16xf32> to vector<1x16xf32>
        tpu.vector_store %arg9[%swap3A_1103, %swap3A_1104], %swap3A_1107 {strides = array<i32>} : memref<8x128xf32, #tpu.memory_space<vmem>>, vector<1x16xf32>,
        %add3A_1108 = arith.constant 7 : i32
        %add3A_1109 = arith.addi %multiple_of3A_66, %add3A_1108 : i32
        %get3A_1110 = arith.index_cast %add3A_1109 : i32 to index
        %get3A_1111 = arith.constant 64 : index
        %get3A_1112 = tpu.vector_load %arg7[%get3A_1110, %get3A_1111] {strides = array<i32>} : memref<328x128xf32, #tpu.memory_space<vmem>>, vector<1x16xf32>,
        %get3A_1113 = vector.shape_cast %get3A_1112 : vector<1x16xf32> to vector<16xf32>
        %gt3A_1114 = arith.constant 7 : i32
        %gt3A_1115 = arith.cmpi sgt, %and3A_68, %gt3A_1114 : i32
        %select_n3A_1116 = arith.select %gt3A_1115, %get3A_1113, %broadcast_in_dim3A_6 : vector<16xf32>
        %swap3A_1117 = arith.constant 7 : i32
        %swap3A_1118 = arith.index_cast %swap3A_1117 : i32 to index
        %swap3A_1119 = arith.constant 64 : index
        %swap3A_1120 = tpu.vector_load %arg9[%swap3A_1118, %swap3A_1119] {strides = array<i32>} : memref<8x128xf32, #tpu.memory_space<vmem>>, vector<1x16xf32>,
        %swap3A_1121 = vector.shape_cast %swap3A_1120 : vector<1x16xf32> to vector<16xf32>
        %swap3A_1122 = vector.shape_cast %select_n3A_1116 : vector<16xf32> to vector<1x16xf32>
        tpu.vector_store %arg9[%swap3A_1118, %swap3A_1119], %swap3A_1122 {strides = array<i32>} : memref<8x128xf32, #tpu.memory_space<vmem>>, vector<1x16xf32>,
        %add3A_1123 = arith.constant 7 : i32
        %add3A_1124 = arith.addi %multiple_of3A_66, %add3A_1123 : i32
        %get3A_1125 = arith.index_cast %add3A_1124 : i32 to index
        %get3A_1126 = arith.constant 80 : index
        %get3A_1127 = tpu.vector_load %arg7[%get3A_1125, %get3A_1126] {strides = array<i32>} : memref<328x128xf32, #tpu.memory_space<vmem>>, vector<1x16xf32>,
        %get3A_1128 = vector.shape_cast %get3A_1127 : vector<1x16xf32> to vector<16xf32>
        %gt3A_1129 = arith.constant 7 : i32
        %gt3A_1130 = arith.cmpi sgt, %and3A_68, %gt3A_1129 : i32
        %select_n3A_1131 = arith.select %gt3A_1130, %get3A_1128, %broadcast_in_dim3A_6 : vector<16xf32>
        %swap3A_1132 = arith.constant 7 : i32
        %swap3A_1133 = arith.index_cast %swap3A_1132 : i32 to index
        %swap3A_1134 = arith.constant 80 : index
        %swap3A_1135 = tpu.vector_load %arg9[%swap3A_1133, %swap3A_1134] {strides = array<i32>} : memref<8x128xf32, #tpu.memory_space<vmem>>, vector<1x16xf32>,
        %swap3A_1136 = vector.shape_cast %swap3A_1135 : vector<1x16xf32> to vector<16xf32>
        %swap3A_1137 = vector.shape_cast %select_n3A_1131 : vector<16xf32> to vector<1x16xf32>
        tpu.vector_store %arg9[%swap3A_1133, %swap3A_1134], %swap3A_1137 {strides = array<i32>} : memref<8x128xf32, #tpu.memory_space<vmem>>, vector<1x16xf32>,
        %add3A_1138 = arith.constant 7 : i32
        %add3A_1139 = arith.addi %multiple_of3A_66, %add3A_1138 : i32
        %get3A_1140 = arith.index_cast %add3A_1139 : i32 to index
        %get3A_1141 = arith.constant 96 : index
        %get3A_1142 = tpu.vector_load %arg7[%get3A_1140, %get3A_1141] {strides = array<i32>} : memref<328x128xf32, #tpu.memory_space<vmem>>, vector<1x16xf32>,
        %get3A_1143 = vector.shape_cast %get3A_1142 : vector<1x16xf32> to vector<16xf32>
        %gt3A_1144 = arith.constant 7 : i32
        %gt3A_1145 = arith.cmpi sgt, %and3A_68, %gt3A_1144 : i32
        %select_n3A_1146 = arith.select %gt3A_1145, %get3A_1143, %broadcast_in_dim3A_6 : vector<16xf32>
        %swap3A_1147 = arith.constant 7 : i32
        %swap3A_1148 = arith.index_cast %swap3A_1147 : i32 to index
        %swap3A_1149 = arith.constant 96 : index
        %swap3A_1150 = tpu.vector_load %arg9[%swap3A_1148, %swap3A_1149] {strides = array<i32>} : memref<8x128xf32, #tpu.memory_space<vmem>>, vector<1x16xf32>,
        %swap3A_1151 = vector.shape_cast %swap3A_1150 : vector<1x16xf32> to vector<16xf32>
        %swap3A_1152 = vector.shape_cast %select_n3A_1146 : vector<16xf32> to vector<1x16xf32>
        tpu.vector_store %arg9[%swap3A_1148, %swap3A_1149], %swap3A_1152 {strides = array<i32>} : memref<8x128xf32, #tpu.memory_space<vmem>>, vector<1x16xf32>,
        %add3A_1153 = arith.constant 7 : i32
        %add3A_1154 = arith.addi %multiple_of3A_66, %add3A_1153 : i32
        %get3A_1155 = arith.index_cast %add3A_1154 : i32 to index
        %get3A_1156 = arith.constant 112 : index
        %get3A_1157 = tpu.vector_load %arg7[%get3A_1155, %get3A_1156] {strides = array<i32>} : memref<328x128xf32, #tpu.memory_space<vmem>>, vector<1x16xf32>,
        %get3A_1158 = vector.shape_cast %get3A_1157 : vector<1x16xf32> to vector<16xf32>
        %gt3A_1159 = arith.constant 7 : i32
        %gt3A_1160 = arith.cmpi sgt, %and3A_68, %gt3A_1159 : i32
        %select_n3A_1161 = arith.select %gt3A_1160, %get3A_1158, %broadcast_in_dim3A_6 : vector<16xf32>
        %swap3A_1162 = arith.constant 7 : i32
        %swap3A_1163 = arith.index_cast %swap3A_1162 : i32 to index
        %swap3A_1164 = arith.constant 112 : index
        %swap3A_1165 = tpu.vector_load %arg9[%swap3A_1163, %swap3A_1164] {strides = array<i32>} : memref<8x128xf32, #tpu.memory_space<vmem>>, vector<1x16xf32>,
        %swap3A_1166 = vector.shape_cast %swap3A_1165 : vector<1x16xf32> to vector<16xf32>
        %swap3A_1167 = vector.shape_cast %select_n3A_1161 : vector<16xf32> to vector<1x16xf32>
        tpu.vector_store %arg9[%swap3A_1163, %swap3A_1164], %swap3A_1167 {strides = array<i32>} : memref<8x128xf32, #tpu.memory_space<vmem>>, vector<1x16xf32>,
        %add3A_1168 = arith.addi %multiple_of3A_72, %multiple_of3A_66 : i32
        %multiple_of3A_1169 = tpu.assume_multiple %add3A_1168, 8 : i32
        %dma_start3A_1170 = arith.constant 0 : i32
        %dma_start3A_1171 = tpu.memref_slice %arg4[%multiple_of3A_1169, %dma_start3A_1170] : memref<204800x128xf32, #tpu.memory_space<hbm>> -> memref<8x128xf32, #tpu.memory_space<hbm>>
        %dma_start3A_1172 = arith.constant 0 : i32
        %dma_start3A_1173 = tpu.memref_slice %arg4[%multiple_of3A_1169, %dma_start3A_1172] : memref<204800x128xf32, #tpu.memory_space<hbm>> -> memref<8x128xf32, #tpu.memory_space<hbm>>
        tpu.enqueue_dma source(%arg9 : memref<8x128xf32, #tpu.memory_space<vmem>>) target(%dma_start3A_1173 : memref<8x128xf32, #tpu.memory_space<hbm>>) target_semaphore(%arg16 : memref<!tpu.dma_semaphore, #tpu.memory_space<semaphore_mem>>)
      } else {
      }
      %rem3A_125 = arith.constant 4 : i32
      %rem3A_126 = arith.remsi %scan3A_61, %rem3A_125 : i32
      %eq3A_127 = arith.constant 1 : i32
      %eq3A_128 = arith.cmpi eq, %rem3A_126, %eq3A_127 : i32
      %convert_element_type3A_129 = arith.extui %eq3A_128 : i1 to i32
      %cond3A_130 = arith.constant 0 : i32
      %cond3A_131 = arith.cmpi ne, %convert_element_type3A_129, %cond3A_130 : i32
      scf.if %cond3A_131 {
        %ge3A = arith.constant 4 : i32
        %ge3A_207 = arith.cmpi sge, %scan3A_61, %ge3A : i32
        %convert_element_type3A_208 = arith.extui %ge3A_207 : i1 to i32
        %cond3A_209 = arith.constant 0 : i32
        %cond3A_210 = arith.cmpi ne, %convert_element_type3A_208, %cond3A_209 : i32
        scf.if %cond3A_210 {
          %dma_wait3A_1174 = arith.constant 0 : i32
          %dma_wait3A_1175 = tpu.memref_slice %arg4[%multiple_of3A, %dma_wait3A_1174] : memref<204800x128xf32, #tpu.memory_space<hbm>> -> memref<8x128xf32, #tpu.memory_space<hbm>>
          %dma_wait3A_1176 = arith.constant 0 : i32
          %dma_wait3A_1177 = tpu.memref_slice %arg4[%multiple_of3A, %dma_wait3A_1176] : memref<204800x128xf32, #tpu.memory_space<hbm>> -> memref<8x128xf32, #tpu.memory_space<hbm>>
          tpu.wait_dma2 semaphore(%arg17 : memref<!tpu.dma_semaphore, #tpu.memory_space<semaphore_mem>>) src(%arg10 : memref<8x128xf32, #tpu.memory_space<vmem>>) dst(%dma_wait3A_1177 : memref<8x128xf32, #tpu.memory_space<hbm>>)
        } else {
        }
        %add3A_211 = arith.constant 0 : i32
        %add3A_212 = arith.addi %multiple_of3A_66, %add3A_211 : i32
        %get3A_213 = arith.index_cast %add3A_212 : i32 to index
        %get3A_214 = arith.constant 0 : index
        %get3A_215 = tpu.vector_load %arg7[%get3A_213, %get3A_214] {strides = array<i32>} : memref<328x128xf32, #tpu.memory_space<vmem>>, vector<1x16xf32>,
        %get3A_216 = vector.shape_cast %get3A_215 : vector<1x16xf32> to vector<16xf32>
        %gt3A = arith.constant 0 : i32
        %gt3A_217 = arith.cmpi sgt, %and3A_68, %gt3A : i32
        %select_n3A = arith.select %gt3A_217, %get3A_216, %broadcast_in_dim3A_6 : vector<16xf32>
        %swap3A = arith.constant 0 : i32
        %swap3A_218 = arith.index_cast %swap3A : i32 to index
        %swap3A_219 = arith.constant 0 : index
        %swap3A_220 = tpu.vector_load %arg10[%swap3A_218, %swap3A_219] {strides = array<i32>} : memref<8x128xf32, #tpu.memory_space<vmem>>, vector<1x16xf32>,
        %swap3A_221 = vector.shape_cast %swap3A_220 : vector<1x16xf32> to vector<16xf32>
        %swap3A_222 = vector.shape_cast %select_n3A : vector<16xf32> to vector<1x16xf32>
        tpu.vector_store %arg10[%swap3A_218, %swap3A_219], %swap3A_222 {strides = array<i32>} : memref<8x128xf32, #tpu.memory_space<vmem>>, vector<1x16xf32>,
        %add3A_223 = arith.constant 0 : i32
        %add3A_224 = arith.addi %multiple_of3A_66, %add3A_223 : i32
        %get3A_225 = arith.index_cast %add3A_224 : i32 to index
        %get3A_226 = arith.constant 16 : index
        %get3A_227 = tpu.vector_load %arg7[%get3A_225, %get3A_226] {strides = array<i32>} : memref<328x128xf32, #tpu.memory_space<vmem>>, vector<1x16xf32>,
        %get3A_228 = vector.shape_cast %get3A_227 : vector<1x16xf32> to vector<16xf32>
        %gt3A_229 = arith.constant 0 : i32
        %gt3A_230 = arith.cmpi sgt, %and3A_68, %gt3A_229 : i32
        %select_n3A_231 = arith.select %gt3A_230, %get3A_228, %broadcast_in_dim3A_6 : vector<16xf32>
        %swap3A_232 = arith.constant 0 : i32
        %swap3A_233 = arith.index_cast %swap3A_232 : i32 to index
        %swap3A_234 = arith.constant 16 : index
        %swap3A_235 = tpu.vector_load %arg10[%swap3A_233, %swap3A_234] {strides = array<i32>} : memref<8x128xf32, #tpu.memory_space<vmem>>, vector<1x16xf32>,
        %swap3A_236 = vector.shape_cast %swap3A_235 : vector<1x16xf32> to vector<16xf32>
        %swap3A_237 = vector.shape_cast %select_n3A_231 : vector<16xf32> to vector<1x16xf32>
        tpu.vector_store %arg10[%swap3A_233, %swap3A_234], %swap3A_237 {strides = array<i32>} : memref<8x128xf32, #tpu.memory_space<vmem>>, vector<1x16xf32>,
        %add3A_238 = arith.constant 0 : i32
        %add3A_239 = arith.addi %multiple_of3A_66, %add3A_238 : i32
        %get3A_240 = arith.index_cast %add3A_239 : i32 to index
        %get3A_241 = arith.constant 32 : index
        %get3A_242 = tpu.vector_load %arg7[%get3A_240, %get3A_241] {strides = array<i32>} : memref<328x128xf32, #tpu.memory_space<vmem>>, vector<1x16xf32>,
        %get3A_243 = vector.shape_cast %get3A_242 : vector<1x16xf32> to vector<16xf32>
        %gt3A_244 = arith.constant 0 : i32
        %gt3A_245 = arith.cmpi sgt, %and3A_68, %gt3A_244 : i32
        %select_n3A_246 = arith.select %gt3A_245, %get3A_243, %broadcast_in_dim3A_6 : vector<16xf32>
        %swap3A_247 = arith.constant 0 : i32
        %swap3A_248 = arith.index_cast %swap3A_247 : i32 to index
        %swap3A_249 = arith.constant 32 : index
        %swap3A_250 = tpu.vector_load %arg10[%swap3A_248, %swap3A_249] {strides = array<i32>} : memref<8x128xf32, #tpu.memory_space<vmem>>, vector<1x16xf32>,
        %swap3A_251 = vector.shape_cast %swap3A_250 : vector<1x16xf32> to vector<16xf32>
        %swap3A_252 = vector.shape_cast %select_n3A_246 : vector<16xf32> to vector<1x16xf32>
        tpu.vector_store %arg10[%swap3A_248, %swap3A_249], %swap3A_252 {strides = array<i32>} : memref<8x128xf32, #tpu.memory_space<vmem>>, vector<1x16xf32>,
        %add3A_253 = arith.constant 0 : i32
        %add3A_254 = arith.addi %multiple_of3A_66, %add3A_253 : i32
        %get3A_255 = arith.index_cast %add3A_254 : i32 to index
        %get3A_256 = arith.constant 48 : index
        %get3A_257 = tpu.vector_load %arg7[%get3A_255, %get3A_256] {strides = array<i32>} : memref<328x128xf32, #tpu.memory_space<vmem>>, vector<1x16xf32>,
        %get3A_258 = vector.shape_cast %get3A_257 : vector<1x16xf32> to vector<16xf32>
        %gt3A_259 = arith.constant 0 : i32
        %gt3A_260 = arith.cmpi sgt, %and3A_68, %gt3A_259 : i32
        %select_n3A_261 = arith.select %gt3A_260, %get3A_258, %broadcast_in_dim3A_6 : vector<16xf32>
        %swap3A_262 = arith.constant 0 : i32
        %swap3A_263 = arith.index_cast %swap3A_262 : i32 to index
        %swap3A_264 = arith.constant 48 : index
        %swap3A_265 = tpu.vector_load %arg10[%swap3A_263, %swap3A_264] {strides = array<i32>} : memref<8x128xf32, #tpu.memory_space<vmem>>, vector<1x16xf32>,
        %swap3A_266 = vector.shape_cast %swap3A_265 : vector<1x16xf32> to vector<16xf32>
        %swap3A_267 = vector.shape_cast %select_n3A_261 : vector<16xf32> to vector<1x16xf32>
        tpu.vector_store %arg10[%swap3A_263, %swap3A_264], %swap3A_267 {strides = array<i32>} : memref<8x128xf32, #tpu.memory_space<vmem>>, vector<1x16xf32>,
        %add3A_268 = arith.constant 0 : i32
        %add3A_269 = arith.addi %multiple_of3A_66, %add3A_268 : i32
        %get3A_270 = arith.index_cast %add3A_269 : i32 to index
        %get3A_271 = arith.constant 64 : index
        %get3A_272 = tpu.vector_load %arg7[%get3A_270, %get3A_271] {strides = array<i32>} : memref<328x128xf32, #tpu.memory_space<vmem>>, vector<1x16xf32>,
        %get3A_273 = vector.shape_cast %get3A_272 : vector<1x16xf32> to vector<16xf32>
        %gt3A_274 = arith.constant 0 : i32
        %gt3A_275 = arith.cmpi sgt, %and3A_68, %gt3A_274 : i32
        %select_n3A_276 = arith.select %gt3A_275, %get3A_273, %broadcast_in_dim3A_6 : vector<16xf32>
        %swap3A_277 = arith.constant 0 : i32
        %swap3A_278 = arith.index_cast %swap3A_277 : i32 to index
        %swap3A_279 = arith.constant 64 : index
        %swap3A_280 = tpu.vector_load %arg10[%swap3A_278, %swap3A_279] {strides = array<i32>} : memref<8x128xf32, #tpu.memory_space<vmem>>, vector<1x16xf32>,
        %swap3A_281 = vector.shape_cast %swap3A_280 : vector<1x16xf32> to vector<16xf32>
        %swap3A_282 = vector.shape_cast %select_n3A_276 : vector<16xf32> to vector<1x16xf32>
        tpu.vector_store %arg10[%swap3A_278, %swap3A_279], %swap3A_282 {strides = array<i32>} : memref<8x128xf32, #tpu.memory_space<vmem>>, vector<1x16xf32>,
        %add3A_283 = arith.constant 0 : i32
        %add3A_284 = arith.addi %multiple_of3A_66, %add3A_283 : i32
        %get3A_285 = arith.index_cast %add3A_284 : i32 to index
        %get3A_286 = arith.constant 80 : index
        %get3A_287 = tpu.vector_load %arg7[%get3A_285, %get3A_286] {strides = array<i32>} : memref<328x128xf32, #tpu.memory_space<vmem>>, vector<1x16xf32>,
        %get3A_288 = vector.shape_cast %get3A_287 : vector<1x16xf32> to vector<16xf32>
        %gt3A_289 = arith.constant 0 : i32
        %gt3A_290 = arith.cmpi sgt, %and3A_68, %gt3A_289 : i32
        %select_n3A_291 = arith.select %gt3A_290, %get3A_288, %broadcast_in_dim3A_6 : vector<16xf32>
        %swap3A_292 = arith.constant 0 : i32
        %swap3A_293 = arith.index_cast %swap3A_292 : i32 to index
        %swap3A_294 = arith.constant 80 : index
        %swap3A_295 = tpu.vector_load %arg10[%swap3A_293, %swap3A_294] {strides = array<i32>} : memref<8x128xf32, #tpu.memory_space<vmem>>, vector<1x16xf32>,
        %swap3A_296 = vector.shape_cast %swap3A_295 : vector<1x16xf32> to vector<16xf32>
        %swap3A_297 = vector.shape_cast %select_n3A_291 : vector<16xf32> to vector<1x16xf32>
        tpu.vector_store %arg10[%swap3A_293, %swap3A_294], %swap3A_297 {strides = array<i32>} : memref<8x128xf32, #tpu.memory_space<vmem>>, vector<1x16xf32>,
        %add3A_298 = arith.constant 0 : i32
        %add3A_299 = arith.addi %multiple_of3A_66, %add3A_298 : i32
        %get3A_300 = arith.index_cast %add3A_299 : i32 to index
        %get3A_301 = arith.constant 96 : index
        %get3A_302 = tpu.vector_load %arg7[%get3A_300, %get3A_301] {strides = array<i32>} : memref<328x128xf32, #tpu.memory_space<vmem>>, vector<1x16xf32>,
        %get3A_303 = vector.shape_cast %get3A_302 : vector<1x16xf32> to vector<16xf32>
        %gt3A_304 = arith.constant 0 : i32
        %gt3A_305 = arith.cmpi sgt, %and3A_68, %gt3A_304 : i32
        %select_n3A_306 = arith.select %gt3A_305, %get3A_303, %broadcast_in_dim3A_6 : vector<16xf32>
        %swap3A_307 = arith.constant 0 : i32
        %swap3A_308 = arith.index_cast %swap3A_307 : i32 to index
        %swap3A_309 = arith.constant 96 : index
        %swap3A_310 = tpu.vector_load %arg10[%swap3A_308, %swap3A_309] {strides = array<i32>} : memref<8x128xf32, #tpu.memory_space<vmem>>, vector<1x16xf32>,
        %swap3A_311 = vector.shape_cast %swap3A_310 : vector<1x16xf32> to vector<16xf32>
        %swap3A_312 = vector.shape_cast %select_n3A_306 : vector<16xf32> to vector<1x16xf32>
        tpu.vector_store %arg10[%swap3A_308, %swap3A_309], %swap3A_312 {strides = array<i32>} : memref<8x128xf32, #tpu.memory_space<vmem>>, vector<1x16xf32>,
        %add3A_313 = arith.constant 0 : i32
        %add3A_314 = arith.addi %multiple_of3A_66, %add3A_313 : i32
        %get3A_315 = arith.index_cast %add3A_314 : i32 to index
        %get3A_316 = arith.constant 112 : index
        %get3A_317 = tpu.vector_load %arg7[%get3A_315, %get3A_316] {strides = array<i32>} : memref<328x128xf32, #tpu.memory_space<vmem>>, vector<1x16xf32>,
        %get3A_318 = vector.shape_cast %get3A_317 : vector<1x16xf32> to vector<16xf32>
        %gt3A_319 = arith.constant 0 : i32
        %gt3A_320 = arith.cmpi sgt, %and3A_68, %gt3A_319 : i32
        %select_n3A_321 = arith.select %gt3A_320, %get3A_318, %broadcast_in_dim3A_6 : vector<16xf32>
        %swap3A_322 = arith.constant 0 : i32
        %swap3A_323 = arith.index_cast %swap3A_322 : i32 to index
        %swap3A_324 = arith.constant 112 : index
        %swap3A_325 = tpu.vector_load %arg10[%swap3A_323, %swap3A_324] {strides = array<i32>} : memref<8x128xf32, #tpu.memory_space<vmem>>, vector<1x16xf32>,
        %swap3A_326 = vector.shape_cast %swap3A_325 : vector<1x16xf32> to vector<16xf32>
        %swap3A_327 = vector.shape_cast %select_n3A_321 : vector<16xf32> to vector<1x16xf32>
        tpu.vector_store %arg10[%swap3A_323, %swap3A_324], %swap3A_327 {strides = array<i32>} : memref<8x128xf32, #tpu.memory_space<vmem>>, vector<1x16xf32>,
        %add3A_328 = arith.constant 1 : i32
        %add3A_329 = arith.addi %multiple_of3A_66, %add3A_328 : i32
        %get3A_330 = arith.index_cast %add3A_329 : i32 to index
        %get3A_331 = arith.constant 0 : index
        %get3A_332 = tpu.vector_load %arg7[%get3A_330, %get3A_331] {strides = array<i32>} : memref<328x128xf32, #tpu.memory_space<vmem>>, vector<1x16xf32>,
        %get3A_333 = vector.shape_cast %get3A_332 : vector<1x16xf32> to vector<16xf32>
        %gt3A_334 = arith.constant 1 : i32
        %gt3A_335 = arith.cmpi sgt, %and3A_68, %gt3A_334 : i32
        %select_n3A_336 = arith.select %gt3A_335, %get3A_333, %broadcast_in_dim3A_6 : vector<16xf32>
        %swap3A_337 = arith.constant 1 : i32
        %swap3A_338 = arith.index_cast %swap3A_337 : i32 to index
        %swap3A_339 = arith.constant 0 : index
        %swap3A_340 = tpu.vector_load %arg10[%swap3A_338, %swap3A_339] {strides = array<i32>} : memref<8x128xf32, #tpu.memory_space<vmem>>, vector<1x16xf32>,
        %swap3A_341 = vector.shape_cast %swap3A_340 : vector<1x16xf32> to vector<16xf32>
        %swap3A_342 = vector.shape_cast %select_n3A_336 : vector<16xf32> to vector<1x16xf32>
        tpu.vector_store %arg10[%swap3A_338, %swap3A_339], %swap3A_342 {strides = array<i32>} : memref<8x128xf32, #tpu.memory_space<vmem>>, vector<1x16xf32>,
        %add3A_343 = arith.constant 1 : i32
        %add3A_344 = arith.addi %multiple_of3A_66, %add3A_343 : i32
        %get3A_345 = arith.index_cast %add3A_344 : i32 to index
        %get3A_346 = arith.constant 16 : index
        %get3A_347 = tpu.vector_load %arg7[%get3A_345, %get3A_346] {strides = array<i32>} : memref<328x128xf32, #tpu.memory_space<vmem>>, vector<1x16xf32>,
        %get3A_348 = vector.shape_cast %get3A_347 : vector<1x16xf32> to vector<16xf32>
        %gt3A_349 = arith.constant 1 : i32
        %gt3A_350 = arith.cmpi sgt, %and3A_68, %gt3A_349 : i32
        %select_n3A_351 = arith.select %gt3A_350, %get3A_348, %broadcast_in_dim3A_6 : vector<16xf32>
        %swap3A_352 = arith.constant 1 : i32
        %swap3A_353 = arith.index_cast %swap3A_352 : i32 to index
        %swap3A_354 = arith.constant 16 : index
        %swap3A_355 = tpu.vector_load %arg10[%swap3A_353, %swap3A_354] {strides = array<i32>} : memref<8x128xf32, #tpu.memory_space<vmem>>, vector<1x16xf32>,
        %swap3A_356 = vector.shape_cast %swap3A_355 : vector<1x16xf32> to vector<16xf32>
        %swap3A_357 = vector.shape_cast %select_n3A_351 : vector<16xf32> to vector<1x16xf32>
        tpu.vector_store %arg10[%swap3A_353, %swap3A_354], %swap3A_357 {strides = array<i32>} : memref<8x128xf32, #tpu.memory_space<vmem>>, vector<1x16xf32>,
        %add3A_358 = arith.constant 1 : i32
        %add3A_359 = arith.addi %multiple_of3A_66, %add3A_358 : i32
        %get3A_360 = arith.index_cast %add3A_359 : i32 to index
        %get3A_361 = arith.constant 32 : index
        %get3A_362 = tpu.vector_load %arg7[%get3A_360, %get3A_361] {strides = array<i32>} : memref<328x128xf32, #tpu.memory_space<vmem>>, vector<1x16xf32>,
        %get3A_363 = vector.shape_cast %get3A_362 : vector<1x16xf32> to vector<16xf32>
        %gt3A_364 = arith.constant 1 : i32
        %gt3A_365 = arith.cmpi sgt, %and3A_68, %gt3A_364 : i32
        %select_n3A_366 = arith.select %gt3A_365, %get3A_363, %broadcast_in_dim3A_6 : vector<16xf32>
        %swap3A_367 = arith.constant 1 : i32
        %swap3A_368 = arith.index_cast %swap3A_367 : i32 to index
        %swap3A_369 = arith.constant 32 : index
        %swap3A_370 = tpu.vector_load %arg10[%swap3A_368, %swap3A_369] {strides = array<i32>} : memref<8x128xf32, #tpu.memory_space<vmem>>, vector<1x16xf32>,
        %swap3A_371 = vector.shape_cast %swap3A_370 : vector<1x16xf32> to vector<16xf32>
        %swap3A_372 = vector.shape_cast %select_n3A_366 : vector<16xf32> to vector<1x16xf32>
        tpu.vector_store %arg10[%swap3A_368, %swap3A_369], %swap3A_372 {strides = array<i32>} : memref<8x128xf32, #tpu.memory_space<vmem>>, vector<1x16xf32>,
        %add3A_373 = arith.constant 1 : i32
        %add3A_374 = arith.addi %multiple_of3A_66, %add3A_373 : i32
        %get3A_375 = arith.index_cast %add3A_374 : i32 to index
        %get3A_376 = arith.constant 48 : index
        %get3A_377 = tpu.vector_load %arg7[%get3A_375, %get3A_376] {strides = array<i32>} : memref<328x128xf32, #tpu.memory_space<vmem>>, vector<1x16xf32>,
        %get3A_378 = vector.shape_cast %get3A_377 : vector<1x16xf32> to vector<16xf32>
        %gt3A_379 = arith.constant 1 : i32
        %gt3A_380 = arith.cmpi sgt, %and3A_68, %gt3A_379 : i32
        %select_n3A_381 = arith.select %gt3A_380, %get3A_378, %broadcast_in_dim3A_6 : vector<16xf32>
        %swap3A_382 = arith.constant 1 : i32
        %swap3A_383 = arith.index_cast %swap3A_382 : i32 to index
        %swap3A_384 = arith.constant 48 : index
        %swap3A_385 = tpu.vector_load %arg10[%swap3A_383, %swap3A_384] {strides = array<i32>} : memref<8x128xf32, #tpu.memory_space<vmem>>, vector<1x16xf32>,
        %swap3A_386 = vector.shape_cast %swap3A_385 : vector<1x16xf32> to vector<16xf32>
        %swap3A_387 = vector.shape_cast %select_n3A_381 : vector<16xf32> to vector<1x16xf32>
        tpu.vector_store %arg10[%swap3A_383, %swap3A_384], %swap3A_387 {strides = array<i32>} : memref<8x128xf32, #tpu.memory_space<vmem>>, vector<1x16xf32>,
        %add3A_388 = arith.constant 1 : i32
        %add3A_389 = arith.addi %multiple_of3A_66, %add3A_388 : i32
        %get3A_390 = arith.index_cast %add3A_389 : i32 to index
        %get3A_391 = arith.constant 64 : index
        %get3A_392 = tpu.vector_load %arg7[%get3A_390, %get3A_391] {strides = array<i32>} : memref<328x128xf32, #tpu.memory_space<vmem>>, vector<1x16xf32>,
        %get3A_393 = vector.shape_cast %get3A_392 : vector<1x16xf32> to vector<16xf32>
        %gt3A_394 = arith.constant 1 : i32
        %gt3A_395 = arith.cmpi sgt, %and3A_68, %gt3A_394 : i32
        %select_n3A_396 = arith.select %gt3A_395, %get3A_393, %broadcast_in_dim3A_6 : vector<16xf32>
        %swap3A_397 = arith.constant 1 : i32
        %swap3A_398 = arith.index_cast %swap3A_397 : i32 to index
        %swap3A_399 = arith.constant 64 : index
        %swap3A_400 = tpu.vector_load %arg10[%swap3A_398, %swap3A_399] {strides = array<i32>} : memref<8x128xf32, #tpu.memory_space<vmem>>, vector<1x16xf32>,
        %swap3A_401 = vector.shape_cast %swap3A_400 : vector<1x16xf32> to vector<16xf32>
        %swap3A_402 = vector.shape_cast %select_n3A_396 : vector<16xf32> to vector<1x16xf32>
        tpu.vector_store %arg10[%swap3A_398, %swap3A_399], %swap3A_402 {strides = array<i32>} : memref<8x128xf32, #tpu.memory_space<vmem>>, vector<1x16xf32>,
        %add3A_403 = arith.constant 1 : i32
        %add3A_404 = arith.addi %multiple_of3A_66, %add3A_403 : i32
        %get3A_405 = arith.index_cast %add3A_404 : i32 to index
        %get3A_406 = arith.constant 80 : index
        %get3A_407 = tpu.vector_load %arg7[%get3A_405, %get3A_406] {strides = array<i32>} : memref<328x128xf32, #tpu.memory_space<vmem>>, vector<1x16xf32>,
        %get3A_408 = vector.shape_cast %get3A_407 : vector<1x16xf32> to vector<16xf32>
        %gt3A_409 = arith.constant 1 : i32
        %gt3A_410 = arith.cmpi sgt, %and3A_68, %gt3A_409 : i32
        %select_n3A_411 = arith.select %gt3A_410, %get3A_408, %broadcast_in_dim3A_6 : vector<16xf32>
        %swap3A_412 = arith.constant 1 : i32
        %swap3A_413 = arith.index_cast %swap3A_412 : i32 to index
        %swap3A_414 = arith.constant 80 : index
        %swap3A_415 = tpu.vector_load %arg10[%swap3A_413, %swap3A_414] {strides = array<i32>} : memref<8x128xf32, #tpu.memory_space<vmem>>, vector<1x16xf32>,
        %swap3A_416 = vector.shape_cast %swap3A_415 : vector<1x16xf32> to vector<16xf32>
        %swap3A_417 = vector.shape_cast %select_n3A_411 : vector<16xf32> to vector<1x16xf32>
        tpu.vector_store %arg10[%swap3A_413, %swap3A_414], %swap3A_417 {strides = array<i32>} : memref<8x128xf32, #tpu.memory_space<vmem>>, vector<1x16xf32>,
        %add3A_418 = arith.constant 1 : i32
        %add3A_419 = arith.addi %multiple_of3A_66, %add3A_418 : i32
        %get3A_420 = arith.index_cast %add3A_419 : i32 to index
        %get3A_421 = arith.constant 96 : index
        %get3A_422 = tpu.vector_load %arg7[%get3A_420, %get3A_421] {strides = array<i32>} : memref<328x128xf32, #tpu.memory_space<vmem>>, vector<1x16xf32>,
        %get3A_423 = vector.shape_cast %get3A_422 : vector<1x16xf32> to vector<16xf32>
        %gt3A_424 = arith.constant 1 : i32
        %gt3A_425 = arith.cmpi sgt, %and3A_68, %gt3A_424 : i32
        %select_n3A_426 = arith.select %gt3A_425, %get3A_423, %broadcast_in_dim3A_6 : vector<16xf32>
        %swap3A_427 = arith.constant 1 : i32
        %swap3A_428 = arith.index_cast %swap3A_427 : i32 to index
        %swap3A_429 = arith.constant 96 : index
        %swap3A_430 = tpu.vector_load %arg10[%swap3A_428, %swap3A_429] {strides = array<i32>} : memref<8x128xf32, #tpu.memory_space<vmem>>, vector<1x16xf32>,
        %swap3A_431 = vector.shape_cast %swap3A_430 : vector<1x16xf32> to vector<16xf32>
        %swap3A_432 = vector.shape_cast %select_n3A_426 : vector<16xf32> to vector<1x16xf32>
        tpu.vector_store %arg10[%swap3A_428, %swap3A_429], %swap3A_432 {strides = array<i32>} : memref<8x128xf32, #tpu.memory_space<vmem>>, vector<1x16xf32>,
        %add3A_433 = arith.constant 1 : i32
        %add3A_434 = arith.addi %multiple_of3A_66, %add3A_433 : i32
        %get3A_435 = arith.index_cast %add3A_434 : i32 to index
        %get3A_436 = arith.constant 112 : index
        %get3A_437 = tpu.vector_load %arg7[%get3A_435, %get3A_436] {strides = array<i32>} : memref<328x128xf32, #tpu.memory_space<vmem>>, vector<1x16xf32>,
        %get3A_438 = vector.shape_cast %get3A_437 : vector<1x16xf32> to vector<16xf32>
        %gt3A_439 = arith.constant 1 : i32
        %gt3A_440 = arith.cmpi sgt, %and3A_68, %gt3A_439 : i32
        %select_n3A_441 = arith.select %gt3A_440, %get3A_438, %broadcast_in_dim3A_6 : vector<16xf32>
        %swap3A_442 = arith.constant 1 : i32
        %swap3A_443 = arith.index_cast %swap3A_442 : i32 to index
        %swap3A_444 = arith.constant 112 : index
        %swap3A_445 = tpu.vector_load %arg10[%swap3A_443, %swap3A_444] {strides = array<i32>} : memref<8x128xf32, #tpu.memory_space<vmem>>, vector<1x16xf32>,
        %swap3A_446 = vector.shape_cast %swap3A_445 : vector<1x16xf32> to vector<16xf32>
        %swap3A_447 = vector.shape_cast %select_n3A_441 : vector<16xf32> to vector<1x16xf32>
        tpu.vector_store %arg10[%swap3A_443, %swap3A_444], %swap3A_447 {strides = array<i32>} : memref<8x128xf32, #tpu.memory_space<vmem>>, vector<1x16xf32>,
        %add3A_448 = arith.constant 2 : i32
        %add3A_449 = arith.addi %multiple_of3A_66, %add3A_448 : i32
        %get3A_450 = arith.index_cast %add3A_449 : i32 to index
        %get3A_451 = arith.constant 0 : index
        %get3A_452 = tpu.vector_load %arg7[%get3A_450, %get3A_451] {strides = array<i32>} : memref<328x128xf32, #tpu.memory_space<vmem>>, vector<1x16xf32>,
        %get3A_453 = vector.shape_cast %get3A_452 : vector<1x16xf32> to vector<16xf32>
        %gt3A_454 = arith.constant 2 : i32
        %gt3A_455 = arith.cmpi sgt, %and3A_68, %gt3A_454 : i32
        %select_n3A_456 = arith.select %gt3A_455, %get3A_453, %broadcast_in_dim3A_6 : vector<16xf32>
        %swap3A_457 = arith.constant 2 : i32
        %swap3A_458 = arith.index_cast %swap3A_457 : i32 to index
        %swap3A_459 = arith.constant 0 : index
        %swap3A_460 = tpu.vector_load %arg10[%swap3A_458, %swap3A_459] {strides = array<i32>} : memref<8x128xf32, #tpu.memory_space<vmem>>, vector<1x16xf32>,
        %swap3A_461 = vector.shape_cast %swap3A_460 : vector<1x16xf32> to vector<16xf32>
        %swap3A_462 = vector.shape_cast %select_n3A_456 : vector<16xf32> to vector<1x16xf32>
        tpu.vector_store %arg10[%swap3A_458, %swap3A_459], %swap3A_462 {strides = array<i32>} : memref<8x128xf32, #tpu.memory_space<vmem>>, vector<1x16xf32>,
        %add3A_463 = arith.constant 2 : i32
        %add3A_464 = arith.addi %multiple_of3A_66, %add3A_463 : i32
        %get3A_465 = arith.index_cast %add3A_464 : i32 to index
        %get3A_466 = arith.constant 16 : index
        %get3A_467 = tpu.vector_load %arg7[%get3A_465, %get3A_466] {strides = array<i32>} : memref<328x128xf32, #tpu.memory_space<vmem>>, vector<1x16xf32>,
        %get3A_468 = vector.shape_cast %get3A_467 : vector<1x16xf32> to vector<16xf32>
        %gt3A_469 = arith.constant 2 : i32
        %gt3A_470 = arith.cmpi sgt, %and3A_68, %gt3A_469 : i32
        %select_n3A_471 = arith.select %gt3A_470, %get3A_468, %broadcast_in_dim3A_6 : vector<16xf32>
        %swap3A_472 = arith.constant 2 : i32
        %swap3A_473 = arith.index_cast %swap3A_472 : i32 to index
        %swap3A_474 = arith.constant 16 : index
        %swap3A_475 = tpu.vector_load %arg10[%swap3A_473, %swap3A_474] {strides = array<i32>} : memref<8x128xf32, #tpu.memory_space<vmem>>, vector<1x16xf32>,
        %swap3A_476 = vector.shape_cast %swap3A_475 : vector<1x16xf32> to vector<16xf32>
        %swap3A_477 = vector.shape_cast %select_n3A_471 : vector<16xf32> to vector<1x16xf32>
        tpu.vector_store %arg10[%swap3A_473, %swap3A_474], %swap3A_477 {strides = array<i32>} : memref<8x128xf32, #tpu.memory_space<vmem>>, vector<1x16xf32>,
        %add3A_478 = arith.constant 2 : i32
        %add3A_479 = arith.addi %multiple_of3A_66, %add3A_478 : i32
        %get3A_480 = arith.index_cast %add3A_479 : i32 to index
        %get3A_481 = arith.constant 32 : index
        %get3A_482 = tpu.vector_load %arg7[%get3A_480, %get3A_481] {strides = array<i32>} : memref<328x128xf32, #tpu.memory_space<vmem>>, vector<1x16xf32>,
        %get3A_483 = vector.shape_cast %get3A_482 : vector<1x16xf32> to vector<16xf32>
        %gt3A_484 = arith.constant 2 : i32
        %gt3A_485 = arith.cmpi sgt, %and3A_68, %gt3A_484 : i32
        %select_n3A_486 = arith.select %gt3A_485, %get3A_483, %broadcast_in_dim3A_6 : vector<16xf32>
        %swap3A_487 = arith.constant 2 : i32
        %swap3A_488 = arith.index_cast %swap3A_487 : i32 to index
        %swap3A_489 = arith.constant 32 : index
        %swap3A_490 = tpu.vector_load %arg10[%swap3A_488, %swap3A_489] {strides = array<i32>} : memref<8x128xf32, #tpu.memory_space<vmem>>, vector<1x16xf32>,
        %swap3A_491 = vector.shape_cast %swap3A_490 : vector<1x16xf32> to vector<16xf32>
        %swap3A_492 = vector.shape_cast %select_n3A_486 : vector<16xf32> to vector<1x16xf32>
        tpu.vector_store %arg10[%swap3A_488, %swap3A_489], %swap3A_492 {strides = array<i32>} : memref<8x128xf32, #tpu.memory_space<vmem>>, vector<1x16xf32>,
        %add3A_493 = arith.constant 2 : i32
        %add3A_494 = arith.addi %multiple_of3A_66, %add3A_493 : i32
        %get3A_495 = arith.index_cast %add3A_494 : i32 to index
        %get3A_496 = arith.constant 48 : index
        %get3A_497 = tpu.vector_load %arg7[%get3A_495, %get3A_496] {strides = array<i32>} : memref<328x128xf32, #tpu.memory_space<vmem>>, vector<1x16xf32>,
        %get3A_498 = vector.shape_cast %get3A_497 : vector<1x16xf32> to vector<16xf32>
        %gt3A_499 = arith.constant 2 : i32
        %gt3A_500 = arith.cmpi sgt, %and3A_68, %gt3A_499 : i32
        %select_n3A_501 = arith.select %gt3A_500, %get3A_498, %broadcast_in_dim3A_6 : vector<16xf32>
        %swap3A_502 = arith.constant 2 : i32
        %swap3A_503 = arith.index_cast %swap3A_502 : i32 to index
        %swap3A_504 = arith.constant 48 : index
        %swap3A_505 = tpu.vector_load %arg10[%swap3A_503, %swap3A_504] {strides = array<i32>} : memref<8x128xf32, #tpu.memory_space<vmem>>, vector<1x16xf32>,
        %swap3A_506 = vector.shape_cast %swap3A_505 : vector<1x16xf32> to vector<16xf32>
        %swap3A_507 = vector.shape_cast %select_n3A_501 : vector<16xf32> to vector<1x16xf32>
        tpu.vector_store %arg10[%swap3A_503, %swap3A_504], %swap3A_507 {strides = array<i32>} : memref<8x128xf32, #tpu.memory_space<vmem>>, vector<1x16xf32>,
        %add3A_508 = arith.constant 2 : i32
        %add3A_509 = arith.addi %multiple_of3A_66, %add3A_508 : i32
        %get3A_510 = arith.index_cast %add3A_509 : i32 to index
        %get3A_511 = arith.constant 64 : index
        %get3A_512 = tpu.vector_load %arg7[%get3A_510, %get3A_511] {strides = array<i32>} : memref<328x128xf32, #tpu.memory_space<vmem>>, vector<1x16xf32>,
        %get3A_513 = vector.shape_cast %get3A_512 : vector<1x16xf32> to vector<16xf32>
        %gt3A_514 = arith.constant 2 : i32
        %gt3A_515 = arith.cmpi sgt, %and3A_68, %gt3A_514 : i32
        %select_n3A_516 = arith.select %gt3A_515, %get3A_513, %broadcast_in_dim3A_6 : vector<16xf32>
        %swap3A_517 = arith.constant 2 : i32
        %swap3A_518 = arith.index_cast %swap3A_517 : i32 to index
        %swap3A_519 = arith.constant 64 : index
        %swap3A_520 = tpu.vector_load %arg10[%swap3A_518, %swap3A_519] {strides = array<i32>} : memref<8x128xf32, #tpu.memory_space<vmem>>, vector<1x16xf32>,
        %swap3A_521 = vector.shape_cast %swap3A_520 : vector<1x16xf32> to vector<16xf32>
        %swap3A_522 = vector.shape_cast %select_n3A_516 : vector<16xf32> to vector<1x16xf32>
        tpu.vector_store %arg10[%swap3A_518, %swap3A_519], %swap3A_522 {strides = array<i32>} : memref<8x128xf32, #tpu.memory_space<vmem>>, vector<1x16xf32>,
        %add3A_523 = arith.constant 2 : i32
        %add3A_524 = arith.addi %multiple_of3A_66, %add3A_523 : i32
        %get3A_525 = arith.index_cast %add3A_524 : i32 to index
        %get3A_526 = arith.constant 80 : index
        %get3A_527 = tpu.vector_load %arg7[%get3A_525, %get3A_526] {strides = array<i32>} : memref<328x128xf32, #tpu.memory_space<vmem>>, vector<1x16xf32>,
        %get3A_528 = vector.shape_cast %get3A_527 : vector<1x16xf32> to vector<16xf32>
        %gt3A_529 = arith.constant 2 : i32
        %gt3A_530 = arith.cmpi sgt, %and3A_68, %gt3A_529 : i32
        %select_n3A_531 = arith.select %gt3A_530, %get3A_528, %broadcast_in_dim3A_6 : vector<16xf32>
        %swap3A_532 = arith.constant 2 : i32
        %swap3A_533 = arith.index_cast %swap3A_532 : i32 to index
        %swap3A_534 = arith.constant 80 : index
        %swap3A_535 = tpu.vector_load %arg10[%swap3A_533, %swap3A_534] {strides = array<i32>} : memref<8x128xf32, #tpu.memory_space<vmem>>, vector<1x16xf32>,
        %swap3A_536 = vector.shape_cast %swap3A_535 : vector<1x16xf32> to vector<16xf32>
        %swap3A_537 = vector.shape_cast %select_n3A_531 : vector<16xf32> to vector<1x16xf32>
        tpu.vector_store %arg10[%swap3A_533, %swap3A_534], %swap3A_537 {strides = array<i32>} : memref<8x128xf32, #tpu.memory_space<vmem>>, vector<1x16xf32>,
        %add3A_538 = arith.constant 2 : i32
        %add3A_539 = arith.addi %multiple_of3A_66, %add3A_538 : i32
        %get3A_540 = arith.index_cast %add3A_539 : i32 to index
        %get3A_541 = arith.constant 96 : index
        %get3A_542 = tpu.vector_load %arg7[%get3A_540, %get3A_541] {strides = array<i32>} : memref<328x128xf32, #tpu.memory_space<vmem>>, vector<1x16xf32>,
        %get3A_543 = vector.shape_cast %get3A_542 : vector<1x16xf32> to vector<16xf32>
        %gt3A_544 = arith.constant 2 : i32
        %gt3A_545 = arith.cmpi sgt, %and3A_68, %gt3A_544 : i32
        %select_n3A_546 = arith.select %gt3A_545, %get3A_543, %broadcast_in_dim3A_6 : vector<16xf32>
        %swap3A_547 = arith.constant 2 : i32
        %swap3A_548 = arith.index_cast %swap3A_547 : i32 to index
        %swap3A_549 = arith.constant 96 : index
        %swap3A_550 = tpu.vector_load %arg10[%swap3A_548, %swap3A_549] {strides = array<i32>} : memref<8x128xf32, #tpu.memory_space<vmem>>, vector<1x16xf32>,
        %swap3A_551 = vector.shape_cast %swap3A_550 : vector<1x16xf32> to vector<16xf32>
        %swap3A_552 = vector.shape_cast %select_n3A_546 : vector<16xf32> to vector<1x16xf32>
        tpu.vector_store %arg10[%swap3A_548, %swap3A_549], %swap3A_552 {strides = array<i32>} : memref<8x128xf32, #tpu.memory_space<vmem>>, vector<1x16xf32>,
        %add3A_553 = arith.constant 2 : i32
        %add3A_554 = arith.addi %multiple_of3A_66, %add3A_553 : i32
        %get3A_555 = arith.index_cast %add3A_554 : i32 to index
        %get3A_556 = arith.constant 112 : index
        %get3A_557 = tpu.vector_load %arg7[%get3A_555, %get3A_556] {strides = array<i32>} : memref<328x128xf32, #tpu.memory_space<vmem>>, vector<1x16xf32>,
        %get3A_558 = vector.shape_cast %get3A_557 : vector<1x16xf32> to vector<16xf32>
        %gt3A_559 = arith.constant 2 : i32
        %gt3A_560 = arith.cmpi sgt, %and3A_68, %gt3A_559 : i32
        %select_n3A_561 = arith.select %gt3A_560, %get3A_558, %broadcast_in_dim3A_6 : vector<16xf32>
        %swap3A_562 = arith.constant 2 : i32
        %swap3A_563 = arith.index_cast %swap3A_562 : i32 to index
        %swap3A_564 = arith.constant 112 : index
        %swap3A_565 = tpu.vector_load %arg10[%swap3A_563, %swap3A_564] {strides = array<i32>} : memref<8x128xf32, #tpu.memory_space<vmem>>, vector<1x16xf32>,
        %swap3A_566 = vector.shape_cast %swap3A_565 : vector<1x16xf32> to vector<16xf32>
        %swap3A_567 = vector.shape_cast %select_n3A_561 : vector<16xf32> to vector<1x16xf32>
        tpu.vector_store %arg10[%swap3A_563, %swap3A_564], %swap3A_567 {strides = array<i32>} : memref<8x128xf32, #tpu.memory_space<vmem>>, vector<1x16xf32>,
        %add3A_568 = arith.constant 3 : i32
        %add3A_569 = arith.addi %multiple_of3A_66, %add3A_568 : i32
        %get3A_570 = arith.index_cast %add3A_569 : i32 to index
        %get3A_571 = arith.constant 0 : index
        %get3A_572 = tpu.vector_load %arg7[%get3A_570, %get3A_571] {strides = array<i32>} : memref<328x128xf32, #tpu.memory_space<vmem>>, vector<1x16xf32>,
        %get3A_573 = vector.shape_cast %get3A_572 : vector<1x16xf32> to vector<16xf32>
        %gt3A_574 = arith.constant 3 : i32
        %gt3A_575 = arith.cmpi sgt, %and3A_68, %gt3A_574 : i32
        %select_n3A_576 = arith.select %gt3A_575, %get3A_573, %broadcast_in_dim3A_6 : vector<16xf32>
        %swap3A_577 = arith.constant 3 : i32
        %swap3A_578 = arith.index_cast %swap3A_577 : i32 to index
        %swap3A_579 = arith.constant 0 : index
        %swap3A_580 = tpu.vector_load %arg10[%swap3A_578, %swap3A_579] {strides = array<i32>} : memref<8x128xf32, #tpu.memory_space<vmem>>, vector<1x16xf32>,
        %swap3A_581 = vector.shape_cast %swap3A_580 : vector<1x16xf32> to vector<16xf32>
        %swap3A_582 = vector.shape_cast %select_n3A_576 : vector<16xf32> to vector<1x16xf32>
        tpu.vector_store %arg10[%swap3A_578, %swap3A_579], %swap3A_582 {strides = array<i32>} : memref<8x128xf32, #tpu.memory_space<vmem>>, vector<1x16xf32>,
        %add3A_583 = arith.constant 3 : i32
        %add3A_584 = arith.addi %multiple_of3A_66, %add3A_583 : i32
        %get3A_585 = arith.index_cast %add3A_584 : i32 to index
        %get3A_586 = arith.constant 16 : index
        %get3A_587 = tpu.vector_load %arg7[%get3A_585, %get3A_586] {strides = array<i32>} : memref<328x128xf32, #tpu.memory_space<vmem>>, vector<1x16xf32>,
        %get3A_588 = vector.shape_cast %get3A_587 : vector<1x16xf32> to vector<16xf32>
        %gt3A_589 = arith.constant 3 : i32
        %gt3A_590 = arith.cmpi sgt, %and3A_68, %gt3A_589 : i32
        %select_n3A_591 = arith.select %gt3A_590, %get3A_588, %broadcast_in_dim3A_6 : vector<16xf32>
        %swap3A_592 = arith.constant 3 : i32
        %swap3A_593 = arith.index_cast %swap3A_592 : i32 to index
        %swap3A_594 = arith.constant 16 : index
        %swap3A_595 = tpu.vector_load %arg10[%swap3A_593, %swap3A_594] {strides = array<i32>} : memref<8x128xf32, #tpu.memory_space<vmem>>, vector<1x16xf32>,
        %swap3A_596 = vector.shape_cast %swap3A_595 : vector<1x16xf32> to vector<16xf32>
        %swap3A_597 = vector.shape_cast %select_n3A_591 : vector<16xf32> to vector<1x16xf32>
        tpu.vector_store %arg10[%swap3A_593, %swap3A_594], %swap3A_597 {strides = array<i32>} : memref<8x128xf32, #tpu.memory_space<vmem>>, vector<1x16xf32>,
        %add3A_598 = arith.constant 3 : i32
        %add3A_599 = arith.addi %multiple_of3A_66, %add3A_598 : i32
        %get3A_600 = arith.index_cast %add3A_599 : i32 to index
        %get3A_601 = arith.constant 32 : index
        %get3A_602 = tpu.vector_load %arg7[%get3A_600, %get3A_601] {strides = array<i32>} : memref<328x128xf32, #tpu.memory_space<vmem>>, vector<1x16xf32>,
        %get3A_603 = vector.shape_cast %get3A_602 : vector<1x16xf32> to vector<16xf32>
        %gt3A_604 = arith.constant 3 : i32
        %gt3A_605 = arith.cmpi sgt, %and3A_68, %gt3A_604 : i32
        %select_n3A_606 = arith.select %gt3A_605, %get3A_603, %broadcast_in_dim3A_6 : vector<16xf32>
        %swap3A_607 = arith.constant 3 : i32
        %swap3A_608 = arith.index_cast %swap3A_607 : i32 to index
        %swap3A_609 = arith.constant 32 : index
        %swap3A_610 = tpu.vector_load %arg10[%swap3A_608, %swap3A_609] {strides = array<i32>} : memref<8x128xf32, #tpu.memory_space<vmem>>, vector<1x16xf32>,
        %swap3A_611 = vector.shape_cast %swap3A_610 : vector<1x16xf32> to vector<16xf32>
        %swap3A_612 = vector.shape_cast %select_n3A_606 : vector<16xf32> to vector<1x16xf32>
        tpu.vector_store %arg10[%swap3A_608, %swap3A_609], %swap3A_612 {strides = array<i32>} : memref<8x128xf32, #tpu.memory_space<vmem>>, vector<1x16xf32>,
        %add3A_613 = arith.constant 3 : i32
        %add3A_614 = arith.addi %multiple_of3A_66, %add3A_613 : i32
        %get3A_615 = arith.index_cast %add3A_614 : i32 to index
        %get3A_616 = arith.constant 48 : index
        %get3A_617 = tpu.vector_load %arg7[%get3A_615, %get3A_616] {strides = array<i32>} : memref<328x128xf32, #tpu.memory_space<vmem>>, vector<1x16xf32>,
        %get3A_618 = vector.shape_cast %get3A_617 : vector<1x16xf32> to vector<16xf32>
        %gt3A_619 = arith.constant 3 : i32
        %gt3A_620 = arith.cmpi sgt, %and3A_68, %gt3A_619 : i32
        %select_n3A_621 = arith.select %gt3A_620, %get3A_618, %broadcast_in_dim3A_6 : vector<16xf32>
        %swap3A_622 = arith.constant 3 : i32
        %swap3A_623 = arith.index_cast %swap3A_622 : i32 to index
        %swap3A_624 = arith.constant 48 : index
        %swap3A_625 = tpu.vector_load %arg10[%swap3A_623, %swap3A_624] {strides = array<i32>} : memref<8x128xf32, #tpu.memory_space<vmem>>, vector<1x16xf32>,
        %swap3A_626 = vector.shape_cast %swap3A_625 : vector<1x16xf32> to vector<16xf32>
        %swap3A_627 = vector.shape_cast %select_n3A_621 : vector<16xf32> to vector<1x16xf32>
        tpu.vector_store %arg10[%swap3A_623, %swap3A_624], %swap3A_627 {strides = array<i32>} : memref<8x128xf32, #tpu.memory_space<vmem>>, vector<1x16xf32>,
        %add3A_628 = arith.constant 3 : i32
        %add3A_629 = arith.addi %multiple_of3A_66, %add3A_628 : i32
        %get3A_630 = arith.index_cast %add3A_629 : i32 to index
        %get3A_631 = arith.constant 64 : index
        %get3A_632 = tpu.vector_load %arg7[%get3A_630, %get3A_631] {strides = array<i32>} : memref<328x128xf32, #tpu.memory_space<vmem>>, vector<1x16xf32>,
        %get3A_633 = vector.shape_cast %get3A_632 : vector<1x16xf32> to vector<16xf32>
        %gt3A_634 = arith.constant 3 : i32
        %gt3A_635 = arith.cmpi sgt, %and3A_68, %gt3A_634 : i32
        %select_n3A_636 = arith.select %gt3A_635, %get3A_633, %broadcast_in_dim3A_6 : vector<16xf32>
        %swap3A_637 = arith.constant 3 : i32
        %swap3A_638 = arith.index_cast %swap3A_637 : i32 to index
        %swap3A_639 = arith.constant 64 : index
        %swap3A_640 = tpu.vector_load %arg10[%swap3A_638, %swap3A_639] {strides = array<i32>} : memref<8x128xf32, #tpu.memory_space<vmem>>, vector<1x16xf32>,
        %swap3A_641 = vector.shape_cast %swap3A_640 : vector<1x16xf32> to vector<16xf32>
        %swap3A_642 = vector.shape_cast %select_n3A_636 : vector<16xf32> to vector<1x16xf32>
        tpu.vector_store %arg10[%swap3A_638, %swap3A_639], %swap3A_642 {strides = array<i32>} : memref<8x128xf32, #tpu.memory_space<vmem>>, vector<1x16xf32>,
        %add3A_643 = arith.constant 3 : i32
        %add3A_644 = arith.addi %multiple_of3A_66, %add3A_643 : i32
        %get3A_645 = arith.index_cast %add3A_644 : i32 to index
        %get3A_646 = arith.constant 80 : index
        %get3A_647 = tpu.vector_load %arg7[%get3A_645, %get3A_646] {strides = array<i32>} : memref<328x128xf32, #tpu.memory_space<vmem>>, vector<1x16xf32>,
        %get3A_648 = vector.shape_cast %get3A_647 : vector<1x16xf32> to vector<16xf32>
        %gt3A_649 = arith.constant 3 : i32
        %gt3A_650 = arith.cmpi sgt, %and3A_68, %gt3A_649 : i32
        %select_n3A_651 = arith.select %gt3A_650, %get3A_648, %broadcast_in_dim3A_6 : vector<16xf32>
        %swap3A_652 = arith.constant 3 : i32
        %swap3A_653 = arith.index_cast %swap3A_652 : i32 to index
        %swap3A_654 = arith.constant 80 : index
        %swap3A_655 = tpu.vector_load %arg10[%swap3A_653, %swap3A_654] {strides = array<i32>} : memref<8x128xf32, #tpu.memory_space<vmem>>, vector<1x16xf32>,
        %swap3A_656 = vector.shape_cast %swap3A_655 : vector<1x16xf32> to vector<16xf32>
        %swap3A_657 = vector.shape_cast %select_n3A_651 : vector<16xf32> to vector<1x16xf32>
        tpu.vector_store %arg10[%swap3A_653, %swap3A_654], %swap3A_657 {strides = array<i32>} : memref<8x128xf32, #tpu.memory_space<vmem>>, vector<1x16xf32>,
        %add3A_658 = arith.constant 3 : i32
        %add3A_659 = arith.addi %multiple_of3A_66, %add3A_658 : i32
        %get3A_660 = arith.index_cast %add3A_659 : i32 to index
        %get3A_661 = arith.constant 96 : index
        %get3A_662 = tpu.vector_load %arg7[%get3A_660, %get3A_661] {strides = array<i32>} : memref<328x128xf32, #tpu.memory_space<vmem>>, vector<1x16xf32>,
        %get3A_663 = vector.shape_cast %get3A_662 : vector<1x16xf32> to vector<16xf32>
        %gt3A_664 = arith.constant 3 : i32
        %gt3A_665 = arith.cmpi sgt, %and3A_68, %gt3A_664 : i32
        %select_n3A_666 = arith.select %gt3A_665, %get3A_663, %broadcast_in_dim3A_6 : vector<16xf32>
        %swap3A_667 = arith.constant 3 : i32
        %swap3A_668 = arith.index_cast %swap3A_667 : i32 to index
        %swap3A_669 = arith.constant 96 : index
        %swap3A_670 = tpu.vector_load %arg10[%swap3A_668, %swap3A_669] {strides = array<i32>} : memref<8x128xf32, #tpu.memory_space<vmem>>, vector<1x16xf32>,
        %swap3A_671 = vector.shape_cast %swap3A_670 : vector<1x16xf32> to vector<16xf32>
        %swap3A_672 = vector.shape_cast %select_n3A_666 : vector<16xf32> to vector<1x16xf32>
        tpu.vector_store %arg10[%swap3A_668, %swap3A_669], %swap3A_672 {strides = array<i32>} : memref<8x128xf32, #tpu.memory_space<vmem>>, vector<1x16xf32>,
        %add3A_673 = arith.constant 3 : i32
        %add3A_674 = arith.addi %multiple_of3A_66, %add3A_673 : i32
        %get3A_675 = arith.index_cast %add3A_674 : i32 to index
        %get3A_676 = arith.constant 112 : index
        %get3A_677 = tpu.vector_load %arg7[%get3A_675, %get3A_676] {strides = array<i32>} : memref<328x128xf32, #tpu.memory_space<vmem>>, vector<1x16xf32>,
        %get3A_678 = vector.shape_cast %get3A_677 : vector<1x16xf32> to vector<16xf32>
        %gt3A_679 = arith.constant 3 : i32
        %gt3A_680 = arith.cmpi sgt, %and3A_68, %gt3A_679 : i32
        %select_n3A_681 = arith.select %gt3A_680, %get3A_678, %broadcast_in_dim3A_6 : vector<16xf32>
        %swap3A_682 = arith.constant 3 : i32
        %swap3A_683 = arith.index_cast %swap3A_682 : i32 to index
        %swap3A_684 = arith.constant 112 : index
        %swap3A_685 = tpu.vector_load %arg10[%swap3A_683, %swap3A_684] {strides = array<i32>} : memref<8x128xf32, #tpu.memory_space<vmem>>, vector<1x16xf32>,
        %swap3A_686 = vector.shape_cast %swap3A_685 : vector<1x16xf32> to vector<16xf32>
        %swap3A_687 = vector.shape_cast %select_n3A_681 : vector<16xf32> to vector<1x16xf32>
        tpu.vector_store %arg10[%swap3A_683, %swap3A_684], %swap3A_687 {strides = array<i32>} : memref<8x128xf32, #tpu.memory_space<vmem>>, vector<1x16xf32>,
        %add3A_688 = arith.constant 4 : i32
        %add3A_689 = arith.addi %multiple_of3A_66, %add3A_688 : i32
        %get3A_690 = arith.index_cast %add3A_689 : i32 to index
        %get3A_691 = arith.constant 0 : index
        %get3A_692 = tpu.vector_load %arg7[%get3A_690, %get3A_691] {strides = array<i32>} : memref<328x128xf32, #tpu.memory_space<vmem>>, vector<1x16xf32>,
        %get3A_693 = vector.shape_cast %get3A_692 : vector<1x16xf32> to vector<16xf32>
        %gt3A_694 = arith.constant 4 : i32
        %gt3A_695 = arith.cmpi sgt, %and3A_68, %gt3A_694 : i32
        %select_n3A_696 = arith.select %gt3A_695, %get3A_693, %broadcast_in_dim3A_6 : vector<16xf32>
        %swap3A_697 = arith.constant 4 : i32
        %swap3A_698 = arith.index_cast %swap3A_697 : i32 to index
        %swap3A_699 = arith.constant 0 : index
        %swap3A_700 = tpu.vector_load %arg10[%swap3A_698, %swap3A_699] {strides = array<i32>} : memref<8x128xf32, #tpu.memory_space<vmem>>, vector<1x16xf32>,
        %swap3A_701 = vector.shape_cast %swap3A_700 : vector<1x16xf32> to vector<16xf32>
        %swap3A_702 = vector.shape_cast %select_n3A_696 : vector<16xf32> to vector<1x16xf32>
        tpu.vector_store %arg10[%swap3A_698, %swap3A_699], %swap3A_702 {strides = array<i32>} : memref<8x128xf32, #tpu.memory_space<vmem>>, vector<1x16xf32>,
        %add3A_703 = arith.constant 4 : i32
        %add3A_704 = arith.addi %multiple_of3A_66, %add3A_703 : i32
        %get3A_705 = arith.index_cast %add3A_704 : i32 to index
        %get3A_706 = arith.constant 16 : index
        %get3A_707 = tpu.vector_load %arg7[%get3A_705, %get3A_706] {strides = array<i32>} : memref<328x128xf32, #tpu.memory_space<vmem>>, vector<1x16xf32>,
        %get3A_708 = vector.shape_cast %get3A_707 : vector<1x16xf32> to vector<16xf32>
        %gt3A_709 = arith.constant 4 : i32
        %gt3A_710 = arith.cmpi sgt, %and3A_68, %gt3A_709 : i32
        %select_n3A_711 = arith.select %gt3A_710, %get3A_708, %broadcast_in_dim3A_6 : vector<16xf32>
        %swap3A_712 = arith.constant 4 : i32
        %swap3A_713 = arith.index_cast %swap3A_712 : i32 to index
        %swap3A_714 = arith.constant 16 : index
        %swap3A_715 = tpu.vector_load %arg10[%swap3A_713, %swap3A_714] {strides = array<i32>} : memref<8x128xf32, #tpu.memory_space<vmem>>, vector<1x16xf32>,
        %swap3A_716 = vector.shape_cast %swap3A_715 : vector<1x16xf32> to vector<16xf32>
        %swap3A_717 = vector.shape_cast %select_n3A_711 : vector<16xf32> to vector<1x16xf32>
        tpu.vector_store %arg10[%swap3A_713, %swap3A_714], %swap3A_717 {strides = array<i32>} : memref<8x128xf32, #tpu.memory_space<vmem>>, vector<1x16xf32>,
        %add3A_718 = arith.constant 4 : i32
        %add3A_719 = arith.addi %multiple_of3A_66, %add3A_718 : i32
        %get3A_720 = arith.index_cast %add3A_719 : i32 to index
        %get3A_721 = arith.constant 32 : index
        %get3A_722 = tpu.vector_load %arg7[%get3A_720, %get3A_721] {strides = array<i32>} : memref<328x128xf32, #tpu.memory_space<vmem>>, vector<1x16xf32>,
        %get3A_723 = vector.shape_cast %get3A_722 : vector<1x16xf32> to vector<16xf32>
        %gt3A_724 = arith.constant 4 : i32
        %gt3A_725 = arith.cmpi sgt, %and3A_68, %gt3A_724 : i32
        %select_n3A_726 = arith.select %gt3A_725, %get3A_723, %broadcast_in_dim3A_6 : vector<16xf32>
        %swap3A_727 = arith.constant 4 : i32
        %swap3A_728 = arith.index_cast %swap3A_727 : i32 to index
        %swap3A_729 = arith.constant 32 : index
        %swap3A_730 = tpu.vector_load %arg10[%swap3A_728, %swap3A_729] {strides = array<i32>} : memref<8x128xf32, #tpu.memory_space<vmem>>, vector<1x16xf32>,
        %swap3A_731 = vector.shape_cast %swap3A_730 : vector<1x16xf32> to vector<16xf32>
        %swap3A_732 = vector.shape_cast %select_n3A_726 : vector<16xf32> to vector<1x16xf32>
        tpu.vector_store %arg10[%swap3A_728, %swap3A_729], %swap3A_732 {strides = array<i32>} : memref<8x128xf32, #tpu.memory_space<vmem>>, vector<1x16xf32>,
        %add3A_733 = arith.constant 4 : i32
        %add3A_734 = arith.addi %multiple_of3A_66, %add3A_733 : i32
        %get3A_735 = arith.index_cast %add3A_734 : i32 to index
        %get3A_736 = arith.constant 48 : index
        %get3A_737 = tpu.vector_load %arg7[%get3A_735, %get3A_736] {strides = array<i32>} : memref<328x128xf32, #tpu.memory_space<vmem>>, vector<1x16xf32>,
        %get3A_738 = vector.shape_cast %get3A_737 : vector<1x16xf32> to vector<16xf32>
        %gt3A_739 = arith.constant 4 : i32
        %gt3A_740 = arith.cmpi sgt, %and3A_68, %gt3A_739 : i32
        %select_n3A_741 = arith.select %gt3A_740, %get3A_738, %broadcast_in_dim3A_6 : vector<16xf32>
        %swap3A_742 = arith.constant 4 : i32
        %swap3A_743 = arith.index_cast %swap3A_742 : i32 to index
        %swap3A_744 = arith.constant 48 : index
        %swap3A_745 = tpu.vector_load %arg10[%swap3A_743, %swap3A_744] {strides = array<i32>} : memref<8x128xf32, #tpu.memory_space<vmem>>, vector<1x16xf32>,
        %swap3A_746 = vector.shape_cast %swap3A_745 : vector<1x16xf32> to vector<16xf32>
        %swap3A_747 = vector.shape_cast %select_n3A_741 : vector<16xf32> to vector<1x16xf32>
        tpu.vector_store %arg10[%swap3A_743, %swap3A_744], %swap3A_747 {strides = array<i32>} : memref<8x128xf32, #tpu.memory_space<vmem>>, vector<1x16xf32>,
        %add3A_748 = arith.constant 4 : i32
        %add3A_749 = arith.addi %multiple_of3A_66, %add3A_748 : i32
        %get3A_750 = arith.index_cast %add3A_749 : i32 to index
        %get3A_751 = arith.constant 64 : index
        %get3A_752 = tpu.vector_load %arg7[%get3A_750, %get3A_751] {strides = array<i32>} : memref<328x128xf32, #tpu.memory_space<vmem>>, vector<1x16xf32>,
        %get3A_753 = vector.shape_cast %get3A_752 : vector<1x16xf32> to vector<16xf32>
        %gt3A_754 = arith.constant 4 : i32
        %gt3A_755 = arith.cmpi sgt, %and3A_68, %gt3A_754 : i32
        %select_n3A_756 = arith.select %gt3A_755, %get3A_753, %broadcast_in_dim3A_6 : vector<16xf32>
        %swap3A_757 = arith.constant 4 : i32
        %swap3A_758 = arith.index_cast %swap3A_757 : i32 to index
        %swap3A_759 = arith.constant 64 : index
        %swap3A_760 = tpu.vector_load %arg10[%swap3A_758, %swap3A_759] {strides = array<i32>} : memref<8x128xf32, #tpu.memory_space<vmem>>, vector<1x16xf32>,
        %swap3A_761 = vector.shape_cast %swap3A_760 : vector<1x16xf32> to vector<16xf32>
        %swap3A_762 = vector.shape_cast %select_n3A_756 : vector<16xf32> to vector<1x16xf32>
        tpu.vector_store %arg10[%swap3A_758, %swap3A_759], %swap3A_762 {strides = array<i32>} : memref<8x128xf32, #tpu.memory_space<vmem>>, vector<1x16xf32>,
        %add3A_763 = arith.constant 4 : i32
        %add3A_764 = arith.addi %multiple_of3A_66, %add3A_763 : i32
        %get3A_765 = arith.index_cast %add3A_764 : i32 to index
        %get3A_766 = arith.constant 80 : index
        %get3A_767 = tpu.vector_load %arg7[%get3A_765, %get3A_766] {strides = array<i32>} : memref<328x128xf32, #tpu.memory_space<vmem>>, vector<1x16xf32>,
        %get3A_768 = vector.shape_cast %get3A_767 : vector<1x16xf32> to vector<16xf32>
        %gt3A_769 = arith.constant 4 : i32
        %gt3A_770 = arith.cmpi sgt, %and3A_68, %gt3A_769 : i32
        %select_n3A_771 = arith.select %gt3A_770, %get3A_768, %broadcast_in_dim3A_6 : vector<16xf32>
        %swap3A_772 = arith.constant 4 : i32
        %swap3A_773 = arith.index_cast %swap3A_772 : i32 to index
        %swap3A_774 = arith.constant 80 : index
        %swap3A_775 = tpu.vector_load %arg10[%swap3A_773, %swap3A_774] {strides = array<i32>} : memref<8x128xf32, #tpu.memory_space<vmem>>, vector<1x16xf32>,
        %swap3A_776 = vector.shape_cast %swap3A_775 : vector<1x16xf32> to vector<16xf32>
        %swap3A_777 = vector.shape_cast %select_n3A_771 : vector<16xf32> to vector<1x16xf32>
        tpu.vector_store %arg10[%swap3A_773, %swap3A_774], %swap3A_777 {strides = array<i32>} : memref<8x128xf32, #tpu.memory_space<vmem>>, vector<1x16xf32>,
        %add3A_778 = arith.constant 4 : i32
        %add3A_779 = arith.addi %multiple_of3A_66, %add3A_778 : i32
        %get3A_780 = arith.index_cast %add3A_779 : i32 to index
        %get3A_781 = arith.constant 96 : index
        %get3A_782 = tpu.vector_load %arg7[%get3A_780, %get3A_781] {strides = array<i32>} : memref<328x128xf32, #tpu.memory_space<vmem>>, vector<1x16xf32>,
        %get3A_783 = vector.shape_cast %get3A_782 : vector<1x16xf32> to vector<16xf32>
        %gt3A_784 = arith.constant 4 : i32
        %gt3A_785 = arith.cmpi sgt, %and3A_68, %gt3A_784 : i32
        %select_n3A_786 = arith.select %gt3A_785, %get3A_783, %broadcast_in_dim3A_6 : vector<16xf32>
        %swap3A_787 = arith.constant 4 : i32
        %swap3A_788 = arith.index_cast %swap3A_787 : i32 to index
        %swap3A_789 = arith.constant 96 : index
        %swap3A_790 = tpu.vector_load %arg10[%swap3A_788, %swap3A_789] {strides = array<i32>} : memref<8x128xf32, #tpu.memory_space<vmem>>, vector<1x16xf32>,
        %swap3A_791 = vector.shape_cast %swap3A_790 : vector<1x16xf32> to vector<16xf32>
        %swap3A_792 = vector.shape_cast %select_n3A_786 : vector<16xf32> to vector<1x16xf32>
        tpu.vector_store %arg10[%swap3A_788, %swap3A_789], %swap3A_792 {strides = array<i32>} : memref<8x128xf32, #tpu.memory_space<vmem>>, vector<1x16xf32>,
        %add3A_793 = arith.constant 4 : i32
        %add3A_794 = arith.addi %multiple_of3A_66, %add3A_793 : i32
        %get3A_795 = arith.index_cast %add3A_794 : i32 to index
        %get3A_796 = arith.constant 112 : index
        %get3A_797 = tpu.vector_load %arg7[%get3A_795, %get3A_796] {strides = array<i32>} : memref<328x128xf32, #tpu.memory_space<vmem>>, vector<1x16xf32>,
        %get3A_798 = vector.shape_cast %get3A_797 : vector<1x16xf32> to vector<16xf32>
        %gt3A_799 = arith.constant 4 : i32
        %gt3A_800 = arith.cmpi sgt, %and3A_68, %gt3A_799 : i32
        %select_n3A_801 = arith.select %gt3A_800, %get3A_798, %broadcast_in_dim3A_6 : vector<16xf32>
        %swap3A_802 = arith.constant 4 : i32
        %swap3A_803 = arith.index_cast %swap3A_802 : i32 to index
        %swap3A_804 = arith.constant 112 : index
        %swap3A_805 = tpu.vector_load %arg10[%swap3A_803, %swap3A_804] {strides = array<i32>} : memref<8x128xf32, #tpu.memory_space<vmem>>, vector<1x16xf32>,
        %swap3A_806 = vector.shape_cast %swap3A_805 : vector<1x16xf32> to vector<16xf32>
        %swap3A_807 = vector.shape_cast %select_n3A_801 : vector<16xf32> to vector<1x16xf32>
        tpu.vector_store %arg10[%swap3A_803, %swap3A_804], %swap3A_807 {strides = array<i32>} : memref<8x128xf32, #tpu.memory_space<vmem>>, vector<1x16xf32>,
        %add3A_808 = arith.constant 5 : i32
        %add3A_809 = arith.addi %multiple_of3A_66, %add3A_808 : i32
        %get3A_810 = arith.index_cast %add3A_809 : i32 to index
        %get3A_811 = arith.constant 0 : index
        %get3A_812 = tpu.vector_load %arg7[%get3A_810, %get3A_811] {strides = array<i32>} : memref<328x128xf32, #tpu.memory_space<vmem>>, vector<1x16xf32>,
        %get3A_813 = vector.shape_cast %get3A_812 : vector<1x16xf32> to vector<16xf32>
        %gt3A_814 = arith.constant 5 : i32
        %gt3A_815 = arith.cmpi sgt, %and3A_68, %gt3A_814 : i32
        %select_n3A_816 = arith.select %gt3A_815, %get3A_813, %broadcast_in_dim3A_6 : vector<16xf32>
        %swap3A_817 = arith.constant 5 : i32
        %swap3A_818 = arith.index_cast %swap3A_817 : i32 to index
        %swap3A_819 = arith.constant 0 : index
        %swap3A_820 = tpu.vector_load %arg10[%swap3A_818, %swap3A_819] {strides = array<i32>} : memref<8x128xf32, #tpu.memory_space<vmem>>, vector<1x16xf32>,
        %swap3A_821 = vector.shape_cast %swap3A_820 : vector<1x16xf32> to vector<16xf32>
        %swap3A_822 = vector.shape_cast %select_n3A_816 : vector<16xf32> to vector<1x16xf32>
        tpu.vector_store %arg10[%swap3A_818, %swap3A_819], %swap3A_822 {strides = array<i32>} : memref<8x128xf32, #tpu.memory_space<vmem>>, vector<1x16xf32>,
        %add3A_823 = arith.constant 5 : i32
        %add3A_824 = arith.addi %multiple_of3A_66, %add3A_823 : i32
        %get3A_825 = arith.index_cast %add3A_824 : i32 to index
        %get3A_826 = arith.constant 16 : index
        %get3A_827 = tpu.vector_load %arg7[%get3A_825, %get3A_826] {strides = array<i32>} : memref<328x128xf32, #tpu.memory_space<vmem>>, vector<1x16xf32>,
        %get3A_828 = vector.shape_cast %get3A_827 : vector<1x16xf32> to vector<16xf32>
        %gt3A_829 = arith.constant 5 : i32
        %gt3A_830 = arith.cmpi sgt, %and3A_68, %gt3A_829 : i32
        %select_n3A_831 = arith.select %gt3A_830, %get3A_828, %broadcast_in_dim3A_6 : vector<16xf32>
        %swap3A_832 = arith.constant 5 : i32
        %swap3A_833 = arith.index_cast %swap3A_832 : i32 to index
        %swap3A_834 = arith.constant 16 : index
        %swap3A_835 = tpu.vector_load %arg10[%swap3A_833, %swap3A_834] {strides = array<i32>} : memref<8x128xf32, #tpu.memory_space<vmem>>, vector<1x16xf32>,
        %swap3A_836 = vector.shape_cast %swap3A_835 : vector<1x16xf32> to vector<16xf32>
        %swap3A_837 = vector.shape_cast %select_n3A_831 : vector<16xf32> to vector<1x16xf32>
        tpu.vector_store %arg10[%swap3A_833, %swap3A_834], %swap3A_837 {strides = array<i32>} : memref<8x128xf32, #tpu.memory_space<vmem>>, vector<1x16xf32>,
        %add3A_838 = arith.constant 5 : i32
        %add3A_839 = arith.addi %multiple_of3A_66, %add3A_838 : i32
        %get3A_840 = arith.index_cast %add3A_839 : i32 to index
        %get3A_841 = arith.constant 32 : index
        %get3A_842 = tpu.vector_load %arg7[%get3A_840, %get3A_841] {strides = array<i32>} : memref<328x128xf32, #tpu.memory_space<vmem>>, vector<1x16xf32>,
        %get3A_843 = vector.shape_cast %get3A_842 : vector<1x16xf32> to vector<16xf32>
        %gt3A_844 = arith.constant 5 : i32
        %gt3A_845 = arith.cmpi sgt, %and3A_68, %gt3A_844 : i32
        %select_n3A_846 = arith.select %gt3A_845, %get3A_843, %broadcast_in_dim3A_6 : vector<16xf32>
        %swap3A_847 = arith.constant 5 : i32
        %swap3A_848 = arith.index_cast %swap3A_847 : i32 to index
        %swap3A_849 = arith.constant 32 : index
        %swap3A_850 = tpu.vector_load %arg10[%swap3A_848, %swap3A_849] {strides = array<i32>} : memref<8x128xf32, #tpu.memory_space<vmem>>, vector<1x16xf32>,
        %swap3A_851 = vector.shape_cast %swap3A_850 : vector<1x16xf32> to vector<16xf32>
        %swap3A_852 = vector.shape_cast %select_n3A_846 : vector<16xf32> to vector<1x16xf32>
        tpu.vector_store %arg10[%swap3A_848, %swap3A_849], %swap3A_852 {strides = array<i32>} : memref<8x128xf32, #tpu.memory_space<vmem>>, vector<1x16xf32>,
        %add3A_853 = arith.constant 5 : i32
        %add3A_854 = arith.addi %multiple_of3A_66, %add3A_853 : i32
        %get3A_855 = arith.index_cast %add3A_854 : i32 to index
        %get3A_856 = arith.constant 48 : index
        %get3A_857 = tpu.vector_load %arg7[%get3A_855, %get3A_856] {strides = array<i32>} : memref<328x128xf32, #tpu.memory_space<vmem>>, vector<1x16xf32>,
        %get3A_858 = vector.shape_cast %get3A_857 : vector<1x16xf32> to vector<16xf32>
        %gt3A_859 = arith.constant 5 : i32
        %gt3A_860 = arith.cmpi sgt, %and3A_68, %gt3A_859 : i32
        %select_n3A_861 = arith.select %gt3A_860, %get3A_858, %broadcast_in_dim3A_6 : vector<16xf32>
        %swap3A_862 = arith.constant 5 : i32
        %swap3A_863 = arith.index_cast %swap3A_862 : i32 to index
        %swap3A_864 = arith.constant 48 : index
        %swap3A_865 = tpu.vector_load %arg10[%swap3A_863, %swap3A_864] {strides = array<i32>} : memref<8x128xf32, #tpu.memory_space<vmem>>, vector<1x16xf32>,
        %swap3A_866 = vector.shape_cast %swap3A_865 : vector<1x16xf32> to vector<16xf32>
        %swap3A_867 = vector.shape_cast %select_n3A_861 : vector<16xf32> to vector<1x16xf32>
        tpu.vector_store %arg10[%swap3A_863, %swap3A_864], %swap3A_867 {strides = array<i32>} : memref<8x128xf32, #tpu.memory_space<vmem>>, vector<1x16xf32>,
        %add3A_868 = arith.constant 5 : i32
        %add3A_869 = arith.addi %multiple_of3A_66, %add3A_868 : i32
        %get3A_870 = arith.index_cast %add3A_869 : i32 to index
        %get3A_871 = arith.constant 64 : index
        %get3A_872 = tpu.vector_load %arg7[%get3A_870, %get3A_871] {strides = array<i32>} : memref<328x128xf32, #tpu.memory_space<vmem>>, vector<1x16xf32>,
        %get3A_873 = vector.shape_cast %get3A_872 : vector<1x16xf32> to vector<16xf32>
        %gt3A_874 = arith.constant 5 : i32
        %gt3A_875 = arith.cmpi sgt, %and3A_68, %gt3A_874 : i32
        %select_n3A_876 = arith.select %gt3A_875, %get3A_873, %broadcast_in_dim3A_6 : vector<16xf32>
        %swap3A_877 = arith.constant 5 : i32
        %swap3A_878 = arith.index_cast %swap3A_877 : i32 to index
        %swap3A_879 = arith.constant 64 : index
        %swap3A_880 = tpu.vector_load %arg10[%swap3A_878, %swap3A_879] {strides = array<i32>} : memref<8x128xf32, #tpu.memory_space<vmem>>, vector<1x16xf32>,
        %swap3A_881 = vector.shape_cast %swap3A_880 : vector<1x16xf32> to vector<16xf32>
        %swap3A_882 = vector.shape_cast %select_n3A_876 : vector<16xf32> to vector<1x16xf32>
        tpu.vector_store %arg10[%swap3A_878, %swap3A_879], %swap3A_882 {strides = array<i32>} : memref<8x128xf32, #tpu.memory_space<vmem>>, vector<1x16xf32>,
        %add3A_883 = arith.constant 5 : i32
        %add3A_884 = arith.addi %multiple_of3A_66, %add3A_883 : i32
        %get3A_885 = arith.index_cast %add3A_884 : i32 to index
        %get3A_886 = arith.constant 80 : index
        %get3A_887 = tpu.vector_load %arg7[%get3A_885, %get3A_886] {strides = array<i32>} : memref<328x128xf32, #tpu.memory_space<vmem>>, vector<1x16xf32>,
        %get3A_888 = vector.shape_cast %get3A_887 : vector<1x16xf32> to vector<16xf32>
        %gt3A_889 = arith.constant 5 : i32
        %gt3A_890 = arith.cmpi sgt, %and3A_68, %gt3A_889 : i32
        %select_n3A_891 = arith.select %gt3A_890, %get3A_888, %broadcast_in_dim3A_6 : vector<16xf32>
        %swap3A_892 = arith.constant 5 : i32
        %swap3A_893 = arith.index_cast %swap3A_892 : i32 to index
        %swap3A_894 = arith.constant 80 : index
        %swap3A_895 = tpu.vector_load %arg10[%swap3A_893, %swap3A_894] {strides = array<i32>} : memref<8x128xf32, #tpu.memory_space<vmem>>, vector<1x16xf32>,
        %swap3A_896 = vector.shape_cast %swap3A_895 : vector<1x16xf32> to vector<16xf32>
        %swap3A_897 = vector.shape_cast %select_n3A_891 : vector<16xf32> to vector<1x16xf32>
        tpu.vector_store %arg10[%swap3A_893, %swap3A_894], %swap3A_897 {strides = array<i32>} : memref<8x128xf32, #tpu.memory_space<vmem>>, vector<1x16xf32>,
        %add3A_898 = arith.constant 5 : i32
        %add3A_899 = arith.addi %multiple_of3A_66, %add3A_898 : i32
        %get3A_900 = arith.index_cast %add3A_899 : i32 to index
        %get3A_901 = arith.constant 96 : index
        %get3A_902 = tpu.vector_load %arg7[%get3A_900, %get3A_901] {strides = array<i32>} : memref<328x128xf32, #tpu.memory_space<vmem>>, vector<1x16xf32>,
        %get3A_903 = vector.shape_cast %get3A_902 : vector<1x16xf32> to vector<16xf32>
        %gt3A_904 = arith.constant 5 : i32
        %gt3A_905 = arith.cmpi sgt, %and3A_68, %gt3A_904 : i32
        %select_n3A_906 = arith.select %gt3A_905, %get3A_903, %broadcast_in_dim3A_6 : vector<16xf32>
        %swap3A_907 = arith.constant 5 : i32
        %swap3A_908 = arith.index_cast %swap3A_907 : i32 to index
        %swap3A_909 = arith.constant 96 : index
        %swap3A_910 = tpu.vector_load %arg10[%swap3A_908, %swap3A_909] {strides = array<i32>} : memref<8x128xf32, #tpu.memory_space<vmem>>, vector<1x16xf32>,
        %swap3A_911 = vector.shape_cast %swap3A_910 : vector<1x16xf32> to vector<16xf32>
        %swap3A_912 = vector.shape_cast %select_n3A_906 : vector<16xf32> to vector<1x16xf32>
        tpu.vector_store %arg10[%swap3A_908, %swap3A_909], %swap3A_912 {strides = array<i32>} : memref<8x128xf32, #tpu.memory_space<vmem>>, vector<1x16xf32>,
        %add3A_913 = arith.constant 5 : i32
        %add3A_914 = arith.addi %multiple_of3A_66, %add3A_913 : i32
        %get3A_915 = arith.index_cast %add3A_914 : i32 to index
        %get3A_916 = arith.constant 112 : index
        %get3A_917 = tpu.vector_load %arg7[%get3A_915, %get3A_916] {strides = array<i32>} : memref<328x128xf32, #tpu.memory_space<vmem>>, vector<1x16xf32>,
        %get3A_918 = vector.shape_cast %get3A_917 : vector<1x16xf32> to vector<16xf32>
        %gt3A_919 = arith.constant 5 : i32
        %gt3A_920 = arith.cmpi sgt, %and3A_68, %gt3A_919 : i32
        %select_n3A_921 = arith.select %gt3A_920, %get3A_918, %broadcast_in_dim3A_6 : vector<16xf32>
        %swap3A_922 = arith.constant 5 : i32
        %swap3A_923 = arith.index_cast %swap3A_922 : i32 to index
        %swap3A_924 = arith.constant 112 : index
        %swap3A_925 = tpu.vector_load %arg10[%swap3A_923, %swap3A_924] {strides = array<i32>} : memref<8x128xf32, #tpu.memory_space<vmem>>, vector<1x16xf32>,
        %swap3A_926 = vector.shape_cast %swap3A_925 : vector<1x16xf32> to vector<16xf32>
        %swap3A_927 = vector.shape_cast %select_n3A_921 : vector<16xf32> to vector<1x16xf32>
        tpu.vector_store %arg10[%swap3A_923, %swap3A_924], %swap3A_927 {strides = array<i32>} : memref<8x128xf32, #tpu.memory_space<vmem>>, vector<1x16xf32>,
        %add3A_928 = arith.constant 6 : i32
        %add3A_929 = arith.addi %multiple_of3A_66, %add3A_928 : i32
        %get3A_930 = arith.index_cast %add3A_929 : i32 to index
        %get3A_931 = arith.constant 0 : index
        %get3A_932 = tpu.vector_load %arg7[%get3A_930, %get3A_931] {strides = array<i32>} : memref<328x128xf32, #tpu.memory_space<vmem>>, vector<1x16xf32>,
        %get3A_933 = vector.shape_cast %get3A_932 : vector<1x16xf32> to vector<16xf32>
        %gt3A_934 = arith.constant 6 : i32
        %gt3A_935 = arith.cmpi sgt, %and3A_68, %gt3A_934 : i32
        %select_n3A_936 = arith.select %gt3A_935, %get3A_933, %broadcast_in_dim3A_6 : vector<16xf32>
        %swap3A_937 = arith.constant 6 : i32
        %swap3A_938 = arith.index_cast %swap3A_937 : i32 to index
        %swap3A_939 = arith.constant 0 : index
        %swap3A_940 = tpu.vector_load %arg10[%swap3A_938, %swap3A_939] {strides = array<i32>} : memref<8x128xf32, #tpu.memory_space<vmem>>, vector<1x16xf32>,
        %swap3A_941 = vector.shape_cast %swap3A_940 : vector<1x16xf32> to vector<16xf32>
        %swap3A_942 = vector.shape_cast %select_n3A_936 : vector<16xf32> to vector<1x16xf32>
        tpu.vector_store %arg10[%swap3A_938, %swap3A_939], %swap3A_942 {strides = array<i32>} : memref<8x128xf32, #tpu.memory_space<vmem>>, vector<1x16xf32>,
        %add3A_943 = arith.constant 6 : i32
        %add3A_944 = arith.addi %multiple_of3A_66, %add3A_943 : i32
        %get3A_945 = arith.index_cast %add3A_944 : i32 to index
        %get3A_946 = arith.constant 16 : index
        %get3A_947 = tpu.vector_load %arg7[%get3A_945, %get3A_946] {strides = array<i32>} : memref<328x128xf32, #tpu.memory_space<vmem>>, vector<1x16xf32>,
        %get3A_948 = vector.shape_cast %get3A_947 : vector<1x16xf32> to vector<16xf32>
        %gt3A_949 = arith.constant 6 : i32
        %gt3A_950 = arith.cmpi sgt, %and3A_68, %gt3A_949 : i32
        %select_n3A_951 = arith.select %gt3A_950, %get3A_948, %broadcast_in_dim3A_6 : vector<16xf32>
        %swap3A_952 = arith.constant 6 : i32
        %swap3A_953 = arith.index_cast %swap3A_952 : i32 to index
        %swap3A_954 = arith.constant 16 : index
        %swap3A_955 = tpu.vector_load %arg10[%swap3A_953, %swap3A_954] {strides = array<i32>} : memref<8x128xf32, #tpu.memory_space<vmem>>, vector<1x16xf32>,
        %swap3A_956 = vector.shape_cast %swap3A_955 : vector<1x16xf32> to vector<16xf32>
        %swap3A_957 = vector.shape_cast %select_n3A_951 : vector<16xf32> to vector<1x16xf32>
        tpu.vector_store %arg10[%swap3A_953, %swap3A_954], %swap3A_957 {strides = array<i32>} : memref<8x128xf32, #tpu.memory_space<vmem>>, vector<1x16xf32>,
        %add3A_958 = arith.constant 6 : i32
        %add3A_959 = arith.addi %multiple_of3A_66, %add3A_958 : i32
        %get3A_960 = arith.index_cast %add3A_959 : i32 to index
        %get3A_961 = arith.constant 32 : index
        %get3A_962 = tpu.vector_load %arg7[%get3A_960, %get3A_961] {strides = array<i32>} : memref<328x128xf32, #tpu.memory_space<vmem>>, vector<1x16xf32>,
        %get3A_963 = vector.shape_cast %get3A_962 : vector<1x16xf32> to vector<16xf32>
        %gt3A_964 = arith.constant 6 : i32
        %gt3A_965 = arith.cmpi sgt, %and3A_68, %gt3A_964 : i32
        %select_n3A_966 = arith.select %gt3A_965, %get3A_963, %broadcast_in_dim3A_6 : vector<16xf32>
        %swap3A_967 = arith.constant 6 : i32
        %swap3A_968 = arith.index_cast %swap3A_967 : i32 to index
        %swap3A_969 = arith.constant 32 : index
        %swap3A_970 = tpu.vector_load %arg10[%swap3A_968, %swap3A_969] {strides = array<i32>} : memref<8x128xf32, #tpu.memory_space<vmem>>, vector<1x16xf32>,
        %swap3A_971 = vector.shape_cast %swap3A_970 : vector<1x16xf32> to vector<16xf32>
        %swap3A_972 = vector.shape_cast %select_n3A_966 : vector<16xf32> to vector<1x16xf32>
        tpu.vector_store %arg10[%swap3A_968, %swap3A_969], %swap3A_972 {strides = array<i32>} : memref<8x128xf32, #tpu.memory_space<vmem>>, vector<1x16xf32>,
        %add3A_973 = arith.constant 6 : i32
        %add3A_974 = arith.addi %multiple_of3A_66, %add3A_973 : i32
        %get3A_975 = arith.index_cast %add3A_974 : i32 to index
        %get3A_976 = arith.constant 48 : index
        %get3A_977 = tpu.vector_load %arg7[%get3A_975, %get3A_976] {strides = array<i32>} : memref<328x128xf32, #tpu.memory_space<vmem>>, vector<1x16xf32>,
        %get3A_978 = vector.shape_cast %get3A_977 : vector<1x16xf32> to vector<16xf32>
        %gt3A_979 = arith.constant 6 : i32
        %gt3A_980 = arith.cmpi sgt, %and3A_68, %gt3A_979 : i32
        %select_n3A_981 = arith.select %gt3A_980, %get3A_978, %broadcast_in_dim3A_6 : vector<16xf32>
        %swap3A_982 = arith.constant 6 : i32
        %swap3A_983 = arith.index_cast %swap3A_982 : i32 to index
        %swap3A_984 = arith.constant 48 : index
        %swap3A_985 = tpu.vector_load %arg10[%swap3A_983, %swap3A_984] {strides = array<i32>} : memref<8x128xf32, #tpu.memory_space<vmem>>, vector<1x16xf32>,
        %swap3A_986 = vector.shape_cast %swap3A_985 : vector<1x16xf32> to vector<16xf32>
        %swap3A_987 = vector.shape_cast %select_n3A_981 : vector<16xf32> to vector<1x16xf32>
        tpu.vector_store %arg10[%swap3A_983, %swap3A_984], %swap3A_987 {strides = array<i32>} : memref<8x128xf32, #tpu.memory_space<vmem>>, vector<1x16xf32>,
        %add3A_988 = arith.constant 6 : i32
        %add3A_989 = arith.addi %multiple_of3A_66, %add3A_988 : i32
        %get3A_990 = arith.index_cast %add3A_989 : i32 to index
        %get3A_991 = arith.constant 64 : index
        %get3A_992 = tpu.vector_load %arg7[%get3A_990, %get3A_991] {strides = array<i32>} : memref<328x128xf32, #tpu.memory_space<vmem>>, vector<1x16xf32>,
        %get3A_993 = vector.shape_cast %get3A_992 : vector<1x16xf32> to vector<16xf32>
        %gt3A_994 = arith.constant 6 : i32
        %gt3A_995 = arith.cmpi sgt, %and3A_68, %gt3A_994 : i32
        %select_n3A_996 = arith.select %gt3A_995, %get3A_993, %broadcast_in_dim3A_6 : vector<16xf32>
        %swap3A_997 = arith.constant 6 : i32
        %swap3A_998 = arith.index_cast %swap3A_997 : i32 to index
        %swap3A_999 = arith.constant 64 : index
        %swap3A_1000 = tpu.vector_load %arg10[%swap3A_998, %swap3A_999] {strides = array<i32>} : memref<8x128xf32, #tpu.memory_space<vmem>>, vector<1x16xf32>,
        %swap3A_1001 = vector.shape_cast %swap3A_1000 : vector<1x16xf32> to vector<16xf32>
        %swap3A_1002 = vector.shape_cast %select_n3A_996 : vector<16xf32> to vector<1x16xf32>
        tpu.vector_store %arg10[%swap3A_998, %swap3A_999], %swap3A_1002 {strides = array<i32>} : memref<8x128xf32, #tpu.memory_space<vmem>>, vector<1x16xf32>,
        %add3A_1003 = arith.constant 6 : i32
        %add3A_1004 = arith.addi %multiple_of3A_66, %add3A_1003 : i32
        %get3A_1005 = arith.index_cast %add3A_1004 : i32 to index
        %get3A_1006 = arith.constant 80 : index
        %get3A_1007 = tpu.vector_load %arg7[%get3A_1005, %get3A_1006] {strides = array<i32>} : memref<328x128xf32, #tpu.memory_space<vmem>>, vector<1x16xf32>,
        %get3A_1008 = vector.shape_cast %get3A_1007 : vector<1x16xf32> to vector<16xf32>
        %gt3A_1009 = arith.constant 6 : i32
        %gt3A_1010 = arith.cmpi sgt, %and3A_68, %gt3A_1009 : i32
        %select_n3A_1011 = arith.select %gt3A_1010, %get3A_1008, %broadcast_in_dim3A_6 : vector<16xf32>
        %swap3A_1012 = arith.constant 6 : i32
        %swap3A_1013 = arith.index_cast %swap3A_1012 : i32 to index
        %swap3A_1014 = arith.constant 80 : index
        %swap3A_1015 = tpu.vector_load %arg10[%swap3A_1013, %swap3A_1014] {strides = array<i32>} : memref<8x128xf32, #tpu.memory_space<vmem>>, vector<1x16xf32>,
        %swap3A_1016 = vector.shape_cast %swap3A_1015 : vector<1x16xf32> to vector<16xf32>
        %swap3A_1017 = vector.shape_cast %select_n3A_1011 : vector<16xf32> to vector<1x16xf32>
        tpu.vector_store %arg10[%swap3A_1013, %swap3A_1014], %swap3A_1017 {strides = array<i32>} : memref<8x128xf32, #tpu.memory_space<vmem>>, vector<1x16xf32>,
        %add3A_1018 = arith.constant 6 : i32
        %add3A_1019 = arith.addi %multiple_of3A_66, %add3A_1018 : i32
        %get3A_1020 = arith.index_cast %add3A_1019 : i32 to index
        %get3A_1021 = arith.constant 96 : index
        %get3A_1022 = tpu.vector_load %arg7[%get3A_1020, %get3A_1021] {strides = array<i32>} : memref<328x128xf32, #tpu.memory_space<vmem>>, vector<1x16xf32>,
        %get3A_1023 = vector.shape_cast %get3A_1022 : vector<1x16xf32> to vector<16xf32>
        %gt3A_1024 = arith.constant 6 : i32
        %gt3A_1025 = arith.cmpi sgt, %and3A_68, %gt3A_1024 : i32
        %select_n3A_1026 = arith.select %gt3A_1025, %get3A_1023, %broadcast_in_dim3A_6 : vector<16xf32>
        %swap3A_1027 = arith.constant 6 : i32
        %swap3A_1028 = arith.index_cast %swap3A_1027 : i32 to index
        %swap3A_1029 = arith.constant 96 : index
        %swap3A_1030 = tpu.vector_load %arg10[%swap3A_1028, %swap3A_1029] {strides = array<i32>} : memref<8x128xf32, #tpu.memory_space<vmem>>, vector<1x16xf32>,
        %swap3A_1031 = vector.shape_cast %swap3A_1030 : vector<1x16xf32> to vector<16xf32>
        %swap3A_1032 = vector.shape_cast %select_n3A_1026 : vector<16xf32> to vector<1x16xf32>
        tpu.vector_store %arg10[%swap3A_1028, %swap3A_1029], %swap3A_1032 {strides = array<i32>} : memref<8x128xf32, #tpu.memory_space<vmem>>, vector<1x16xf32>,
        %add3A_1033 = arith.constant 6 : i32
        %add3A_1034 = arith.addi %multiple_of3A_66, %add3A_1033 : i32
        %get3A_1035 = arith.index_cast %add3A_1034 : i32 to index
        %get3A_1036 = arith.constant 112 : index
        %get3A_1037 = tpu.vector_load %arg7[%get3A_1035, %get3A_1036] {strides = array<i32>} : memref<328x128xf32, #tpu.memory_space<vmem>>, vector<1x16xf32>,
        %get3A_1038 = vector.shape_cast %get3A_1037 : vector<1x16xf32> to vector<16xf32>
        %gt3A_1039 = arith.constant 6 : i32
        %gt3A_1040 = arith.cmpi sgt, %and3A_68, %gt3A_1039 : i32
        %select_n3A_1041 = arith.select %gt3A_1040, %get3A_1038, %broadcast_in_dim3A_6 : vector<16xf32>
        %swap3A_1042 = arith.constant 6 : i32
        %swap3A_1043 = arith.index_cast %swap3A_1042 : i32 to index
        %swap3A_1044 = arith.constant 112 : index
        %swap3A_1045 = tpu.vector_load %arg10[%swap3A_1043, %swap3A_1044] {strides = array<i32>} : memref<8x128xf32, #tpu.memory_space<vmem>>, vector<1x16xf32>,
        %swap3A_1046 = vector.shape_cast %swap3A_1045 : vector<1x16xf32> to vector<16xf32>
        %swap3A_1047 = vector.shape_cast %select_n3A_1041 : vector<16xf32> to vector<1x16xf32>
        tpu.vector_store %arg10[%swap3A_1043, %swap3A_1044], %swap3A_1047 {strides = array<i32>} : memref<8x128xf32, #tpu.memory_space<vmem>>, vector<1x16xf32>,
        %add3A_1048 = arith.constant 7 : i32
        %add3A_1049 = arith.addi %multiple_of3A_66, %add3A_1048 : i32
        %get3A_1050 = arith.index_cast %add3A_1049 : i32 to index
        %get3A_1051 = arith.constant 0 : index
        %get3A_1052 = tpu.vector_load %arg7[%get3A_1050, %get3A_1051] {strides = array<i32>} : memref<328x128xf32, #tpu.memory_space<vmem>>, vector<1x16xf32>,
        %get3A_1053 = vector.shape_cast %get3A_1052 : vector<1x16xf32> to vector<16xf32>
        %gt3A_1054 = arith.constant 7 : i32
        %gt3A_1055 = arith.cmpi sgt, %and3A_68, %gt3A_1054 : i32
        %select_n3A_1056 = arith.select %gt3A_1055, %get3A_1053, %broadcast_in_dim3A_6 : vector<16xf32>
        %swap3A_1057 = arith.constant 7 : i32
        %swap3A_1058 = arith.index_cast %swap3A_1057 : i32 to index
        %swap3A_1059 = arith.constant 0 : index
        %swap3A_1060 = tpu.vector_load %arg10[%swap3A_1058, %swap3A_1059] {strides = array<i32>} : memref<8x128xf32, #tpu.memory_space<vmem>>, vector<1x16xf32>,
        %swap3A_1061 = vector.shape_cast %swap3A_1060 : vector<1x16xf32> to vector<16xf32>
        %swap3A_1062 = vector.shape_cast %select_n3A_1056 : vector<16xf32> to vector<1x16xf32>
        tpu.vector_store %arg10[%swap3A_1058, %swap3A_1059], %swap3A_1062 {strides = array<i32>} : memref<8x128xf32, #tpu.memory_space<vmem>>, vector<1x16xf32>,
        %add3A_1063 = arith.constant 7 : i32
        %add3A_1064 = arith.addi %multiple_of3A_66, %add3A_1063 : i32
        %get3A_1065 = arith.index_cast %add3A_1064 : i32 to index
        %get3A_1066 = arith.constant 16 : index
        %get3A_1067 = tpu.vector_load %arg7[%get3A_1065, %get3A_1066] {strides = array<i32>} : memref<328x128xf32, #tpu.memory_space<vmem>>, vector<1x16xf32>,
        %get3A_1068 = vector.shape_cast %get3A_1067 : vector<1x16xf32> to vector<16xf32>
        %gt3A_1069 = arith.constant 7 : i32
        %gt3A_1070 = arith.cmpi sgt, %and3A_68, %gt3A_1069 : i32
        %select_n3A_1071 = arith.select %gt3A_1070, %get3A_1068, %broadcast_in_dim3A_6 : vector<16xf32>
        %swap3A_1072 = arith.constant 7 : i32
        %swap3A_1073 = arith.index_cast %swap3A_1072 : i32 to index
        %swap3A_1074 = arith.constant 16 : index
        %swap3A_1075 = tpu.vector_load %arg10[%swap3A_1073, %swap3A_1074] {strides = array<i32>} : memref<8x128xf32, #tpu.memory_space<vmem>>, vector<1x16xf32>,
        %swap3A_1076 = vector.shape_cast %swap3A_1075 : vector<1x16xf32> to vector<16xf32>
        %swap3A_1077 = vector.shape_cast %select_n3A_1071 : vector<16xf32> to vector<1x16xf32>
        tpu.vector_store %arg10[%swap3A_1073, %swap3A_1074], %swap3A_1077 {strides = array<i32>} : memref<8x128xf32, #tpu.memory_space<vmem>>, vector<1x16xf32>,
        %add3A_1078 = arith.constant 7 : i32
        %add3A_1079 = arith.addi %multiple_of3A_66, %add3A_1078 : i32
        %get3A_1080 = arith.index_cast %add3A_1079 : i32 to index
        %get3A_1081 = arith.constant 32 : index
        %get3A_1082 = tpu.vector_load %arg7[%get3A_1080, %get3A_1081] {strides = array<i32>} : memref<328x128xf32, #tpu.memory_space<vmem>>, vector<1x16xf32>,
        %get3A_1083 = vector.shape_cast %get3A_1082 : vector<1x16xf32> to vector<16xf32>
        %gt3A_1084 = arith.constant 7 : i32
        %gt3A_1085 = arith.cmpi sgt, %and3A_68, %gt3A_1084 : i32
        %select_n3A_1086 = arith.select %gt3A_1085, %get3A_1083, %broadcast_in_dim3A_6 : vector<16xf32>
        %swap3A_1087 = arith.constant 7 : i32
        %swap3A_1088 = arith.index_cast %swap3A_1087 : i32 to index
        %swap3A_1089 = arith.constant 32 : index
        %swap3A_1090 = tpu.vector_load %arg10[%swap3A_1088, %swap3A_1089] {strides = array<i32>} : memref<8x128xf32, #tpu.memory_space<vmem>>, vector<1x16xf32>,
        %swap3A_1091 = vector.shape_cast %swap3A_1090 : vector<1x16xf32> to vector<16xf32>
        %swap3A_1092 = vector.shape_cast %select_n3A_1086 : vector<16xf32> to vector<1x16xf32>
        tpu.vector_store %arg10[%swap3A_1088, %swap3A_1089], %swap3A_1092 {strides = array<i32>} : memref<8x128xf32, #tpu.memory_space<vmem>>, vector<1x16xf32>,
        %add3A_1093 = arith.constant 7 : i32
        %add3A_1094 = arith.addi %multiple_of3A_66, %add3A_1093 : i32
        %get3A_1095 = arith.index_cast %add3A_1094 : i32 to index
        %get3A_1096 = arith.constant 48 : index
        %get3A_1097 = tpu.vector_load %arg7[%get3A_1095, %get3A_1096] {strides = array<i32>} : memref<328x128xf32, #tpu.memory_space<vmem>>, vector<1x16xf32>,
        %get3A_1098 = vector.shape_cast %get3A_1097 : vector<1x16xf32> to vector<16xf32>
        %gt3A_1099 = arith.constant 7 : i32
        %gt3A_1100 = arith.cmpi sgt, %and3A_68, %gt3A_1099 : i32
        %select_n3A_1101 = arith.select %gt3A_1100, %get3A_1098, %broadcast_in_dim3A_6 : vector<16xf32>
        %swap3A_1102 = arith.constant 7 : i32
        %swap3A_1103 = arith.index_cast %swap3A_1102 : i32 to index
        %swap3A_1104 = arith.constant 48 : index
        %swap3A_1105 = tpu.vector_load %arg10[%swap3A_1103, %swap3A_1104] {strides = array<i32>} : memref<8x128xf32, #tpu.memory_space<vmem>>, vector<1x16xf32>,
        %swap3A_1106 = vector.shape_cast %swap3A_1105 : vector<1x16xf32> to vector<16xf32>
        %swap3A_1107 = vector.shape_cast %select_n3A_1101 : vector<16xf32> to vector<1x16xf32>
        tpu.vector_store %arg10[%swap3A_1103, %swap3A_1104], %swap3A_1107 {strides = array<i32>} : memref<8x128xf32, #tpu.memory_space<vmem>>, vector<1x16xf32>,
        %add3A_1108 = arith.constant 7 : i32
        %add3A_1109 = arith.addi %multiple_of3A_66, %add3A_1108 : i32
        %get3A_1110 = arith.index_cast %add3A_1109 : i32 to index
        %get3A_1111 = arith.constant 64 : index
        %get3A_1112 = tpu.vector_load %arg7[%get3A_1110, %get3A_1111] {strides = array<i32>} : memref<328x128xf32, #tpu.memory_space<vmem>>, vector<1x16xf32>,
        %get3A_1113 = vector.shape_cast %get3A_1112 : vector<1x16xf32> to vector<16xf32>
        %gt3A_1114 = arith.constant 7 : i32
        %gt3A_1115 = arith.cmpi sgt, %and3A_68, %gt3A_1114 : i32
        %select_n3A_1116 = arith.select %gt3A_1115, %get3A_1113, %broadcast_in_dim3A_6 : vector<16xf32>
        %swap3A_1117 = arith.constant 7 : i32
        %swap3A_1118 = arith.index_cast %swap3A_1117 : i32 to index
        %swap3A_1119 = arith.constant 64 : index
        %swap3A_1120 = tpu.vector_load %arg10[%swap3A_1118, %swap3A_1119] {strides = array<i32>} : memref<8x128xf32, #tpu.memory_space<vmem>>, vector<1x16xf32>,
        %swap3A_1121 = vector.shape_cast %swap3A_1120 : vector<1x16xf32> to vector<16xf32>
        %swap3A_1122 = vector.shape_cast %select_n3A_1116 : vector<16xf32> to vector<1x16xf32>
        tpu.vector_store %arg10[%swap3A_1118, %swap3A_1119], %swap3A_1122 {strides = array<i32>} : memref<8x128xf32, #tpu.memory_space<vmem>>, vector<1x16xf32>,
        %add3A_1123 = arith.constant 7 : i32
        %add3A_1124 = arith.addi %multiple_of3A_66, %add3A_1123 : i32
        %get3A_1125 = arith.index_cast %add3A_1124 : i32 to index
        %get3A_1126 = arith.constant 80 : index
        %get3A_1127 = tpu.vector_load %arg7[%get3A_1125, %get3A_1126] {strides = array<i32>} : memref<328x128xf32, #tpu.memory_space<vmem>>, vector<1x16xf32>,
        %get3A_1128 = vector.shape_cast %get3A_1127 : vector<1x16xf32> to vector<16xf32>
        %gt3A_1129 = arith.constant 7 : i32
        %gt3A_1130 = arith.cmpi sgt, %and3A_68, %gt3A_1129 : i32
        %select_n3A_1131 = arith.select %gt3A_1130, %get3A_1128, %broadcast_in_dim3A_6 : vector<16xf32>
        %swap3A_1132 = arith.constant 7 : i32
        %swap3A_1133 = arith.index_cast %swap3A_1132 : i32 to index
        %swap3A_1134 = arith.constant 80 : index
        %swap3A_1135 = tpu.vector_load %arg10[%swap3A_1133, %swap3A_1134] {strides = array<i32>} : memref<8x128xf32, #tpu.memory_space<vmem>>, vector<1x16xf32>,
        %swap3A_1136 = vector.shape_cast %swap3A_1135 : vector<1x16xf32> to vector<16xf32>
        %swap3A_1137 = vector.shape_cast %select_n3A_1131 : vector<16xf32> to vector<1x16xf32>
        tpu.vector_store %arg10[%swap3A_1133, %swap3A_1134], %swap3A_1137 {strides = array<i32>} : memref<8x128xf32, #tpu.memory_space<vmem>>, vector<1x16xf32>,
        %add3A_1138 = arith.constant 7 : i32
        %add3A_1139 = arith.addi %multiple_of3A_66, %add3A_1138 : i32
        %get3A_1140 = arith.index_cast %add3A_1139 : i32 to index
        %get3A_1141 = arith.constant 96 : index
        %get3A_1142 = tpu.vector_load %arg7[%get3A_1140, %get3A_1141] {strides = array<i32>} : memref<328x128xf32, #tpu.memory_space<vmem>>, vector<1x16xf32>,
        %get3A_1143 = vector.shape_cast %get3A_1142 : vector<1x16xf32> to vector<16xf32>
        %gt3A_1144 = arith.constant 7 : i32
        %gt3A_1145 = arith.cmpi sgt, %and3A_68, %gt3A_1144 : i32
        %select_n3A_1146 = arith.select %gt3A_1145, %get3A_1143, %broadcast_in_dim3A_6 : vector<16xf32>
        %swap3A_1147 = arith.constant 7 : i32
        %swap3A_1148 = arith.index_cast %swap3A_1147 : i32 to index
        %swap3A_1149 = arith.constant 96 : index
        %swap3A_1150 = tpu.vector_load %arg10[%swap3A_1148, %swap3A_1149] {strides = array<i32>} : memref<8x128xf32, #tpu.memory_space<vmem>>, vector<1x16xf32>,
        %swap3A_1151 = vector.shape_cast %swap3A_1150 : vector<1x16xf32> to vector<16xf32>
        %swap3A_1152 = vector.shape_cast %select_n3A_1146 : vector<16xf32> to vector<1x16xf32>
        tpu.vector_store %arg10[%swap3A_1148, %swap3A_1149], %swap3A_1152 {strides = array<i32>} : memref<8x128xf32, #tpu.memory_space<vmem>>, vector<1x16xf32>,
        %add3A_1153 = arith.constant 7 : i32
        %add3A_1154 = arith.addi %multiple_of3A_66, %add3A_1153 : i32
        %get3A_1155 = arith.index_cast %add3A_1154 : i32 to index
        %get3A_1156 = arith.constant 112 : index
        %get3A_1157 = tpu.vector_load %arg7[%get3A_1155, %get3A_1156] {strides = array<i32>} : memref<328x128xf32, #tpu.memory_space<vmem>>, vector<1x16xf32>,
        %get3A_1158 = vector.shape_cast %get3A_1157 : vector<1x16xf32> to vector<16xf32>
        %gt3A_1159 = arith.constant 7 : i32
        %gt3A_1160 = arith.cmpi sgt, %and3A_68, %gt3A_1159 : i32
        %select_n3A_1161 = arith.select %gt3A_1160, %get3A_1158, %broadcast_in_dim3A_6 : vector<16xf32>
        %swap3A_1162 = arith.constant 7 : i32
        %swap3A_1163 = arith.index_cast %swap3A_1162 : i32 to index
        %swap3A_1164 = arith.constant 112 : index
        %swap3A_1165 = tpu.vector_load %arg10[%swap3A_1163, %swap3A_1164] {strides = array<i32>} : memref<8x128xf32, #tpu.memory_space<vmem>>, vector<1x16xf32>,
        %swap3A_1166 = vector.shape_cast %swap3A_1165 : vector<1x16xf32> to vector<16xf32>
        %swap3A_1167 = vector.shape_cast %select_n3A_1161 : vector<16xf32> to vector<1x16xf32>
        tpu.vector_store %arg10[%swap3A_1163, %swap3A_1164], %swap3A_1167 {strides = array<i32>} : memref<8x128xf32, #tpu.memory_space<vmem>>, vector<1x16xf32>,
        %add3A_1168 = arith.addi %multiple_of3A_72, %multiple_of3A_66 : i32
        %multiple_of3A_1169 = tpu.assume_multiple %add3A_1168, 8 : i32
        %dma_start3A_1170 = arith.constant 0 : i32
        %dma_start3A_1171 = tpu.memref_slice %arg4[%multiple_of3A_1169, %dma_start3A_1170] : memref<204800x128xf32, #tpu.memory_space<hbm>> -> memref<8x128xf32, #tpu.memory_space<hbm>>
        %dma_start3A_1172 = arith.constant 0 : i32
        %dma_start3A_1173 = tpu.memref_slice %arg4[%multiple_of3A_1169, %dma_start3A_1172] : memref<204800x128xf32, #tpu.memory_space<hbm>> -> memref<8x128xf32, #tpu.memory_space<hbm>>
        tpu.enqueue_dma source(%arg10 : memref<8x128xf32, #tpu.memory_space<vmem>>) target(%dma_start3A_1173 : memref<8x128xf32, #tpu.memory_space<hbm>>) target_semaphore(%arg17 : memref<!tpu.dma_semaphore, #tpu.memory_space<semaphore_mem>>)
      } else {
      }
      %rem3A_132 = arith.constant 4 : i32
      %rem3A_133 = arith.remsi %scan3A_61, %rem3A_132 : i32
      %eq3A_134 = arith.constant 2 : i32
      %eq3A_135 = arith.cmpi eq, %rem3A_133, %eq3A_134 : i32
      %convert_element_type3A_136 = arith.extui %eq3A_135 : i1 to i32
      %cond3A_137 = arith.constant 0 : i32
      %cond3A_138 = arith.cmpi ne, %convert_element_type3A_136, %cond3A_137 : i32
      scf.if %cond3A_138 {
        %ge3A = arith.constant 4 : i32
        %ge3A_207 = arith.cmpi sge, %scan3A_61, %ge3A : i32
        %convert_element_type3A_208 = arith.extui %ge3A_207 : i1 to i32
        %cond3A_209 = arith.constant 0 : i32
        %cond3A_210 = arith.cmpi ne, %convert_element_type3A_208, %cond3A_209 : i32
        scf.if %cond3A_210 {
          %dma_wait3A_1174 = arith.constant 0 : i32
          %dma_wait3A_1175 = tpu.memref_slice %arg4[%multiple_of3A, %dma_wait3A_1174] : memref<204800x128xf32, #tpu.memory_space<hbm>> -> memref<8x128xf32, #tpu.memory_space<hbm>>
          %dma_wait3A_1176 = arith.constant 0 : i32
          %dma_wait3A_1177 = tpu.memref_slice %arg4[%multiple_of3A, %dma_wait3A_1176] : memref<204800x128xf32, #tpu.memory_space<hbm>> -> memref<8x128xf32, #tpu.memory_space<hbm>>
          tpu.wait_dma2 semaphore(%arg18 : memref<!tpu.dma_semaphore, #tpu.memory_space<semaphore_mem>>) src(%arg11 : memref<8x128xf32, #tpu.memory_space<vmem>>) dst(%dma_wait3A_1177 : memref<8x128xf32, #tpu.memory_space<hbm>>)
        } else {
        }
        %add3A_211 = arith.constant 0 : i32
        %add3A_212 = arith.addi %multiple_of3A_66, %add3A_211 : i32
        %get3A_213 = arith.index_cast %add3A_212 : i32 to index
        %get3A_214 = arith.constant 0 : index
        %get3A_215 = tpu.vector_load %arg7[%get3A_213, %get3A_214] {strides = array<i32>} : memref<328x128xf32, #tpu.memory_space<vmem>>, vector<1x16xf32>,
        %get3A_216 = vector.shape_cast %get3A_215 : vector<1x16xf32> to vector<16xf32>
        %gt3A = arith.constant 0 : i32
        %gt3A_217 = arith.cmpi sgt, %and3A_68, %gt3A : i32
        %select_n3A = arith.select %gt3A_217, %get3A_216, %broadcast_in_dim3A_6 : vector<16xf32>
        %swap3A = arith.constant 0 : i32
        %swap3A_218 = arith.index_cast %swap3A : i32 to index
        %swap3A_219 = arith.constant 0 : index
        %swap3A_220 = tpu.vector_load %arg11[%swap3A_218, %swap3A_219] {strides = array<i32>} : memref<8x128xf32, #tpu.memory_space<vmem>>, vector<1x16xf32>,
        %swap3A_221 = vector.shape_cast %swap3A_220 : vector<1x16xf32> to vector<16xf32>
        %swap3A_222 = vector.shape_cast %select_n3A : vector<16xf32> to vector<1x16xf32>
        tpu.vector_store %arg11[%swap3A_218, %swap3A_219], %swap3A_222 {strides = array<i32>} : memref<8x128xf32, #tpu.memory_space<vmem>>, vector<1x16xf32>,
        %add3A_223 = arith.constant 0 : i32
        %add3A_224 = arith.addi %multiple_of3A_66, %add3A_223 : i32
        %get3A_225 = arith.index_cast %add3A_224 : i32 to index
        %get3A_226 = arith.constant 16 : index
        %get3A_227 = tpu.vector_load %arg7[%get3A_225, %get3A_226] {strides = array<i32>} : memref<328x128xf32, #tpu.memory_space<vmem>>, vector<1x16xf32>,
        %get3A_228 = vector.shape_cast %get3A_227 : vector<1x16xf32> to vector<16xf32>
        %gt3A_229 = arith.constant 0 : i32
        %gt3A_230 = arith.cmpi sgt, %and3A_68, %gt3A_229 : i32
        %select_n3A_231 = arith.select %gt3A_230, %get3A_228, %broadcast_in_dim3A_6 : vector<16xf32>
        %swap3A_232 = arith.constant 0 : i32
        %swap3A_233 = arith.index_cast %swap3A_232 : i32 to index
        %swap3A_234 = arith.constant 16 : index
        %swap3A_235 = tpu.vector_load %arg11[%swap3A_233, %swap3A_234] {strides = array<i32>} : memref<8x128xf32, #tpu.memory_space<vmem>>, vector<1x16xf32>,
        %swap3A_236 = vector.shape_cast %swap3A_235 : vector<1x16xf32> to vector<16xf32>
        %swap3A_237 = vector.shape_cast %select_n3A_231 : vector<16xf32> to vector<1x16xf32>
        tpu.vector_store %arg11[%swap3A_233, %swap3A_234], %swap3A_237 {strides = array<i32>} : memref<8x128xf32, #tpu.memory_space<vmem>>, vector<1x16xf32>,
        %add3A_238 = arith.constant 0 : i32
        %add3A_239 = arith.addi %multiple_of3A_66, %add3A_238 : i32
        %get3A_240 = arith.index_cast %add3A_239 : i32 to index
        %get3A_241 = arith.constant 32 : index
        %get3A_242 = tpu.vector_load %arg7[%get3A_240, %get3A_241] {strides = array<i32>} : memref<328x128xf32, #tpu.memory_space<vmem>>, vector<1x16xf32>,
        %get3A_243 = vector.shape_cast %get3A_242 : vector<1x16xf32> to vector<16xf32>
        %gt3A_244 = arith.constant 0 : i32
        %gt3A_245 = arith.cmpi sgt, %and3A_68, %gt3A_244 : i32
        %select_n3A_246 = arith.select %gt3A_245, %get3A_243, %broadcast_in_dim3A_6 : vector<16xf32>
        %swap3A_247 = arith.constant 0 : i32
        %swap3A_248 = arith.index_cast %swap3A_247 : i32 to index
        %swap3A_249 = arith.constant 32 : index
        %swap3A_250 = tpu.vector_load %arg11[%swap3A_248, %swap3A_249] {strides = array<i32>} : memref<8x128xf32, #tpu.memory_space<vmem>>, vector<1x16xf32>,
        %swap3A_251 = vector.shape_cast %swap3A_250 : vector<1x16xf32> to vector<16xf32>
        %swap3A_252 = vector.shape_cast %select_n3A_246 : vector<16xf32> to vector<1x16xf32>
        tpu.vector_store %arg11[%swap3A_248, %swap3A_249], %swap3A_252 {strides = array<i32>} : memref<8x128xf32, #tpu.memory_space<vmem>>, vector<1x16xf32>,
        %add3A_253 = arith.constant 0 : i32
        %add3A_254 = arith.addi %multiple_of3A_66, %add3A_253 : i32
        %get3A_255 = arith.index_cast %add3A_254 : i32 to index
        %get3A_256 = arith.constant 48 : index
        %get3A_257 = tpu.vector_load %arg7[%get3A_255, %get3A_256] {strides = array<i32>} : memref<328x128xf32, #tpu.memory_space<vmem>>, vector<1x16xf32>,
        %get3A_258 = vector.shape_cast %get3A_257 : vector<1x16xf32> to vector<16xf32>
        %gt3A_259 = arith.constant 0 : i32
        %gt3A_260 = arith.cmpi sgt, %and3A_68, %gt3A_259 : i32
        %select_n3A_261 = arith.select %gt3A_260, %get3A_258, %broadcast_in_dim3A_6 : vector<16xf32>
        %swap3A_262 = arith.constant 0 : i32
        %swap3A_263 = arith.index_cast %swap3A_262 : i32 to index
        %swap3A_264 = arith.constant 48 : index
        %swap3A_265 = tpu.vector_load %arg11[%swap3A_263, %swap3A_264] {strides = array<i32>} : memref<8x128xf32, #tpu.memory_space<vmem>>, vector<1x16xf32>,
        %swap3A_266 = vector.shape_cast %swap3A_265 : vector<1x16xf32> to vector<16xf32>
        %swap3A_267 = vector.shape_cast %select_n3A_261 : vector<16xf32> to vector<1x16xf32>
        tpu.vector_store %arg11[%swap3A_263, %swap3A_264], %swap3A_267 {strides = array<i32>} : memref<8x128xf32, #tpu.memory_space<vmem>>, vector<1x16xf32>,
        %add3A_268 = arith.constant 0 : i32
        %add3A_269 = arith.addi %multiple_of3A_66, %add3A_268 : i32
        %get3A_270 = arith.index_cast %add3A_269 : i32 to index
        %get3A_271 = arith.constant 64 : index
        %get3A_272 = tpu.vector_load %arg7[%get3A_270, %get3A_271] {strides = array<i32>} : memref<328x128xf32, #tpu.memory_space<vmem>>, vector<1x16xf32>,
        %get3A_273 = vector.shape_cast %get3A_272 : vector<1x16xf32> to vector<16xf32>
        %gt3A_274 = arith.constant 0 : i32
        %gt3A_275 = arith.cmpi sgt, %and3A_68, %gt3A_274 : i32
        %select_n3A_276 = arith.select %gt3A_275, %get3A_273, %broadcast_in_dim3A_6 : vector<16xf32>
        %swap3A_277 = arith.constant 0 : i32
        %swap3A_278 = arith.index_cast %swap3A_277 : i32 to index
        %swap3A_279 = arith.constant 64 : index
        %swap3A_280 = tpu.vector_load %arg11[%swap3A_278, %swap3A_279] {strides = array<i32>} : memref<8x128xf32, #tpu.memory_space<vmem>>, vector<1x16xf32>,
        %swap3A_281 = vector.shape_cast %swap3A_280 : vector<1x16xf32> to vector<16xf32>
        %swap3A_282 = vector.shape_cast %select_n3A_276 : vector<16xf32> to vector<1x16xf32>
        tpu.vector_store %arg11[%swap3A_278, %swap3A_279], %swap3A_282 {strides = array<i32>} : memref<8x128xf32, #tpu.memory_space<vmem>>, vector<1x16xf32>,
        %add3A_283 = arith.constant 0 : i32
        %add3A_284 = arith.addi %multiple_of3A_66, %add3A_283 : i32
        %get3A_285 = arith.index_cast %add3A_284 : i32 to index
        %get3A_286 = arith.constant 80 : index
        %get3A_287 = tpu.vector_load %arg7[%get3A_285, %get3A_286] {strides = array<i32>} : memref<328x128xf32, #tpu.memory_space<vmem>>, vector<1x16xf32>,
        %get3A_288 = vector.shape_cast %get3A_287 : vector<1x16xf32> to vector<16xf32>
        %gt3A_289 = arith.constant 0 : i32
        %gt3A_290 = arith.cmpi sgt, %and3A_68, %gt3A_289 : i32
        %select_n3A_291 = arith.select %gt3A_290, %get3A_288, %broadcast_in_dim3A_6 : vector<16xf32>
        %swap3A_292 = arith.constant 0 : i32
        %swap3A_293 = arith.index_cast %swap3A_292 : i32 to index
        %swap3A_294 = arith.constant 80 : index
        %swap3A_295 = tpu.vector_load %arg11[%swap3A_293, %swap3A_294] {strides = array<i32>} : memref<8x128xf32, #tpu.memory_space<vmem>>, vector<1x16xf32>,
        %swap3A_296 = vector.shape_cast %swap3A_295 : vector<1x16xf32> to vector<16xf32>
        %swap3A_297 = vector.shape_cast %select_n3A_291 : vector<16xf32> to vector<1x16xf32>
        tpu.vector_store %arg11[%swap3A_293, %swap3A_294], %swap3A_297 {strides = array<i32>} : memref<8x128xf32, #tpu.memory_space<vmem>>, vector<1x16xf32>,
        %add3A_298 = arith.constant 0 : i32
        %add3A_299 = arith.addi %multiple_of3A_66, %add3A_298 : i32
        %get3A_300 = arith.index_cast %add3A_299 : i32 to index
        %get3A_301 = arith.constant 96 : index
        %get3A_302 = tpu.vector_load %arg7[%get3A_300, %get3A_301] {strides = array<i32>} : memref<328x128xf32, #tpu.memory_space<vmem>>, vector<1x16xf32>,
        %get3A_303 = vector.shape_cast %get3A_302 : vector<1x16xf32> to vector<16xf32>
        %gt3A_304 = arith.constant 0 : i32
        %gt3A_305 = arith.cmpi sgt, %and3A_68, %gt3A_304 : i32
        %select_n3A_306 = arith.select %gt3A_305, %get3A_303, %broadcast_in_dim3A_6 : vector<16xf32>
        %swap3A_307 = arith.constant 0 : i32
        %swap3A_308 = arith.index_cast %swap3A_307 : i32 to index
        %swap3A_309 = arith.constant 96 : index
        %swap3A_310 = tpu.vector_load %arg11[%swap3A_308, %swap3A_309] {strides = array<i32>} : memref<8x128xf32, #tpu.memory_space<vmem>>, vector<1x16xf32>,
        %swap3A_311 = vector.shape_cast %swap3A_310 : vector<1x16xf32> to vector<16xf32>
        %swap3A_312 = vector.shape_cast %select_n3A_306 : vector<16xf32> to vector<1x16xf32>
        tpu.vector_store %arg11[%swap3A_308, %swap3A_309], %swap3A_312 {strides = array<i32>} : memref<8x128xf32, #tpu.memory_space<vmem>>, vector<1x16xf32>,
        %add3A_313 = arith.constant 0 : i32
        %add3A_314 = arith.addi %multiple_of3A_66, %add3A_313 : i32
        %get3A_315 = arith.index_cast %add3A_314 : i32 to index
        %get3A_316 = arith.constant 112 : index
        %get3A_317 = tpu.vector_load %arg7[%get3A_315, %get3A_316] {strides = array<i32>} : memref<328x128xf32, #tpu.memory_space<vmem>>, vector<1x16xf32>,
        %get3A_318 = vector.shape_cast %get3A_317 : vector<1x16xf32> to vector<16xf32>
        %gt3A_319 = arith.constant 0 : i32
        %gt3A_320 = arith.cmpi sgt, %and3A_68, %gt3A_319 : i32
        %select_n3A_321 = arith.select %gt3A_320, %get3A_318, %broadcast_in_dim3A_6 : vector<16xf32>
        %swap3A_322 = arith.constant 0 : i32
        %swap3A_323 = arith.index_cast %swap3A_322 : i32 to index
        %swap3A_324 = arith.constant 112 : index
        %swap3A_325 = tpu.vector_load %arg11[%swap3A_323, %swap3A_324] {strides = array<i32>} : memref<8x128xf32, #tpu.memory_space<vmem>>, vector<1x16xf32>,
        %swap3A_326 = vector.shape_cast %swap3A_325 : vector<1x16xf32> to vector<16xf32>
        %swap3A_327 = vector.shape_cast %select_n3A_321 : vector<16xf32> to vector<1x16xf32>
        tpu.vector_store %arg11[%swap3A_323, %swap3A_324], %swap3A_327 {strides = array<i32>} : memref<8x128xf32, #tpu.memory_space<vmem>>, vector<1x16xf32>,
        %add3A_328 = arith.constant 1 : i32
        %add3A_329 = arith.addi %multiple_of3A_66, %add3A_328 : i32
        %get3A_330 = arith.index_cast %add3A_329 : i32 to index
        %get3A_331 = arith.constant 0 : index
        %get3A_332 = tpu.vector_load %arg7[%get3A_330, %get3A_331] {strides = array<i32>} : memref<328x128xf32, #tpu.memory_space<vmem>>, vector<1x16xf32>,
        %get3A_333 = vector.shape_cast %get3A_332 : vector<1x16xf32> to vector<16xf32>
        %gt3A_334 = arith.constant 1 : i32
        %gt3A_335 = arith.cmpi sgt, %and3A_68, %gt3A_334 : i32
        %select_n3A_336 = arith.select %gt3A_335, %get3A_333, %broadcast_in_dim3A_6 : vector<16xf32>
        %swap3A_337 = arith.constant 1 : i32
        %swap3A_338 = arith.index_cast %swap3A_337 : i32 to index
        %swap3A_339 = arith.constant 0 : index
        %swap3A_340 = tpu.vector_load %arg11[%swap3A_338, %swap3A_339] {strides = array<i32>} : memref<8x128xf32, #tpu.memory_space<vmem>>, vector<1x16xf32>,
        %swap3A_341 = vector.shape_cast %swap3A_340 : vector<1x16xf32> to vector<16xf32>
        %swap3A_342 = vector.shape_cast %select_n3A_336 : vector<16xf32> to vector<1x16xf32>
        tpu.vector_store %arg11[%swap3A_338, %swap3A_339], %swap3A_342 {strides = array<i32>} : memref<8x128xf32, #tpu.memory_space<vmem>>, vector<1x16xf32>,
        %add3A_343 = arith.constant 1 : i32
        %add3A_344 = arith.addi %multiple_of3A_66, %add3A_343 : i32
        %get3A_345 = arith.index_cast %add3A_344 : i32 to index
        %get3A_346 = arith.constant 16 : index
        %get3A_347 = tpu.vector_load %arg7[%get3A_345, %get3A_346] {strides = array<i32>} : memref<328x128xf32, #tpu.memory_space<vmem>>, vector<1x16xf32>,
        %get3A_348 = vector.shape_cast %get3A_347 : vector<1x16xf32> to vector<16xf32>
        %gt3A_349 = arith.constant 1 : i32
        %gt3A_350 = arith.cmpi sgt, %and3A_68, %gt3A_349 : i32
        %select_n3A_351 = arith.select %gt3A_350, %get3A_348, %broadcast_in_dim3A_6 : vector<16xf32>
        %swap3A_352 = arith.constant 1 : i32
        %swap3A_353 = arith.index_cast %swap3A_352 : i32 to index
        %swap3A_354 = arith.constant 16 : index
        %swap3A_355 = tpu.vector_load %arg11[%swap3A_353, %swap3A_354] {strides = array<i32>} : memref<8x128xf32, #tpu.memory_space<vmem>>, vector<1x16xf32>,
        %swap3A_356 = vector.shape_cast %swap3A_355 : vector<1x16xf32> to vector<16xf32>
        %swap3A_357 = vector.shape_cast %select_n3A_351 : vector<16xf32> to vector<1x16xf32>
        tpu.vector_store %arg11[%swap3A_353, %swap3A_354], %swap3A_357 {strides = array<i32>} : memref<8x128xf32, #tpu.memory_space<vmem>>, vector<1x16xf32>,
        %add3A_358 = arith.constant 1 : i32
        %add3A_359 = arith.addi %multiple_of3A_66, %add3A_358 : i32
        %get3A_360 = arith.index_cast %add3A_359 : i32 to index
        %get3A_361 = arith.constant 32 : index
        %get3A_362 = tpu.vector_load %arg7[%get3A_360, %get3A_361] {strides = array<i32>} : memref<328x128xf32, #tpu.memory_space<vmem>>, vector<1x16xf32>,
        %get3A_363 = vector.shape_cast %get3A_362 : vector<1x16xf32> to vector<16xf32>
        %gt3A_364 = arith.constant 1 : i32
        %gt3A_365 = arith.cmpi sgt, %and3A_68, %gt3A_364 : i32
        %select_n3A_366 = arith.select %gt3A_365, %get3A_363, %broadcast_in_dim3A_6 : vector<16xf32>
        %swap3A_367 = arith.constant 1 : i32
        %swap3A_368 = arith.index_cast %swap3A_367 : i32 to index
        %swap3A_369 = arith.constant 32 : index
        %swap3A_370 = tpu.vector_load %arg11[%swap3A_368, %swap3A_369] {strides = array<i32>} : memref<8x128xf32, #tpu.memory_space<vmem>>, vector<1x16xf32>,
        %swap3A_371 = vector.shape_cast %swap3A_370 : vector<1x16xf32> to vector<16xf32>
        %swap3A_372 = vector.shape_cast %select_n3A_366 : vector<16xf32> to vector<1x16xf32>
        tpu.vector_store %arg11[%swap3A_368, %swap3A_369], %swap3A_372 {strides = array<i32>} : memref<8x128xf32, #tpu.memory_space<vmem>>, vector<1x16xf32>,
        %add3A_373 = arith.constant 1 : i32
        %add3A_374 = arith.addi %multiple_of3A_66, %add3A_373 : i32
        %get3A_375 = arith.index_cast %add3A_374 : i32 to index
        %get3A_376 = arith.constant 48 : index
        %get3A_377 = tpu.vector_load %arg7[%get3A_375, %get3A_376] {strides = array<i32>} : memref<328x128xf32, #tpu.memory_space<vmem>>, vector<1x16xf32>,
        %get3A_378 = vector.shape_cast %get3A_377 : vector<1x16xf32> to vector<16xf32>
        %gt3A_379 = arith.constant 1 : i32
        %gt3A_380 = arith.cmpi sgt, %and3A_68, %gt3A_379 : i32
        %select_n3A_381 = arith.select %gt3A_380, %get3A_378, %broadcast_in_dim3A_6 : vector<16xf32>
        %swap3A_382 = arith.constant 1 : i32
        %swap3A_383 = arith.index_cast %swap3A_382 : i32 to index
        %swap3A_384 = arith.constant 48 : index
        %swap3A_385 = tpu.vector_load %arg11[%swap3A_383, %swap3A_384] {strides = array<i32>} : memref<8x128xf32, #tpu.memory_space<vmem>>, vector<1x16xf32>,
        %swap3A_386 = vector.shape_cast %swap3A_385 : vector<1x16xf32> to vector<16xf32>
        %swap3A_387 = vector.shape_cast %select_n3A_381 : vector<16xf32> to vector<1x16xf32>
        tpu.vector_store %arg11[%swap3A_383, %swap3A_384], %swap3A_387 {strides = array<i32>} : memref<8x128xf32, #tpu.memory_space<vmem>>, vector<1x16xf32>,
        %add3A_388 = arith.constant 1 : i32
        %add3A_389 = arith.addi %multiple_of3A_66, %add3A_388 : i32
        %get3A_390 = arith.index_cast %add3A_389 : i32 to index
        %get3A_391 = arith.constant 64 : index
        %get3A_392 = tpu.vector_load %arg7[%get3A_390, %get3A_391] {strides = array<i32>} : memref<328x128xf32, #tpu.memory_space<vmem>>, vector<1x16xf32>,
        %get3A_393 = vector.shape_cast %get3A_392 : vector<1x16xf32> to vector<16xf32>
        %gt3A_394 = arith.constant 1 : i32
        %gt3A_395 = arith.cmpi sgt, %and3A_68, %gt3A_394 : i32
        %select_n3A_396 = arith.select %gt3A_395, %get3A_393, %broadcast_in_dim3A_6 : vector<16xf32>
        %swap3A_397 = arith.constant 1 : i32
        %swap3A_398 = arith.index_cast %swap3A_397 : i32 to index
        %swap3A_399 = arith.constant 64 : index
        %swap3A_400 = tpu.vector_load %arg11[%swap3A_398, %swap3A_399] {strides = array<i32>} : memref<8x128xf32, #tpu.memory_space<vmem>>, vector<1x16xf32>,
        %swap3A_401 = vector.shape_cast %swap3A_400 : vector<1x16xf32> to vector<16xf32>
        %swap3A_402 = vector.shape_cast %select_n3A_396 : vector<16xf32> to vector<1x16xf32>
        tpu.vector_store %arg11[%swap3A_398, %swap3A_399], %swap3A_402 {strides = array<i32>} : memref<8x128xf32, #tpu.memory_space<vmem>>, vector<1x16xf32>,
        %add3A_403 = arith.constant 1 : i32
        %add3A_404 = arith.addi %multiple_of3A_66, %add3A_403 : i32
        %get3A_405 = arith.index_cast %add3A_404 : i32 to index
        %get3A_406 = arith.constant 80 : index
        %get3A_407 = tpu.vector_load %arg7[%get3A_405, %get3A_406] {strides = array<i32>} : memref<328x128xf32, #tpu.memory_space<vmem>>, vector<1x16xf32>,
        %get3A_408 = vector.shape_cast %get3A_407 : vector<1x16xf32> to vector<16xf32>
        %gt3A_409 = arith.constant 1 : i32
        %gt3A_410 = arith.cmpi sgt, %and3A_68, %gt3A_409 : i32
        %select_n3A_411 = arith.select %gt3A_410, %get3A_408, %broadcast_in_dim3A_6 : vector<16xf32>
        %swap3A_412 = arith.constant 1 : i32
        %swap3A_413 = arith.index_cast %swap3A_412 : i32 to index
        %swap3A_414 = arith.constant 80 : index
        %swap3A_415 = tpu.vector_load %arg11[%swap3A_413, %swap3A_414] {strides = array<i32>} : memref<8x128xf32, #tpu.memory_space<vmem>>, vector<1x16xf32>,
        %swap3A_416 = vector.shape_cast %swap3A_415 : vector<1x16xf32> to vector<16xf32>
        %swap3A_417 = vector.shape_cast %select_n3A_411 : vector<16xf32> to vector<1x16xf32>
        tpu.vector_store %arg11[%swap3A_413, %swap3A_414], %swap3A_417 {strides = array<i32>} : memref<8x128xf32, #tpu.memory_space<vmem>>, vector<1x16xf32>,
        %add3A_418 = arith.constant 1 : i32
        %add3A_419 = arith.addi %multiple_of3A_66, %add3A_418 : i32
        %get3A_420 = arith.index_cast %add3A_419 : i32 to index
        %get3A_421 = arith.constant 96 : index
        %get3A_422 = tpu.vector_load %arg7[%get3A_420, %get3A_421] {strides = array<i32>} : memref<328x128xf32, #tpu.memory_space<vmem>>, vector<1x16xf32>,
        %get3A_423 = vector.shape_cast %get3A_422 : vector<1x16xf32> to vector<16xf32>
        %gt3A_424 = arith.constant 1 : i32
        %gt3A_425 = arith.cmpi sgt, %and3A_68, %gt3A_424 : i32
        %select_n3A_426 = arith.select %gt3A_425, %get3A_423, %broadcast_in_dim3A_6 : vector<16xf32>
        %swap3A_427 = arith.constant 1 : i32
        %swap3A_428 = arith.index_cast %swap3A_427 : i32 to index
        %swap3A_429 = arith.constant 96 : index
        %swap3A_430 = tpu.vector_load %arg11[%swap3A_428, %swap3A_429] {strides = array<i32>} : memref<8x128xf32, #tpu.memory_space<vmem>>, vector<1x16xf32>,
        %swap3A_431 = vector.shape_cast %swap3A_430 : vector<1x16xf32> to vector<16xf32>
        %swap3A_432 = vector.shape_cast %select_n3A_426 : vector<16xf32> to vector<1x16xf32>
        tpu.vector_store %arg11[%swap3A_428, %swap3A_429], %swap3A_432 {strides = array<i32>} : memref<8x128xf32, #tpu.memory_space<vmem>>, vector<1x16xf32>,
        %add3A_433 = arith.constant 1 : i32
        %add3A_434 = arith.addi %multiple_of3A_66, %add3A_433 : i32
        %get3A_435 = arith.index_cast %add3A_434 : i32 to index
        %get3A_436 = arith.constant 112 : index
        %get3A_437 = tpu.vector_load %arg7[%get3A_435, %get3A_436] {strides = array<i32>} : memref<328x128xf32, #tpu.memory_space<vmem>>, vector<1x16xf32>,
        %get3A_438 = vector.shape_cast %get3A_437 : vector<1x16xf32> to vector<16xf32>
        %gt3A_439 = arith.constant 1 : i32
        %gt3A_440 = arith.cmpi sgt, %and3A_68, %gt3A_439 : i32
        %select_n3A_441 = arith.select %gt3A_440, %get3A_438, %broadcast_in_dim3A_6 : vector<16xf32>
        %swap3A_442 = arith.constant 1 : i32
        %swap3A_443 = arith.index_cast %swap3A_442 : i32 to index
        %swap3A_444 = arith.constant 112 : index
        %swap3A_445 = tpu.vector_load %arg11[%swap3A_443, %swap3A_444] {strides = array<i32>} : memref<8x128xf32, #tpu.memory_space<vmem>>, vector<1x16xf32>,
        %swap3A_446 = vector.shape_cast %swap3A_445 : vector<1x16xf32> to vector<16xf32>
        %swap3A_447 = vector.shape_cast %select_n3A_441 : vector<16xf32> to vector<1x16xf32>
        tpu.vector_store %arg11[%swap3A_443, %swap3A_444], %swap3A_447 {strides = array<i32>} : memref<8x128xf32, #tpu.memory_space<vmem>>, vector<1x16xf32>,
        %add3A_448 = arith.constant 2 : i32
        %add3A_449 = arith.addi %multiple_of3A_66, %add3A_448 : i32
        %get3A_450 = arith.index_cast %add3A_449 : i32 to index
        %get3A_451 = arith.constant 0 : index
        %get3A_452 = tpu.vector_load %arg7[%get3A_450, %get3A_451] {strides = array<i32>} : memref<328x128xf32, #tpu.memory_space<vmem>>, vector<1x16xf32>,
        %get3A_453 = vector.shape_cast %get3A_452 : vector<1x16xf32> to vector<16xf32>
        %gt3A_454 = arith.constant 2 : i32
        %gt3A_455 = arith.cmpi sgt, %and3A_68, %gt3A_454 : i32
        %select_n3A_456 = arith.select %gt3A_455, %get3A_453, %broadcast_in_dim3A_6 : vector<16xf32>
        %swap3A_457 = arith.constant 2 : i32
        %swap3A_458 = arith.index_cast %swap3A_457 : i32 to index
        %swap3A_459 = arith.constant 0 : index
        %swap3A_460 = tpu.vector_load %arg11[%swap3A_458, %swap3A_459] {strides = array<i32>} : memref<8x128xf32, #tpu.memory_space<vmem>>, vector<1x16xf32>,
        %swap3A_461 = vector.shape_cast %swap3A_460 : vector<1x16xf32> to vector<16xf32>
        %swap3A_462 = vector.shape_cast %select_n3A_456 : vector<16xf32> to vector<1x16xf32>
        tpu.vector_store %arg11[%swap3A_458, %swap3A_459], %swap3A_462 {strides = array<i32>} : memref<8x128xf32, #tpu.memory_space<vmem>>, vector<1x16xf32>,
        %add3A_463 = arith.constant 2 : i32
        %add3A_464 = arith.addi %multiple_of3A_66, %add3A_463 : i32
        %get3A_465 = arith.index_cast %add3A_464 : i32 to index
        %get3A_466 = arith.constant 16 : index
        %get3A_467 = tpu.vector_load %arg7[%get3A_465, %get3A_466] {strides = array<i32>} : memref<328x128xf32, #tpu.memory_space<vmem>>, vector<1x16xf32>,
        %get3A_468 = vector.shape_cast %get3A_467 : vector<1x16xf32> to vector<16xf32>
        %gt3A_469 = arith.constant 2 : i32
        %gt3A_470 = arith.cmpi sgt, %and3A_68, %gt3A_469 : i32
        %select_n3A_471 = arith.select %gt3A_470, %get3A_468, %broadcast_in_dim3A_6 : vector<16xf32>
        %swap3A_472 = arith.constant 2 : i32
        %swap3A_473 = arith.index_cast %swap3A_472 : i32 to index
        %swap3A_474 = arith.constant 16 : index
        %swap3A_475 = tpu.vector_load %arg11[%swap3A_473, %swap3A_474] {strides = array<i32>} : memref<8x128xf32, #tpu.memory_space<vmem>>, vector<1x16xf32>,
        %swap3A_476 = vector.shape_cast %swap3A_475 : vector<1x16xf32> to vector<16xf32>
        %swap3A_477 = vector.shape_cast %select_n3A_471 : vector<16xf32> to vector<1x16xf32>
        tpu.vector_store %arg11[%swap3A_473, %swap3A_474], %swap3A_477 {strides = array<i32>} : memref<8x128xf32, #tpu.memory_space<vmem>>, vector<1x16xf32>,
        %add3A_478 = arith.constant 2 : i32
        %add3A_479 = arith.addi %multiple_of3A_66, %add3A_478 : i32
        %get3A_480 = arith.index_cast %add3A_479 : i32 to index
        %get3A_481 = arith.constant 32 : index
        %get3A_482 = tpu.vector_load %arg7[%get3A_480, %get3A_481] {strides = array<i32>} : memref<328x128xf32, #tpu.memory_space<vmem>>, vector<1x16xf32>,
        %get3A_483 = vector.shape_cast %get3A_482 : vector<1x16xf32> to vector<16xf32>
        %gt3A_484 = arith.constant 2 : i32
        %gt3A_485 = arith.cmpi sgt, %and3A_68, %gt3A_484 : i32
        %select_n3A_486 = arith.select %gt3A_485, %get3A_483, %broadcast_in_dim3A_6 : vector<16xf32>
        %swap3A_487 = arith.constant 2 : i32
        %swap3A_488 = arith.index_cast %swap3A_487 : i32 to index
        %swap3A_489 = arith.constant 32 : index
        %swap3A_490 = tpu.vector_load %arg11[%swap3A_488, %swap3A_489] {strides = array<i32>} : memref<8x128xf32, #tpu.memory_space<vmem>>, vector<1x16xf32>,
        %swap3A_491 = vector.shape_cast %swap3A_490 : vector<1x16xf32> to vector<16xf32>
        %swap3A_492 = vector.shape_cast %select_n3A_486 : vector<16xf32> to vector<1x16xf32>
        tpu.vector_store %arg11[%swap3A_488, %swap3A_489], %swap3A_492 {strides = array<i32>} : memref<8x128xf32, #tpu.memory_space<vmem>>, vector<1x16xf32>,
        %add3A_493 = arith.constant 2 : i32
        %add3A_494 = arith.addi %multiple_of3A_66, %add3A_493 : i32
        %get3A_495 = arith.index_cast %add3A_494 : i32 to index
        %get3A_496 = arith.constant 48 : index
        %get3A_497 = tpu.vector_load %arg7[%get3A_495, %get3A_496] {strides = array<i32>} : memref<328x128xf32, #tpu.memory_space<vmem>>, vector<1x16xf32>,
        %get3A_498 = vector.shape_cast %get3A_497 : vector<1x16xf32> to vector<16xf32>
        %gt3A_499 = arith.constant 2 : i32
        %gt3A_500 = arith.cmpi sgt, %and3A_68, %gt3A_499 : i32
        %select_n3A_501 = arith.select %gt3A_500, %get3A_498, %broadcast_in_dim3A_6 : vector<16xf32>
        %swap3A_502 = arith.constant 2 : i32
        %swap3A_503 = arith.index_cast %swap3A_502 : i32 to index
        %swap3A_504 = arith.constant 48 : index
        %swap3A_505 = tpu.vector_load %arg11[%swap3A_503, %swap3A_504] {strides = array<i32>} : memref<8x128xf32, #tpu.memory_space<vmem>>, vector<1x16xf32>,
        %swap3A_506 = vector.shape_cast %swap3A_505 : vector<1x16xf32> to vector<16xf32>
        %swap3A_507 = vector.shape_cast %select_n3A_501 : vector<16xf32> to vector<1x16xf32>
        tpu.vector_store %arg11[%swap3A_503, %swap3A_504], %swap3A_507 {strides = array<i32>} : memref<8x128xf32, #tpu.memory_space<vmem>>, vector<1x16xf32>,
        %add3A_508 = arith.constant 2 : i32
        %add3A_509 = arith.addi %multiple_of3A_66, %add3A_508 : i32
        %get3A_510 = arith.index_cast %add3A_509 : i32 to index
        %get3A_511 = arith.constant 64 : index
        %get3A_512 = tpu.vector_load %arg7[%get3A_510, %get3A_511] {strides = array<i32>} : memref<328x128xf32, #tpu.memory_space<vmem>>, vector<1x16xf32>,
        %get3A_513 = vector.shape_cast %get3A_512 : vector<1x16xf32> to vector<16xf32>
        %gt3A_514 = arith.constant 2 : i32
        %gt3A_515 = arith.cmpi sgt, %and3A_68, %gt3A_514 : i32
        %select_n3A_516 = arith.select %gt3A_515, %get3A_513, %broadcast_in_dim3A_6 : vector<16xf32>
        %swap3A_517 = arith.constant 2 : i32
        %swap3A_518 = arith.index_cast %swap3A_517 : i32 to index
        %swap3A_519 = arith.constant 64 : index
        %swap3A_520 = tpu.vector_load %arg11[%swap3A_518, %swap3A_519] {strides = array<i32>} : memref<8x128xf32, #tpu.memory_space<vmem>>, vector<1x16xf32>,
        %swap3A_521 = vector.shape_cast %swap3A_520 : vector<1x16xf32> to vector<16xf32>
        %swap3A_522 = vector.shape_cast %select_n3A_516 : vector<16xf32> to vector<1x16xf32>
        tpu.vector_store %arg11[%swap3A_518, %swap3A_519], %swap3A_522 {strides = array<i32>} : memref<8x128xf32, #tpu.memory_space<vmem>>, vector<1x16xf32>,
        %add3A_523 = arith.constant 2 : i32
        %add3A_524 = arith.addi %multiple_of3A_66, %add3A_523 : i32
        %get3A_525 = arith.index_cast %add3A_524 : i32 to index
        %get3A_526 = arith.constant 80 : index
        %get3A_527 = tpu.vector_load %arg7[%get3A_525, %get3A_526] {strides = array<i32>} : memref<328x128xf32, #tpu.memory_space<vmem>>, vector<1x16xf32>,
        %get3A_528 = vector.shape_cast %get3A_527 : vector<1x16xf32> to vector<16xf32>
        %gt3A_529 = arith.constant 2 : i32
        %gt3A_530 = arith.cmpi sgt, %and3A_68, %gt3A_529 : i32
        %select_n3A_531 = arith.select %gt3A_530, %get3A_528, %broadcast_in_dim3A_6 : vector<16xf32>
        %swap3A_532 = arith.constant 2 : i32
        %swap3A_533 = arith.index_cast %swap3A_532 : i32 to index
        %swap3A_534 = arith.constant 80 : index
        %swap3A_535 = tpu.vector_load %arg11[%swap3A_533, %swap3A_534] {strides = array<i32>} : memref<8x128xf32, #tpu.memory_space<vmem>>, vector<1x16xf32>,
        %swap3A_536 = vector.shape_cast %swap3A_535 : vector<1x16xf32> to vector<16xf32>
        %swap3A_537 = vector.shape_cast %select_n3A_531 : vector<16xf32> to vector<1x16xf32>
        tpu.vector_store %arg11[%swap3A_533, %swap3A_534], %swap3A_537 {strides = array<i32>} : memref<8x128xf32, #tpu.memory_space<vmem>>, vector<1x16xf32>,
        %add3A_538 = arith.constant 2 : i32
        %add3A_539 = arith.addi %multiple_of3A_66, %add3A_538 : i32
        %get3A_540 = arith.index_cast %add3A_539 : i32 to index
        %get3A_541 = arith.constant 96 : index
        %get3A_542 = tpu.vector_load %arg7[%get3A_540, %get3A_541] {strides = array<i32>} : memref<328x128xf32, #tpu.memory_space<vmem>>, vector<1x16xf32>,
        %get3A_543 = vector.shape_cast %get3A_542 : vector<1x16xf32> to vector<16xf32>
        %gt3A_544 = arith.constant 2 : i32
        %gt3A_545 = arith.cmpi sgt, %and3A_68, %gt3A_544 : i32
        %select_n3A_546 = arith.select %gt3A_545, %get3A_543, %broadcast_in_dim3A_6 : vector<16xf32>
        %swap3A_547 = arith.constant 2 : i32
        %swap3A_548 = arith.index_cast %swap3A_547 : i32 to index
        %swap3A_549 = arith.constant 96 : index
        %swap3A_550 = tpu.vector_load %arg11[%swap3A_548, %swap3A_549] {strides = array<i32>} : memref<8x128xf32, #tpu.memory_space<vmem>>, vector<1x16xf32>,
        %swap3A_551 = vector.shape_cast %swap3A_550 : vector<1x16xf32> to vector<16xf32>
        %swap3A_552 = vector.shape_cast %select_n3A_546 : vector<16xf32> to vector<1x16xf32>
        tpu.vector_store %arg11[%swap3A_548, %swap3A_549], %swap3A_552 {strides = array<i32>} : memref<8x128xf32, #tpu.memory_space<vmem>>, vector<1x16xf32>,
        %add3A_553 = arith.constant 2 : i32
        %add3A_554 = arith.addi %multiple_of3A_66, %add3A_553 : i32
        %get3A_555 = arith.index_cast %add3A_554 : i32 to index
        %get3A_556 = arith.constant 112 : index
        %get3A_557 = tpu.vector_load %arg7[%get3A_555, %get3A_556] {strides = array<i32>} : memref<328x128xf32, #tpu.memory_space<vmem>>, vector<1x16xf32>,
        %get3A_558 = vector.shape_cast %get3A_557 : vector<1x16xf32> to vector<16xf32>
        %gt3A_559 = arith.constant 2 : i32
        %gt3A_560 = arith.cmpi sgt, %and3A_68, %gt3A_559 : i32
        %select_n3A_561 = arith.select %gt3A_560, %get3A_558, %broadcast_in_dim3A_6 : vector<16xf32>
        %swap3A_562 = arith.constant 2 : i32
        %swap3A_563 = arith.index_cast %swap3A_562 : i32 to index
        %swap3A_564 = arith.constant 112 : index
        %swap3A_565 = tpu.vector_load %arg11[%swap3A_563, %swap3A_564] {strides = array<i32>} : memref<8x128xf32, #tpu.memory_space<vmem>>, vector<1x16xf32>,
        %swap3A_566 = vector.shape_cast %swap3A_565 : vector<1x16xf32> to vector<16xf32>
        %swap3A_567 = vector.shape_cast %select_n3A_561 : vector<16xf32> to vector<1x16xf32>
        tpu.vector_store %arg11[%swap3A_563, %swap3A_564], %swap3A_567 {strides = array<i32>} : memref<8x128xf32, #tpu.memory_space<vmem>>, vector<1x16xf32>,
        %add3A_568 = arith.constant 3 : i32
        %add3A_569 = arith.addi %multiple_of3A_66, %add3A_568 : i32
        %get3A_570 = arith.index_cast %add3A_569 : i32 to index
        %get3A_571 = arith.constant 0 : index
        %get3A_572 = tpu.vector_load %arg7[%get3A_570, %get3A_571] {strides = array<i32>} : memref<328x128xf32, #tpu.memory_space<vmem>>, vector<1x16xf32>,
        %get3A_573 = vector.shape_cast %get3A_572 : vector<1x16xf32> to vector<16xf32>
        %gt3A_574 = arith.constant 3 : i32
        %gt3A_575 = arith.cmpi sgt, %and3A_68, %gt3A_574 : i32
        %select_n3A_576 = arith.select %gt3A_575, %get3A_573, %broadcast_in_dim3A_6 : vector<16xf32>
        %swap3A_577 = arith.constant 3 : i32
        %swap3A_578 = arith.index_cast %swap3A_577 : i32 to index
        %swap3A_579 = arith.constant 0 : index
        %swap3A_580 = tpu.vector_load %arg11[%swap3A_578, %swap3A_579] {strides = array<i32>} : memref<8x128xf32, #tpu.memory_space<vmem>>, vector<1x16xf32>,
        %swap3A_581 = vector.shape_cast %swap3A_580 : vector<1x16xf32> to vector<16xf32>
        %swap3A_582 = vector.shape_cast %select_n3A_576 : vector<16xf32> to vector<1x16xf32>
        tpu.vector_store %arg11[%swap3A_578, %swap3A_579], %swap3A_582 {strides = array<i32>} : memref<8x128xf32, #tpu.memory_space<vmem>>, vector<1x16xf32>,
        %add3A_583 = arith.constant 3 : i32
        %add3A_584 = arith.addi %multiple_of3A_66, %add3A_583 : i32
        %get3A_585 = arith.index_cast %add3A_584 : i32 to index
        %get3A_586 = arith.constant 16 : index
        %get3A_587 = tpu.vector_load %arg7[%get3A_585, %get3A_586] {strides = array<i32>} : memref<328x128xf32, #tpu.memory_space<vmem>>, vector<1x16xf32>,
        %get3A_588 = vector.shape_cast %get3A_587 : vector<1x16xf32> to vector<16xf32>
        %gt3A_589 = arith.constant 3 : i32
        %gt3A_590 = arith.cmpi sgt, %and3A_68, %gt3A_589 : i32
        %select_n3A_591 = arith.select %gt3A_590, %get3A_588, %broadcast_in_dim3A_6 : vector<16xf32>
        %swap3A_592 = arith.constant 3 : i32
        %swap3A_593 = arith.index_cast %swap3A_592 : i32 to index
        %swap3A_594 = arith.constant 16 : index
        %swap3A_595 = tpu.vector_load %arg11[%swap3A_593, %swap3A_594] {strides = array<i32>} : memref<8x128xf32, #tpu.memory_space<vmem>>, vector<1x16xf32>,
        %swap3A_596 = vector.shape_cast %swap3A_595 : vector<1x16xf32> to vector<16xf32>
        %swap3A_597 = vector.shape_cast %select_n3A_591 : vector<16xf32> to vector<1x16xf32>
        tpu.vector_store %arg11[%swap3A_593, %swap3A_594], %swap3A_597 {strides = array<i32>} : memref<8x128xf32, #tpu.memory_space<vmem>>, vector<1x16xf32>,
        %add3A_598 = arith.constant 3 : i32
        %add3A_599 = arith.addi %multiple_of3A_66, %add3A_598 : i32
        %get3A_600 = arith.index_cast %add3A_599 : i32 to index
        %get3A_601 = arith.constant 32 : index
        %get3A_602 = tpu.vector_load %arg7[%get3A_600, %get3A_601] {strides = array<i32>} : memref<328x128xf32, #tpu.memory_space<vmem>>, vector<1x16xf32>,
        %get3A_603 = vector.shape_cast %get3A_602 : vector<1x16xf32> to vector<16xf32>
        %gt3A_604 = arith.constant 3 : i32
        %gt3A_605 = arith.cmpi sgt, %and3A_68, %gt3A_604 : i32
        %select_n3A_606 = arith.select %gt3A_605, %get3A_603, %broadcast_in_dim3A_6 : vector<16xf32>
        %swap3A_607 = arith.constant 3 : i32
        %swap3A_608 = arith.index_cast %swap3A_607 : i32 to index
        %swap3A_609 = arith.constant 32 : index
        %swap3A_610 = tpu.vector_load %arg11[%swap3A_608, %swap3A_609] {strides = array<i32>} : memref<8x128xf32, #tpu.memory_space<vmem>>, vector<1x16xf32>,
        %swap3A_611 = vector.shape_cast %swap3A_610 : vector<1x16xf32> to vector<16xf32>
        %swap3A_612 = vector.shape_cast %select_n3A_606 : vector<16xf32> to vector<1x16xf32>
        tpu.vector_store %arg11[%swap3A_608, %swap3A_609], %swap3A_612 {strides = array<i32>} : memref<8x128xf32, #tpu.memory_space<vmem>>, vector<1x16xf32>,
        %add3A_613 = arith.constant 3 : i32
        %add3A_614 = arith.addi %multiple_of3A_66, %add3A_613 : i32
        %get3A_615 = arith.index_cast %add3A_614 : i32 to index
        %get3A_616 = arith.constant 48 : index
        %get3A_617 = tpu.vector_load %arg7[%get3A_615, %get3A_616] {strides = array<i32>} : memref<328x128xf32, #tpu.memory_space<vmem>>, vector<1x16xf32>,
        %get3A_618 = vector.shape_cast %get3A_617 : vector<1x16xf32> to vector<16xf32>
        %gt3A_619 = arith.constant 3 : i32
        %gt3A_620 = arith.cmpi sgt, %and3A_68, %gt3A_619 : i32
        %select_n3A_621 = arith.select %gt3A_620, %get3A_618, %broadcast_in_dim3A_6 : vector<16xf32>
        %swap3A_622 = arith.constant 3 : i32
        %swap3A_623 = arith.index_cast %swap3A_622 : i32 to index
        %swap3A_624 = arith.constant 48 : index
        %swap3A_625 = tpu.vector_load %arg11[%swap3A_623, %swap3A_624] {strides = array<i32>} : memref<8x128xf32, #tpu.memory_space<vmem>>, vector<1x16xf32>,
        %swap3A_626 = vector.shape_cast %swap3A_625 : vector<1x16xf32> to vector<16xf32>
        %swap3A_627 = vector.shape_cast %select_n3A_621 : vector<16xf32> to vector<1x16xf32>
        tpu.vector_store %arg11[%swap3A_623, %swap3A_624], %swap3A_627 {strides = array<i32>} : memref<8x128xf32, #tpu.memory_space<vmem>>, vector<1x16xf32>,
        %add3A_628 = arith.constant 3 : i32
        %add3A_629 = arith.addi %multiple_of3A_66, %add3A_628 : i32
        %get3A_630 = arith.index_cast %add3A_629 : i32 to index
        %get3A_631 = arith.constant 64 : index
        %get3A_632 = tpu.vector_load %arg7[%get3A_630, %get3A_631] {strides = array<i32>} : memref<328x128xf32, #tpu.memory_space<vmem>>, vector<1x16xf32>,
        %get3A_633 = vector.shape_cast %get3A_632 : vector<1x16xf32> to vector<16xf32>
        %gt3A_634 = arith.constant 3 : i32
        %gt3A_635 = arith.cmpi sgt, %and3A_68, %gt3A_634 : i32
        %select_n3A_636 = arith.select %gt3A_635, %get3A_633, %broadcast_in_dim3A_6 : vector<16xf32>
        %swap3A_637 = arith.constant 3 : i32
        %swap3A_638 = arith.index_cast %swap3A_637 : i32 to index
        %swap3A_639 = arith.constant 64 : index
        %swap3A_640 = tpu.vector_load %arg11[%swap3A_638, %swap3A_639] {strides = array<i32>} : memref<8x128xf32, #tpu.memory_space<vmem>>, vector<1x16xf32>,
        %swap3A_641 = vector.shape_cast %swap3A_640 : vector<1x16xf32> to vector<16xf32>
        %swap3A_642 = vector.shape_cast %select_n3A_636 : vector<16xf32> to vector<1x16xf32>
        tpu.vector_store %arg11[%swap3A_638, %swap3A_639], %swap3A_642 {strides = array<i32>} : memref<8x128xf32, #tpu.memory_space<vmem>>, vector<1x16xf32>,
        %add3A_643 = arith.constant 3 : i32
        %add3A_644 = arith.addi %multiple_of3A_66, %add3A_643 : i32
        %get3A_645 = arith.index_cast %add3A_644 : i32 to index
        %get3A_646 = arith.constant 80 : index
        %get3A_647 = tpu.vector_load %arg7[%get3A_645, %get3A_646] {strides = array<i32>} : memref<328x128xf32, #tpu.memory_space<vmem>>, vector<1x16xf32>,
        %get3A_648 = vector.shape_cast %get3A_647 : vector<1x16xf32> to vector<16xf32>
        %gt3A_649 = arith.constant 3 : i32
        %gt3A_650 = arith.cmpi sgt, %and3A_68, %gt3A_649 : i32
        %select_n3A_651 = arith.select %gt3A_650, %get3A_648, %broadcast_in_dim3A_6 : vector<16xf32>
        %swap3A_652 = arith.constant 3 : i32
        %swap3A_653 = arith.index_cast %swap3A_652 : i32 to index
        %swap3A_654 = arith.constant 80 : index
        %swap3A_655 = tpu.vector_load %arg11[%swap3A_653, %swap3A_654] {strides = array<i32>} : memref<8x128xf32, #tpu.memory_space<vmem>>, vector<1x16xf32>,
        %swap3A_656 = vector.shape_cast %swap3A_655 : vector<1x16xf32> to vector<16xf32>
        %swap3A_657 = vector.shape_cast %select_n3A_651 : vector<16xf32> to vector<1x16xf32>
        tpu.vector_store %arg11[%swap3A_653, %swap3A_654], %swap3A_657 {strides = array<i32>} : memref<8x128xf32, #tpu.memory_space<vmem>>, vector<1x16xf32>,
        %add3A_658 = arith.constant 3 : i32
        %add3A_659 = arith.addi %multiple_of3A_66, %add3A_658 : i32
        %get3A_660 = arith.index_cast %add3A_659 : i32 to index
        %get3A_661 = arith.constant 96 : index
        %get3A_662 = tpu.vector_load %arg7[%get3A_660, %get3A_661] {strides = array<i32>} : memref<328x128xf32, #tpu.memory_space<vmem>>, vector<1x16xf32>,
        %get3A_663 = vector.shape_cast %get3A_662 : vector<1x16xf32> to vector<16xf32>
        %gt3A_664 = arith.constant 3 : i32
        %gt3A_665 = arith.cmpi sgt, %and3A_68, %gt3A_664 : i32
        %select_n3A_666 = arith.select %gt3A_665, %get3A_663, %broadcast_in_dim3A_6 : vector<16xf32>
        %swap3A_667 = arith.constant 3 : i32
        %swap3A_668 = arith.index_cast %swap3A_667 : i32 to index
        %swap3A_669 = arith.constant 96 : index
        %swap3A_670 = tpu.vector_load %arg11[%swap3A_668, %swap3A_669] {strides = array<i32>} : memref<8x128xf32, #tpu.memory_space<vmem>>, vector<1x16xf32>,
        %swap3A_671 = vector.shape_cast %swap3A_670 : vector<1x16xf32> to vector<16xf32>
        %swap3A_672 = vector.shape_cast %select_n3A_666 : vector<16xf32> to vector<1x16xf32>
        tpu.vector_store %arg11[%swap3A_668, %swap3A_669], %swap3A_672 {strides = array<i32>} : memref<8x128xf32, #tpu.memory_space<vmem>>, vector<1x16xf32>,
        %add3A_673 = arith.constant 3 : i32
        %add3A_674 = arith.addi %multiple_of3A_66, %add3A_673 : i32
        %get3A_675 = arith.index_cast %add3A_674 : i32 to index
        %get3A_676 = arith.constant 112 : index
        %get3A_677 = tpu.vector_load %arg7[%get3A_675, %get3A_676] {strides = array<i32>} : memref<328x128xf32, #tpu.memory_space<vmem>>, vector<1x16xf32>,
        %get3A_678 = vector.shape_cast %get3A_677 : vector<1x16xf32> to vector<16xf32>
        %gt3A_679 = arith.constant 3 : i32
        %gt3A_680 = arith.cmpi sgt, %and3A_68, %gt3A_679 : i32
        %select_n3A_681 = arith.select %gt3A_680, %get3A_678, %broadcast_in_dim3A_6 : vector<16xf32>
        %swap3A_682 = arith.constant 3 : i32
        %swap3A_683 = arith.index_cast %swap3A_682 : i32 to index
        %swap3A_684 = arith.constant 112 : index
        %swap3A_685 = tpu.vector_load %arg11[%swap3A_683, %swap3A_684] {strides = array<i32>} : memref<8x128xf32, #tpu.memory_space<vmem>>, vector<1x16xf32>,
        %swap3A_686 = vector.shape_cast %swap3A_685 : vector<1x16xf32> to vector<16xf32>
        %swap3A_687 = vector.shape_cast %select_n3A_681 : vector<16xf32> to vector<1x16xf32>
        tpu.vector_store %arg11[%swap3A_683, %swap3A_684], %swap3A_687 {strides = array<i32>} : memref<8x128xf32, #tpu.memory_space<vmem>>, vector<1x16xf32>,
        %add3A_688 = arith.constant 4 : i32
        %add3A_689 = arith.addi %multiple_of3A_66, %add3A_688 : i32
        %get3A_690 = arith.index_cast %add3A_689 : i32 to index
        %get3A_691 = arith.constant 0 : index
        %get3A_692 = tpu.vector_load %arg7[%get3A_690, %get3A_691] {strides = array<i32>} : memref<328x128xf32, #tpu.memory_space<vmem>>, vector<1x16xf32>,
        %get3A_693 = vector.shape_cast %get3A_692 : vector<1x16xf32> to vector<16xf32>
        %gt3A_694 = arith.constant 4 : i32
        %gt3A_695 = arith.cmpi sgt, %and3A_68, %gt3A_694 : i32
        %select_n3A_696 = arith.select %gt3A_695, %get3A_693, %broadcast_in_dim3A_6 : vector<16xf32>
        %swap3A_697 = arith.constant 4 : i32
        %swap3A_698 = arith.index_cast %swap3A_697 : i32 to index
        %swap3A_699 = arith.constant 0 : index
        %swap3A_700 = tpu.vector_load %arg11[%swap3A_698, %swap3A_699] {strides = array<i32>} : memref<8x128xf32, #tpu.memory_space<vmem>>, vector<1x16xf32>,
        %swap3A_701 = vector.shape_cast %swap3A_700 : vector<1x16xf32> to vector<16xf32>
        %swap3A_702 = vector.shape_cast %select_n3A_696 : vector<16xf32> to vector<1x16xf32>
        tpu.vector_store %arg11[%swap3A_698, %swap3A_699], %swap3A_702 {strides = array<i32>} : memref<8x128xf32, #tpu.memory_space<vmem>>, vector<1x16xf32>,
        %add3A_703 = arith.constant 4 : i32
        %add3A_704 = arith.addi %multiple_of3A_66, %add3A_703 : i32
        %get3A_705 = arith.index_cast %add3A_704 : i32 to index
        %get3A_706 = arith.constant 16 : index
        %get3A_707 = tpu.vector_load %arg7[%get3A_705, %get3A_706] {strides = array<i32>} : memref<328x128xf32, #tpu.memory_space<vmem>>, vector<1x16xf32>,
        %get3A_708 = vector.shape_cast %get3A_707 : vector<1x16xf32> to vector<16xf32>
        %gt3A_709 = arith.constant 4 : i32
        %gt3A_710 = arith.cmpi sgt, %and3A_68, %gt3A_709 : i32
        %select_n3A_711 = arith.select %gt3A_710, %get3A_708, %broadcast_in_dim3A_6 : vector<16xf32>
        %swap3A_712 = arith.constant 4 : i32
        %swap3A_713 = arith.index_cast %swap3A_712 : i32 to index
        %swap3A_714 = arith.constant 16 : index
        %swap3A_715 = tpu.vector_load %arg11[%swap3A_713, %swap3A_714] {strides = array<i32>} : memref<8x128xf32, #tpu.memory_space<vmem>>, vector<1x16xf32>,
        %swap3A_716 = vector.shape_cast %swap3A_715 : vector<1x16xf32> to vector<16xf32>
        %swap3A_717 = vector.shape_cast %select_n3A_711 : vector<16xf32> to vector<1x16xf32>
        tpu.vector_store %arg11[%swap3A_713, %swap3A_714], %swap3A_717 {strides = array<i32>} : memref<8x128xf32, #tpu.memory_space<vmem>>, vector<1x16xf32>,
        %add3A_718 = arith.constant 4 : i32
        %add3A_719 = arith.addi %multiple_of3A_66, %add3A_718 : i32
        %get3A_720 = arith.index_cast %add3A_719 : i32 to index
        %get3A_721 = arith.constant 32 : index
        %get3A_722 = tpu.vector_load %arg7[%get3A_720, %get3A_721] {strides = array<i32>} : memref<328x128xf32, #tpu.memory_space<vmem>>, vector<1x16xf32>,
        %get3A_723 = vector.shape_cast %get3A_722 : vector<1x16xf32> to vector<16xf32>
        %gt3A_724 = arith.constant 4 : i32
        %gt3A_725 = arith.cmpi sgt, %and3A_68, %gt3A_724 : i32
        %select_n3A_726 = arith.select %gt3A_725, %get3A_723, %broadcast_in_dim3A_6 : vector<16xf32>
        %swap3A_727 = arith.constant 4 : i32
        %swap3A_728 = arith.index_cast %swap3A_727 : i32 to index
        %swap3A_729 = arith.constant 32 : index
        %swap3A_730 = tpu.vector_load %arg11[%swap3A_728, %swap3A_729] {strides = array<i32>} : memref<8x128xf32, #tpu.memory_space<vmem>>, vector<1x16xf32>,
        %swap3A_731 = vector.shape_cast %swap3A_730 : vector<1x16xf32> to vector<16xf32>
        %swap3A_732 = vector.shape_cast %select_n3A_726 : vector<16xf32> to vector<1x16xf32>
        tpu.vector_store %arg11[%swap3A_728, %swap3A_729], %swap3A_732 {strides = array<i32>} : memref<8x128xf32, #tpu.memory_space<vmem>>, vector<1x16xf32>,
        %add3A_733 = arith.constant 4 : i32
        %add3A_734 = arith.addi %multiple_of3A_66, %add3A_733 : i32
        %get3A_735 = arith.index_cast %add3A_734 : i32 to index
        %get3A_736 = arith.constant 48 : index
        %get3A_737 = tpu.vector_load %arg7[%get3A_735, %get3A_736] {strides = array<i32>} : memref<328x128xf32, #tpu.memory_space<vmem>>, vector<1x16xf32>,
        %get3A_738 = vector.shape_cast %get3A_737 : vector<1x16xf32> to vector<16xf32>
        %gt3A_739 = arith.constant 4 : i32
        %gt3A_740 = arith.cmpi sgt, %and3A_68, %gt3A_739 : i32
        %select_n3A_741 = arith.select %gt3A_740, %get3A_738, %broadcast_in_dim3A_6 : vector<16xf32>
        %swap3A_742 = arith.constant 4 : i32
        %swap3A_743 = arith.index_cast %swap3A_742 : i32 to index
        %swap3A_744 = arith.constant 48 : index
        %swap3A_745 = tpu.vector_load %arg11[%swap3A_743, %swap3A_744] {strides = array<i32>} : memref<8x128xf32, #tpu.memory_space<vmem>>, vector<1x16xf32>,
        %swap3A_746 = vector.shape_cast %swap3A_745 : vector<1x16xf32> to vector<16xf32>
        %swap3A_747 = vector.shape_cast %select_n3A_741 : vector<16xf32> to vector<1x16xf32>
        tpu.vector_store %arg11[%swap3A_743, %swap3A_744], %swap3A_747 {strides = array<i32>} : memref<8x128xf32, #tpu.memory_space<vmem>>, vector<1x16xf32>,
        %add3A_748 = arith.constant 4 : i32
        %add3A_749 = arith.addi %multiple_of3A_66, %add3A_748 : i32
        %get3A_750 = arith.index_cast %add3A_749 : i32 to index
        %get3A_751 = arith.constant 64 : index
        %get3A_752 = tpu.vector_load %arg7[%get3A_750, %get3A_751] {strides = array<i32>} : memref<328x128xf32, #tpu.memory_space<vmem>>, vector<1x16xf32>,
        %get3A_753 = vector.shape_cast %get3A_752 : vector<1x16xf32> to vector<16xf32>
        %gt3A_754 = arith.constant 4 : i32
        %gt3A_755 = arith.cmpi sgt, %and3A_68, %gt3A_754 : i32
        %select_n3A_756 = arith.select %gt3A_755, %get3A_753, %broadcast_in_dim3A_6 : vector<16xf32>
        %swap3A_757 = arith.constant 4 : i32
        %swap3A_758 = arith.index_cast %swap3A_757 : i32 to index
        %swap3A_759 = arith.constant 64 : index
        %swap3A_760 = tpu.vector_load %arg11[%swap3A_758, %swap3A_759] {strides = array<i32>} : memref<8x128xf32, #tpu.memory_space<vmem>>, vector<1x16xf32>,
        %swap3A_761 = vector.shape_cast %swap3A_760 : vector<1x16xf32> to vector<16xf32>
        %swap3A_762 = vector.shape_cast %select_n3A_756 : vector<16xf32> to vector<1x16xf32>
        tpu.vector_store %arg11[%swap3A_758, %swap3A_759], %swap3A_762 {strides = array<i32>} : memref<8x128xf32, #tpu.memory_space<vmem>>, vector<1x16xf32>,
        %add3A_763 = arith.constant 4 : i32
        %add3A_764 = arith.addi %multiple_of3A_66, %add3A_763 : i32
        %get3A_765 = arith.index_cast %add3A_764 : i32 to index
        %get3A_766 = arith.constant 80 : index
        %get3A_767 = tpu.vector_load %arg7[%get3A_765, %get3A_766] {strides = array<i32>} : memref<328x128xf32, #tpu.memory_space<vmem>>, vector<1x16xf32>,
        %get3A_768 = vector.shape_cast %get3A_767 : vector<1x16xf32> to vector<16xf32>
        %gt3A_769 = arith.constant 4 : i32
        %gt3A_770 = arith.cmpi sgt, %and3A_68, %gt3A_769 : i32
        %select_n3A_771 = arith.select %gt3A_770, %get3A_768, %broadcast_in_dim3A_6 : vector<16xf32>
        %swap3A_772 = arith.constant 4 : i32
        %swap3A_773 = arith.index_cast %swap3A_772 : i32 to index
        %swap3A_774 = arith.constant 80 : index
        %swap3A_775 = tpu.vector_load %arg11[%swap3A_773, %swap3A_774] {strides = array<i32>} : memref<8x128xf32, #tpu.memory_space<vmem>>, vector<1x16xf32>,
        %swap3A_776 = vector.shape_cast %swap3A_775 : vector<1x16xf32> to vector<16xf32>
        %swap3A_777 = vector.shape_cast %select_n3A_771 : vector<16xf32> to vector<1x16xf32>
        tpu.vector_store %arg11[%swap3A_773, %swap3A_774], %swap3A_777 {strides = array<i32>} : memref<8x128xf32, #tpu.memory_space<vmem>>, vector<1x16xf32>,
        %add3A_778 = arith.constant 4 : i32
        %add3A_779 = arith.addi %multiple_of3A_66, %add3A_778 : i32
        %get3A_780 = arith.index_cast %add3A_779 : i32 to index
        %get3A_781 = arith.constant 96 : index
        %get3A_782 = tpu.vector_load %arg7[%get3A_780, %get3A_781] {strides = array<i32>} : memref<328x128xf32, #tpu.memory_space<vmem>>, vector<1x16xf32>,
        %get3A_783 = vector.shape_cast %get3A_782 : vector<1x16xf32> to vector<16xf32>
        %gt3A_784 = arith.constant 4 : i32
        %gt3A_785 = arith.cmpi sgt, %and3A_68, %gt3A_784 : i32
        %select_n3A_786 = arith.select %gt3A_785, %get3A_783, %broadcast_in_dim3A_6 : vector<16xf32>
        %swap3A_787 = arith.constant 4 : i32
        %swap3A_788 = arith.index_cast %swap3A_787 : i32 to index
        %swap3A_789 = arith.constant 96 : index
        %swap3A_790 = tpu.vector_load %arg11[%swap3A_788, %swap3A_789] {strides = array<i32>} : memref<8x128xf32, #tpu.memory_space<vmem>>, vector<1x16xf32>,
        %swap3A_791 = vector.shape_cast %swap3A_790 : vector<1x16xf32> to vector<16xf32>
        %swap3A_792 = vector.shape_cast %select_n3A_786 : vector<16xf32> to vector<1x16xf32>
        tpu.vector_store %arg11[%swap3A_788, %swap3A_789], %swap3A_792 {strides = array<i32>} : memref<8x128xf32, #tpu.memory_space<vmem>>, vector<1x16xf32>,
        %add3A_793 = arith.constant 4 : i32
        %add3A_794 = arith.addi %multiple_of3A_66, %add3A_793 : i32
        %get3A_795 = arith.index_cast %add3A_794 : i32 to index
        %get3A_796 = arith.constant 112 : index
        %get3A_797 = tpu.vector_load %arg7[%get3A_795, %get3A_796] {strides = array<i32>} : memref<328x128xf32, #tpu.memory_space<vmem>>, vector<1x16xf32>,
        %get3A_798 = vector.shape_cast %get3A_797 : vector<1x16xf32> to vector<16xf32>
        %gt3A_799 = arith.constant 4 : i32
        %gt3A_800 = arith.cmpi sgt, %and3A_68, %gt3A_799 : i32
        %select_n3A_801 = arith.select %gt3A_800, %get3A_798, %broadcast_in_dim3A_6 : vector<16xf32>
        %swap3A_802 = arith.constant 4 : i32
        %swap3A_803 = arith.index_cast %swap3A_802 : i32 to index
        %swap3A_804 = arith.constant 112 : index
        %swap3A_805 = tpu.vector_load %arg11[%swap3A_803, %swap3A_804] {strides = array<i32>} : memref<8x128xf32, #tpu.memory_space<vmem>>, vector<1x16xf32>,
        %swap3A_806 = vector.shape_cast %swap3A_805 : vector<1x16xf32> to vector<16xf32>
        %swap3A_807 = vector.shape_cast %select_n3A_801 : vector<16xf32> to vector<1x16xf32>
        tpu.vector_store %arg11[%swap3A_803, %swap3A_804], %swap3A_807 {strides = array<i32>} : memref<8x128xf32, #tpu.memory_space<vmem>>, vector<1x16xf32>,
        %add3A_808 = arith.constant 5 : i32
        %add3A_809 = arith.addi %multiple_of3A_66, %add3A_808 : i32
        %get3A_810 = arith.index_cast %add3A_809 : i32 to index
        %get3A_811 = arith.constant 0 : index
        %get3A_812 = tpu.vector_load %arg7[%get3A_810, %get3A_811] {strides = array<i32>} : memref<328x128xf32, #tpu.memory_space<vmem>>, vector<1x16xf32>,
        %get3A_813 = vector.shape_cast %get3A_812 : vector<1x16xf32> to vector<16xf32>
        %gt3A_814 = arith.constant 5 : i32
        %gt3A_815 = arith.cmpi sgt, %and3A_68, %gt3A_814 : i32
        %select_n3A_816 = arith.select %gt3A_815, %get3A_813, %broadcast_in_dim3A_6 : vector<16xf32>
        %swap3A_817 = arith.constant 5 : i32
        %swap3A_818 = arith.index_cast %swap3A_817 : i32 to index
        %swap3A_819 = arith.constant 0 : index
        %swap3A_820 = tpu.vector_load %arg11[%swap3A_818, %swap3A_819] {strides = array<i32>} : memref<8x128xf32, #tpu.memory_space<vmem>>, vector<1x16xf32>,
        %swap3A_821 = vector.shape_cast %swap3A_820 : vector<1x16xf32> to vector<16xf32>
        %swap3A_822 = vector.shape_cast %select_n3A_816 : vector<16xf32> to vector<1x16xf32>
        tpu.vector_store %arg11[%swap3A_818, %swap3A_819], %swap3A_822 {strides = array<i32>} : memref<8x128xf32, #tpu.memory_space<vmem>>, vector<1x16xf32>,
        %add3A_823 = arith.constant 5 : i32
        %add3A_824 = arith.addi %multiple_of3A_66, %add3A_823 : i32
        %get3A_825 = arith.index_cast %add3A_824 : i32 to index
        %get3A_826 = arith.constant 16 : index
        %get3A_827 = tpu.vector_load %arg7[%get3A_825, %get3A_826] {strides = array<i32>} : memref<328x128xf32, #tpu.memory_space<vmem>>, vector<1x16xf32>,
        %get3A_828 = vector.shape_cast %get3A_827 : vector<1x16xf32> to vector<16xf32>
        %gt3A_829 = arith.constant 5 : i32
        %gt3A_830 = arith.cmpi sgt, %and3A_68, %gt3A_829 : i32
        %select_n3A_831 = arith.select %gt3A_830, %get3A_828, %broadcast_in_dim3A_6 : vector<16xf32>
        %swap3A_832 = arith.constant 5 : i32
        %swap3A_833 = arith.index_cast %swap3A_832 : i32 to index
        %swap3A_834 = arith.constant 16 : index
        %swap3A_835 = tpu.vector_load %arg11[%swap3A_833, %swap3A_834] {strides = array<i32>} : memref<8x128xf32, #tpu.memory_space<vmem>>, vector<1x16xf32>,
        %swap3A_836 = vector.shape_cast %swap3A_835 : vector<1x16xf32> to vector<16xf32>
        %swap3A_837 = vector.shape_cast %select_n3A_831 : vector<16xf32> to vector<1x16xf32>
        tpu.vector_store %arg11[%swap3A_833, %swap3A_834], %swap3A_837 {strides = array<i32>} : memref<8x128xf32, #tpu.memory_space<vmem>>, vector<1x16xf32>,
        %add3A_838 = arith.constant 5 : i32
        %add3A_839 = arith.addi %multiple_of3A_66, %add3A_838 : i32
        %get3A_840 = arith.index_cast %add3A_839 : i32 to index
        %get3A_841 = arith.constant 32 : index
        %get3A_842 = tpu.vector_load %arg7[%get3A_840, %get3A_841] {strides = array<i32>} : memref<328x128xf32, #tpu.memory_space<vmem>>, vector<1x16xf32>,
        %get3A_843 = vector.shape_cast %get3A_842 : vector<1x16xf32> to vector<16xf32>
        %gt3A_844 = arith.constant 5 : i32
        %gt3A_845 = arith.cmpi sgt, %and3A_68, %gt3A_844 : i32
        %select_n3A_846 = arith.select %gt3A_845, %get3A_843, %broadcast_in_dim3A_6 : vector<16xf32>
        %swap3A_847 = arith.constant 5 : i32
        %swap3A_848 = arith.index_cast %swap3A_847 : i32 to index
        %swap3A_849 = arith.constant 32 : index
        %swap3A_850 = tpu.vector_load %arg11[%swap3A_848, %swap3A_849] {strides = array<i32>} : memref<8x128xf32, #tpu.memory_space<vmem>>, vector<1x16xf32>,
        %swap3A_851 = vector.shape_cast %swap3A_850 : vector<1x16xf32> to vector<16xf32>
        %swap3A_852 = vector.shape_cast %select_n3A_846 : vector<16xf32> to vector<1x16xf32>
        tpu.vector_store %arg11[%swap3A_848, %swap3A_849], %swap3A_852 {strides = array<i32>} : memref<8x128xf32, #tpu.memory_space<vmem>>, vector<1x16xf32>,
        %add3A_853 = arith.constant 5 : i32
        %add3A_854 = arith.addi %multiple_of3A_66, %add3A_853 : i32
        %get3A_855 = arith.index_cast %add3A_854 : i32 to index
        %get3A_856 = arith.constant 48 : index
        %get3A_857 = tpu.vector_load %arg7[%get3A_855, %get3A_856] {strides = array<i32>} : memref<328x128xf32, #tpu.memory_space<vmem>>, vector<1x16xf32>,
        %get3A_858 = vector.shape_cast %get3A_857 : vector<1x16xf32> to vector<16xf32>
        %gt3A_859 = arith.constant 5 : i32
        %gt3A_860 = arith.cmpi sgt, %and3A_68, %gt3A_859 : i32
        %select_n3A_861 = arith.select %gt3A_860, %get3A_858, %broadcast_in_dim3A_6 : vector<16xf32>
        %swap3A_862 = arith.constant 5 : i32
        %swap3A_863 = arith.index_cast %swap3A_862 : i32 to index
        %swap3A_864 = arith.constant 48 : index
        %swap3A_865 = tpu.vector_load %arg11[%swap3A_863, %swap3A_864] {strides = array<i32>} : memref<8x128xf32, #tpu.memory_space<vmem>>, vector<1x16xf32>,
        %swap3A_866 = vector.shape_cast %swap3A_865 : vector<1x16xf32> to vector<16xf32>
        %swap3A_867 = vector.shape_cast %select_n3A_861 : vector<16xf32> to vector<1x16xf32>
        tpu.vector_store %arg11[%swap3A_863, %swap3A_864], %swap3A_867 {strides = array<i32>} : memref<8x128xf32, #tpu.memory_space<vmem>>, vector<1x16xf32>,
        %add3A_868 = arith.constant 5 : i32
        %add3A_869 = arith.addi %multiple_of3A_66, %add3A_868 : i32
        %get3A_870 = arith.index_cast %add3A_869 : i32 to index
        %get3A_871 = arith.constant 64 : index
        %get3A_872 = tpu.vector_load %arg7[%get3A_870, %get3A_871] {strides = array<i32>} : memref<328x128xf32, #tpu.memory_space<vmem>>, vector<1x16xf32>,
        %get3A_873 = vector.shape_cast %get3A_872 : vector<1x16xf32> to vector<16xf32>
        %gt3A_874 = arith.constant 5 : i32
        %gt3A_875 = arith.cmpi sgt, %and3A_68, %gt3A_874 : i32
        %select_n3A_876 = arith.select %gt3A_875, %get3A_873, %broadcast_in_dim3A_6 : vector<16xf32>
        %swap3A_877 = arith.constant 5 : i32
        %swap3A_878 = arith.index_cast %swap3A_877 : i32 to index
        %swap3A_879 = arith.constant 64 : index
        %swap3A_880 = tpu.vector_load %arg11[%swap3A_878, %swap3A_879] {strides = array<i32>} : memref<8x128xf32, #tpu.memory_space<vmem>>, vector<1x16xf32>,
        %swap3A_881 = vector.shape_cast %swap3A_880 : vector<1x16xf32> to vector<16xf32>
        %swap3A_882 = vector.shape_cast %select_n3A_876 : vector<16xf32> to vector<1x16xf32>
        tpu.vector_store %arg11[%swap3A_878, %swap3A_879], %swap3A_882 {strides = array<i32>} : memref<8x128xf32, #tpu.memory_space<vmem>>, vector<1x16xf32>,
        %add3A_883 = arith.constant 5 : i32
        %add3A_884 = arith.addi %multiple_of3A_66, %add3A_883 : i32
        %get3A_885 = arith.index_cast %add3A_884 : i32 to index
        %get3A_886 = arith.constant 80 : index
        %get3A_887 = tpu.vector_load %arg7[%get3A_885, %get3A_886] {strides = array<i32>} : memref<328x128xf32, #tpu.memory_space<vmem>>, vector<1x16xf32>,
        %get3A_888 = vector.shape_cast %get3A_887 : vector<1x16xf32> to vector<16xf32>
        %gt3A_889 = arith.constant 5 : i32
        %gt3A_890 = arith.cmpi sgt, %and3A_68, %gt3A_889 : i32
        %select_n3A_891 = arith.select %gt3A_890, %get3A_888, %broadcast_in_dim3A_6 : vector<16xf32>
        %swap3A_892 = arith.constant 5 : i32
        %swap3A_893 = arith.index_cast %swap3A_892 : i32 to index
        %swap3A_894 = arith.constant 80 : index
        %swap3A_895 = tpu.vector_load %arg11[%swap3A_893, %swap3A_894] {strides = array<i32>} : memref<8x128xf32, #tpu.memory_space<vmem>>, vector<1x16xf32>,
        %swap3A_896 = vector.shape_cast %swap3A_895 : vector<1x16xf32> to vector<16xf32>
        %swap3A_897 = vector.shape_cast %select_n3A_891 : vector<16xf32> to vector<1x16xf32>
        tpu.vector_store %arg11[%swap3A_893, %swap3A_894], %swap3A_897 {strides = array<i32>} : memref<8x128xf32, #tpu.memory_space<vmem>>, vector<1x16xf32>,
        %add3A_898 = arith.constant 5 : i32
        %add3A_899 = arith.addi %multiple_of3A_66, %add3A_898 : i32
        %get3A_900 = arith.index_cast %add3A_899 : i32 to index
        %get3A_901 = arith.constant 96 : index
        %get3A_902 = tpu.vector_load %arg7[%get3A_900, %get3A_901] {strides = array<i32>} : memref<328x128xf32, #tpu.memory_space<vmem>>, vector<1x16xf32>,
        %get3A_903 = vector.shape_cast %get3A_902 : vector<1x16xf32> to vector<16xf32>
        %gt3A_904 = arith.constant 5 : i32
        %gt3A_905 = arith.cmpi sgt, %and3A_68, %gt3A_904 : i32
        %select_n3A_906 = arith.select %gt3A_905, %get3A_903, %broadcast_in_dim3A_6 : vector<16xf32>
        %swap3A_907 = arith.constant 5 : i32
        %swap3A_908 = arith.index_cast %swap3A_907 : i32 to index
        %swap3A_909 = arith.constant 96 : index
        %swap3A_910 = tpu.vector_load %arg11[%swap3A_908, %swap3A_909] {strides = array<i32>} : memref<8x128xf32, #tpu.memory_space<vmem>>, vector<1x16xf32>,
        %swap3A_911 = vector.shape_cast %swap3A_910 : vector<1x16xf32> to vector<16xf32>
        %swap3A_912 = vector.shape_cast %select_n3A_906 : vector<16xf32> to vector<1x16xf32>
        tpu.vector_store %arg11[%swap3A_908, %swap3A_909], %swap3A_912 {strides = array<i32>} : memref<8x128xf32, #tpu.memory_space<vmem>>, vector<1x16xf32>,
        %add3A_913 = arith.constant 5 : i32
        %add3A_914 = arith.addi %multiple_of3A_66, %add3A_913 : i32
        %get3A_915 = arith.index_cast %add3A_914 : i32 to index
        %get3A_916 = arith.constant 112 : index
        %get3A_917 = tpu.vector_load %arg7[%get3A_915, %get3A_916] {strides = array<i32>} : memref<328x128xf32, #tpu.memory_space<vmem>>, vector<1x16xf32>,
        %get3A_918 = vector.shape_cast %get3A_917 : vector<1x16xf32> to vector<16xf32>
        %gt3A_919 = arith.constant 5 : i32
        %gt3A_920 = arith.cmpi sgt, %and3A_68, %gt3A_919 : i32
        %select_n3A_921 = arith.select %gt3A_920, %get3A_918, %broadcast_in_dim3A_6 : vector<16xf32>
        %swap3A_922 = arith.constant 5 : i32
        %swap3A_923 = arith.index_cast %swap3A_922 : i32 to index
        %swap3A_924 = arith.constant 112 : index
        %swap3A_925 = tpu.vector_load %arg11[%swap3A_923, %swap3A_924] {strides = array<i32>} : memref<8x128xf32, #tpu.memory_space<vmem>>, vector<1x16xf32>,
        %swap3A_926 = vector.shape_cast %swap3A_925 : vector<1x16xf32> to vector<16xf32>
        %swap3A_927 = vector.shape_cast %select_n3A_921 : vector<16xf32> to vector<1x16xf32>
        tpu.vector_store %arg11[%swap3A_923, %swap3A_924], %swap3A_927 {strides = array<i32>} : memref<8x128xf32, #tpu.memory_space<vmem>>, vector<1x16xf32>,
        %add3A_928 = arith.constant 6 : i32
        %add3A_929 = arith.addi %multiple_of3A_66, %add3A_928 : i32
        %get3A_930 = arith.index_cast %add3A_929 : i32 to index
        %get3A_931 = arith.constant 0 : index
        %get3A_932 = tpu.vector_load %arg7[%get3A_930, %get3A_931] {strides = array<i32>} : memref<328x128xf32, #tpu.memory_space<vmem>>, vector<1x16xf32>,
        %get3A_933 = vector.shape_cast %get3A_932 : vector<1x16xf32> to vector<16xf32>
        %gt3A_934 = arith.constant 6 : i32
        %gt3A_935 = arith.cmpi sgt, %and3A_68, %gt3A_934 : i32
        %select_n3A_936 = arith.select %gt3A_935, %get3A_933, %broadcast_in_dim3A_6 : vector<16xf32>
        %swap3A_937 = arith.constant 6 : i32
        %swap3A_938 = arith.index_cast %swap3A_937 : i32 to index
        %swap3A_939 = arith.constant 0 : index
        %swap3A_940 = tpu.vector_load %arg11[%swap3A_938, %swap3A_939] {strides = array<i32>} : memref<8x128xf32, #tpu.memory_space<vmem>>, vector<1x16xf32>,
        %swap3A_941 = vector.shape_cast %swap3A_940 : vector<1x16xf32> to vector<16xf32>
        %swap3A_942 = vector.shape_cast %select_n3A_936 : vector<16xf32> to vector<1x16xf32>
        tpu.vector_store %arg11[%swap3A_938, %swap3A_939], %swap3A_942 {strides = array<i32>} : memref<8x128xf32, #tpu.memory_space<vmem>>, vector<1x16xf32>,
        %add3A_943 = arith.constant 6 : i32
        %add3A_944 = arith.addi %multiple_of3A_66, %add3A_943 : i32
        %get3A_945 = arith.index_cast %add3A_944 : i32 to index
        %get3A_946 = arith.constant 16 : index
        %get3A_947 = tpu.vector_load %arg7[%get3A_945, %get3A_946] {strides = array<i32>} : memref<328x128xf32, #tpu.memory_space<vmem>>, vector<1x16xf32>,
        %get3A_948 = vector.shape_cast %get3A_947 : vector<1x16xf32> to vector<16xf32>
        %gt3A_949 = arith.constant 6 : i32
        %gt3A_950 = arith.cmpi sgt, %and3A_68, %gt3A_949 : i32
        %select_n3A_951 = arith.select %gt3A_950, %get3A_948, %broadcast_in_dim3A_6 : vector<16xf32>
        %swap3A_952 = arith.constant 6 : i32
        %swap3A_953 = arith.index_cast %swap3A_952 : i32 to index
        %swap3A_954 = arith.constant 16 : index
        %swap3A_955 = tpu.vector_load %arg11[%swap3A_953, %swap3A_954] {strides = array<i32>} : memref<8x128xf32, #tpu.memory_space<vmem>>, vector<1x16xf32>,
        %swap3A_956 = vector.shape_cast %swap3A_955 : vector<1x16xf32> to vector<16xf32>
        %swap3A_957 = vector.shape_cast %select_n3A_951 : vector<16xf32> to vector<1x16xf32>
        tpu.vector_store %arg11[%swap3A_953, %swap3A_954], %swap3A_957 {strides = array<i32>} : memref<8x128xf32, #tpu.memory_space<vmem>>, vector<1x16xf32>,
        %add3A_958 = arith.constant 6 : i32
        %add3A_959 = arith.addi %multiple_of3A_66, %add3A_958 : i32
        %get3A_960 = arith.index_cast %add3A_959 : i32 to index
        %get3A_961 = arith.constant 32 : index
        %get3A_962 = tpu.vector_load %arg7[%get3A_960, %get3A_961] {strides = array<i32>} : memref<328x128xf32, #tpu.memory_space<vmem>>, vector<1x16xf32>,
        %get3A_963 = vector.shape_cast %get3A_962 : vector<1x16xf32> to vector<16xf32>
        %gt3A_964 = arith.constant 6 : i32
        %gt3A_965 = arith.cmpi sgt, %and3A_68, %gt3A_964 : i32
        %select_n3A_966 = arith.select %gt3A_965, %get3A_963, %broadcast_in_dim3A_6 : vector<16xf32>
        %swap3A_967 = arith.constant 6 : i32
        %swap3A_968 = arith.index_cast %swap3A_967 : i32 to index
        %swap3A_969 = arith.constant 32 : index
        %swap3A_970 = tpu.vector_load %arg11[%swap3A_968, %swap3A_969] {strides = array<i32>} : memref<8x128xf32, #tpu.memory_space<vmem>>, vector<1x16xf32>,
        %swap3A_971 = vector.shape_cast %swap3A_970 : vector<1x16xf32> to vector<16xf32>
        %swap3A_972 = vector.shape_cast %select_n3A_966 : vector<16xf32> to vector<1x16xf32>
        tpu.vector_store %arg11[%swap3A_968, %swap3A_969], %swap3A_972 {strides = array<i32>} : memref<8x128xf32, #tpu.memory_space<vmem>>, vector<1x16xf32>,
        %add3A_973 = arith.constant 6 : i32
        %add3A_974 = arith.addi %multiple_of3A_66, %add3A_973 : i32
        %get3A_975 = arith.index_cast %add3A_974 : i32 to index
        %get3A_976 = arith.constant 48 : index
        %get3A_977 = tpu.vector_load %arg7[%get3A_975, %get3A_976] {strides = array<i32>} : memref<328x128xf32, #tpu.memory_space<vmem>>, vector<1x16xf32>,
        %get3A_978 = vector.shape_cast %get3A_977 : vector<1x16xf32> to vector<16xf32>
        %gt3A_979 = arith.constant 6 : i32
        %gt3A_980 = arith.cmpi sgt, %and3A_68, %gt3A_979 : i32
        %select_n3A_981 = arith.select %gt3A_980, %get3A_978, %broadcast_in_dim3A_6 : vector<16xf32>
        %swap3A_982 = arith.constant 6 : i32
        %swap3A_983 = arith.index_cast %swap3A_982 : i32 to index
        %swap3A_984 = arith.constant 48 : index
        %swap3A_985 = tpu.vector_load %arg11[%swap3A_983, %swap3A_984] {strides = array<i32>} : memref<8x128xf32, #tpu.memory_space<vmem>>, vector<1x16xf32>,
        %swap3A_986 = vector.shape_cast %swap3A_985 : vector<1x16xf32> to vector<16xf32>
        %swap3A_987 = vector.shape_cast %select_n3A_981 : vector<16xf32> to vector<1x16xf32>
        tpu.vector_store %arg11[%swap3A_983, %swap3A_984], %swap3A_987 {strides = array<i32>} : memref<8x128xf32, #tpu.memory_space<vmem>>, vector<1x16xf32>,
        %add3A_988 = arith.constant 6 : i32
        %add3A_989 = arith.addi %multiple_of3A_66, %add3A_988 : i32
        %get3A_990 = arith.index_cast %add3A_989 : i32 to index
        %get3A_991 = arith.constant 64 : index
        %get3A_992 = tpu.vector_load %arg7[%get3A_990, %get3A_991] {strides = array<i32>} : memref<328x128xf32, #tpu.memory_space<vmem>>, vector<1x16xf32>,
        %get3A_993 = vector.shape_cast %get3A_992 : vector<1x16xf32> to vector<16xf32>
        %gt3A_994 = arith.constant 6 : i32
        %gt3A_995 = arith.cmpi sgt, %and3A_68, %gt3A_994 : i32
        %select_n3A_996 = arith.select %gt3A_995, %get3A_993, %broadcast_in_dim3A_6 : vector<16xf32>
        %swap3A_997 = arith.constant 6 : i32
        %swap3A_998 = arith.index_cast %swap3A_997 : i32 to index
        %swap3A_999 = arith.constant 64 : index
        %swap3A_1000 = tpu.vector_load %arg11[%swap3A_998, %swap3A_999] {strides = array<i32>} : memref<8x128xf32, #tpu.memory_space<vmem>>, vector<1x16xf32>,
        %swap3A_1001 = vector.shape_cast %swap3A_1000 : vector<1x16xf32> to vector<16xf32>
        %swap3A_1002 = vector.shape_cast %select_n3A_996 : vector<16xf32> to vector<1x16xf32>
        tpu.vector_store %arg11[%swap3A_998, %swap3A_999], %swap3A_1002 {strides = array<i32>} : memref<8x128xf32, #tpu.memory_space<vmem>>, vector<1x16xf32>,
        %add3A_1003 = arith.constant 6 : i32
        %add3A_1004 = arith.addi %multiple_of3A_66, %add3A_1003 : i32
        %get3A_1005 = arith.index_cast %add3A_1004 : i32 to index
        %get3A_1006 = arith.constant 80 : index
        %get3A_1007 = tpu.vector_load %arg7[%get3A_1005, %get3A_1006] {strides = array<i32>} : memref<328x128xf32, #tpu.memory_space<vmem>>, vector<1x16xf32>,
        %get3A_1008 = vector.shape_cast %get3A_1007 : vector<1x16xf32> to vector<16xf32>
        %gt3A_1009 = arith.constant 6 : i32
        %gt3A_1010 = arith.cmpi sgt, %and3A_68, %gt3A_1009 : i32
        %select_n3A_1011 = arith.select %gt3A_1010, %get3A_1008, %broadcast_in_dim3A_6 : vector<16xf32>
        %swap3A_1012 = arith.constant 6 : i32
        %swap3A_1013 = arith.index_cast %swap3A_1012 : i32 to index
        %swap3A_1014 = arith.constant 80 : index
        %swap3A_1015 = tpu.vector_load %arg11[%swap3A_1013, %swap3A_1014] {strides = array<i32>} : memref<8x128xf32, #tpu.memory_space<vmem>>, vector<1x16xf32>,
        %swap3A_1016 = vector.shape_cast %swap3A_1015 : vector<1x16xf32> to vector<16xf32>
        %swap3A_1017 = vector.shape_cast %select_n3A_1011 : vector<16xf32> to vector<1x16xf32>
        tpu.vector_store %arg11[%swap3A_1013, %swap3A_1014], %swap3A_1017 {strides = array<i32>} : memref<8x128xf32, #tpu.memory_space<vmem>>, vector<1x16xf32>,
        %add3A_1018 = arith.constant 6 : i32
        %add3A_1019 = arith.addi %multiple_of3A_66, %add3A_1018 : i32
        %get3A_1020 = arith.index_cast %add3A_1019 : i32 to index
        %get3A_1021 = arith.constant 96 : index
        %get3A_1022 = tpu.vector_load %arg7[%get3A_1020, %get3A_1021] {strides = array<i32>} : memref<328x128xf32, #tpu.memory_space<vmem>>, vector<1x16xf32>,
        %get3A_1023 = vector.shape_cast %get3A_1022 : vector<1x16xf32> to vector<16xf32>
        %gt3A_1024 = arith.constant 6 : i32
        %gt3A_1025 = arith.cmpi sgt, %and3A_68, %gt3A_1024 : i32
        %select_n3A_1026 = arith.select %gt3A_1025, %get3A_1023, %broadcast_in_dim3A_6 : vector<16xf32>
        %swap3A_1027 = arith.constant 6 : i32
        %swap3A_1028 = arith.index_cast %swap3A_1027 : i32 to index
        %swap3A_1029 = arith.constant 96 : index
        %swap3A_1030 = tpu.vector_load %arg11[%swap3A_1028, %swap3A_1029] {strides = array<i32>} : memref<8x128xf32, #tpu.memory_space<vmem>>, vector<1x16xf32>,
        %swap3A_1031 = vector.shape_cast %swap3A_1030 : vector<1x16xf32> to vector<16xf32>
        %swap3A_1032 = vector.shape_cast %select_n3A_1026 : vector<16xf32> to vector<1x16xf32>
        tpu.vector_store %arg11[%swap3A_1028, %swap3A_1029], %swap3A_1032 {strides = array<i32>} : memref<8x128xf32, #tpu.memory_space<vmem>>, vector<1x16xf32>,
        %add3A_1033 = arith.constant 6 : i32
        %add3A_1034 = arith.addi %multiple_of3A_66, %add3A_1033 : i32
        %get3A_1035 = arith.index_cast %add3A_1034 : i32 to index
        %get3A_1036 = arith.constant 112 : index
        %get3A_1037 = tpu.vector_load %arg7[%get3A_1035, %get3A_1036] {strides = array<i32>} : memref<328x128xf32, #tpu.memory_space<vmem>>, vector<1x16xf32>,
        %get3A_1038 = vector.shape_cast %get3A_1037 : vector<1x16xf32> to vector<16xf32>
        %gt3A_1039 = arith.constant 6 : i32
        %gt3A_1040 = arith.cmpi sgt, %and3A_68, %gt3A_1039 : i32
        %select_n3A_1041 = arith.select %gt3A_1040, %get3A_1038, %broadcast_in_dim3A_6 : vector<16xf32>
        %swap3A_1042 = arith.constant 6 : i32
        %swap3A_1043 = arith.index_cast %swap3A_1042 : i32 to index
        %swap3A_1044 = arith.constant 112 : index
        %swap3A_1045 = tpu.vector_load %arg11[%swap3A_1043, %swap3A_1044] {strides = array<i32>} : memref<8x128xf32, #tpu.memory_space<vmem>>, vector<1x16xf32>,
        %swap3A_1046 = vector.shape_cast %swap3A_1045 : vector<1x16xf32> to vector<16xf32>
        %swap3A_1047 = vector.shape_cast %select_n3A_1041 : vector<16xf32> to vector<1x16xf32>
        tpu.vector_store %arg11[%swap3A_1043, %swap3A_1044], %swap3A_1047 {strides = array<i32>} : memref<8x128xf32, #tpu.memory_space<vmem>>, vector<1x16xf32>,
        %add3A_1048 = arith.constant 7 : i32
        %add3A_1049 = arith.addi %multiple_of3A_66, %add3A_1048 : i32
        %get3A_1050 = arith.index_cast %add3A_1049 : i32 to index
        %get3A_1051 = arith.constant 0 : index
        %get3A_1052 = tpu.vector_load %arg7[%get3A_1050, %get3A_1051] {strides = array<i32>} : memref<328x128xf32, #tpu.memory_space<vmem>>, vector<1x16xf32>,
        %get3A_1053 = vector.shape_cast %get3A_1052 : vector<1x16xf32> to vector<16xf32>
        %gt3A_1054 = arith.constant 7 : i32
        %gt3A_1055 = arith.cmpi sgt, %and3A_68, %gt3A_1054 : i32
        %select_n3A_1056 = arith.select %gt3A_1055, %get3A_1053, %broadcast_in_dim3A_6 : vector<16xf32>
        %swap3A_1057 = arith.constant 7 : i32
        %swap3A_1058 = arith.index_cast %swap3A_1057 : i32 to index
        %swap3A_1059 = arith.constant 0 : index
        %swap3A_1060 = tpu.vector_load %arg11[%swap3A_1058, %swap3A_1059] {strides = array<i32>} : memref<8x128xf32, #tpu.memory_space<vmem>>, vector<1x16xf32>,
        %swap3A_1061 = vector.shape_cast %swap3A_1060 : vector<1x16xf32> to vector<16xf32>
        %swap3A_1062 = vector.shape_cast %select_n3A_1056 : vector<16xf32> to vector<1x16xf32>
        tpu.vector_store %arg11[%swap3A_1058, %swap3A_1059], %swap3A_1062 {strides = array<i32>} : memref<8x128xf32, #tpu.memory_space<vmem>>, vector<1x16xf32>,
        %add3A_1063 = arith.constant 7 : i32
        %add3A_1064 = arith.addi %multiple_of3A_66, %add3A_1063 : i32
        %get3A_1065 = arith.index_cast %add3A_1064 : i32 to index
        %get3A_1066 = arith.constant 16 : index
        %get3A_1067 = tpu.vector_load %arg7[%get3A_1065, %get3A_1066] {strides = array<i32>} : memref<328x128xf32, #tpu.memory_space<vmem>>, vector<1x16xf32>,
        %get3A_1068 = vector.shape_cast %get3A_1067 : vector<1x16xf32> to vector<16xf32>
        %gt3A_1069 = arith.constant 7 : i32
        %gt3A_1070 = arith.cmpi sgt, %and3A_68, %gt3A_1069 : i32
        %select_n3A_1071 = arith.select %gt3A_1070, %get3A_1068, %broadcast_in_dim3A_6 : vector<16xf32>
        %swap3A_1072 = arith.constant 7 : i32
        %swap3A_1073 = arith.index_cast %swap3A_1072 : i32 to index
        %swap3A_1074 = arith.constant 16 : index
        %swap3A_1075 = tpu.vector_load %arg11[%swap3A_1073, %swap3A_1074] {strides = array<i32>} : memref<8x128xf32, #tpu.memory_space<vmem>>, vector<1x16xf32>,
        %swap3A_1076 = vector.shape_cast %swap3A_1075 : vector<1x16xf32> to vector<16xf32>
        %swap3A_1077 = vector.shape_cast %select_n3A_1071 : vector<16xf32> to vector<1x16xf32>
        tpu.vector_store %arg11[%swap3A_1073, %swap3A_1074], %swap3A_1077 {strides = array<i32>} : memref<8x128xf32, #tpu.memory_space<vmem>>, vector<1x16xf32>,
        %add3A_1078 = arith.constant 7 : i32
        %add3A_1079 = arith.addi %multiple_of3A_66, %add3A_1078 : i32
        %get3A_1080 = arith.index_cast %add3A_1079 : i32 to index
        %get3A_1081 = arith.constant 32 : index
        %get3A_1082 = tpu.vector_load %arg7[%get3A_1080, %get3A_1081] {strides = array<i32>} : memref<328x128xf32, #tpu.memory_space<vmem>>, vector<1x16xf32>,
        %get3A_1083 = vector.shape_cast %get3A_1082 : vector<1x16xf32> to vector<16xf32>
        %gt3A_1084 = arith.constant 7 : i32
        %gt3A_1085 = arith.cmpi sgt, %and3A_68, %gt3A_1084 : i32
        %select_n3A_1086 = arith.select %gt3A_1085, %get3A_1083, %broadcast_in_dim3A_6 : vector<16xf32>
        %swap3A_1087 = arith.constant 7 : i32
        %swap3A_1088 = arith.index_cast %swap3A_1087 : i32 to index
        %swap3A_1089 = arith.constant 32 : index
        %swap3A_1090 = tpu.vector_load %arg11[%swap3A_1088, %swap3A_1089] {strides = array<i32>} : memref<8x128xf32, #tpu.memory_space<vmem>>, vector<1x16xf32>,
        %swap3A_1091 = vector.shape_cast %swap3A_1090 : vector<1x16xf32> to vector<16xf32>
        %swap3A_1092 = vector.shape_cast %select_n3A_1086 : vector<16xf32> to vector<1x16xf32>
        tpu.vector_store %arg11[%swap3A_1088, %swap3A_1089], %swap3A_1092 {strides = array<i32>} : memref<8x128xf32, #tpu.memory_space<vmem>>, vector<1x16xf32>,
        %add3A_1093 = arith.constant 7 : i32
        %add3A_1094 = arith.addi %multiple_of3A_66, %add3A_1093 : i32
        %get3A_1095 = arith.index_cast %add3A_1094 : i32 to index
        %get3A_1096 = arith.constant 48 : index
        %get3A_1097 = tpu.vector_load %arg7[%get3A_1095, %get3A_1096] {strides = array<i32>} : memref<328x128xf32, #tpu.memory_space<vmem>>, vector<1x16xf32>,
        %get3A_1098 = vector.shape_cast %get3A_1097 : vector<1x16xf32> to vector<16xf32>
        %gt3A_1099 = arith.constant 7 : i32
        %gt3A_1100 = arith.cmpi sgt, %and3A_68, %gt3A_1099 : i32
        %select_n3A_1101 = arith.select %gt3A_1100, %get3A_1098, %broadcast_in_dim3A_6 : vector<16xf32>
        %swap3A_1102 = arith.constant 7 : i32
        %swap3A_1103 = arith.index_cast %swap3A_1102 : i32 to index
        %swap3A_1104 = arith.constant 48 : index
        %swap3A_1105 = tpu.vector_load %arg11[%swap3A_1103, %swap3A_1104] {strides = array<i32>} : memref<8x128xf32, #tpu.memory_space<vmem>>, vector<1x16xf32>,
        %swap3A_1106 = vector.shape_cast %swap3A_1105 : vector<1x16xf32> to vector<16xf32>
        %swap3A_1107 = vector.shape_cast %select_n3A_1101 : vector<16xf32> to vector<1x16xf32>
        tpu.vector_store %arg11[%swap3A_1103, %swap3A_1104], %swap3A_1107 {strides = array<i32>} : memref<8x128xf32, #tpu.memory_space<vmem>>, vector<1x16xf32>,
        %add3A_1108 = arith.constant 7 : i32
        %add3A_1109 = arith.addi %multiple_of3A_66, %add3A_1108 : i32
        %get3A_1110 = arith.index_cast %add3A_1109 : i32 to index
        %get3A_1111 = arith.constant 64 : index
        %get3A_1112 = tpu.vector_load %arg7[%get3A_1110, %get3A_1111] {strides = array<i32>} : memref<328x128xf32, #tpu.memory_space<vmem>>, vector<1x16xf32>,
        %get3A_1113 = vector.shape_cast %get3A_1112 : vector<1x16xf32> to vector<16xf32>
        %gt3A_1114 = arith.constant 7 : i32
        %gt3A_1115 = arith.cmpi sgt, %and3A_68, %gt3A_1114 : i32
        %select_n3A_1116 = arith.select %gt3A_1115, %get3A_1113, %broadcast_in_dim3A_6 : vector<16xf32>
        %swap3A_1117 = arith.constant 7 : i32
        %swap3A_1118 = arith.index_cast %swap3A_1117 : i32 to index
        %swap3A_1119 = arith.constant 64 : index
        %swap3A_1120 = tpu.vector_load %arg11[%swap3A_1118, %swap3A_1119] {strides = array<i32>} : memref<8x128xf32, #tpu.memory_space<vmem>>, vector<1x16xf32>,
        %swap3A_1121 = vector.shape_cast %swap3A_1120 : vector<1x16xf32> to vector<16xf32>
        %swap3A_1122 = vector.shape_cast %select_n3A_1116 : vector<16xf32> to vector<1x16xf32>
        tpu.vector_store %arg11[%swap3A_1118, %swap3A_1119], %swap3A_1122 {strides = array<i32>} : memref<8x128xf32, #tpu.memory_space<vmem>>, vector<1x16xf32>,
        %add3A_1123 = arith.constant 7 : i32
        %add3A_1124 = arith.addi %multiple_of3A_66, %add3A_1123 : i32
        %get3A_1125 = arith.index_cast %add3A_1124 : i32 to index
        %get3A_1126 = arith.constant 80 : index
        %get3A_1127 = tpu.vector_load %arg7[%get3A_1125, %get3A_1126] {strides = array<i32>} : memref<328x128xf32, #tpu.memory_space<vmem>>, vector<1x16xf32>,
        %get3A_1128 = vector.shape_cast %get3A_1127 : vector<1x16xf32> to vector<16xf32>
        %gt3A_1129 = arith.constant 7 : i32
        %gt3A_1130 = arith.cmpi sgt, %and3A_68, %gt3A_1129 : i32
        %select_n3A_1131 = arith.select %gt3A_1130, %get3A_1128, %broadcast_in_dim3A_6 : vector<16xf32>
        %swap3A_1132 = arith.constant 7 : i32
        %swap3A_1133 = arith.index_cast %swap3A_1132 : i32 to index
        %swap3A_1134 = arith.constant 80 : index
        %swap3A_1135 = tpu.vector_load %arg11[%swap3A_1133, %swap3A_1134] {strides = array<i32>} : memref<8x128xf32, #tpu.memory_space<vmem>>, vector<1x16xf32>,
        %swap3A_1136 = vector.shape_cast %swap3A_1135 : vector<1x16xf32> to vector<16xf32>
        %swap3A_1137 = vector.shape_cast %select_n3A_1131 : vector<16xf32> to vector<1x16xf32>
        tpu.vector_store %arg11[%swap3A_1133, %swap3A_1134], %swap3A_1137 {strides = array<i32>} : memref<8x128xf32, #tpu.memory_space<vmem>>, vector<1x16xf32>,
        %add3A_1138 = arith.constant 7 : i32
        %add3A_1139 = arith.addi %multiple_of3A_66, %add3A_1138 : i32
        %get3A_1140 = arith.index_cast %add3A_1139 : i32 to index
        %get3A_1141 = arith.constant 96 : index
        %get3A_1142 = tpu.vector_load %arg7[%get3A_1140, %get3A_1141] {strides = array<i32>} : memref<328x128xf32, #tpu.memory_space<vmem>>, vector<1x16xf32>,
        %get3A_1143 = vector.shape_cast %get3A_1142 : vector<1x16xf32> to vector<16xf32>
        %gt3A_1144 = arith.constant 7 : i32
        %gt3A_1145 = arith.cmpi sgt, %and3A_68, %gt3A_1144 : i32
        %select_n3A_1146 = arith.select %gt3A_1145, %get3A_1143, %broadcast_in_dim3A_6 : vector<16xf32>
        %swap3A_1147 = arith.constant 7 : i32
        %swap3A_1148 = arith.index_cast %swap3A_1147 : i32 to index
        %swap3A_1149 = arith.constant 96 : index
        %swap3A_1150 = tpu.vector_load %arg11[%swap3A_1148, %swap3A_1149] {strides = array<i32>} : memref<8x128xf32, #tpu.memory_space<vmem>>, vector<1x16xf32>,
        %swap3A_1151 = vector.shape_cast %swap3A_1150 : vector<1x16xf32> to vector<16xf32>
        %swap3A_1152 = vector.shape_cast %select_n3A_1146 : vector<16xf32> to vector<1x16xf32>
        tpu.vector_store %arg11[%swap3A_1148, %swap3A_1149], %swap3A_1152 {strides = array<i32>} : memref<8x128xf32, #tpu.memory_space<vmem>>, vector<1x16xf32>,
        %add3A_1153 = arith.constant 7 : i32
        %add3A_1154 = arith.addi %multiple_of3A_66, %add3A_1153 : i32
        %get3A_1155 = arith.index_cast %add3A_1154 : i32 to index
        %get3A_1156 = arith.constant 112 : index
        %get3A_1157 = tpu.vector_load %arg7[%get3A_1155, %get3A_1156] {strides = array<i32>} : memref<328x128xf32, #tpu.memory_space<vmem>>, vector<1x16xf32>,
        %get3A_1158 = vector.shape_cast %get3A_1157 : vector<1x16xf32> to vector<16xf32>
        %gt3A_1159 = arith.constant 7 : i32
        %gt3A_1160 = arith.cmpi sgt, %and3A_68, %gt3A_1159 : i32
        %select_n3A_1161 = arith.select %gt3A_1160, %get3A_1158, %broadcast_in_dim3A_6 : vector<16xf32>
        %swap3A_1162 = arith.constant 7 : i32
        %swap3A_1163 = arith.index_cast %swap3A_1162 : i32 to index
        %swap3A_1164 = arith.constant 112 : index
        %swap3A_1165 = tpu.vector_load %arg11[%swap3A_1163, %swap3A_1164] {strides = array<i32>} : memref<8x128xf32, #tpu.memory_space<vmem>>, vector<1x16xf32>,
        %swap3A_1166 = vector.shape_cast %swap3A_1165 : vector<1x16xf32> to vector<16xf32>
        %swap3A_1167 = vector.shape_cast %select_n3A_1161 : vector<16xf32> to vector<1x16xf32>
        tpu.vector_store %arg11[%swap3A_1163, %swap3A_1164], %swap3A_1167 {strides = array<i32>} : memref<8x128xf32, #tpu.memory_space<vmem>>, vector<1x16xf32>,
        %add3A_1168 = arith.addi %multiple_of3A_72, %multiple_of3A_66 : i32
        %multiple_of3A_1169 = tpu.assume_multiple %add3A_1168, 8 : i32
        %dma_start3A_1170 = arith.constant 0 : i32
        %dma_start3A_1171 = tpu.memref_slice %arg4[%multiple_of3A_1169, %dma_start3A_1170] : memref<204800x128xf32, #tpu.memory_space<hbm>> -> memref<8x128xf32, #tpu.memory_space<hbm>>
        %dma_start3A_1172 = arith.constant 0 : i32
        %dma_start3A_1173 = tpu.memref_slice %arg4[%multiple_of3A_1169, %dma_start3A_1172] : memref<204800x128xf32, #tpu.memory_space<hbm>> -> memref<8x128xf32, #tpu.memory_space<hbm>>
        tpu.enqueue_dma source(%arg11 : memref<8x128xf32, #tpu.memory_space<vmem>>) target(%dma_start3A_1173 : memref<8x128xf32, #tpu.memory_space<hbm>>) target_semaphore(%arg18 : memref<!tpu.dma_semaphore, #tpu.memory_space<semaphore_mem>>)
      } else {
      }
      %rem3A_139 = arith.constant 4 : i32
      %rem3A_140 = arith.remsi %scan3A_61, %rem3A_139 : i32
      %eq3A_141 = arith.constant 3 : i32
      %eq3A_142 = arith.cmpi eq, %rem3A_140, %eq3A_141 : i32
      %convert_element_type3A_143 = arith.extui %eq3A_142 : i1 to i32
      %cond3A_144 = arith.constant 0 : i32
      %cond3A_145 = arith.cmpi ne, %convert_element_type3A_143, %cond3A_144 : i32
      scf.if %cond3A_145 {
        %ge3A = arith.constant 4 : i32
        %ge3A_207 = arith.cmpi sge, %scan3A_61, %ge3A : i32
        %convert_element_type3A_208 = arith.extui %ge3A_207 : i1 to i32
        %cond3A_209 = arith.constant 0 : i32
        %cond3A_210 = arith.cmpi ne, %convert_element_type3A_208, %cond3A_209 : i32
        scf.if %cond3A_210 {
          %dma_wait3A_1174 = arith.constant 0 : i32
          %dma_wait3A_1175 = tpu.memref_slice %arg4[%multiple_of3A, %dma_wait3A_1174] : memref<204800x128xf32, #tpu.memory_space<hbm>> -> memref<8x128xf32, #tpu.memory_space<hbm>>
          %dma_wait3A_1176 = arith.constant 0 : i32
          %dma_wait3A_1177 = tpu.memref_slice %arg4[%multiple_of3A, %dma_wait3A_1176] : memref<204800x128xf32, #tpu.memory_space<hbm>> -> memref<8x128xf32, #tpu.memory_space<hbm>>
          tpu.wait_dma2 semaphore(%arg19 : memref<!tpu.dma_semaphore, #tpu.memory_space<semaphore_mem>>) src(%arg12 : memref<8x128xf32, #tpu.memory_space<vmem>>) dst(%dma_wait3A_1177 : memref<8x128xf32, #tpu.memory_space<hbm>>)
        } else {
        }
        %add3A_211 = arith.constant 0 : i32
        %add3A_212 = arith.addi %multiple_of3A_66, %add3A_211 : i32
        %get3A_213 = arith.index_cast %add3A_212 : i32 to index
        %get3A_214 = arith.constant 0 : index
        %get3A_215 = tpu.vector_load %arg7[%get3A_213, %get3A_214] {strides = array<i32>} : memref<328x128xf32, #tpu.memory_space<vmem>>, vector<1x16xf32>,
        %get3A_216 = vector.shape_cast %get3A_215 : vector<1x16xf32> to vector<16xf32>
        %gt3A = arith.constant 0 : i32
        %gt3A_217 = arith.cmpi sgt, %and3A_68, %gt3A : i32
        %select_n3A = arith.select %gt3A_217, %get3A_216, %broadcast_in_dim3A_6 : vector<16xf32>
        %swap3A = arith.constant 0 : i32
        %swap3A_218 = arith.index_cast %swap3A : i32 to index
        %swap3A_219 = arith.constant 0 : index
        %swap3A_220 = tpu.vector_load %arg12[%swap3A_218, %swap3A_219] {strides = array<i32>} : memref<8x128xf32, #tpu.memory_space<vmem>>, vector<1x16xf32>,
        %swap3A_221 = vector.shape_cast %swap3A_220 : vector<1x16xf32> to vector<16xf32>
        %swap3A_222 = vector.shape_cast %select_n3A : vector<16xf32> to vector<1x16xf32>
        tpu.vector_store %arg12[%swap3A_218, %swap3A_219], %swap3A_222 {strides = array<i32>} : memref<8x128xf32, #tpu.memory_space<vmem>>, vector<1x16xf32>,
        %add3A_223 = arith.constant 0 : i32
        %add3A_224 = arith.addi %multiple_of3A_66, %add3A_223 : i32
        %get3A_225 = arith.index_cast %add3A_224 : i32 to index
        %get3A_226 = arith.constant 16 : index
        %get3A_227 = tpu.vector_load %arg7[%get3A_225, %get3A_226] {strides = array<i32>} : memref<328x128xf32, #tpu.memory_space<vmem>>, vector<1x16xf32>,
        %get3A_228 = vector.shape_cast %get3A_227 : vector<1x16xf32> to vector<16xf32>
        %gt3A_229 = arith.constant 0 : i32
        %gt3A_230 = arith.cmpi sgt, %and3A_68, %gt3A_229 : i32
        %select_n3A_231 = arith.select %gt3A_230, %get3A_228, %broadcast_in_dim3A_6 : vector<16xf32>
        %swap3A_232 = arith.constant 0 : i32
        %swap3A_233 = arith.index_cast %swap3A_232 : i32 to index
        %swap3A_234 = arith.constant 16 : index
        %swap3A_235 = tpu.vector_load %arg12[%swap3A_233, %swap3A_234] {strides = array<i32>} : memref<8x128xf32, #tpu.memory_space<vmem>>, vector<1x16xf32>,
        %swap3A_236 = vector.shape_cast %swap3A_235 : vector<1x16xf32> to vector<16xf32>
        %swap3A_237 = vector.shape_cast %select_n3A_231 : vector<16xf32> to vector<1x16xf32>
        tpu.vector_store %arg12[%swap3A_233, %swap3A_234], %swap3A_237 {strides = array<i32>} : memref<8x128xf32, #tpu.memory_space<vmem>>, vector<1x16xf32>,
        %add3A_238 = arith.constant 0 : i32
        %add3A_239 = arith.addi %multiple_of3A_66, %add3A_238 : i32
        %get3A_240 = arith.index_cast %add3A_239 : i32 to index
        %get3A_241 = arith.constant 32 : index
        %get3A_242 = tpu.vector_load %arg7[%get3A_240, %get3A_241] {strides = array<i32>} : memref<328x128xf32, #tpu.memory_space<vmem>>, vector<1x16xf32>,
        %get3A_243 = vector.shape_cast %get3A_242 : vector<1x16xf32> to vector<16xf32>
        %gt3A_244 = arith.constant 0 : i32
        %gt3A_245 = arith.cmpi sgt, %and3A_68, %gt3A_244 : i32
        %select_n3A_246 = arith.select %gt3A_245, %get3A_243, %broadcast_in_dim3A_6 : vector<16xf32>
        %swap3A_247 = arith.constant 0 : i32
        %swap3A_248 = arith.index_cast %swap3A_247 : i32 to index
        %swap3A_249 = arith.constant 32 : index
        %swap3A_250 = tpu.vector_load %arg12[%swap3A_248, %swap3A_249] {strides = array<i32>} : memref<8x128xf32, #tpu.memory_space<vmem>>, vector<1x16xf32>,
        %swap3A_251 = vector.shape_cast %swap3A_250 : vector<1x16xf32> to vector<16xf32>
        %swap3A_252 = vector.shape_cast %select_n3A_246 : vector<16xf32> to vector<1x16xf32>
        tpu.vector_store %arg12[%swap3A_248, %swap3A_249], %swap3A_252 {strides = array<i32>} : memref<8x128xf32, #tpu.memory_space<vmem>>, vector<1x16xf32>,
        %add3A_253 = arith.constant 0 : i32
        %add3A_254 = arith.addi %multiple_of3A_66, %add3A_253 : i32
        %get3A_255 = arith.index_cast %add3A_254 : i32 to index
        %get3A_256 = arith.constant 48 : index
        %get3A_257 = tpu.vector_load %arg7[%get3A_255, %get3A_256] {strides = array<i32>} : memref<328x128xf32, #tpu.memory_space<vmem>>, vector<1x16xf32>,
        %get3A_258 = vector.shape_cast %get3A_257 : vector<1x16xf32> to vector<16xf32>
        %gt3A_259 = arith.constant 0 : i32
        %gt3A_260 = arith.cmpi sgt, %and3A_68, %gt3A_259 : i32
        %select_n3A_261 = arith.select %gt3A_260, %get3A_258, %broadcast_in_dim3A_6 : vector<16xf32>
        %swap3A_262 = arith.constant 0 : i32
        %swap3A_263 = arith.index_cast %swap3A_262 : i32 to index
        %swap3A_264 = arith.constant 48 : index
        %swap3A_265 = tpu.vector_load %arg12[%swap3A_263, %swap3A_264] {strides = array<i32>} : memref<8x128xf32, #tpu.memory_space<vmem>>, vector<1x16xf32>,
        %swap3A_266 = vector.shape_cast %swap3A_265 : vector<1x16xf32> to vector<16xf32>
        %swap3A_267 = vector.shape_cast %select_n3A_261 : vector<16xf32> to vector<1x16xf32>
        tpu.vector_store %arg12[%swap3A_263, %swap3A_264], %swap3A_267 {strides = array<i32>} : memref<8x128xf32, #tpu.memory_space<vmem>>, vector<1x16xf32>,
        %add3A_268 = arith.constant 0 : i32
        %add3A_269 = arith.addi %multiple_of3A_66, %add3A_268 : i32
        %get3A_270 = arith.index_cast %add3A_269 : i32 to index
        %get3A_271 = arith.constant 64 : index
        %get3A_272 = tpu.vector_load %arg7[%get3A_270, %get3A_271] {strides = array<i32>} : memref<328x128xf32, #tpu.memory_space<vmem>>, vector<1x16xf32>,
        %get3A_273 = vector.shape_cast %get3A_272 : vector<1x16xf32> to vector<16xf32>
        %gt3A_274 = arith.constant 0 : i32
        %gt3A_275 = arith.cmpi sgt, %and3A_68, %gt3A_274 : i32
        %select_n3A_276 = arith.select %gt3A_275, %get3A_273, %broadcast_in_dim3A_6 : vector<16xf32>
        %swap3A_277 = arith.constant 0 : i32
        %swap3A_278 = arith.index_cast %swap3A_277 : i32 to index
        %swap3A_279 = arith.constant 64 : index
        %swap3A_280 = tpu.vector_load %arg12[%swap3A_278, %swap3A_279] {strides = array<i32>} : memref<8x128xf32, #tpu.memory_space<vmem>>, vector<1x16xf32>,
        %swap3A_281 = vector.shape_cast %swap3A_280 : vector<1x16xf32> to vector<16xf32>
        %swap3A_282 = vector.shape_cast %select_n3A_276 : vector<16xf32> to vector<1x16xf32>
        tpu.vector_store %arg12[%swap3A_278, %swap3A_279], %swap3A_282 {strides = array<i32>} : memref<8x128xf32, #tpu.memory_space<vmem>>, vector<1x16xf32>,
        %add3A_283 = arith.constant 0 : i32
        %add3A_284 = arith.addi %multiple_of3A_66, %add3A_283 : i32
        %get3A_285 = arith.index_cast %add3A_284 : i32 to index
        %get3A_286 = arith.constant 80 : index
        %get3A_287 = tpu.vector_load %arg7[%get3A_285, %get3A_286] {strides = array<i32>} : memref<328x128xf32, #tpu.memory_space<vmem>>, vector<1x16xf32>,
        %get3A_288 = vector.shape_cast %get3A_287 : vector<1x16xf32> to vector<16xf32>
        %gt3A_289 = arith.constant 0 : i32
        %gt3A_290 = arith.cmpi sgt, %and3A_68, %gt3A_289 : i32
        %select_n3A_291 = arith.select %gt3A_290, %get3A_288, %broadcast_in_dim3A_6 : vector<16xf32>
        %swap3A_292 = arith.constant 0 : i32
        %swap3A_293 = arith.index_cast %swap3A_292 : i32 to index
        %swap3A_294 = arith.constant 80 : index
        %swap3A_295 = tpu.vector_load %arg12[%swap3A_293, %swap3A_294] {strides = array<i32>} : memref<8x128xf32, #tpu.memory_space<vmem>>, vector<1x16xf32>,
        %swap3A_296 = vector.shape_cast %swap3A_295 : vector<1x16xf32> to vector<16xf32>
        %swap3A_297 = vector.shape_cast %select_n3A_291 : vector<16xf32> to vector<1x16xf32>
        tpu.vector_store %arg12[%swap3A_293, %swap3A_294], %swap3A_297 {strides = array<i32>} : memref<8x128xf32, #tpu.memory_space<vmem>>, vector<1x16xf32>,
        %add3A_298 = arith.constant 0 : i32
        %add3A_299 = arith.addi %multiple_of3A_66, %add3A_298 : i32
        %get3A_300 = arith.index_cast %add3A_299 : i32 to index
        %get3A_301 = arith.constant 96 : index
        %get3A_302 = tpu.vector_load %arg7[%get3A_300, %get3A_301] {strides = array<i32>} : memref<328x128xf32, #tpu.memory_space<vmem>>, vector<1x16xf32>,
        %get3A_303 = vector.shape_cast %get3A_302 : vector<1x16xf32> to vector<16xf32>
        %gt3A_304 = arith.constant 0 : i32
        %gt3A_305 = arith.cmpi sgt, %and3A_68, %gt3A_304 : i32
        %select_n3A_306 = arith.select %gt3A_305, %get3A_303, %broadcast_in_dim3A_6 : vector<16xf32>
        %swap3A_307 = arith.constant 0 : i32
        %swap3A_308 = arith.index_cast %swap3A_307 : i32 to index
        %swap3A_309 = arith.constant 96 : index
        %swap3A_310 = tpu.vector_load %arg12[%swap3A_308, %swap3A_309] {strides = array<i32>} : memref<8x128xf32, #tpu.memory_space<vmem>>, vector<1x16xf32>,
        %swap3A_311 = vector.shape_cast %swap3A_310 : vector<1x16xf32> to vector<16xf32>
        %swap3A_312 = vector.shape_cast %select_n3A_306 : vector<16xf32> to vector<1x16xf32>
        tpu.vector_store %arg12[%swap3A_308, %swap3A_309], %swap3A_312 {strides = array<i32>} : memref<8x128xf32, #tpu.memory_space<vmem>>, vector<1x16xf32>,
        %add3A_313 = arith.constant 0 : i32
        %add3A_314 = arith.addi %multiple_of3A_66, %add3A_313 : i32
        %get3A_315 = arith.index_cast %add3A_314 : i32 to index
        %get3A_316 = arith.constant 112 : index
        %get3A_317 = tpu.vector_load %arg7[%get3A_315, %get3A_316] {strides = array<i32>} : memref<328x128xf32, #tpu.memory_space<vmem>>, vector<1x16xf32>,
        %get3A_318 = vector.shape_cast %get3A_317 : vector<1x16xf32> to vector<16xf32>
        %gt3A_319 = arith.constant 0 : i32
        %gt3A_320 = arith.cmpi sgt, %and3A_68, %gt3A_319 : i32
        %select_n3A_321 = arith.select %gt3A_320, %get3A_318, %broadcast_in_dim3A_6 : vector<16xf32>
        %swap3A_322 = arith.constant 0 : i32
        %swap3A_323 = arith.index_cast %swap3A_322 : i32 to index
        %swap3A_324 = arith.constant 112 : index
        %swap3A_325 = tpu.vector_load %arg12[%swap3A_323, %swap3A_324] {strides = array<i32>} : memref<8x128xf32, #tpu.memory_space<vmem>>, vector<1x16xf32>,
        %swap3A_326 = vector.shape_cast %swap3A_325 : vector<1x16xf32> to vector<16xf32>
        %swap3A_327 = vector.shape_cast %select_n3A_321 : vector<16xf32> to vector<1x16xf32>
        tpu.vector_store %arg12[%swap3A_323, %swap3A_324], %swap3A_327 {strides = array<i32>} : memref<8x128xf32, #tpu.memory_space<vmem>>, vector<1x16xf32>,
        %add3A_328 = arith.constant 1 : i32
        %add3A_329 = arith.addi %multiple_of3A_66, %add3A_328 : i32
        %get3A_330 = arith.index_cast %add3A_329 : i32 to index
        %get3A_331 = arith.constant 0 : index
        %get3A_332 = tpu.vector_load %arg7[%get3A_330, %get3A_331] {strides = array<i32>} : memref<328x128xf32, #tpu.memory_space<vmem>>, vector<1x16xf32>,
        %get3A_333 = vector.shape_cast %get3A_332 : vector<1x16xf32> to vector<16xf32>
        %gt3A_334 = arith.constant 1 : i32
        %gt3A_335 = arith.cmpi sgt, %and3A_68, %gt3A_334 : i32
        %select_n3A_336 = arith.select %gt3A_335, %get3A_333, %broadcast_in_dim3A_6 : vector<16xf32>
        %swap3A_337 = arith.constant 1 : i32
        %swap3A_338 = arith.index_cast %swap3A_337 : i32 to index
        %swap3A_339 = arith.constant 0 : index
        %swap3A_340 = tpu.vector_load %arg12[%swap3A_338, %swap3A_339] {strides = array<i32>} : memref<8x128xf32, #tpu.memory_space<vmem>>, vector<1x16xf32>,
        %swap3A_341 = vector.shape_cast %swap3A_340 : vector<1x16xf32> to vector<16xf32>
        %swap3A_342 = vector.shape_cast %select_n3A_336 : vector<16xf32> to vector<1x16xf32>
        tpu.vector_store %arg12[%swap3A_338, %swap3A_339], %swap3A_342 {strides = array<i32>} : memref<8x128xf32, #tpu.memory_space<vmem>>, vector<1x16xf32>,
        %add3A_343 = arith.constant 1 : i32
        %add3A_344 = arith.addi %multiple_of3A_66, %add3A_343 : i32
        %get3A_345 = arith.index_cast %add3A_344 : i32 to index
        %get3A_346 = arith.constant 16 : index
        %get3A_347 = tpu.vector_load %arg7[%get3A_345, %get3A_346] {strides = array<i32>} : memref<328x128xf32, #tpu.memory_space<vmem>>, vector<1x16xf32>,
        %get3A_348 = vector.shape_cast %get3A_347 : vector<1x16xf32> to vector<16xf32>
        %gt3A_349 = arith.constant 1 : i32
        %gt3A_350 = arith.cmpi sgt, %and3A_68, %gt3A_349 : i32
        %select_n3A_351 = arith.select %gt3A_350, %get3A_348, %broadcast_in_dim3A_6 : vector<16xf32>
        %swap3A_352 = arith.constant 1 : i32
        %swap3A_353 = arith.index_cast %swap3A_352 : i32 to index
        %swap3A_354 = arith.constant 16 : index
        %swap3A_355 = tpu.vector_load %arg12[%swap3A_353, %swap3A_354] {strides = array<i32>} : memref<8x128xf32, #tpu.memory_space<vmem>>, vector<1x16xf32>,
        %swap3A_356 = vector.shape_cast %swap3A_355 : vector<1x16xf32> to vector<16xf32>
        %swap3A_357 = vector.shape_cast %select_n3A_351 : vector<16xf32> to vector<1x16xf32>
        tpu.vector_store %arg12[%swap3A_353, %swap3A_354], %swap3A_357 {strides = array<i32>} : memref<8x128xf32, #tpu.memory_space<vmem>>, vector<1x16xf32>,
        %add3A_358 = arith.constant 1 : i32
        %add3A_359 = arith.addi %multiple_of3A_66, %add3A_358 : i32
        %get3A_360 = arith.index_cast %add3A_359 : i32 to index
        %get3A_361 = arith.constant 32 : index
        %get3A_362 = tpu.vector_load %arg7[%get3A_360, %get3A_361] {strides = array<i32>} : memref<328x128xf32, #tpu.memory_space<vmem>>, vector<1x16xf32>,
        %get3A_363 = vector.shape_cast %get3A_362 : vector<1x16xf32> to vector<16xf32>
        %gt3A_364 = arith.constant 1 : i32
        %gt3A_365 = arith.cmpi sgt, %and3A_68, %gt3A_364 : i32
        %select_n3A_366 = arith.select %gt3A_365, %get3A_363, %broadcast_in_dim3A_6 : vector<16xf32>
        %swap3A_367 = arith.constant 1 : i32
        %swap3A_368 = arith.index_cast %swap3A_367 : i32 to index
        %swap3A_369 = arith.constant 32 : index
        %swap3A_370 = tpu.vector_load %arg12[%swap3A_368, %swap3A_369] {strides = array<i32>} : memref<8x128xf32, #tpu.memory_space<vmem>>, vector<1x16xf32>,
        %swap3A_371 = vector.shape_cast %swap3A_370 : vector<1x16xf32> to vector<16xf32>
        %swap3A_372 = vector.shape_cast %select_n3A_366 : vector<16xf32> to vector<1x16xf32>
        tpu.vector_store %arg12[%swap3A_368, %swap3A_369], %swap3A_372 {strides = array<i32>} : memref<8x128xf32, #tpu.memory_space<vmem>>, vector<1x16xf32>,
        %add3A_373 = arith.constant 1 : i32
        %add3A_374 = arith.addi %multiple_of3A_66, %add3A_373 : i32
        %get3A_375 = arith.index_cast %add3A_374 : i32 to index
        %get3A_376 = arith.constant 48 : index
        %get3A_377 = tpu.vector_load %arg7[%get3A_375, %get3A_376] {strides = array<i32>} : memref<328x128xf32, #tpu.memory_space<vmem>>, vector<1x16xf32>,
        %get3A_378 = vector.shape_cast %get3A_377 : vector<1x16xf32> to vector<16xf32>
        %gt3A_379 = arith.constant 1 : i32
        %gt3A_380 = arith.cmpi sgt, %and3A_68, %gt3A_379 : i32
        %select_n3A_381 = arith.select %gt3A_380, %get3A_378, %broadcast_in_dim3A_6 : vector<16xf32>
        %swap3A_382 = arith.constant 1 : i32
        %swap3A_383 = arith.index_cast %swap3A_382 : i32 to index
        %swap3A_384 = arith.constant 48 : index
        %swap3A_385 = tpu.vector_load %arg12[%swap3A_383, %swap3A_384] {strides = array<i32>} : memref<8x128xf32, #tpu.memory_space<vmem>>, vector<1x16xf32>,
        %swap3A_386 = vector.shape_cast %swap3A_385 : vector<1x16xf32> to vector<16xf32>
        %swap3A_387 = vector.shape_cast %select_n3A_381 : vector<16xf32> to vector<1x16xf32>
        tpu.vector_store %arg12[%swap3A_383, %swap3A_384], %swap3A_387 {strides = array<i32>} : memref<8x128xf32, #tpu.memory_space<vmem>>, vector<1x16xf32>,
        %add3A_388 = arith.constant 1 : i32
        %add3A_389 = arith.addi %multiple_of3A_66, %add3A_388 : i32
        %get3A_390 = arith.index_cast %add3A_389 : i32 to index
        %get3A_391 = arith.constant 64 : index
        %get3A_392 = tpu.vector_load %arg7[%get3A_390, %get3A_391] {strides = array<i32>} : memref<328x128xf32, #tpu.memory_space<vmem>>, vector<1x16xf32>,
        %get3A_393 = vector.shape_cast %get3A_392 : vector<1x16xf32> to vector<16xf32>
        %gt3A_394 = arith.constant 1 : i32
        %gt3A_395 = arith.cmpi sgt, %and3A_68, %gt3A_394 : i32
        %select_n3A_396 = arith.select %gt3A_395, %get3A_393, %broadcast_in_dim3A_6 : vector<16xf32>
        %swap3A_397 = arith.constant 1 : i32
        %swap3A_398 = arith.index_cast %swap3A_397 : i32 to index
        %swap3A_399 = arith.constant 64 : index
        %swap3A_400 = tpu.vector_load %arg12[%swap3A_398, %swap3A_399] {strides = array<i32>} : memref<8x128xf32, #tpu.memory_space<vmem>>, vector<1x16xf32>,
        %swap3A_401 = vector.shape_cast %swap3A_400 : vector<1x16xf32> to vector<16xf32>
        %swap3A_402 = vector.shape_cast %select_n3A_396 : vector<16xf32> to vector<1x16xf32>
        tpu.vector_store %arg12[%swap3A_398, %swap3A_399], %swap3A_402 {strides = array<i32>} : memref<8x128xf32, #tpu.memory_space<vmem>>, vector<1x16xf32>,
        %add3A_403 = arith.constant 1 : i32
        %add3A_404 = arith.addi %multiple_of3A_66, %add3A_403 : i32
        %get3A_405 = arith.index_cast %add3A_404 : i32 to index
        %get3A_406 = arith.constant 80 : index
        %get3A_407 = tpu.vector_load %arg7[%get3A_405, %get3A_406] {strides = array<i32>} : memref<328x128xf32, #tpu.memory_space<vmem>>, vector<1x16xf32>,
        %get3A_408 = vector.shape_cast %get3A_407 : vector<1x16xf32> to vector<16xf32>
        %gt3A_409 = arith.constant 1 : i32
        %gt3A_410 = arith.cmpi sgt, %and3A_68, %gt3A_409 : i32
        %select_n3A_411 = arith.select %gt3A_410, %get3A_408, %broadcast_in_dim3A_6 : vector<16xf32>
        %swap3A_412 = arith.constant 1 : i32
        %swap3A_413 = arith.index_cast %swap3A_412 : i32 to index
        %swap3A_414 = arith.constant 80 : index
        %swap3A_415 = tpu.vector_load %arg12[%swap3A_413, %swap3A_414] {strides = array<i32>} : memref<8x128xf32, #tpu.memory_space<vmem>>, vector<1x16xf32>,
        %swap3A_416 = vector.shape_cast %swap3A_415 : vector<1x16xf32> to vector<16xf32>
        %swap3A_417 = vector.shape_cast %select_n3A_411 : vector<16xf32> to vector<1x16xf32>
        tpu.vector_store %arg12[%swap3A_413, %swap3A_414], %swap3A_417 {strides = array<i32>} : memref<8x128xf32, #tpu.memory_space<vmem>>, vector<1x16xf32>,
        %add3A_418 = arith.constant 1 : i32
        %add3A_419 = arith.addi %multiple_of3A_66, %add3A_418 : i32
        %get3A_420 = arith.index_cast %add3A_419 : i32 to index
        %get3A_421 = arith.constant 96 : index
        %get3A_422 = tpu.vector_load %arg7[%get3A_420, %get3A_421] {strides = array<i32>} : memref<328x128xf32, #tpu.memory_space<vmem>>, vector<1x16xf32>,
        %get3A_423 = vector.shape_cast %get3A_422 : vector<1x16xf32> to vector<16xf32>
        %gt3A_424 = arith.constant 1 : i32
        %gt3A_425 = arith.cmpi sgt, %and3A_68, %gt3A_424 : i32
        %select_n3A_426 = arith.select %gt3A_425, %get3A_423, %broadcast_in_dim3A_6 : vector<16xf32>
        %swap3A_427 = arith.constant 1 : i32
        %swap3A_428 = arith.index_cast %swap3A_427 : i32 to index
        %swap3A_429 = arith.constant 96 : index
        %swap3A_430 = tpu.vector_load %arg12[%swap3A_428, %swap3A_429] {strides = array<i32>} : memref<8x128xf32, #tpu.memory_space<vmem>>, vector<1x16xf32>,
        %swap3A_431 = vector.shape_cast %swap3A_430 : vector<1x16xf32> to vector<16xf32>
        %swap3A_432 = vector.shape_cast %select_n3A_426 : vector<16xf32> to vector<1x16xf32>
        tpu.vector_store %arg12[%swap3A_428, %swap3A_429], %swap3A_432 {strides = array<i32>} : memref<8x128xf32, #tpu.memory_space<vmem>>, vector<1x16xf32>,
        %add3A_433 = arith.constant 1 : i32
        %add3A_434 = arith.addi %multiple_of3A_66, %add3A_433 : i32
        %get3A_435 = arith.index_cast %add3A_434 : i32 to index
        %get3A_436 = arith.constant 112 : index
        %get3A_437 = tpu.vector_load %arg7[%get3A_435, %get3A_436] {strides = array<i32>} : memref<328x128xf32, #tpu.memory_space<vmem>>, vector<1x16xf32>,
        %get3A_438 = vector.shape_cast %get3A_437 : vector<1x16xf32> to vector<16xf32>
        %gt3A_439 = arith.constant 1 : i32
        %gt3A_440 = arith.cmpi sgt, %and3A_68, %gt3A_439 : i32
        %select_n3A_441 = arith.select %gt3A_440, %get3A_438, %broadcast_in_dim3A_6 : vector<16xf32>
        %swap3A_442 = arith.constant 1 : i32
        %swap3A_443 = arith.index_cast %swap3A_442 : i32 to index
        %swap3A_444 = arith.constant 112 : index
        %swap3A_445 = tpu.vector_load %arg12[%swap3A_443, %swap3A_444] {strides = array<i32>} : memref<8x128xf32, #tpu.memory_space<vmem>>, vector<1x16xf32>,
        %swap3A_446 = vector.shape_cast %swap3A_445 : vector<1x16xf32> to vector<16xf32>
        %swap3A_447 = vector.shape_cast %select_n3A_441 : vector<16xf32> to vector<1x16xf32>
        tpu.vector_store %arg12[%swap3A_443, %swap3A_444], %swap3A_447 {strides = array<i32>} : memref<8x128xf32, #tpu.memory_space<vmem>>, vector<1x16xf32>,
        %add3A_448 = arith.constant 2 : i32
        %add3A_449 = arith.addi %multiple_of3A_66, %add3A_448 : i32
        %get3A_450 = arith.index_cast %add3A_449 : i32 to index
        %get3A_451 = arith.constant 0 : index
        %get3A_452 = tpu.vector_load %arg7[%get3A_450, %get3A_451] {strides = array<i32>} : memref<328x128xf32, #tpu.memory_space<vmem>>, vector<1x16xf32>,
        %get3A_453 = vector.shape_cast %get3A_452 : vector<1x16xf32> to vector<16xf32>
        %gt3A_454 = arith.constant 2 : i32
        %gt3A_455 = arith.cmpi sgt, %and3A_68, %gt3A_454 : i32
        %select_n3A_456 = arith.select %gt3A_455, %get3A_453, %broadcast_in_dim3A_6 : vector<16xf32>
        %swap3A_457 = arith.constant 2 : i32
        %swap3A_458 = arith.index_cast %swap3A_457 : i32 to index
        %swap3A_459 = arith.constant 0 : index
        %swap3A_460 = tpu.vector_load %arg12[%swap3A_458, %swap3A_459] {strides = array<i32>} : memref<8x128xf32, #tpu.memory_space<vmem>>, vector<1x16xf32>,
        %swap3A_461 = vector.shape_cast %swap3A_460 : vector<1x16xf32> to vector<16xf32>
        %swap3A_462 = vector.shape_cast %select_n3A_456 : vector<16xf32> to vector<1x16xf32>
        tpu.vector_store %arg12[%swap3A_458, %swap3A_459], %swap3A_462 {strides = array<i32>} : memref<8x128xf32, #tpu.memory_space<vmem>>, vector<1x16xf32>,
        %add3A_463 = arith.constant 2 : i32
        %add3A_464 = arith.addi %multiple_of3A_66, %add3A_463 : i32
        %get3A_465 = arith.index_cast %add3A_464 : i32 to index
        %get3A_466 = arith.constant 16 : index
        %get3A_467 = tpu.vector_load %arg7[%get3A_465, %get3A_466] {strides = array<i32>} : memref<328x128xf32, #tpu.memory_space<vmem>>, vector<1x16xf32>,
        %get3A_468 = vector.shape_cast %get3A_467 : vector<1x16xf32> to vector<16xf32>
        %gt3A_469 = arith.constant 2 : i32
        %gt3A_470 = arith.cmpi sgt, %and3A_68, %gt3A_469 : i32
        %select_n3A_471 = arith.select %gt3A_470, %get3A_468, %broadcast_in_dim3A_6 : vector<16xf32>
        %swap3A_472 = arith.constant 2 : i32
        %swap3A_473 = arith.index_cast %swap3A_472 : i32 to index
        %swap3A_474 = arith.constant 16 : index
        %swap3A_475 = tpu.vector_load %arg12[%swap3A_473, %swap3A_474] {strides = array<i32>} : memref<8x128xf32, #tpu.memory_space<vmem>>, vector<1x16xf32>,
        %swap3A_476 = vector.shape_cast %swap3A_475 : vector<1x16xf32> to vector<16xf32>
        %swap3A_477 = vector.shape_cast %select_n3A_471 : vector<16xf32> to vector<1x16xf32>
        tpu.vector_store %arg12[%swap3A_473, %swap3A_474], %swap3A_477 {strides = array<i32>} : memref<8x128xf32, #tpu.memory_space<vmem>>, vector<1x16xf32>,
        %add3A_478 = arith.constant 2 : i32
        %add3A_479 = arith.addi %multiple_of3A_66, %add3A_478 : i32
        %get3A_480 = arith.index_cast %add3A_479 : i32 to index
        %get3A_481 = arith.constant 32 : index
        %get3A_482 = tpu.vector_load %arg7[%get3A_480, %get3A_481] {strides = array<i32>} : memref<328x128xf32, #tpu.memory_space<vmem>>, vector<1x16xf32>,
        %get3A_483 = vector.shape_cast %get3A_482 : vector<1x16xf32> to vector<16xf32>
        %gt3A_484 = arith.constant 2 : i32
        %gt3A_485 = arith.cmpi sgt, %and3A_68, %gt3A_484 : i32
        %select_n3A_486 = arith.select %gt3A_485, %get3A_483, %broadcast_in_dim3A_6 : vector<16xf32>
        %swap3A_487 = arith.constant 2 : i32
        %swap3A_488 = arith.index_cast %swap3A_487 : i32 to index
        %swap3A_489 = arith.constant 32 : index
        %swap3A_490 = tpu.vector_load %arg12[%swap3A_488, %swap3A_489] {strides = array<i32>} : memref<8x128xf32, #tpu.memory_space<vmem>>, vector<1x16xf32>,
        %swap3A_491 = vector.shape_cast %swap3A_490 : vector<1x16xf32> to vector<16xf32>
        %swap3A_492 = vector.shape_cast %select_n3A_486 : vector<16xf32> to vector<1x16xf32>
        tpu.vector_store %arg12[%swap3A_488, %swap3A_489], %swap3A_492 {strides = array<i32>} : memref<8x128xf32, #tpu.memory_space<vmem>>, vector<1x16xf32>,
        %add3A_493 = arith.constant 2 : i32
        %add3A_494 = arith.addi %multiple_of3A_66, %add3A_493 : i32
        %get3A_495 = arith.index_cast %add3A_494 : i32 to index
        %get3A_496 = arith.constant 48 : index
        %get3A_497 = tpu.vector_load %arg7[%get3A_495, %get3A_496] {strides = array<i32>} : memref<328x128xf32, #tpu.memory_space<vmem>>, vector<1x16xf32>,
        %get3A_498 = vector.shape_cast %get3A_497 : vector<1x16xf32> to vector<16xf32>
        %gt3A_499 = arith.constant 2 : i32
        %gt3A_500 = arith.cmpi sgt, %and3A_68, %gt3A_499 : i32
        %select_n3A_501 = arith.select %gt3A_500, %get3A_498, %broadcast_in_dim3A_6 : vector<16xf32>
        %swap3A_502 = arith.constant 2 : i32
        %swap3A_503 = arith.index_cast %swap3A_502 : i32 to index
        %swap3A_504 = arith.constant 48 : index
        %swap3A_505 = tpu.vector_load %arg12[%swap3A_503, %swap3A_504] {strides = array<i32>} : memref<8x128xf32, #tpu.memory_space<vmem>>, vector<1x16xf32>,
        %swap3A_506 = vector.shape_cast %swap3A_505 : vector<1x16xf32> to vector<16xf32>
        %swap3A_507 = vector.shape_cast %select_n3A_501 : vector<16xf32> to vector<1x16xf32>
        tpu.vector_store %arg12[%swap3A_503, %swap3A_504], %swap3A_507 {strides = array<i32>} : memref<8x128xf32, #tpu.memory_space<vmem>>, vector<1x16xf32>,
        %add3A_508 = arith.constant 2 : i32
        %add3A_509 = arith.addi %multiple_of3A_66, %add3A_508 : i32
        %get3A_510 = arith.index_cast %add3A_509 : i32 to index
        %get3A_511 = arith.constant 64 : index
        %get3A_512 = tpu.vector_load %arg7[%get3A_510, %get3A_511] {strides = array<i32>} : memref<328x128xf32, #tpu.memory_space<vmem>>, vector<1x16xf32>,
        %get3A_513 = vector.shape_cast %get3A_512 : vector<1x16xf32> to vector<16xf32>
        %gt3A_514 = arith.constant 2 : i32
        %gt3A_515 = arith.cmpi sgt, %and3A_68, %gt3A_514 : i32
        %select_n3A_516 = arith.select %gt3A_515, %get3A_513, %broadcast_in_dim3A_6 : vector<16xf32>
        %swap3A_517 = arith.constant 2 : i32
        %swap3A_518 = arith.index_cast %swap3A_517 : i32 to index
        %swap3A_519 = arith.constant 64 : index
        %swap3A_520 = tpu.vector_load %arg12[%swap3A_518, %swap3A_519] {strides = array<i32>} : memref<8x128xf32, #tpu.memory_space<vmem>>, vector<1x16xf32>,
        %swap3A_521 = vector.shape_cast %swap3A_520 : vector<1x16xf32> to vector<16xf32>
        %swap3A_522 = vector.shape_cast %select_n3A_516 : vector<16xf32> to vector<1x16xf32>
        tpu.vector_store %arg12[%swap3A_518, %swap3A_519], %swap3A_522 {strides = array<i32>} : memref<8x128xf32, #tpu.memory_space<vmem>>, vector<1x16xf32>,
        %add3A_523 = arith.constant 2 : i32
        %add3A_524 = arith.addi %multiple_of3A_66, %add3A_523 : i32
        %get3A_525 = arith.index_cast %add3A_524 : i32 to index
        %get3A_526 = arith.constant 80 : index
        %get3A_527 = tpu.vector_load %arg7[%get3A_525, %get3A_526] {strides = array<i32>} : memref<328x128xf32, #tpu.memory_space<vmem>>, vector<1x16xf32>,
        %get3A_528 = vector.shape_cast %get3A_527 : vector<1x16xf32> to vector<16xf32>
        %gt3A_529 = arith.constant 2 : i32
        %gt3A_530 = arith.cmpi sgt, %and3A_68, %gt3A_529 : i32
        %select_n3A_531 = arith.select %gt3A_530, %get3A_528, %broadcast_in_dim3A_6 : vector<16xf32>
        %swap3A_532 = arith.constant 2 : i32
        %swap3A_533 = arith.index_cast %swap3A_532 : i32 to index
        %swap3A_534 = arith.constant 80 : index
        %swap3A_535 = tpu.vector_load %arg12[%swap3A_533, %swap3A_534] {strides = array<i32>} : memref<8x128xf32, #tpu.memory_space<vmem>>, vector<1x16xf32>,
        %swap3A_536 = vector.shape_cast %swap3A_535 : vector<1x16xf32> to vector<16xf32>
        %swap3A_537 = vector.shape_cast %select_n3A_531 : vector<16xf32> to vector<1x16xf32>
        tpu.vector_store %arg12[%swap3A_533, %swap3A_534], %swap3A_537 {strides = array<i32>} : memref<8x128xf32, #tpu.memory_space<vmem>>, vector<1x16xf32>,
        %add3A_538 = arith.constant 2 : i32
        %add3A_539 = arith.addi %multiple_of3A_66, %add3A_538 : i32
        %get3A_540 = arith.index_cast %add3A_539 : i32 to index
        %get3A_541 = arith.constant 96 : index
        %get3A_542 = tpu.vector_load %arg7[%get3A_540, %get3A_541] {strides = array<i32>} : memref<328x128xf32, #tpu.memory_space<vmem>>, vector<1x16xf32>,
        %get3A_543 = vector.shape_cast %get3A_542 : vector<1x16xf32> to vector<16xf32>
        %gt3A_544 = arith.constant 2 : i32
        %gt3A_545 = arith.cmpi sgt, %and3A_68, %gt3A_544 : i32
        %select_n3A_546 = arith.select %gt3A_545, %get3A_543, %broadcast_in_dim3A_6 : vector<16xf32>
        %swap3A_547 = arith.constant 2 : i32
        %swap3A_548 = arith.index_cast %swap3A_547 : i32 to index
        %swap3A_549 = arith.constant 96 : index
        %swap3A_550 = tpu.vector_load %arg12[%swap3A_548, %swap3A_549] {strides = array<i32>} : memref<8x128xf32, #tpu.memory_space<vmem>>, vector<1x16xf32>,
        %swap3A_551 = vector.shape_cast %swap3A_550 : vector<1x16xf32> to vector<16xf32>
        %swap3A_552 = vector.shape_cast %select_n3A_546 : vector<16xf32> to vector<1x16xf32>
        tpu.vector_store %arg12[%swap3A_548, %swap3A_549], %swap3A_552 {strides = array<i32>} : memref<8x128xf32, #tpu.memory_space<vmem>>, vector<1x16xf32>,
        %add3A_553 = arith.constant 2 : i32
        %add3A_554 = arith.addi %multiple_of3A_66, %add3A_553 : i32
        %get3A_555 = arith.index_cast %add3A_554 : i32 to index
        %get3A_556 = arith.constant 112 : index
        %get3A_557 = tpu.vector_load %arg7[%get3A_555, %get3A_556] {strides = array<i32>} : memref<328x128xf32, #tpu.memory_space<vmem>>, vector<1x16xf32>,
        %get3A_558 = vector.shape_cast %get3A_557 : vector<1x16xf32> to vector<16xf32>
        %gt3A_559 = arith.constant 2 : i32
        %gt3A_560 = arith.cmpi sgt, %and3A_68, %gt3A_559 : i32
        %select_n3A_561 = arith.select %gt3A_560, %get3A_558, %broadcast_in_dim3A_6 : vector<16xf32>
        %swap3A_562 = arith.constant 2 : i32
        %swap3A_563 = arith.index_cast %swap3A_562 : i32 to index
        %swap3A_564 = arith.constant 112 : index
        %swap3A_565 = tpu.vector_load %arg12[%swap3A_563, %swap3A_564] {strides = array<i32>} : memref<8x128xf32, #tpu.memory_space<vmem>>, vector<1x16xf32>,
        %swap3A_566 = vector.shape_cast %swap3A_565 : vector<1x16xf32> to vector<16xf32>
        %swap3A_567 = vector.shape_cast %select_n3A_561 : vector<16xf32> to vector<1x16xf32>
        tpu.vector_store %arg12[%swap3A_563, %swap3A_564], %swap3A_567 {strides = array<i32>} : memref<8x128xf32, #tpu.memory_space<vmem>>, vector<1x16xf32>,
        %add3A_568 = arith.constant 3 : i32
        %add3A_569 = arith.addi %multiple_of3A_66, %add3A_568 : i32
        %get3A_570 = arith.index_cast %add3A_569 : i32 to index
        %get3A_571 = arith.constant 0 : index
        %get3A_572 = tpu.vector_load %arg7[%get3A_570, %get3A_571] {strides = array<i32>} : memref<328x128xf32, #tpu.memory_space<vmem>>, vector<1x16xf32>,
        %get3A_573 = vector.shape_cast %get3A_572 : vector<1x16xf32> to vector<16xf32>
        %gt3A_574 = arith.constant 3 : i32
        %gt3A_575 = arith.cmpi sgt, %and3A_68, %gt3A_574 : i32
        %select_n3A_576 = arith.select %gt3A_575, %get3A_573, %broadcast_in_dim3A_6 : vector<16xf32>
        %swap3A_577 = arith.constant 3 : i32
        %swap3A_578 = arith.index_cast %swap3A_577 : i32 to index
        %swap3A_579 = arith.constant 0 : index
        %swap3A_580 = tpu.vector_load %arg12[%swap3A_578, %swap3A_579] {strides = array<i32>} : memref<8x128xf32, #tpu.memory_space<vmem>>, vector<1x16xf32>,
        %swap3A_581 = vector.shape_cast %swap3A_580 : vector<1x16xf32> to vector<16xf32>
        %swap3A_582 = vector.shape_cast %select_n3A_576 : vector<16xf32> to vector<1x16xf32>
        tpu.vector_store %arg12[%swap3A_578, %swap3A_579], %swap3A_582 {strides = array<i32>} : memref<8x128xf32, #tpu.memory_space<vmem>>, vector<1x16xf32>,
        %add3A_583 = arith.constant 3 : i32
        %add3A_584 = arith.addi %multiple_of3A_66, %add3A_583 : i32
        %get3A_585 = arith.index_cast %add3A_584 : i32 to index
        %get3A_586 = arith.constant 16 : index
        %get3A_587 = tpu.vector_load %arg7[%get3A_585, %get3A_586] {strides = array<i32>} : memref<328x128xf32, #tpu.memory_space<vmem>>, vector<1x16xf32>,
        %get3A_588 = vector.shape_cast %get3A_587 : vector<1x16xf32> to vector<16xf32>
        %gt3A_589 = arith.constant 3 : i32
        %gt3A_590 = arith.cmpi sgt, %and3A_68, %gt3A_589 : i32
        %select_n3A_591 = arith.select %gt3A_590, %get3A_588, %broadcast_in_dim3A_6 : vector<16xf32>
        %swap3A_592 = arith.constant 3 : i32
        %swap3A_593 = arith.index_cast %swap3A_592 : i32 to index
        %swap3A_594 = arith.constant 16 : index
        %swap3A_595 = tpu.vector_load %arg12[%swap3A_593, %swap3A_594] {strides = array<i32>} : memref<8x128xf32, #tpu.memory_space<vmem>>, vector<1x16xf32>,
        %swap3A_596 = vector.shape_cast %swap3A_595 : vector<1x16xf32> to vector<16xf32>
        %swap3A_597 = vector.shape_cast %select_n3A_591 : vector<16xf32> to vector<1x16xf32>
        tpu.vector_store %arg12[%swap3A_593, %swap3A_594], %swap3A_597 {strides = array<i32>} : memref<8x128xf32, #tpu.memory_space<vmem>>, vector<1x16xf32>,
        %add3A_598 = arith.constant 3 : i32
        %add3A_599 = arith.addi %multiple_of3A_66, %add3A_598 : i32
        %get3A_600 = arith.index_cast %add3A_599 : i32 to index
        %get3A_601 = arith.constant 32 : index
        %get3A_602 = tpu.vector_load %arg7[%get3A_600, %get3A_601] {strides = array<i32>} : memref<328x128xf32, #tpu.memory_space<vmem>>, vector<1x16xf32>,
        %get3A_603 = vector.shape_cast %get3A_602 : vector<1x16xf32> to vector<16xf32>
        %gt3A_604 = arith.constant 3 : i32
        %gt3A_605 = arith.cmpi sgt, %and3A_68, %gt3A_604 : i32
        %select_n3A_606 = arith.select %gt3A_605, %get3A_603, %broadcast_in_dim3A_6 : vector<16xf32>
        %swap3A_607 = arith.constant 3 : i32
        %swap3A_608 = arith.index_cast %swap3A_607 : i32 to index
        %swap3A_609 = arith.constant 32 : index
        %swap3A_610 = tpu.vector_load %arg12[%swap3A_608, %swap3A_609] {strides = array<i32>} : memref<8x128xf32, #tpu.memory_space<vmem>>, vector<1x16xf32>,
        %swap3A_611 = vector.shape_cast %swap3A_610 : vector<1x16xf32> to vector<16xf32>
        %swap3A_612 = vector.shape_cast %select_n3A_606 : vector<16xf32> to vector<1x16xf32>
        tpu.vector_store %arg12[%swap3A_608, %swap3A_609], %swap3A_612 {strides = array<i32>} : memref<8x128xf32, #tpu.memory_space<vmem>>, vector<1x16xf32>,
        %add3A_613 = arith.constant 3 : i32
        %add3A_614 = arith.addi %multiple_of3A_66, %add3A_613 : i32
        %get3A_615 = arith.index_cast %add3A_614 : i32 to index
        %get3A_616 = arith.constant 48 : index
        %get3A_617 = tpu.vector_load %arg7[%get3A_615, %get3A_616] {strides = array<i32>} : memref<328x128xf32, #tpu.memory_space<vmem>>, vector<1x16xf32>,
        %get3A_618 = vector.shape_cast %get3A_617 : vector<1x16xf32> to vector<16xf32>
        %gt3A_619 = arith.constant 3 : i32
        %gt3A_620 = arith.cmpi sgt, %and3A_68, %gt3A_619 : i32
        %select_n3A_621 = arith.select %gt3A_620, %get3A_618, %broadcast_in_dim3A_6 : vector<16xf32>
        %swap3A_622 = arith.constant 3 : i32
        %swap3A_623 = arith.index_cast %swap3A_622 : i32 to index
        %swap3A_624 = arith.constant 48 : index
        %swap3A_625 = tpu.vector_load %arg12[%swap3A_623, %swap3A_624] {strides = array<i32>} : memref<8x128xf32, #tpu.memory_space<vmem>>, vector<1x16xf32>,
        %swap3A_626 = vector.shape_cast %swap3A_625 : vector<1x16xf32> to vector<16xf32>
        %swap3A_627 = vector.shape_cast %select_n3A_621 : vector<16xf32> to vector<1x16xf32>
        tpu.vector_store %arg12[%swap3A_623, %swap3A_624], %swap3A_627 {strides = array<i32>} : memref<8x128xf32, #tpu.memory_space<vmem>>, vector<1x16xf32>,
        %add3A_628 = arith.constant 3 : i32
        %add3A_629 = arith.addi %multiple_of3A_66, %add3A_628 : i32
        %get3A_630 = arith.index_cast %add3A_629 : i32 to index
        %get3A_631 = arith.constant 64 : index
        %get3A_632 = tpu.vector_load %arg7[%get3A_630, %get3A_631] {strides = array<i32>} : memref<328x128xf32, #tpu.memory_space<vmem>>, vector<1x16xf32>,
        %get3A_633 = vector.shape_cast %get3A_632 : vector<1x16xf32> to vector<16xf32>
        %gt3A_634 = arith.constant 3 : i32
        %gt3A_635 = arith.cmpi sgt, %and3A_68, %gt3A_634 : i32
        %select_n3A_636 = arith.select %gt3A_635, %get3A_633, %broadcast_in_dim3A_6 : vector<16xf32>
        %swap3A_637 = arith.constant 3 : i32
        %swap3A_638 = arith.index_cast %swap3A_637 : i32 to index
        %swap3A_639 = arith.constant 64 : index
        %swap3A_640 = tpu.vector_load %arg12[%swap3A_638, %swap3A_639] {strides = array<i32>} : memref<8x128xf32, #tpu.memory_space<vmem>>, vector<1x16xf32>,
        %swap3A_641 = vector.shape_cast %swap3A_640 : vector<1x16xf32> to vector<16xf32>
        %swap3A_642 = vector.shape_cast %select_n3A_636 : vector<16xf32> to vector<1x16xf32>
        tpu.vector_store %arg12[%swap3A_638, %swap3A_639], %swap3A_642 {strides = array<i32>} : memref<8x128xf32, #tpu.memory_space<vmem>>, vector<1x16xf32>,
        %add3A_643 = arith.constant 3 : i32
        %add3A_644 = arith.addi %multiple_of3A_66, %add3A_643 : i32
        %get3A_645 = arith.index_cast %add3A_644 : i32 to index
        %get3A_646 = arith.constant 80 : index
        %get3A_647 = tpu.vector_load %arg7[%get3A_645, %get3A_646] {strides = array<i32>} : memref<328x128xf32, #tpu.memory_space<vmem>>, vector<1x16xf32>,
        %get3A_648 = vector.shape_cast %get3A_647 : vector<1x16xf32> to vector<16xf32>
        %gt3A_649 = arith.constant 3 : i32
        %gt3A_650 = arith.cmpi sgt, %and3A_68, %gt3A_649 : i32
        %select_n3A_651 = arith.select %gt3A_650, %get3A_648, %broadcast_in_dim3A_6 : vector<16xf32>
        %swap3A_652 = arith.constant 3 : i32
        %swap3A_653 = arith.index_cast %swap3A_652 : i32 to index
        %swap3A_654 = arith.constant 80 : index
        %swap3A_655 = tpu.vector_load %arg12[%swap3A_653, %swap3A_654] {strides = array<i32>} : memref<8x128xf32, #tpu.memory_space<vmem>>, vector<1x16xf32>,
        %swap3A_656 = vector.shape_cast %swap3A_655 : vector<1x16xf32> to vector<16xf32>
        %swap3A_657 = vector.shape_cast %select_n3A_651 : vector<16xf32> to vector<1x16xf32>
        tpu.vector_store %arg12[%swap3A_653, %swap3A_654], %swap3A_657 {strides = array<i32>} : memref<8x128xf32, #tpu.memory_space<vmem>>, vector<1x16xf32>,
        %add3A_658 = arith.constant 3 : i32
        %add3A_659 = arith.addi %multiple_of3A_66, %add3A_658 : i32
        %get3A_660 = arith.index_cast %add3A_659 : i32 to index
        %get3A_661 = arith.constant 96 : index
        %get3A_662 = tpu.vector_load %arg7[%get3A_660, %get3A_661] {strides = array<i32>} : memref<328x128xf32, #tpu.memory_space<vmem>>, vector<1x16xf32>,
        %get3A_663 = vector.shape_cast %get3A_662 : vector<1x16xf32> to vector<16xf32>
        %gt3A_664 = arith.constant 3 : i32
        %gt3A_665 = arith.cmpi sgt, %and3A_68, %gt3A_664 : i32
        %select_n3A_666 = arith.select %gt3A_665, %get3A_663, %broadcast_in_dim3A_6 : vector<16xf32>
        %swap3A_667 = arith.constant 3 : i32
        %swap3A_668 = arith.index_cast %swap3A_667 : i32 to index
        %swap3A_669 = arith.constant 96 : index
        %swap3A_670 = tpu.vector_load %arg12[%swap3A_668, %swap3A_669] {strides = array<i32>} : memref<8x128xf32, #tpu.memory_space<vmem>>, vector<1x16xf32>,
        %swap3A_671 = vector.shape_cast %swap3A_670 : vector<1x16xf32> to vector<16xf32>
        %swap3A_672 = vector.shape_cast %select_n3A_666 : vector<16xf32> to vector<1x16xf32>
        tpu.vector_store %arg12[%swap3A_668, %swap3A_669], %swap3A_672 {strides = array<i32>} : memref<8x128xf32, #tpu.memory_space<vmem>>, vector<1x16xf32>,
        %add3A_673 = arith.constant 3 : i32
        %add3A_674 = arith.addi %multiple_of3A_66, %add3A_673 : i32
        %get3A_675 = arith.index_cast %add3A_674 : i32 to index
        %get3A_676 = arith.constant 112 : index
        %get3A_677 = tpu.vector_load %arg7[%get3A_675, %get3A_676] {strides = array<i32>} : memref<328x128xf32, #tpu.memory_space<vmem>>, vector<1x16xf32>,
        %get3A_678 = vector.shape_cast %get3A_677 : vector<1x16xf32> to vector<16xf32>
        %gt3A_679 = arith.constant 3 : i32
        %gt3A_680 = arith.cmpi sgt, %and3A_68, %gt3A_679 : i32
        %select_n3A_681 = arith.select %gt3A_680, %get3A_678, %broadcast_in_dim3A_6 : vector<16xf32>
        %swap3A_682 = arith.constant 3 : i32
        %swap3A_683 = arith.index_cast %swap3A_682 : i32 to index
        %swap3A_684 = arith.constant 112 : index
        %swap3A_685 = tpu.vector_load %arg12[%swap3A_683, %swap3A_684] {strides = array<i32>} : memref<8x128xf32, #tpu.memory_space<vmem>>, vector<1x16xf32>,
        %swap3A_686 = vector.shape_cast %swap3A_685 : vector<1x16xf32> to vector<16xf32>
        %swap3A_687 = vector.shape_cast %select_n3A_681 : vector<16xf32> to vector<1x16xf32>
        tpu.vector_store %arg12[%swap3A_683, %swap3A_684], %swap3A_687 {strides = array<i32>} : memref<8x128xf32, #tpu.memory_space<vmem>>, vector<1x16xf32>,
        %add3A_688 = arith.constant 4 : i32
        %add3A_689 = arith.addi %multiple_of3A_66, %add3A_688 : i32
        %get3A_690 = arith.index_cast %add3A_689 : i32 to index
        %get3A_691 = arith.constant 0 : index
        %get3A_692 = tpu.vector_load %arg7[%get3A_690, %get3A_691] {strides = array<i32>} : memref<328x128xf32, #tpu.memory_space<vmem>>, vector<1x16xf32>,
        %get3A_693 = vector.shape_cast %get3A_692 : vector<1x16xf32> to vector<16xf32>
        %gt3A_694 = arith.constant 4 : i32
        %gt3A_695 = arith.cmpi sgt, %and3A_68, %gt3A_694 : i32
        %select_n3A_696 = arith.select %gt3A_695, %get3A_693, %broadcast_in_dim3A_6 : vector<16xf32>
        %swap3A_697 = arith.constant 4 : i32
        %swap3A_698 = arith.index_cast %swap3A_697 : i32 to index
        %swap3A_699 = arith.constant 0 : index
        %swap3A_700 = tpu.vector_load %arg12[%swap3A_698, %swap3A_699] {strides = array<i32>} : memref<8x128xf32, #tpu.memory_space<vmem>>, vector<1x16xf32>,
        %swap3A_701 = vector.shape_cast %swap3A_700 : vector<1x16xf32> to vector<16xf32>
        %swap3A_702 = vector.shape_cast %select_n3A_696 : vector<16xf32> to vector<1x16xf32>
        tpu.vector_store %arg12[%swap3A_698, %swap3A_699], %swap3A_702 {strides = array<i32>} : memref<8x128xf32, #tpu.memory_space<vmem>>, vector<1x16xf32>,
        %add3A_703 = arith.constant 4 : i32
        %add3A_704 = arith.addi %multiple_of3A_66, %add3A_703 : i32
        %get3A_705 = arith.index_cast %add3A_704 : i32 to index
        %get3A_706 = arith.constant 16 : index
        %get3A_707 = tpu.vector_load %arg7[%get3A_705, %get3A_706] {strides = array<i32>} : memref<328x128xf32, #tpu.memory_space<vmem>>, vector<1x16xf32>,
        %get3A_708 = vector.shape_cast %get3A_707 : vector<1x16xf32> to vector<16xf32>
        %gt3A_709 = arith.constant 4 : i32
        %gt3A_710 = arith.cmpi sgt, %and3A_68, %gt3A_709 : i32
        %select_n3A_711 = arith.select %gt3A_710, %get3A_708, %broadcast_in_dim3A_6 : vector<16xf32>
        %swap3A_712 = arith.constant 4 : i32
        %swap3A_713 = arith.index_cast %swap3A_712 : i32 to index
        %swap3A_714 = arith.constant 16 : index
        %swap3A_715 = tpu.vector_load %arg12[%swap3A_713, %swap3A_714] {strides = array<i32>} : memref<8x128xf32, #tpu.memory_space<vmem>>, vector<1x16xf32>,
        %swap3A_716 = vector.shape_cast %swap3A_715 : vector<1x16xf32> to vector<16xf32>
        %swap3A_717 = vector.shape_cast %select_n3A_711 : vector<16xf32> to vector<1x16xf32>
        tpu.vector_store %arg12[%swap3A_713, %swap3A_714], %swap3A_717 {strides = array<i32>} : memref<8x128xf32, #tpu.memory_space<vmem>>, vector<1x16xf32>,
        %add3A_718 = arith.constant 4 : i32
        %add3A_719 = arith.addi %multiple_of3A_66, %add3A_718 : i32
        %get3A_720 = arith.index_cast %add3A_719 : i32 to index
        %get3A_721 = arith.constant 32 : index
        %get3A_722 = tpu.vector_load %arg7[%get3A_720, %get3A_721] {strides = array<i32>} : memref<328x128xf32, #tpu.memory_space<vmem>>, vector<1x16xf32>,
        %get3A_723 = vector.shape_cast %get3A_722 : vector<1x16xf32> to vector<16xf32>
        %gt3A_724 = arith.constant 4 : i32
        %gt3A_725 = arith.cmpi sgt, %and3A_68, %gt3A_724 : i32
        %select_n3A_726 = arith.select %gt3A_725, %get3A_723, %broadcast_in_dim3A_6 : vector<16xf32>
        %swap3A_727 = arith.constant 4 : i32
        %swap3A_728 = arith.index_cast %swap3A_727 : i32 to index
        %swap3A_729 = arith.constant 32 : index
        %swap3A_730 = tpu.vector_load %arg12[%swap3A_728, %swap3A_729] {strides = array<i32>} : memref<8x128xf32, #tpu.memory_space<vmem>>, vector<1x16xf32>,
        %swap3A_731 = vector.shape_cast %swap3A_730 : vector<1x16xf32> to vector<16xf32>
        %swap3A_732 = vector.shape_cast %select_n3A_726 : vector<16xf32> to vector<1x16xf32>
        tpu.vector_store %arg12[%swap3A_728, %swap3A_729], %swap3A_732 {strides = array<i32>} : memref<8x128xf32, #tpu.memory_space<vmem>>, vector<1x16xf32>,
        %add3A_733 = arith.constant 4 : i32
        %add3A_734 = arith.addi %multiple_of3A_66, %add3A_733 : i32
        %get3A_735 = arith.index_cast %add3A_734 : i32 to index
        %get3A_736 = arith.constant 48 : index
        %get3A_737 = tpu.vector_load %arg7[%get3A_735, %get3A_736] {strides = array<i32>} : memref<328x128xf32, #tpu.memory_space<vmem>>, vector<1x16xf32>,
        %get3A_738 = vector.shape_cast %get3A_737 : vector<1x16xf32> to vector<16xf32>
        %gt3A_739 = arith.constant 4 : i32
        %gt3A_740 = arith.cmpi sgt, %and3A_68, %gt3A_739 : i32
        %select_n3A_741 = arith.select %gt3A_740, %get3A_738, %broadcast_in_dim3A_6 : vector<16xf32>
        %swap3A_742 = arith.constant 4 : i32
        %swap3A_743 = arith.index_cast %swap3A_742 : i32 to index
        %swap3A_744 = arith.constant 48 : index
        %swap3A_745 = tpu.vector_load %arg12[%swap3A_743, %swap3A_744] {strides = array<i32>} : memref<8x128xf32, #tpu.memory_space<vmem>>, vector<1x16xf32>,
        %swap3A_746 = vector.shape_cast %swap3A_745 : vector<1x16xf32> to vector<16xf32>
        %swap3A_747 = vector.shape_cast %select_n3A_741 : vector<16xf32> to vector<1x16xf32>
        tpu.vector_store %arg12[%swap3A_743, %swap3A_744], %swap3A_747 {strides = array<i32>} : memref<8x128xf32, #tpu.memory_space<vmem>>, vector<1x16xf32>,
        %add3A_748 = arith.constant 4 : i32
        %add3A_749 = arith.addi %multiple_of3A_66, %add3A_748 : i32
        %get3A_750 = arith.index_cast %add3A_749 : i32 to index
        %get3A_751 = arith.constant 64 : index
        %get3A_752 = tpu.vector_load %arg7[%get3A_750, %get3A_751] {strides = array<i32>} : memref<328x128xf32, #tpu.memory_space<vmem>>, vector<1x16xf32>,
        %get3A_753 = vector.shape_cast %get3A_752 : vector<1x16xf32> to vector<16xf32>
        %gt3A_754 = arith.constant 4 : i32
        %gt3A_755 = arith.cmpi sgt, %and3A_68, %gt3A_754 : i32
        %select_n3A_756 = arith.select %gt3A_755, %get3A_753, %broadcast_in_dim3A_6 : vector<16xf32>
        %swap3A_757 = arith.constant 4 : i32
        %swap3A_758 = arith.index_cast %swap3A_757 : i32 to index
        %swap3A_759 = arith.constant 64 : index
        %swap3A_760 = tpu.vector_load %arg12[%swap3A_758, %swap3A_759] {strides = array<i32>} : memref<8x128xf32, #tpu.memory_space<vmem>>, vector<1x16xf32>,
        %swap3A_761 = vector.shape_cast %swap3A_760 : vector<1x16xf32> to vector<16xf32>
        %swap3A_762 = vector.shape_cast %select_n3A_756 : vector<16xf32> to vector<1x16xf32>
        tpu.vector_store %arg12[%swap3A_758, %swap3A_759], %swap3A_762 {strides = array<i32>} : memref<8x128xf32, #tpu.memory_space<vmem>>, vector<1x16xf32>,
        %add3A_763 = arith.constant 4 : i32
        %add3A_764 = arith.addi %multiple_of3A_66, %add3A_763 : i32
        %get3A_765 = arith.index_cast %add3A_764 : i32 to index
        %get3A_766 = arith.constant 80 : index
        %get3A_767 = tpu.vector_load %arg7[%get3A_765, %get3A_766] {strides = array<i32>} : memref<328x128xf32, #tpu.memory_space<vmem>>, vector<1x16xf32>,
        %get3A_768 = vector.shape_cast %get3A_767 : vector<1x16xf32> to vector<16xf32>
        %gt3A_769 = arith.constant 4 : i32
        %gt3A_770 = arith.cmpi sgt, %and3A_68, %gt3A_769 : i32
        %select_n3A_771 = arith.select %gt3A_770, %get3A_768, %broadcast_in_dim3A_6 : vector<16xf32>
        %swap3A_772 = arith.constant 4 : i32
        %swap3A_773 = arith.index_cast %swap3A_772 : i32 to index
        %swap3A_774 = arith.constant 80 : index
        %swap3A_775 = tpu.vector_load %arg12[%swap3A_773, %swap3A_774] {strides = array<i32>} : memref<8x128xf32, #tpu.memory_space<vmem>>, vector<1x16xf32>,
        %swap3A_776 = vector.shape_cast %swap3A_775 : vector<1x16xf32> to vector<16xf32>
        %swap3A_777 = vector.shape_cast %select_n3A_771 : vector<16xf32> to vector<1x16xf32>
        tpu.vector_store %arg12[%swap3A_773, %swap3A_774], %swap3A_777 {strides = array<i32>} : memref<8x128xf32, #tpu.memory_space<vmem>>, vector<1x16xf32>,
        %add3A_778 = arith.constant 4 : i32
        %add3A_779 = arith.addi %multiple_of3A_66, %add3A_778 : i32
        %get3A_780 = arith.index_cast %add3A_779 : i32 to index
        %get3A_781 = arith.constant 96 : index
        %get3A_782 = tpu.vector_load %arg7[%get3A_780, %get3A_781] {strides = array<i32>} : memref<328x128xf32, #tpu.memory_space<vmem>>, vector<1x16xf32>,
        %get3A_783 = vector.shape_cast %get3A_782 : vector<1x16xf32> to vector<16xf32>
        %gt3A_784 = arith.constant 4 : i32
        %gt3A_785 = arith.cmpi sgt, %and3A_68, %gt3A_784 : i32
        %select_n3A_786 = arith.select %gt3A_785, %get3A_783, %broadcast_in_dim3A_6 : vector<16xf32>
        %swap3A_787 = arith.constant 4 : i32
        %swap3A_788 = arith.index_cast %swap3A_787 : i32 to index
        %swap3A_789 = arith.constant 96 : index
        %swap3A_790 = tpu.vector_load %arg12[%swap3A_788, %swap3A_789] {strides = array<i32>} : memref<8x128xf32, #tpu.memory_space<vmem>>, vector<1x16xf32>,
        %swap3A_791 = vector.shape_cast %swap3A_790 : vector<1x16xf32> to vector<16xf32>
        %swap3A_792 = vector.shape_cast %select_n3A_786 : vector<16xf32> to vector<1x16xf32>
        tpu.vector_store %arg12[%swap3A_788, %swap3A_789], %swap3A_792 {strides = array<i32>} : memref<8x128xf32, #tpu.memory_space<vmem>>, vector<1x16xf32>,
        %add3A_793 = arith.constant 4 : i32
        %add3A_794 = arith.addi %multiple_of3A_66, %add3A_793 : i32
        %get3A_795 = arith.index_cast %add3A_794 : i32 to index
        %get3A_796 = arith.constant 112 : index
        %get3A_797 = tpu.vector_load %arg7[%get3A_795, %get3A_796] {strides = array<i32>} : memref<328x128xf32, #tpu.memory_space<vmem>>, vector<1x16xf32>,
        %get3A_798 = vector.shape_cast %get3A_797 : vector<1x16xf32> to vector<16xf32>
        %gt3A_799 = arith.constant 4 : i32
        %gt3A_800 = arith.cmpi sgt, %and3A_68, %gt3A_799 : i32
        %select_n3A_801 = arith.select %gt3A_800, %get3A_798, %broadcast_in_dim3A_6 : vector<16xf32>
        %swap3A_802 = arith.constant 4 : i32
        %swap3A_803 = arith.index_cast %swap3A_802 : i32 to index
        %swap3A_804 = arith.constant 112 : index
        %swap3A_805 = tpu.vector_load %arg12[%swap3A_803, %swap3A_804] {strides = array<i32>} : memref<8x128xf32, #tpu.memory_space<vmem>>, vector<1x16xf32>,
        %swap3A_806 = vector.shape_cast %swap3A_805 : vector<1x16xf32> to vector<16xf32>
        %swap3A_807 = vector.shape_cast %select_n3A_801 : vector<16xf32> to vector<1x16xf32>
        tpu.vector_store %arg12[%swap3A_803, %swap3A_804], %swap3A_807 {strides = array<i32>} : memref<8x128xf32, #tpu.memory_space<vmem>>, vector<1x16xf32>,
        %add3A_808 = arith.constant 5 : i32
        %add3A_809 = arith.addi %multiple_of3A_66, %add3A_808 : i32
        %get3A_810 = arith.index_cast %add3A_809 : i32 to index
        %get3A_811 = arith.constant 0 : index
        %get3A_812 = tpu.vector_load %arg7[%get3A_810, %get3A_811] {strides = array<i32>} : memref<328x128xf32, #tpu.memory_space<vmem>>, vector<1x16xf32>,
        %get3A_813 = vector.shape_cast %get3A_812 : vector<1x16xf32> to vector<16xf32>
        %gt3A_814 = arith.constant 5 : i32
        %gt3A_815 = arith.cmpi sgt, %and3A_68, %gt3A_814 : i32
        %select_n3A_816 = arith.select %gt3A_815, %get3A_813, %broadcast_in_dim3A_6 : vector<16xf32>
        %swap3A_817 = arith.constant 5 : i32
        %swap3A_818 = arith.index_cast %swap3A_817 : i32 to index
        %swap3A_819 = arith.constant 0 : index
        %swap3A_820 = tpu.vector_load %arg12[%swap3A_818, %swap3A_819] {strides = array<i32>} : memref<8x128xf32, #tpu.memory_space<vmem>>, vector<1x16xf32>,
        %swap3A_821 = vector.shape_cast %swap3A_820 : vector<1x16xf32> to vector<16xf32>
        %swap3A_822 = vector.shape_cast %select_n3A_816 : vector<16xf32> to vector<1x16xf32>
        tpu.vector_store %arg12[%swap3A_818, %swap3A_819], %swap3A_822 {strides = array<i32>} : memref<8x128xf32, #tpu.memory_space<vmem>>, vector<1x16xf32>,
        %add3A_823 = arith.constant 5 : i32
        %add3A_824 = arith.addi %multiple_of3A_66, %add3A_823 : i32
        %get3A_825 = arith.index_cast %add3A_824 : i32 to index
        %get3A_826 = arith.constant 16 : index
        %get3A_827 = tpu.vector_load %arg7[%get3A_825, %get3A_826] {strides = array<i32>} : memref<328x128xf32, #tpu.memory_space<vmem>>, vector<1x16xf32>,
        %get3A_828 = vector.shape_cast %get3A_827 : vector<1x16xf32> to vector<16xf32>
        %gt3A_829 = arith.constant 5 : i32
        %gt3A_830 = arith.cmpi sgt, %and3A_68, %gt3A_829 : i32
        %select_n3A_831 = arith.select %gt3A_830, %get3A_828, %broadcast_in_dim3A_6 : vector<16xf32>
        %swap3A_832 = arith.constant 5 : i32
        %swap3A_833 = arith.index_cast %swap3A_832 : i32 to index
        %swap3A_834 = arith.constant 16 : index
        %swap3A_835 = tpu.vector_load %arg12[%swap3A_833, %swap3A_834] {strides = array<i32>} : memref<8x128xf32, #tpu.memory_space<vmem>>, vector<1x16xf32>,
        %swap3A_836 = vector.shape_cast %swap3A_835 : vector<1x16xf32> to vector<16xf32>
        %swap3A_837 = vector.shape_cast %select_n3A_831 : vector<16xf32> to vector<1x16xf32>
        tpu.vector_store %arg12[%swap3A_833, %swap3A_834], %swap3A_837 {strides = array<i32>} : memref<8x128xf32, #tpu.memory_space<vmem>>, vector<1x16xf32>,
        %add3A_838 = arith.constant 5 : i32
        %add3A_839 = arith.addi %multiple_of3A_66, %add3A_838 : i32
        %get3A_840 = arith.index_cast %add3A_839 : i32 to index
        %get3A_841 = arith.constant 32 : index
        %get3A_842 = tpu.vector_load %arg7[%get3A_840, %get3A_841] {strides = array<i32>} : memref<328x128xf32, #tpu.memory_space<vmem>>, vector<1x16xf32>,
        %get3A_843 = vector.shape_cast %get3A_842 : vector<1x16xf32> to vector<16xf32>
        %gt3A_844 = arith.constant 5 : i32
        %gt3A_845 = arith.cmpi sgt, %and3A_68, %gt3A_844 : i32
        %select_n3A_846 = arith.select %gt3A_845, %get3A_843, %broadcast_in_dim3A_6 : vector<16xf32>
        %swap3A_847 = arith.constant 5 : i32
        %swap3A_848 = arith.index_cast %swap3A_847 : i32 to index
        %swap3A_849 = arith.constant 32 : index
        %swap3A_850 = tpu.vector_load %arg12[%swap3A_848, %swap3A_849] {strides = array<i32>} : memref<8x128xf32, #tpu.memory_space<vmem>>, vector<1x16xf32>,
        %swap3A_851 = vector.shape_cast %swap3A_850 : vector<1x16xf32> to vector<16xf32>
        %swap3A_852 = vector.shape_cast %select_n3A_846 : vector<16xf32> to vector<1x16xf32>
        tpu.vector_store %arg12[%swap3A_848, %swap3A_849], %swap3A_852 {strides = array<i32>} : memref<8x128xf32, #tpu.memory_space<vmem>>, vector<1x16xf32>,
        %add3A_853 = arith.constant 5 : i32
        %add3A_854 = arith.addi %multiple_of3A_66, %add3A_853 : i32
        %get3A_855 = arith.index_cast %add3A_854 : i32 to index
        %get3A_856 = arith.constant 48 : index
        %get3A_857 = tpu.vector_load %arg7[%get3A_855, %get3A_856] {strides = array<i32>} : memref<328x128xf32, #tpu.memory_space<vmem>>, vector<1x16xf32>,
        %get3A_858 = vector.shape_cast %get3A_857 : vector<1x16xf32> to vector<16xf32>
        %gt3A_859 = arith.constant 5 : i32
        %gt3A_860 = arith.cmpi sgt, %and3A_68, %gt3A_859 : i32
        %select_n3A_861 = arith.select %gt3A_860, %get3A_858, %broadcast_in_dim3A_6 : vector<16xf32>
        %swap3A_862 = arith.constant 5 : i32
        %swap3A_863 = arith.index_cast %swap3A_862 : i32 to index
        %swap3A_864 = arith.constant 48 : index
        %swap3A_865 = tpu.vector_load %arg12[%swap3A_863, %swap3A_864] {strides = array<i32>} : memref<8x128xf32, #tpu.memory_space<vmem>>, vector<1x16xf32>,
        %swap3A_866 = vector.shape_cast %swap3A_865 : vector<1x16xf32> to vector<16xf32>
        %swap3A_867 = vector.shape_cast %select_n3A_861 : vector<16xf32> to vector<1x16xf32>
        tpu.vector_store %arg12[%swap3A_863, %swap3A_864], %swap3A_867 {strides = array<i32>} : memref<8x128xf32, #tpu.memory_space<vmem>>, vector<1x16xf32>,
        %add3A_868 = arith.constant 5 : i32
        %add3A_869 = arith.addi %multiple_of3A_66, %add3A_868 : i32
        %get3A_870 = arith.index_cast %add3A_869 : i32 to index
        %get3A_871 = arith.constant 64 : index
        %get3A_872 = tpu.vector_load %arg7[%get3A_870, %get3A_871] {strides = array<i32>} : memref<328x128xf32, #tpu.memory_space<vmem>>, vector<1x16xf32>,
        %get3A_873 = vector.shape_cast %get3A_872 : vector<1x16xf32> to vector<16xf32>
        %gt3A_874 = arith.constant 5 : i32
        %gt3A_875 = arith.cmpi sgt, %and3A_68, %gt3A_874 : i32
        %select_n3A_876 = arith.select %gt3A_875, %get3A_873, %broadcast_in_dim3A_6 : vector<16xf32>
        %swap3A_877 = arith.constant 5 : i32
        %swap3A_878 = arith.index_cast %swap3A_877 : i32 to index
        %swap3A_879 = arith.constant 64 : index
        %swap3A_880 = tpu.vector_load %arg12[%swap3A_878, %swap3A_879] {strides = array<i32>} : memref<8x128xf32, #tpu.memory_space<vmem>>, vector<1x16xf32>,
        %swap3A_881 = vector.shape_cast %swap3A_880 : vector<1x16xf32> to vector<16xf32>
        %swap3A_882 = vector.shape_cast %select_n3A_876 : vector<16xf32> to vector<1x16xf32>
        tpu.vector_store %arg12[%swap3A_878, %swap3A_879], %swap3A_882 {strides = array<i32>} : memref<8x128xf32, #tpu.memory_space<vmem>>, vector<1x16xf32>,
        %add3A_883 = arith.constant 5 : i32
        %add3A_884 = arith.addi %multiple_of3A_66, %add3A_883 : i32
        %get3A_885 = arith.index_cast %add3A_884 : i32 to index
        %get3A_886 = arith.constant 80 : index
        %get3A_887 = tpu.vector_load %arg7[%get3A_885, %get3A_886] {strides = array<i32>} : memref<328x128xf32, #tpu.memory_space<vmem>>, vector<1x16xf32>,
        %get3A_888 = vector.shape_cast %get3A_887 : vector<1x16xf32> to vector<16xf32>
        %gt3A_889 = arith.constant 5 : i32
        %gt3A_890 = arith.cmpi sgt, %and3A_68, %gt3A_889 : i32
        %select_n3A_891 = arith.select %gt3A_890, %get3A_888, %broadcast_in_dim3A_6 : vector<16xf32>
        %swap3A_892 = arith.constant 5 : i32
        %swap3A_893 = arith.index_cast %swap3A_892 : i32 to index
        %swap3A_894 = arith.constant 80 : index
        %swap3A_895 = tpu.vector_load %arg12[%swap3A_893, %swap3A_894] {strides = array<i32>} : memref<8x128xf32, #tpu.memory_space<vmem>>, vector<1x16xf32>,
        %swap3A_896 = vector.shape_cast %swap3A_895 : vector<1x16xf32> to vector<16xf32>
        %swap3A_897 = vector.shape_cast %select_n3A_891 : vector<16xf32> to vector<1x16xf32>
        tpu.vector_store %arg12[%swap3A_893, %swap3A_894], %swap3A_897 {strides = array<i32>} : memref<8x128xf32, #tpu.memory_space<vmem>>, vector<1x16xf32>,
        %add3A_898 = arith.constant 5 : i32
        %add3A_899 = arith.addi %multiple_of3A_66, %add3A_898 : i32
        %get3A_900 = arith.index_cast %add3A_899 : i32 to index
        %get3A_901 = arith.constant 96 : index
        %get3A_902 = tpu.vector_load %arg7[%get3A_900, %get3A_901] {strides = array<i32>} : memref<328x128xf32, #tpu.memory_space<vmem>>, vector<1x16xf32>,
        %get3A_903 = vector.shape_cast %get3A_902 : vector<1x16xf32> to vector<16xf32>
        %gt3A_904 = arith.constant 5 : i32
        %gt3A_905 = arith.cmpi sgt, %and3A_68, %gt3A_904 : i32
        %select_n3A_906 = arith.select %gt3A_905, %get3A_903, %broadcast_in_dim3A_6 : vector<16xf32>
        %swap3A_907 = arith.constant 5 : i32
        %swap3A_908 = arith.index_cast %swap3A_907 : i32 to index
        %swap3A_909 = arith.constant 96 : index
        %swap3A_910 = tpu.vector_load %arg12[%swap3A_908, %swap3A_909] {strides = array<i32>} : memref<8x128xf32, #tpu.memory_space<vmem>>, vector<1x16xf32>,
        %swap3A_911 = vector.shape_cast %swap3A_910 : vector<1x16xf32> to vector<16xf32>
        %swap3A_912 = vector.shape_cast %select_n3A_906 : vector<16xf32> to vector<1x16xf32>
        tpu.vector_store %arg12[%swap3A_908, %swap3A_909], %swap3A_912 {strides = array<i32>} : memref<8x128xf32, #tpu.memory_space<vmem>>, vector<1x16xf32>,
        %add3A_913 = arith.constant 5 : i32
        %add3A_914 = arith.addi %multiple_of3A_66, %add3A_913 : i32
        %get3A_915 = arith.index_cast %add3A_914 : i32 to index
        %get3A_916 = arith.constant 112 : index
        %get3A_917 = tpu.vector_load %arg7[%get3A_915, %get3A_916] {strides = array<i32>} : memref<328x128xf32, #tpu.memory_space<vmem>>, vector<1x16xf32>,
        %get3A_918 = vector.shape_cast %get3A_917 : vector<1x16xf32> to vector<16xf32>
        %gt3A_919 = arith.constant 5 : i32
        %gt3A_920 = arith.cmpi sgt, %and3A_68, %gt3A_919 : i32
        %select_n3A_921 = arith.select %gt3A_920, %get3A_918, %broadcast_in_dim3A_6 : vector<16xf32>
        %swap3A_922 = arith.constant 5 : i32
        %swap3A_923 = arith.index_cast %swap3A_922 : i32 to index
        %swap3A_924 = arith.constant 112 : index
        %swap3A_925 = tpu.vector_load %arg12[%swap3A_923, %swap3A_924] {strides = array<i32>} : memref<8x128xf32, #tpu.memory_space<vmem>>, vector<1x16xf32>,
        %swap3A_926 = vector.shape_cast %swap3A_925 : vector<1x16xf32> to vector<16xf32>
        %swap3A_927 = vector.shape_cast %select_n3A_921 : vector<16xf32> to vector<1x16xf32>
        tpu.vector_store %arg12[%swap3A_923, %swap3A_924], %swap3A_927 {strides = array<i32>} : memref<8x128xf32, #tpu.memory_space<vmem>>, vector<1x16xf32>,
        %add3A_928 = arith.constant 6 : i32
        %add3A_929 = arith.addi %multiple_of3A_66, %add3A_928 : i32
        %get3A_930 = arith.index_cast %add3A_929 : i32 to index
        %get3A_931 = arith.constant 0 : index
        %get3A_932 = tpu.vector_load %arg7[%get3A_930, %get3A_931] {strides = array<i32>} : memref<328x128xf32, #tpu.memory_space<vmem>>, vector<1x16xf32>,
        %get3A_933 = vector.shape_cast %get3A_932 : vector<1x16xf32> to vector<16xf32>
        %gt3A_934 = arith.constant 6 : i32
        %gt3A_935 = arith.cmpi sgt, %and3A_68, %gt3A_934 : i32
        %select_n3A_936 = arith.select %gt3A_935, %get3A_933, %broadcast_in_dim3A_6 : vector<16xf32>
        %swap3A_937 = arith.constant 6 : i32
        %swap3A_938 = arith.index_cast %swap3A_937 : i32 to index
        %swap3A_939 = arith.constant 0 : index
        %swap3A_940 = tpu.vector_load %arg12[%swap3A_938, %swap3A_939] {strides = array<i32>} : memref<8x128xf32, #tpu.memory_space<vmem>>, vector<1x16xf32>,
        %swap3A_941 = vector.shape_cast %swap3A_940 : vector<1x16xf32> to vector<16xf32>
        %swap3A_942 = vector.shape_cast %select_n3A_936 : vector<16xf32> to vector<1x16xf32>
        tpu.vector_store %arg12[%swap3A_938, %swap3A_939], %swap3A_942 {strides = array<i32>} : memref<8x128xf32, #tpu.memory_space<vmem>>, vector<1x16xf32>,
        %add3A_943 = arith.constant 6 : i32
        %add3A_944 = arith.addi %multiple_of3A_66, %add3A_943 : i32
        %get3A_945 = arith.index_cast %add3A_944 : i32 to index
        %get3A_946 = arith.constant 16 : index
        %get3A_947 = tpu.vector_load %arg7[%get3A_945, %get3A_946] {strides = array<i32>} : memref<328x128xf32, #tpu.memory_space<vmem>>, vector<1x16xf32>,
        %get3A_948 = vector.shape_cast %get3A_947 : vector<1x16xf32> to vector<16xf32>
        %gt3A_949 = arith.constant 6 : i32
        %gt3A_950 = arith.cmpi sgt, %and3A_68, %gt3A_949 : i32
        %select_n3A_951 = arith.select %gt3A_950, %get3A_948, %broadcast_in_dim3A_6 : vector<16xf32>
        %swap3A_952 = arith.constant 6 : i32
        %swap3A_953 = arith.index_cast %swap3A_952 : i32 to index
        %swap3A_954 = arith.constant 16 : index
        %swap3A_955 = tpu.vector_load %arg12[%swap3A_953, %swap3A_954] {strides = array<i32>} : memref<8x128xf32, #tpu.memory_space<vmem>>, vector<1x16xf32>,
        %swap3A_956 = vector.shape_cast %swap3A_955 : vector<1x16xf32> to vector<16xf32>
        %swap3A_957 = vector.shape_cast %select_n3A_951 : vector<16xf32> to vector<1x16xf32>
        tpu.vector_store %arg12[%swap3A_953, %swap3A_954], %swap3A_957 {strides = array<i32>} : memref<8x128xf32, #tpu.memory_space<vmem>>, vector<1x16xf32>,
        %add3A_958 = arith.constant 6 : i32
        %add3A_959 = arith.addi %multiple_of3A_66, %add3A_958 : i32
        %get3A_960 = arith.index_cast %add3A_959 : i32 to index
        %get3A_961 = arith.constant 32 : index
        %get3A_962 = tpu.vector_load %arg7[%get3A_960, %get3A_961] {strides = array<i32>} : memref<328x128xf32, #tpu.memory_space<vmem>>, vector<1x16xf32>,
        %get3A_963 = vector.shape_cast %get3A_962 : vector<1x16xf32> to vector<16xf32>
        %gt3A_964 = arith.constant 6 : i32
        %gt3A_965 = arith.cmpi sgt, %and3A_68, %gt3A_964 : i32
        %select_n3A_966 = arith.select %gt3A_965, %get3A_963, %broadcast_in_dim3A_6 : vector<16xf32>
        %swap3A_967 = arith.constant 6 : i32
        %swap3A_968 = arith.index_cast %swap3A_967 : i32 to index
        %swap3A_969 = arith.constant 32 : index
        %swap3A_970 = tpu.vector_load %arg12[%swap3A_968, %swap3A_969] {strides = array<i32>} : memref<8x128xf32, #tpu.memory_space<vmem>>, vector<1x16xf32>,
        %swap3A_971 = vector.shape_cast %swap3A_970 : vector<1x16xf32> to vector<16xf32>
        %swap3A_972 = vector.shape_cast %select_n3A_966 : vector<16xf32> to vector<1x16xf32>
        tpu.vector_store %arg12[%swap3A_968, %swap3A_969], %swap3A_972 {strides = array<i32>} : memref<8x128xf32, #tpu.memory_space<vmem>>, vector<1x16xf32>,
        %add3A_973 = arith.constant 6 : i32
        %add3A_974 = arith.addi %multiple_of3A_66, %add3A_973 : i32
        %get3A_975 = arith.index_cast %add3A_974 : i32 to index
        %get3A_976 = arith.constant 48 : index
        %get3A_977 = tpu.vector_load %arg7[%get3A_975, %get3A_976] {strides = array<i32>} : memref<328x128xf32, #tpu.memory_space<vmem>>, vector<1x16xf32>,
        %get3A_978 = vector.shape_cast %get3A_977 : vector<1x16xf32> to vector<16xf32>
        %gt3A_979 = arith.constant 6 : i32
        %gt3A_980 = arith.cmpi sgt, %and3A_68, %gt3A_979 : i32
        %select_n3A_981 = arith.select %gt3A_980, %get3A_978, %broadcast_in_dim3A_6 : vector<16xf32>
        %swap3A_982 = arith.constant 6 : i32
        %swap3A_983 = arith.index_cast %swap3A_982 : i32 to index
        %swap3A_984 = arith.constant 48 : index
        %swap3A_985 = tpu.vector_load %arg12[%swap3A_983, %swap3A_984] {strides = array<i32>} : memref<8x128xf32, #tpu.memory_space<vmem>>, vector<1x16xf32>,
        %swap3A_986 = vector.shape_cast %swap3A_985 : vector<1x16xf32> to vector<16xf32>
        %swap3A_987 = vector.shape_cast %select_n3A_981 : vector<16xf32> to vector<1x16xf32>
        tpu.vector_store %arg12[%swap3A_983, %swap3A_984], %swap3A_987 {strides = array<i32>} : memref<8x128xf32, #tpu.memory_space<vmem>>, vector<1x16xf32>,
        %add3A_988 = arith.constant 6 : i32
        %add3A_989 = arith.addi %multiple_of3A_66, %add3A_988 : i32
        %get3A_990 = arith.index_cast %add3A_989 : i32 to index
        %get3A_991 = arith.constant 64 : index
        %get3A_992 = tpu.vector_load %arg7[%get3A_990, %get3A_991] {strides = array<i32>} : memref<328x128xf32, #tpu.memory_space<vmem>>, vector<1x16xf32>,
        %get3A_993 = vector.shape_cast %get3A_992 : vector<1x16xf32> to vector<16xf32>
        %gt3A_994 = arith.constant 6 : i32
        %gt3A_995 = arith.cmpi sgt, %and3A_68, %gt3A_994 : i32
        %select_n3A_996 = arith.select %gt3A_995, %get3A_993, %broadcast_in_dim3A_6 : vector<16xf32>
        %swap3A_997 = arith.constant 6 : i32
        %swap3A_998 = arith.index_cast %swap3A_997 : i32 to index
        %swap3A_999 = arith.constant 64 : index
        %swap3A_1000 = tpu.vector_load %arg12[%swap3A_998, %swap3A_999] {strides = array<i32>} : memref<8x128xf32, #tpu.memory_space<vmem>>, vector<1x16xf32>,
        %swap3A_1001 = vector.shape_cast %swap3A_1000 : vector<1x16xf32> to vector<16xf32>
        %swap3A_1002 = vector.shape_cast %select_n3A_996 : vector<16xf32> to vector<1x16xf32>
        tpu.vector_store %arg12[%swap3A_998, %swap3A_999], %swap3A_1002 {strides = array<i32>} : memref<8x128xf32, #tpu.memory_space<vmem>>, vector<1x16xf32>,
        %add3A_1003 = arith.constant 6 : i32
        %add3A_1004 = arith.addi %multiple_of3A_66, %add3A_1003 : i32
        %get3A_1005 = arith.index_cast %add3A_1004 : i32 to index
        %get3A_1006 = arith.constant 80 : index
        %get3A_1007 = tpu.vector_load %arg7[%get3A_1005, %get3A_1006] {strides = array<i32>} : memref<328x128xf32, #tpu.memory_space<vmem>>, vector<1x16xf32>,
        %get3A_1008 = vector.shape_cast %get3A_1007 : vector<1x16xf32> to vector<16xf32>
        %gt3A_1009 = arith.constant 6 : i32
        %gt3A_1010 = arith.cmpi sgt, %and3A_68, %gt3A_1009 : i32
        %select_n3A_1011 = arith.select %gt3A_1010, %get3A_1008, %broadcast_in_dim3A_6 : vector<16xf32>
        %swap3A_1012 = arith.constant 6 : i32
        %swap3A_1013 = arith.index_cast %swap3A_1012 : i32 to index
        %swap3A_1014 = arith.constant 80 : index
        %swap3A_1015 = tpu.vector_load %arg12[%swap3A_1013, %swap3A_1014] {strides = array<i32>} : memref<8x128xf32, #tpu.memory_space<vmem>>, vector<1x16xf32>,
        %swap3A_1016 = vector.shape_cast %swap3A_1015 : vector<1x16xf32> to vector<16xf32>
        %swap3A_1017 = vector.shape_cast %select_n3A_1011 : vector<16xf32> to vector<1x16xf32>
        tpu.vector_store %arg12[%swap3A_1013, %swap3A_1014], %swap3A_1017 {strides = array<i32>} : memref<8x128xf32, #tpu.memory_space<vmem>>, vector<1x16xf32>,
        %add3A_1018 = arith.constant 6 : i32
        %add3A_1019 = arith.addi %multiple_of3A_66, %add3A_1018 : i32
        %get3A_1020 = arith.index_cast %add3A_1019 : i32 to index
        %get3A_1021 = arith.constant 96 : index
        %get3A_1022 = tpu.vector_load %arg7[%get3A_1020, %get3A_1021] {strides = array<i32>} : memref<328x128xf32, #tpu.memory_space<vmem>>, vector<1x16xf32>,
        %get3A_1023 = vector.shape_cast %get3A_1022 : vector<1x16xf32> to vector<16xf32>
        %gt3A_1024 = arith.constant 6 : i32
        %gt3A_1025 = arith.cmpi sgt, %and3A_68, %gt3A_1024 : i32
        %select_n3A_1026 = arith.select %gt3A_1025, %get3A_1023, %broadcast_in_dim3A_6 : vector<16xf32>
        %swap3A_1027 = arith.constant 6 : i32
        %swap3A_1028 = arith.index_cast %swap3A_1027 : i32 to index
        %swap3A_1029 = arith.constant 96 : index
        %swap3A_1030 = tpu.vector_load %arg12[%swap3A_1028, %swap3A_1029] {strides = array<i32>} : memref<8x128xf32, #tpu.memory_space<vmem>>, vector<1x16xf32>,
        %swap3A_1031 = vector.shape_cast %swap3A_1030 : vector<1x16xf32> to vector<16xf32>
        %swap3A_1032 = vector.shape_cast %select_n3A_1026 : vector<16xf32> to vector<1x16xf32>
        tpu.vector_store %arg12[%swap3A_1028, %swap3A_1029], %swap3A_1032 {strides = array<i32>} : memref<8x128xf32, #tpu.memory_space<vmem>>, vector<1x16xf32>,
        %add3A_1033 = arith.constant 6 : i32
        %add3A_1034 = arith.addi %multiple_of3A_66, %add3A_1033 : i32
        %get3A_1035 = arith.index_cast %add3A_1034 : i32 to index
        %get3A_1036 = arith.constant 112 : index
        %get3A_1037 = tpu.vector_load %arg7[%get3A_1035, %get3A_1036] {strides = array<i32>} : memref<328x128xf32, #tpu.memory_space<vmem>>, vector<1x16xf32>,
        %get3A_1038 = vector.shape_cast %get3A_1037 : vector<1x16xf32> to vector<16xf32>
        %gt3A_1039 = arith.constant 6 : i32
        %gt3A_1040 = arith.cmpi sgt, %and3A_68, %gt3A_1039 : i32
        %select_n3A_1041 = arith.select %gt3A_1040, %get3A_1038, %broadcast_in_dim3A_6 : vector<16xf32>
        %swap3A_1042 = arith.constant 6 : i32
        %swap3A_1043 = arith.index_cast %swap3A_1042 : i32 to index
        %swap3A_1044 = arith.constant 112 : index
        %swap3A_1045 = tpu.vector_load %arg12[%swap3A_1043, %swap3A_1044] {strides = array<i32>} : memref<8x128xf32, #tpu.memory_space<vmem>>, vector<1x16xf32>,
        %swap3A_1046 = vector.shape_cast %swap3A_1045 : vector<1x16xf32> to vector<16xf32>
        %swap3A_1047 = vector.shape_cast %select_n3A_1041 : vector<16xf32> to vector<1x16xf32>
        tpu.vector_store %arg12[%swap3A_1043, %swap3A_1044], %swap3A_1047 {strides = array<i32>} : memref<8x128xf32, #tpu.memory_space<vmem>>, vector<1x16xf32>,
        %add3A_1048 = arith.constant 7 : i32
        %add3A_1049 = arith.addi %multiple_of3A_66, %add3A_1048 : i32
        %get3A_1050 = arith.index_cast %add3A_1049 : i32 to index
        %get3A_1051 = arith.constant 0 : index
        %get3A_1052 = tpu.vector_load %arg7[%get3A_1050, %get3A_1051] {strides = array<i32>} : memref<328x128xf32, #tpu.memory_space<vmem>>, vector<1x16xf32>,
        %get3A_1053 = vector.shape_cast %get3A_1052 : vector<1x16xf32> to vector<16xf32>
        %gt3A_1054 = arith.constant 7 : i32
        %gt3A_1055 = arith.cmpi sgt, %and3A_68, %gt3A_1054 : i32
        %select_n3A_1056 = arith.select %gt3A_1055, %get3A_1053, %broadcast_in_dim3A_6 : vector<16xf32>
        %swap3A_1057 = arith.constant 7 : i32
        %swap3A_1058 = arith.index_cast %swap3A_1057 : i32 to index
        %swap3A_1059 = arith.constant 0 : index
        %swap3A_1060 = tpu.vector_load %arg12[%swap3A_1058, %swap3A_1059] {strides = array<i32>} : memref<8x128xf32, #tpu.memory_space<vmem>>, vector<1x16xf32>,
        %swap3A_1061 = vector.shape_cast %swap3A_1060 : vector<1x16xf32> to vector<16xf32>
        %swap3A_1062 = vector.shape_cast %select_n3A_1056 : vector<16xf32> to vector<1x16xf32>
        tpu.vector_store %arg12[%swap3A_1058, %swap3A_1059], %swap3A_1062 {strides = array<i32>} : memref<8x128xf32, #tpu.memory_space<vmem>>, vector<1x16xf32>,
        %add3A_1063 = arith.constant 7 : i32
        %add3A_1064 = arith.addi %multiple_of3A_66, %add3A_1063 : i32
        %get3A_1065 = arith.index_cast %add3A_1064 : i32 to index
        %get3A_1066 = arith.constant 16 : index
        %get3A_1067 = tpu.vector_load %arg7[%get3A_1065, %get3A_1066] {strides = array<i32>} : memref<328x128xf32, #tpu.memory_space<vmem>>, vector<1x16xf32>,
        %get3A_1068 = vector.shape_cast %get3A_1067 : vector<1x16xf32> to vector<16xf32>
        %gt3A_1069 = arith.constant 7 : i32
        %gt3A_1070 = arith.cmpi sgt, %and3A_68, %gt3A_1069 : i32
        %select_n3A_1071 = arith.select %gt3A_1070, %get3A_1068, %broadcast_in_dim3A_6 : vector<16xf32>
        %swap3A_1072 = arith.constant 7 : i32
        %swap3A_1073 = arith.index_cast %swap3A_1072 : i32 to index
        %swap3A_1074 = arith.constant 16 : index
        %swap3A_1075 = tpu.vector_load %arg12[%swap3A_1073, %swap3A_1074] {strides = array<i32>} : memref<8x128xf32, #tpu.memory_space<vmem>>, vector<1x16xf32>,
        %swap3A_1076 = vector.shape_cast %swap3A_1075 : vector<1x16xf32> to vector<16xf32>
        %swap3A_1077 = vector.shape_cast %select_n3A_1071 : vector<16xf32> to vector<1x16xf32>
        tpu.vector_store %arg12[%swap3A_1073, %swap3A_1074], %swap3A_1077 {strides = array<i32>} : memref<8x128xf32, #tpu.memory_space<vmem>>, vector<1x16xf32>,
        %add3A_1078 = arith.constant 7 : i32
        %add3A_1079 = arith.addi %multiple_of3A_66, %add3A_1078 : i32
        %get3A_1080 = arith.index_cast %add3A_1079 : i32 to index
        %get3A_1081 = arith.constant 32 : index
        %get3A_1082 = tpu.vector_load %arg7[%get3A_1080, %get3A_1081] {strides = array<i32>} : memref<328x128xf32, #tpu.memory_space<vmem>>, vector<1x16xf32>,
        %get3A_1083 = vector.shape_cast %get3A_1082 : vector<1x16xf32> to vector<16xf32>
        %gt3A_1084 = arith.constant 7 : i32
        %gt3A_1085 = arith.cmpi sgt, %and3A_68, %gt3A_1084 : i32
        %select_n3A_1086 = arith.select %gt3A_1085, %get3A_1083, %broadcast_in_dim3A_6 : vector<16xf32>
        %swap3A_1087 = arith.constant 7 : i32
        %swap3A_1088 = arith.index_cast %swap3A_1087 : i32 to index
        %swap3A_1089 = arith.constant 32 : index
        %swap3A_1090 = tpu.vector_load %arg12[%swap3A_1088, %swap3A_1089] {strides = array<i32>} : memref<8x128xf32, #tpu.memory_space<vmem>>, vector<1x16xf32>,
        %swap3A_1091 = vector.shape_cast %swap3A_1090 : vector<1x16xf32> to vector<16xf32>
        %swap3A_1092 = vector.shape_cast %select_n3A_1086 : vector<16xf32> to vector<1x16xf32>
        tpu.vector_store %arg12[%swap3A_1088, %swap3A_1089], %swap3A_1092 {strides = array<i32>} : memref<8x128xf32, #tpu.memory_space<vmem>>, vector<1x16xf32>,
        %add3A_1093 = arith.constant 7 : i32
        %add3A_1094 = arith.addi %multiple_of3A_66, %add3A_1093 : i32
        %get3A_1095 = arith.index_cast %add3A_1094 : i32 to index
        %get3A_1096 = arith.constant 48 : index
        %get3A_1097 = tpu.vector_load %arg7[%get3A_1095, %get3A_1096] {strides = array<i32>} : memref<328x128xf32, #tpu.memory_space<vmem>>, vector<1x16xf32>,
        %get3A_1098 = vector.shape_cast %get3A_1097 : vector<1x16xf32> to vector<16xf32>
        %gt3A_1099 = arith.constant 7 : i32
        %gt3A_1100 = arith.cmpi sgt, %and3A_68, %gt3A_1099 : i32
        %select_n3A_1101 = arith.select %gt3A_1100, %get3A_1098, %broadcast_in_dim3A_6 : vector<16xf32>
        %swap3A_1102 = arith.constant 7 : i32
        %swap3A_1103 = arith.index_cast %swap3A_1102 : i32 to index
        %swap3A_1104 = arith.constant 48 : index
        %swap3A_1105 = tpu.vector_load %arg12[%swap3A_1103, %swap3A_1104] {strides = array<i32>} : memref<8x128xf32, #tpu.memory_space<vmem>>, vector<1x16xf32>,
        %swap3A_1106 = vector.shape_cast %swap3A_1105 : vector<1x16xf32> to vector<16xf32>
        %swap3A_1107 = vector.shape_cast %select_n3A_1101 : vector<16xf32> to vector<1x16xf32>
        tpu.vector_store %arg12[%swap3A_1103, %swap3A_1104], %swap3A_1107 {strides = array<i32>} : memref<8x128xf32, #tpu.memory_space<vmem>>, vector<1x16xf32>,
        %add3A_1108 = arith.constant 7 : i32
        %add3A_1109 = arith.addi %multiple_of3A_66, %add3A_1108 : i32
        %get3A_1110 = arith.index_cast %add3A_1109 : i32 to index
        %get3A_1111 = arith.constant 64 : index
        %get3A_1112 = tpu.vector_load %arg7[%get3A_1110, %get3A_1111] {strides = array<i32>} : memref<328x128xf32, #tpu.memory_space<vmem>>, vector<1x16xf32>,
        %get3A_1113 = vector.shape_cast %get3A_1112 : vector<1x16xf32> to vector<16xf32>
        %gt3A_1114 = arith.constant 7 : i32
        %gt3A_1115 = arith.cmpi sgt, %and3A_68, %gt3A_1114 : i32
        %select_n3A_1116 = arith.select %gt3A_1115, %get3A_1113, %broadcast_in_dim3A_6 : vector<16xf32>
        %swap3A_1117 = arith.constant 7 : i32
        %swap3A_1118 = arith.index_cast %swap3A_1117 : i32 to index
        %swap3A_1119 = arith.constant 64 : index
        %swap3A_1120 = tpu.vector_load %arg12[%swap3A_1118, %swap3A_1119] {strides = array<i32>} : memref<8x128xf32, #tpu.memory_space<vmem>>, vector<1x16xf32>,
        %swap3A_1121 = vector.shape_cast %swap3A_1120 : vector<1x16xf32> to vector<16xf32>
        %swap3A_1122 = vector.shape_cast %select_n3A_1116 : vector<16xf32> to vector<1x16xf32>
        tpu.vector_store %arg12[%swap3A_1118, %swap3A_1119], %swap3A_1122 {strides = array<i32>} : memref<8x128xf32, #tpu.memory_space<vmem>>, vector<1x16xf32>,
        %add3A_1123 = arith.constant 7 : i32
        %add3A_1124 = arith.addi %multiple_of3A_66, %add3A_1123 : i32
        %get3A_1125 = arith.index_cast %add3A_1124 : i32 to index
        %get3A_1126 = arith.constant 80 : index
        %get3A_1127 = tpu.vector_load %arg7[%get3A_1125, %get3A_1126] {strides = array<i32>} : memref<328x128xf32, #tpu.memory_space<vmem>>, vector<1x16xf32>,
        %get3A_1128 = vector.shape_cast %get3A_1127 : vector<1x16xf32> to vector<16xf32>
        %gt3A_1129 = arith.constant 7 : i32
        %gt3A_1130 = arith.cmpi sgt, %and3A_68, %gt3A_1129 : i32
        %select_n3A_1131 = arith.select %gt3A_1130, %get3A_1128, %broadcast_in_dim3A_6 : vector<16xf32>
        %swap3A_1132 = arith.constant 7 : i32
        %swap3A_1133 = arith.index_cast %swap3A_1132 : i32 to index
        %swap3A_1134 = arith.constant 80 : index
        %swap3A_1135 = tpu.vector_load %arg12[%swap3A_1133, %swap3A_1134] {strides = array<i32>} : memref<8x128xf32, #tpu.memory_space<vmem>>, vector<1x16xf32>,
        %swap3A_1136 = vector.shape_cast %swap3A_1135 : vector<1x16xf32> to vector<16xf32>
        %swap3A_1137 = vector.shape_cast %select_n3A_1131 : vector<16xf32> to vector<1x16xf32>
        tpu.vector_store %arg12[%swap3A_1133, %swap3A_1134], %swap3A_1137 {strides = array<i32>} : memref<8x128xf32, #tpu.memory_space<vmem>>, vector<1x16xf32>,
        %add3A_1138 = arith.constant 7 : i32
        %add3A_1139 = arith.addi %multiple_of3A_66, %add3A_1138 : i32
        %get3A_1140 = arith.index_cast %add3A_1139 : i32 to index
        %get3A_1141 = arith.constant 96 : index
        %get3A_1142 = tpu.vector_load %arg7[%get3A_1140, %get3A_1141] {strides = array<i32>} : memref<328x128xf32, #tpu.memory_space<vmem>>, vector<1x16xf32>,
        %get3A_1143 = vector.shape_cast %get3A_1142 : vector<1x16xf32> to vector<16xf32>
        %gt3A_1144 = arith.constant 7 : i32
        %gt3A_1145 = arith.cmpi sgt, %and3A_68, %gt3A_1144 : i32
        %select_n3A_1146 = arith.select %gt3A_1145, %get3A_1143, %broadcast_in_dim3A_6 : vector<16xf32>
        %swap3A_1147 = arith.constant 7 : i32
        %swap3A_1148 = arith.index_cast %swap3A_1147 : i32 to index
        %swap3A_1149 = arith.constant 96 : index
        %swap3A_1150 = tpu.vector_load %arg12[%swap3A_1148, %swap3A_1149] {strides = array<i32>} : memref<8x128xf32, #tpu.memory_space<vmem>>, vector<1x16xf32>,
        %swap3A_1151 = vector.shape_cast %swap3A_1150 : vector<1x16xf32> to vector<16xf32>
        %swap3A_1152 = vector.shape_cast %select_n3A_1146 : vector<16xf32> to vector<1x16xf32>
        tpu.vector_store %arg12[%swap3A_1148, %swap3A_1149], %swap3A_1152 {strides = array<i32>} : memref<8x128xf32, #tpu.memory_space<vmem>>, vector<1x16xf32>,
        %add3A_1153 = arith.constant 7 : i32
        %add3A_1154 = arith.addi %multiple_of3A_66, %add3A_1153 : i32
        %get3A_1155 = arith.index_cast %add3A_1154 : i32 to index
        %get3A_1156 = arith.constant 112 : index
        %get3A_1157 = tpu.vector_load %arg7[%get3A_1155, %get3A_1156] {strides = array<i32>} : memref<328x128xf32, #tpu.memory_space<vmem>>, vector<1x16xf32>,
        %get3A_1158 = vector.shape_cast %get3A_1157 : vector<1x16xf32> to vector<16xf32>
        %gt3A_1159 = arith.constant 7 : i32
        %gt3A_1160 = arith.cmpi sgt, %and3A_68, %gt3A_1159 : i32
        %select_n3A_1161 = arith.select %gt3A_1160, %get3A_1158, %broadcast_in_dim3A_6 : vector<16xf32>
        %swap3A_1162 = arith.constant 7 : i32
        %swap3A_1163 = arith.index_cast %swap3A_1162 : i32 to index
        %swap3A_1164 = arith.constant 112 : index
        %swap3A_1165 = tpu.vector_load %arg12[%swap3A_1163, %swap3A_1164] {strides = array<i32>} : memref<8x128xf32, #tpu.memory_space<vmem>>, vector<1x16xf32>,
        %swap3A_1166 = vector.shape_cast %swap3A_1165 : vector<1x16xf32> to vector<16xf32>
        %swap3A_1167 = vector.shape_cast %select_n3A_1161 : vector<16xf32> to vector<1x16xf32>
        tpu.vector_store %arg12[%swap3A_1163, %swap3A_1164], %swap3A_1167 {strides = array<i32>} : memref<8x128xf32, #tpu.memory_space<vmem>>, vector<1x16xf32>,
        %add3A_1168 = arith.addi %multiple_of3A_72, %multiple_of3A_66 : i32
        %multiple_of3A_1169 = tpu.assume_multiple %add3A_1168, 8 : i32
        %dma_start3A_1170 = arith.constant 0 : i32
        %dma_start3A_1171 = tpu.memref_slice %arg4[%multiple_of3A_1169, %dma_start3A_1170] : memref<204800x128xf32, #tpu.memory_space<hbm>> -> memref<8x128xf32, #tpu.memory_space<hbm>>
        %dma_start3A_1172 = arith.constant 0 : i32
        %dma_start3A_1173 = tpu.memref_slice %arg4[%multiple_of3A_1169, %dma_start3A_1172] : memref<204800x128xf32, #tpu.memory_space<hbm>> -> memref<8x128xf32, #tpu.memory_space<hbm>>
        tpu.enqueue_dma source(%arg12 : memref<8x128xf32, #tpu.memory_space<vmem>>) target(%dma_start3A_1173 : memref<8x128xf32, #tpu.memory_space<hbm>>) target_semaphore(%arg19 : memref<!tpu.dma_semaphore, #tpu.memory_space<semaphore_mem>>)
      } else {
      }
      %sub3A = arith.constant 192 : i32
      %sub3A_146 = arith.subi %sub3A, %multiple_of3A_66 : i32
      %add3A_147 = arith.constant 8 : i32
      %add3A_148 = arith.addi %multiple_of3A_66, %add3A_147 : i32
      %and3A_149 = arith.constant -256 : i32
      %and3A_150 = arith.andi %sub3A_146, %and3A_149 : i32
      %add3A_151 = arith.addi %add3A_148, %and3A_150 : i32
      %and3A_152 = arith.constant 128 : i32
      %and3A_153 = arith.andi %sub3A_146, %and3A_152 : i32
      %ne3A_154 = arith.constant 0 : i32
      %ne3A_155 = arith.cmpi ne, %and3A_153, %ne3A_154 : i32
      %convert_element_type3A_156 = arith.extui %ne3A_155 : i1 to i32
      %cond3A_157 = arith.constant 0 : i32
      %cond3A_158 = arith.cmpi ne, %convert_element_type3A_156, %cond3A_157 : i32
      scf.if %cond3A_158 {
        %add3A_207 = arith.addi %multiple_of3A_72, %add3A_151 : i32
        %multiple_of3A_208 = tpu.assume_multiple %add3A_207, 8 : i32
        %dma_start3A_209 = arith.constant 200 : i32
        %dma_start3A_210 = arith.constant 0 : i32
        %dma_start3A_211 = tpu.memref_slice %arg7[%dma_start3A_209, %dma_start3A_210] : memref<328x128xf32, #tpu.memory_space<vmem>> -> memref<128x128xf32, #tpu.memory_space<vmem>>
        %dma_start3A_212 = arith.constant 0 : i32
        %dma_start3A_213 = tpu.memref_slice %arg4[%multiple_of3A_208, %dma_start3A_212] : memref<204800x128xf32, #tpu.memory_space<hbm>> -> memref<128x128xf32, #tpu.memory_space<hbm>>
        %dma_start3A_214 = arith.constant 0 : i32
        %dma_start3A_215 = tpu.memref_slice %arg4[%multiple_of3A_208, %dma_start3A_214] : memref<204800x128xf32, #tpu.memory_space<hbm>> -> memref<128x128xf32, #tpu.memory_space<hbm>>
        %dma_start3A_216 = arith.constant 200 : i32
        %dma_start3A_217 = arith.constant 0 : i32
        %dma_start3A_218 = tpu.memref_slice %arg7[%dma_start3A_216, %dma_start3A_217] : memref<328x128xf32, #tpu.memory_space<vmem>> -> memref<128x128xf32, #tpu.memory_space<vmem>>
        tpu.enqueue_dma source(%dma_start3A_218 : memref<128x128xf32, #tpu.memory_space<vmem>>) target(%dma_start3A_215 : memref<128x128xf32, #tpu.memory_space<hbm>>) target_semaphore(%arg15 : memref<!tpu.dma_semaphore, #tpu.memory_space<semaphore_mem>>)
      } else {
      }
      %add3A_159 = arith.constant 8 : i32
      %add3A_160 = arith.addi %multiple_of3A_66, %add3A_159 : i32
      %and3A_161 = arith.constant -128 : i32
      %and3A_162 = arith.andi %sub3A_146, %and3A_161 : i32
      %add3A_163 = arith.addi %add3A_160, %and3A_162 : i32
      %and3A_164 = arith.constant 64 : i32
      %and3A_165 = arith.andi %sub3A_146, %and3A_164 : i32
      %ne3A_166 = arith.constant 0 : i32
      %ne3A_167 = arith.cmpi ne, %and3A_165, %ne3A_166 : i32
      %convert_element_type3A_168 = arith.extui %ne3A_167 : i1 to i32
      %cond3A_169 = arith.constant 0 : i32
      %cond3A_170 = arith.cmpi ne, %convert_element_type3A_168, %cond3A_169 : i32
      scf.if %cond3A_170 {
        %add3A_207 = arith.addi %multiple_of3A_72, %add3A_163 : i32
        %multiple_of3A_208 = tpu.assume_multiple %add3A_207, 8 : i32
        %dma_start3A_209 = arith.constant 200 : i32
        %dma_start3A_210 = arith.constant 0 : i32
        %dma_start3A_211 = tpu.memref_slice %arg7[%dma_start3A_209, %dma_start3A_210] : memref<328x128xf32, #tpu.memory_space<vmem>> -> memref<64x128xf32, #tpu.memory_space<vmem>>
        %dma_start3A_212 = arith.constant 0 : i32
        %dma_start3A_213 = tpu.memref_slice %arg4[%multiple_of3A_208, %dma_start3A_212] : memref<204800x128xf32, #tpu.memory_space<hbm>> -> memref<64x128xf32, #tpu.memory_space<hbm>>
        %dma_start3A_214 = arith.constant 0 : i32
        %dma_start3A_215 = tpu.memref_slice %arg4[%multiple_of3A_208, %dma_start3A_214] : memref<204800x128xf32, #tpu.memory_space<hbm>> -> memref<64x128xf32, #tpu.memory_space<hbm>>
        %dma_start3A_216 = arith.constant 200 : i32
        %dma_start3A_217 = arith.constant 0 : i32
        %dma_start3A_218 = tpu.memref_slice %arg7[%dma_start3A_216, %dma_start3A_217] : memref<328x128xf32, #tpu.memory_space<vmem>> -> memref<64x128xf32, #tpu.memory_space<vmem>>
        tpu.enqueue_dma source(%dma_start3A_218 : memref<64x128xf32, #tpu.memory_space<vmem>>) target(%dma_start3A_215 : memref<64x128xf32, #tpu.memory_space<hbm>>) target_semaphore(%arg15 : memref<!tpu.dma_semaphore, #tpu.memory_space<semaphore_mem>>)
      } else {
      }
      %add3A_171 = arith.constant 8 : i32
      %add3A_172 = arith.addi %multiple_of3A_66, %add3A_171 : i32
      %and3A_173 = arith.constant -64 : i32
      %and3A_174 = arith.andi %sub3A_146, %and3A_173 : i32
      %add3A_175 = arith.addi %add3A_172, %and3A_174 : i32
      %and3A_176 = arith.constant 32 : i32
      %and3A_177 = arith.andi %sub3A_146, %and3A_176 : i32
      %ne3A_178 = arith.constant 0 : i32
      %ne3A_179 = arith.cmpi ne, %and3A_177, %ne3A_178 : i32
      %convert_element_type3A_180 = arith.extui %ne3A_179 : i1 to i32
      %cond3A_181 = arith.constant 0 : i32
      %cond3A_182 = arith.cmpi ne, %convert_element_type3A_180, %cond3A_181 : i32
      scf.if %cond3A_182 {
        %add3A_207 = arith.addi %multiple_of3A_72, %add3A_175 : i32
        %multiple_of3A_208 = tpu.assume_multiple %add3A_207, 8 : i32
        %dma_start3A_209 = arith.constant 200 : i32
        %dma_start3A_210 = arith.constant 0 : i32
        %dma_start3A_211 = tpu.memref_slice %arg7[%dma_start3A_209, %dma_start3A_210] : memref<328x128xf32, #tpu.memory_space<vmem>> -> memref<32x128xf32, #tpu.memory_space<vmem>>
        %dma_start3A_212 = arith.constant 0 : i32
        %dma_start3A_213 = tpu.memref_slice %arg4[%multiple_of3A_208, %dma_start3A_212] : memref<204800x128xf32, #tpu.memory_space<hbm>> -> memref<32x128xf32, #tpu.memory_space<hbm>>
        %dma_start3A_214 = arith.constant 0 : i32
        %dma_start3A_215 = tpu.memref_slice %arg4[%multiple_of3A_208, %dma_start3A_214] : memref<204800x128xf32, #tpu.memory_space<hbm>> -> memref<32x128xf32, #tpu.memory_space<hbm>>
        %dma_start3A_216 = arith.constant 200 : i32
        %dma_start3A_217 = arith.constant 0 : i32
        %dma_start3A_218 = tpu.memref_slice %arg7[%dma_start3A_216, %dma_start3A_217] : memref<328x128xf32, #tpu.memory_space<vmem>> -> memref<32x128xf32, #tpu.memory_space<vmem>>
        tpu.enqueue_dma source(%dma_start3A_218 : memref<32x128xf32, #tpu.memory_space<vmem>>) target(%dma_start3A_215 : memref<32x128xf32, #tpu.memory_space<hbm>>) target_semaphore(%arg15 : memref<!tpu.dma_semaphore, #tpu.memory_space<semaphore_mem>>)
      } else {
      }
      %add3A_183 = arith.constant 8 : i32
      %add3A_184 = arith.addi %multiple_of3A_66, %add3A_183 : i32
      %and3A_185 = arith.constant -32 : i32
      %and3A_186 = arith.andi %sub3A_146, %and3A_185 : i32
      %add3A_187 = arith.addi %add3A_184, %and3A_186 : i32
      %and3A_188 = arith.constant 16 : i32
      %and3A_189 = arith.andi %sub3A_146, %and3A_188 : i32
      %ne3A_190 = arith.constant 0 : i32
      %ne3A_191 = arith.cmpi ne, %and3A_189, %ne3A_190 : i32
      %convert_element_type3A_192 = arith.extui %ne3A_191 : i1 to i32
      %cond3A_193 = arith.constant 0 : i32
      %cond3A_194 = arith.cmpi ne, %convert_element_type3A_192, %cond3A_193 : i32
      scf.if %cond3A_194 {
        %add3A_207 = arith.addi %multiple_of3A_72, %add3A_187 : i32
        %multiple_of3A_208 = tpu.assume_multiple %add3A_207, 8 : i32
        %dma_start3A_209 = arith.constant 200 : i32
        %dma_start3A_210 = arith.constant 0 : i32
        %dma_start3A_211 = tpu.memref_slice %arg7[%dma_start3A_209, %dma_start3A_210] : memref<328x128xf32, #tpu.memory_space<vmem>> -> memref<16x128xf32, #tpu.memory_space<vmem>>
        %dma_start3A_212 = arith.constant 0 : i32
        %dma_start3A_213 = tpu.memref_slice %arg4[%multiple_of3A_208, %dma_start3A_212] : memref<204800x128xf32, #tpu.memory_space<hbm>> -> memref<16x128xf32, #tpu.memory_space<hbm>>
        %dma_start3A_214 = arith.constant 0 : i32
        %dma_start3A_215 = tpu.memref_slice %arg4[%multiple_of3A_208, %dma_start3A_214] : memref<204800x128xf32, #tpu.memory_space<hbm>> -> memref<16x128xf32, #tpu.memory_space<hbm>>
        %dma_start3A_216 = arith.constant 200 : i32
        %dma_start3A_217 = arith.constant 0 : i32
        %dma_start3A_218 = tpu.memref_slice %arg7[%dma_start3A_216, %dma_start3A_217] : memref<328x128xf32, #tpu.memory_space<vmem>> -> memref<16x128xf32, #tpu.memory_space<vmem>>
        tpu.enqueue_dma source(%dma_start3A_218 : memref<16x128xf32, #tpu.memory_space<vmem>>) target(%dma_start3A_215 : memref<16x128xf32, #tpu.memory_space<hbm>>) target_semaphore(%arg15 : memref<!tpu.dma_semaphore, #tpu.memory_space<semaphore_mem>>)
      } else {
      }
      %add3A_195 = arith.constant 8 : i32
      %add3A_196 = arith.addi %multiple_of3A_66, %add3A_195 : i32
      %and3A_197 = arith.constant -16 : i32
      %and3A_198 = arith.andi %sub3A_146, %and3A_197 : i32
      %add3A_199 = arith.addi %add3A_196, %and3A_198 : i32
      %and3A_200 = arith.constant 8 : i32
      %and3A_201 = arith.andi %sub3A_146, %and3A_200 : i32
      %ne3A_202 = arith.constant 0 : i32
      %ne3A_203 = arith.cmpi ne, %and3A_201, %ne3A_202 : i32
      %convert_element_type3A_204 = arith.extui %ne3A_203 : i1 to i32
      %cond3A_205 = arith.constant 0 : i32
      %cond3A_206 = arith.cmpi ne, %convert_element_type3A_204, %cond3A_205 : i32
      scf.if %cond3A_206 {
        %add3A_207 = arith.addi %multiple_of3A_72, %add3A_199 : i32
        %multiple_of3A_208 = tpu.assume_multiple %add3A_207, 8 : i32
        %dma_start3A_209 = arith.constant 200 : i32
        %dma_start3A_210 = arith.constant 0 : i32
        %dma_start3A_211 = tpu.memref_slice %arg7[%dma_start3A_209, %dma_start3A_210] : memref<328x128xf32, #tpu.memory_space<vmem>> -> memref<8x128xf32, #tpu.memory_space<vmem>>
        %dma_start3A_212 = arith.constant 0 : i32
        %dma_start3A_213 = tpu.memref_slice %arg4[%multiple_of3A_208, %dma_start3A_212] : memref<204800x128xf32, #tpu.memory_space<hbm>> -> memref<8x128xf32, #tpu.memory_space<hbm>>
        %dma_start3A_214 = arith.constant 0 : i32
        %dma_start3A_215 = tpu.memref_slice %arg4[%multiple_of3A_208, %dma_start3A_214] : memref<204800x128xf32, #tpu.memory_space<hbm>> -> memref<8x128xf32, #tpu.memory_space<hbm>>
        %dma_start3A_216 = arith.constant 200 : i32
        %dma_start3A_217 = arith.constant 0 : i32
        %dma_start3A_218 = tpu.memref_slice %arg7[%dma_start3A_216, %dma_start3A_217] : memref<328x128xf32, #tpu.memory_space<vmem>> -> memref<8x128xf32, #tpu.memory_space<vmem>>
        tpu.enqueue_dma source(%dma_start3A_218 : memref<8x128xf32, #tpu.memory_space<vmem>>) target(%dma_start3A_215 : memref<8x128xf32, #tpu.memory_space<hbm>>) target_semaphore(%arg15 : memref<!tpu.dma_semaphore, #tpu.memory_space<semaphore_mem>>)
      } else {
      }
    }
    %scan3A_33 = arith.constant 32 : i32
    %scan3A_34 = arith.constant 0 : i32
    %scan3A_35 = arith.constant 0 : i32
    %scan3A_36 = arith.constant 48 : i32
    %scan3A_37 = arith.addi %scan3A_35, %scan3A_36 : i32
    %scan3A_38 = arith.constant 1 : i32
    scf.for %scan3A_61 = %scan3A_35 to %scan3A_37 step %scan3A_38  : i32 {
      %dma_wait3A_62 = arith.constant 0 : i32
      %dma_wait3A_63 = tpu.memref_slice %arg4[%multiple_of3A, %dma_wait3A_62] : memref<204800x128xf32, #tpu.memory_space<hbm>> -> memref<128x128xf32, #tpu.memory_space<hbm>>
      %dma_wait3A_64 = arith.constant 0 : i32
      %dma_wait3A_65 = tpu.memref_slice %arg4[%multiple_of3A, %dma_wait3A_64] : memref<204800x128xf32, #tpu.memory_space<hbm>> -> memref<128x128xf32, #tpu.memory_space<hbm>>
      tpu.wait_dma2 semaphore(%arg15 : memref<!tpu.dma_semaphore, #tpu.memory_space<semaphore_mem>>) src(%dma_wait3A_65 : memref<128x128xf32, #tpu.memory_space<hbm>>) dst(%arg13 : memref<128x128xf32, #tpu.memory_space<vmem>>)
    }
    %scan3A_39 = arith.constant 48 : i32
    %dma_wait3A = arith.constant 0 : i32
    %dma_wait3A_40 = tpu.memref_slice %arg4[%multiple_of3A, %dma_wait3A] : memref<204800x128xf32, #tpu.memory_space<hbm>> -> memref<8x128xf32, #tpu.memory_space<hbm>>
    %dma_wait3A_41 = arith.constant 0 : i32
    %dma_wait3A_42 = tpu.memref_slice %arg4[%multiple_of3A, %dma_wait3A_41] : memref<204800x128xf32, #tpu.memory_space<hbm>> -> memref<8x128xf32, #tpu.memory_space<hbm>>
    tpu.wait_dma2 semaphore(%arg16 : memref<!tpu.dma_semaphore, #tpu.memory_space<semaphore_mem>>) src(%arg9 : memref<8x128xf32, #tpu.memory_space<vmem>>) dst(%dma_wait3A_42 : memref<8x128xf32, #tpu.memory_space<hbm>>)
    %dma_wait3A_43 = arith.constant 0 : i32
    %dma_wait3A_44 = tpu.memref_slice %arg4[%multiple_of3A, %dma_wait3A_43] : memref<204800x128xf32, #tpu.memory_space<hbm>> -> memref<8x128xf32, #tpu.memory_space<hbm>>
    %dma_wait3A_45 = arith.constant 0 : i32
    %dma_wait3A_46 = tpu.memref_slice %arg4[%multiple_of3A, %dma_wait3A_45] : memref<204800x128xf32, #tpu.memory_space<hbm>> -> memref<8x128xf32, #tpu.memory_space<hbm>>
    tpu.wait_dma2 semaphore(%arg17 : memref<!tpu.dma_semaphore, #tpu.memory_space<semaphore_mem>>) src(%arg10 : memref<8x128xf32, #tpu.memory_space<vmem>>) dst(%dma_wait3A_46 : memref<8x128xf32, #tpu.memory_space<hbm>>)
    %dma_wait3A_47 = arith.constant 0 : i32
    %dma_wait3A_48 = tpu.memref_slice %arg4[%multiple_of3A, %dma_wait3A_47] : memref<204800x128xf32, #tpu.memory_space<hbm>> -> memref<8x128xf32, #tpu.memory_space<hbm>>
    %dma_wait3A_49 = arith.constant 0 : i32
    %dma_wait3A_50 = tpu.memref_slice %arg4[%multiple_of3A, %dma_wait3A_49] : memref<204800x128xf32, #tpu.memory_space<hbm>> -> memref<8x128xf32, #tpu.memory_space<hbm>>
    tpu.wait_dma2 semaphore(%arg18 : memref<!tpu.dma_semaphore, #tpu.memory_space<semaphore_mem>>) src(%arg11 : memref<8x128xf32, #tpu.memory_space<vmem>>) dst(%dma_wait3A_50 : memref<8x128xf32, #tpu.memory_space<hbm>>)
    %dma_wait3A_51 = arith.constant 0 : i32
    %dma_wait3A_52 = tpu.memref_slice %arg4[%multiple_of3A, %dma_wait3A_51] : memref<204800x128xf32, #tpu.memory_space<hbm>> -> memref<8x128xf32, #tpu.memory_space<hbm>>
    %dma_wait3A_53 = arith.constant 0 : i32
    %dma_wait3A_54 = tpu.memref_slice %arg4[%multiple_of3A, %dma_wait3A_53] : memref<204800x128xf32, #tpu.memory_space<hbm>> -> memref<8x128xf32, #tpu.memory_space<hbm>>
    tpu.wait_dma2 semaphore(%arg19 : memref<!tpu.dma_semaphore, #tpu.memory_space<semaphore_mem>>) src(%arg12 : memref<8x128xf32, #tpu.memory_space<vmem>>) dst(%dma_wait3A_54 : memref<8x128xf32, #tpu.memory_space<hbm>>)
    %dma_wait3A_55 = arith.constant 0 : i32
    %dma_wait3A_56 = tpu.memref_slice %arg8[%dma_wait3A_55] : memref<6408xi32, #tpu.memory_space<vmem>> -> memref<6400xi32, #tpu.memory_space<vmem>>
    %dma_wait3A_57 = tpu.memref_slice %arg5[%multiple_of3A] : memref<204800xi32, #tpu.memory_space<hbm>> -> memref<6400xi32, #tpu.memory_space<hbm>>
    %dma_wait3A_58 = tpu.memref_slice %arg5[%multiple_of3A] : memref<204800xi32, #tpu.memory_space<hbm>> -> memref<6400xi32, #tpu.memory_space<hbm>>
    %dma_wait3A_59 = arith.constant 0 : i32
    %dma_wait3A_60 = tpu.memref_slice %arg8[%dma_wait3A_59] : memref<6408xi32, #tpu.memory_space<vmem>> -> memref<6400xi32, #tpu.memory_space<vmem>>
    tpu.wait_dma2 semaphore(%arg14 : memref<!tpu.dma_semaphore, #tpu.memory_space<semaphore_mem>>) src(%dma_wait3A_60 : memref<6400xi32, #tpu.memory_space<vmem>>) dst(%dma_wait3A_58 : memref<6400xi32, #tpu.memory_space<hbm>>)
    return
  }
}

</mosaic_0001>

<sc_bundles>
// kernel: _run.3.cloned.1.call-start
scs
__scs_entry_jumppad:
0x0: {  	(pc) =	sbr.rel $0x88, $3  }
0x1: {  	(tag) =	ssettag $0x0;
	lr =	simm.s32 $0x1  }
0x2: {  	[smem:$0x3F9F] =	sst lr;
	_ =	strace $0xD0000000  }
0x3: {  	_ = 	snop  }
0x4: {  	_ = 	snop  }
0x5: {  	_ = 	snop  }
0x6: {  	_ = 	snop  }
0x7: {  	_ = 	snop  }
__scs_overlays_trampoline_lowered:
0x8: {  	[smem:$0x3FAE] =	sst s0  }
0x9: {  	[smem:$0x3FAF] =	sst s1  }
0xa: {  	[smem:$0x3FB0] =	sst s2  }
0xb: {  	[smem:$0x3FB1] =	sst s3  }
0xc: {  	[smem:$0x3FB2] =	sst s4  }
0xd: {  	[smem:$0x3FB3] =	sst s5  }
0xe: {  	[smem:$0x3FB4] =	sst s6  }
0xf: {  	[smem:$0x3FB5] =	sst s7  }
0x10: {  	[smem:$0x3FB6] =	sst s8  }
0x11: {  	[smem:$0x3FB7] =	sst s9;
	s0 =	simm.s32 @!p0 $0x0  }
0x12: {  	s1 =	sld [smem:$0x3F9D];
	s0 =	simm.s32 @p0 $0x1  }
0x13: {  	[smem:$0x3FB8] =	sst s0;
	s0 =	simm.s32 @!p1 $0x0  }
0x14: {  	s2 =	sld [smem:$0x3F9C];
	s0 =	simm.s32 @p1 $0x1  }
0x15: {  	[smem:$0x3FB9] =	sst s0;
	s0 =	simm.s32 @!p2 $0x0  }
0x16: {  	s3 =	sld [smem:$0x3FDB];
	s0 =	simm.s32 @p2 $0x1  }
0x17: {  	s4 =	simm.s32 $0x1BF5;
	[smem:$0x3FBB] =	sst s0  }
0x18: {  	s0 =	sld [smem:$0x3F9E];
	_ =	swait.ge [sflag:s4], $0x0  }
0x19: {  	s7 =	sld [smem:$0x3F9F]  }
0x1a: {  	s8 =	sadd.s32 $0xFFFFE003, lr  }
0x1b: {  	s9 =	sadd.s32 $0xFFFFFEF7, lr;
	s5 =	simm.s32 $0xFFFFFFFF;
	p2 =	slt.u32 s8, $0xFFFFF086  }
0x1c: {  	p1 =	slt.u32 s9, $0xF7A;
	s5 =	simm.s32 @!p2 $0x0  }
0x1d: {  	s5 =	simm.s32 @p1 $0x1;
	p0 =	seq.s32 s7, s2  }
0x1e: {  	s7 =	smul.u32 @!p0 $0xF7A, s2;
	p2 =	seq.s32 @!p0 s5, $0x0  }
0x1f: {  	s9 =	smul.u32 $0xF7A, s1;
	s8 =	simm.s32 @!p0 $0x1BF5;
	p2 =	por !p2, p0  }
0x20: {  	[sflag:s8] =	ssyncset.s32 @!p0 $0xFFFFF086;
	s6 =	sadd.s32 @!p0 s3, s7;
	s7 =	simm.s32 @!p0 $0x108  }
0x21: {  	s3 =	sadd.s32 s3, s9;
	s6 =	sadd.s32 @!p0 $0x88, s6;
	s7 =	simm.s32 @p2 $0x1082  }
0x22: {  	[simem:s7], [sflag:s8] =	dma.local @!p0 [hbm:s6], $0xF7A  }
0x23: {  	s9 =	sor.u32 $0xD0000000, s2;
	s6 =	simm.s32 $0x108;
	_ =	swait.ge @!p0 [sflag:s8], $0x0  }
0x24: {  	s3 =	sadd.s32 $0x88, s3;
	s6 =	simm.s32 @!p1 $0x1082;
	[sflag:s4] =	ssyncset.s32 $0xFFFFF086  }
0x25: {  	[simem:s6], [sflag:s4] =	dma.local [hbm:s3], $0xF7A  }
0x26: {  	[smem:$0x3F9F] =	sst s1;
	(tag) =	ssettag s2;
	_ =	strace s9  }
0x27: {  	s1 =	sld [smem:$0x3FAF]  }
0x28: {  	s2 =	sld [smem:$0x3FB0]  }
0x29: {  	s4 =	sld [smem:$0x3FB2]  }
0x2a: {  	p0 =	seq.s32 s5, $0x0;
	s5 =	sld [smem:$0x3FB3]  }
0x2b: {  	s6 =	sld [smem:$0x3FB4]  }
0x2c: {  	s7 =	sld [smem:$0x3FB5]  }
0x2d: {  	s3 =	simm.s32 $0x108;
	s8 =	sld [smem:$0x3FB6]  }
0x2e: {  	s3 =	simm.s32 @!p0 $0x1082;
	s9 =	sld [smem:$0x3FB7]  }
0x2f: {  	lr =	sadd.s32 s0, s3;
	s0 =	sld [smem:$0x3FAE]  }
0x30: {  	s3 =	sld [smem:$0x3FB1]  }
0x31: {  	[smem:$0x3FBA] =	sst s10  }
0x32: {  	s10 =	sld [smem:$0x3FB8];
	_ =	sdelay $0x3  }
0x33: {  	p0 =	seq.s32 s10, $0x1;
	s10 =	sld [smem:$0x3FBA];
	_ =	sdelay $0x3  }
0x34: {  	[smem:$0x3FBA] =	sst s10  }
0x35: {  	s10 =	sld [smem:$0x3FB9];
	_ =	sdelay $0x3  }
0x36: {  	p1 =	seq.s32 s10, $0x1;
	s10 =	sld [smem:$0x3FBA];
	_ =	sdelay $0x3  }
0x37: {  	[smem:$0x3FBA] =	sst s10  }
0x38: {  	s10 =	sld [smem:$0x3FBB]  }
0x39: {  	_ = 	snop;
	(pc) =	sbr.ind lr, $3  }
0x3a: {  	_ = 	snop  }
0x3b: {  	_ = 	snop  }
0x3c: {  	p2 =	seq.s32 s10, $0x1;
	s10 =	sld [smem:$0x3FBA]  }
0x3d: {  	_ =	shalt  }
0x3e: {  	_ =	shalt  }
0x3f: {  	_ =	shalt  }
0x40: {  	_ =	shalt  }
0x41: {  	_ =	shalt  }
0x42: {  	_ =	shalt  }
0x43: {  	_ =	shalt  }
0x44: {  	_ =	shalt  }
0x45: {  	_ =	shalt  }
0x46: {  	_ =	shalt  }
0x47: {  	_ =	shalt  }
0x48: {  	_ =	shalt  }
0x49: {  	_ =	shalt  }
0x4a: {  	_ =	shalt  }
0x4b: {  	_ =	shalt  }
0x4c: {  	_ =	shalt  }
0x4d: {  	_ =	shalt  }
0x4e: {  	_ =	shalt  }
0x4f: {  	_ =	shalt  }
0x50: {  	_ =	shalt  }
0x51: {  	_ =	shalt  }
0x52: {  	_ =	shalt  }
0x53: {  	_ =	shalt  }
0x54: {  	_ =	shalt  }
0x55: {  	_ =	shalt  }
0x56: {  	_ =	shalt  }
0x57: {  	_ =	shalt  }
0x58: {  	_ =	shalt  }
0x59: {  	_ =	shalt  }
0x5a: {  	_ =	shalt  }
0x5b: {  	_ =	shalt  }
0x5c: {  	_ =	shalt  }
0x5d: {  	_ =	shalt  }
0x5e: {  	_ =	shalt  }
0x5f: {  	_ =	shalt  }
0x60: {  	_ =	shalt  }
0x61: {  	_ =	shalt  }
0x62: {  	_ =	shalt  }
0x63: {  	_ =	shalt  }
0x64: {  	_ =	shalt  }
0x65: {  	_ =	shalt  }
0x66: {  	_ =	shalt  }
0x67: {  	_ =	shalt  }
0x68: {  	_ =	shalt  }
0x69: {  	_ =	shalt  }
0x6a: {  	_ =	shalt  }
0x6b: {  	_ =	shalt  }
0x6c: {  	_ =	shalt  }
0x6d: {  	_ =	shalt  }
0x6e: {  	_ =	shalt  }
0x6f: {  	_ =	shalt  }
0x70: {  	_ =	shalt  }
0x71: {  	_ =	shalt  }
0x72: {  	_ =	shalt  }
0x73: {  	_ =	shalt  }
0x74: {  	_ =	shalt  }
0x75: {  	_ =	shalt  }
0x76: {  	_ =	shalt  }
0x77: {  	_ =	shalt  }
0x78: {  	_ =	shalt  }
0x79: {  	_ =	shalt  }
0x7a: {  	_ =	shalt  }
0x7b: {  	_ =	shalt  }
0x7c: {  	_ =	shalt  }
0x7d: {  	_ =	shalt  }
0x7e: {  	_ =	shalt  }
0x7f: {  	_ =	shalt  }
0x80: {  	_ =	shalt  }
0x81: {  	_ =	shalt  }
0x82: {  	_ =	shalt  }
0x83: {  	_ =	shalt  }
0x84: {  	_ =	shalt  }
0x85: {  	_ =	shalt  }
0x86: {  	_ =	shalt  }
0x87: {  	_ =	shalt  }
.Lfunc_end0:
.L_simem_size_0:
called_computation_lowered:
.L_overlay_start_0:
0x88: {  	s2 =	sld [smem:$0x3FD9]  }
0x89: {  	s3 =	sld [smem:$0x3FFE];
	_ =	sdelay $0x1  }
0x8a: {  	s1 =	srdreg.scid  }
0x8b: {  	s0 =	sand.u32 $0x1, s1  }
0x8c: {  	s15 =	sshll.u32 s0, $0xA;
	s2 =	sadd.s32 s3, s2  }
0x8d: {  	s2 =	sadd.s32 s2, s15  }
0x8e: {  	[smem:$0x3FC6] =	sst s2  }
0x8f: {  	_ = 	snop  }
0x90: {  	s2 =	sld [smem:$0x3FD0];
	_ =	sdelay $0x1  }
0x91: {  	s16 =	sld [smem:$0x3FC9]  }
0x92: {  	s5 =	simm.s32 $0xA;
	s6 =	simm.s32 $0x10;
	s4 =	sld [smem:$0x3FC8]  }
0x93: {  	[smem:s6], [sflag:s5] =	dma.local [hbm:s2], $0x1  }
0x94: {  	_ =	swait.eq [sflag:s5], $0x1  }
0x95: {  	[sflag:s5] =	ssyncset.done $0x0  }
0x96: {  	s17 =	sld [smem:$0x10];
	[sflag:s5] =	ssyncadd.s32 $0xFFFFFFFF  }
0x97: {  	s18 =	sld [smem:$0x11];
	(tm) =	ssettm $0x1  }
0x98: {  	s19 =	sld [smem:$0x3FFB];
	_ =	sdelay $0x3  }
0x99: {  	_ =	strace s19  }
0x9a: {  	s6 =	sld [smem:$0x3FFC];
	_ =	sdelay $0x3  }
0x9b: {  	_ =	strace s6  }
0x9c: {  	s6 =	sld [smem:$0x3FFD];
	_ =	sdelay $0x3  }
0x9d: {  	_ =	strace s6  }
0x9e: {  	_ =	strace $0x8FFFFFFF  }
0x9f: {  	s20 =	sld [smem:$0x3FDB];
	_ =	sdelay $0x1  }
0xa0: {  	s7 =	simm.s32 $_scs_section_size  }
0xa1: {  	s8 =	simm.s32 $_size__tile_overlayer_lowered;
	s9 =	simm.s32 $_tile_overlayer_lowered  }
0xa2: {  	s23 =	simm.s32 $0x1BFF;
	s22 =	sshll.u32 s9, $0x1;
	s6 =	sadd.s32 s7, s20  }
0xa3: {  	s10 =	simm.s32 $0x0;
	s21 =	sshll.u32 s8, $0x1;
	s8 =	sadd.s32 s22, s6  }
0xa4: {  	[timem:s10], [sflag:s23] =	dma.local [hbm:s8], s21  }
0xa5: {  	_ =	swait.ge [sflag:s23], s21  }
0xa6: {  	s7 =	ssub.s32 $0x0, s21;
	[sflag:s23] =	ssyncset.done $0x0  }
0xa7: {  	[sflag:s23] =	ssyncadd.s32 s7;
	_ =	sdelay $0x1  }
0xa8: {  	s24 =	simm.s32 $0x1B8B  }
0xa9: {  	_ =	swait.ge [sflag:s24], $0x1  }
0xaa: {  	[sflag:s24] =	ssyncset.done $0x0  }
0xab: {  	s25 =	simm.s32 $0x1B8E;
	[sflag:s24] =	ssyncadd.s32 $0xFFFFFFFF  }
0xac: {  	s26 =	simm.s32 $execute0_lowered;
	[smem:$0x3FD2] =	sst s25  }
0xad: {  	s7 =	sshll.u32 s26, $0x1;
	_ =	strace $0x80000046;
	[dreg:$0x1] =	wrdreg $0xFFFFFFFF  }
0xae: {  	s28 =	simm.s32 $_size_execute0_lowered;
	s6 =	sadd.s32 s6, s7;
	[dreg:$0x0] =	wrdreg $0x0  }
0xaf: {  	s7 =	sshll.u32 s28, $0x1;
	[dreg:$0x2] =	wrdreg s6  }
0xb0: {  	[dreg:$0x3] =	wrdreg s7  }
0xb1: {  	[dreg:$0x4] =	wrdreg $0xC0  }
0xb2: {  	_ =	task [dreg:s10], $0x5FFFF  }
0xb3: {  	[dreg:$0x1] =	wrdreg $0xFFFFFFFF  }
0xb4: {  	[dreg:$0x0] =	wrdreg $0x60  }
0xb5: {  	[dreg:$0x2] =	wrdreg s16  }
0xb6: {  	[dreg:$0x3] =	wrdreg s4  }
0xb7: {  	[dreg:$0x4] =	wrdreg s17  }
0xb8: {  	[dreg:$0x5] =	wrdreg s18  }
0xb9: {  	[dreg:$0x6] =	wrdreg $0x9  }
0xba: {  	_ =	task.clear_ibuf [dreg:s10], $0x7FFFF;
	_ =	strace $0x90000046  }
0xbb: {  	s29 =	simm.s32 $0x9;
	_ =	strace $0x80000048  }
0xbc: {  	_ =	swait.ge [sflag:s29], $0x1  }
0xbd: {  	[sflag:s29] =	ssyncadd.s32 $0xFFFFFFFF  }
0xbe: {  	_ =	strace $0x90000048  }
0xbf: {  	_ =	sfence  }
0xc0: {  	s30 =	sld [smem:$0x0];
	_ =	sdelay $0x2  }
0xc1: {  	s31 =	sshll.u32 s1, $0xD;
	s1 =	sshrl.u32 s1, $0x2  }
0xc2: {  	s3 =	sand.u32 $0x4000, s31;
	s1 =	sadd.s32 s1, s30  }
0xc3: {  	s0 =	sor.u32 s3, s0;
	s1 =	sshll.u32 s1, $0x11  }
0xc4: {  	s0 =	sor.u32 s1, s0  }
0xc5: {  	s0 =	sadd.s32 $0x8F2B, s0  }
0xc6: {  	[sflag:s0] =	ssyncadd.remote.s32 $0x1  }
0xc7: {  	_ =	sfence.sel $0xFFFF  }
0xc8: {  	[dreg:$0x0] =	wrdreg $0xFFFFFFFF;
	(pc) =	sbr.abs _section_cstart, $3  }
0xc9: {  	[dreg:$0x1] =	wrdreg $0xFFFFFFFF  }
0xca: {  	_ =	task.clear_ibuf [dreg:s10], $0x2FFFF;
	_ =	strace $0x9FFFFFFF  }
0xcb: {  	(tm) =	ssettm $0x7FFFFFFF  }
tec
execute0_lowered:
.L_overlay_start_1:
0x0: {  	(tag) =	ssettag $0x1  }
0x1: {  	s2 =	rddreg [dreg:$0x0]  }
0x2: {  	s1 =	rddreg [dreg:$0x1]  }
0x3: {  	s3 =	rddreg [dreg:$0x2];
	s4 =	srdreg.scid  }
0x4: {  	s0 =	stileid.u32;
	s6 =	rddreg [dreg:$0x3];
	s12 =	simm.s32 $0xA480  }
0x5: {  	s13 =	simm.s32 $0xBE00;
	s14 =	simm.s32 $0xC200;
	s15 =	simm.s32 $0x2  }
0x6: {  	s16 =	simm.s32 $0x3;
	s17 =	simm.s32 $0x4;
	s18 =	simm.s32 $0x5  }
0x7: {  	s19 =	simm.s32 $0x6;
	s20 =	simm.s32 $0x1;
	s21 =	simm.s32 $0xC600  }
0x8: {  	s22 =	simm.s32 $0xCA00;
	s23 =	simm.s32 $0x0;
	s11 =	smul.u32 $0x3200, s0  }
0x9: {  	s7 =	sand.u32 $0x1, s4;
	s5 =	sshll.u32 s0, $0x1;
	s28 =	smul.u32 $0x32000, s0  }
0xa: {  	s4 =	simm.s32 $0x0;
	s5 =	sor.u32 s7, s5;
	s25 =	smul.u32 $0x1900, s7  }
0xb: {  	v13 =	vlaneseq.u32;
	[smem:$0x7FF] =	sst s4;
	s8 =	ssub.s32 $0x2, s7;
	s30 =	smul.u32 $0x19000, s7  }
0xc: {  	v0 =	vimm.f32 $0.0e+00;
	v1 =	vadd.s32 $0x1, v13;
	s9 =	smul.u32 $0x1900, s5;
	_ =	strace $0x80000047;
	s10 =	sshrl.u32 s8, $0x1  }
0xd: {  	v2 =	vadd.s32 $0x11, v13;
	v3 =	vadd.s32 $0x21, v13;
	v4 =	vadd.s32 $0x31, v13;
	s5 =	sshll.u32 s5, $0x2;
	s31 =	sadd.s32 s28, s3;
	s8 =	ssub.s32 s8, s10  }
0xe: {  	v5 =	vadd.s32 $0x41, v13;
	v6 =	vadd.s32 $0x51, v13;
	v7 =	vadd.s32 $0x61, v13;
	s5 =	sadd.s32 s2, s5;
	s29 =	sadd.s32 s25, s11;
	s10 =	simm.s32 $0x7  }
0xf: {  	v8 =	vadd.s32 $0x71, v13;
	v9 =	vadd.s32 $0x81, v13;
	v10 =	vadd.s32 $0x91, v13;
	s11 =	simm.s32 $0x80;
	s26 =	sshrl.u32 s9, $0x3;
	s7 =	smax.u32 s8, $0x1  }
0x10: {  	v11 =	vadd.s32 $0xA1, v13;
	v12 =	vadd.s32 $0xB1, v13;
	v13 =	vadd.s32 $0xC1, v13;
	s8 =	sor.u32 $0x8, s29;
	s9 =	sadd.s32 s30, s31;
	s6 =	sadd.s32 s6, s26  }
.LBB2_1:
0x11: {  	[tilespmem:s4], [sflag:$0x7] =	stream.linear.gather [hbm4b:s5+s4], $0x20, $0x38;
	[tilespmem:$0xCE00] =	vst v63  }
0x12: {  	_ =	swait.ge [sflag:s10], $0x20  }
0x13: {  	[sflag:s10] =	ssyncset.done $0x0  }
0x14: {  	[sflag:s10] =	ssyncadd.s32 $0xFFFFFFE0  }
0x15: {  	[tilespmem:s11], [sflag:$0x7] =	stream.linear.gather [hbm4b:s1+s4], $0x6400, $0x38;
	[tilespmem:$0xCE00] =	vst v63  }
0x16: {  	_ =	swait.ge [sflag:s10], $0x6400  }
0x17: {  	[sflag:s10] =	ssyncset.done $0x0  }
0x18: {  	s2 =	simm.s32 $0x0;
	s24 =	simm.s32 $0x200;
	[sflag:s10] =	ssyncadd.s32 $0xFFFF9C00  }
.LBB2_2:
0x19: {  	p0 =	sne.s32 s24, $0xFE00;
	[tilespmem:s2+$0x64F0] =	vst v0  }
0x1a: {  	[tilespmem:s2+$0x6480] =	vst v0  }
0x1b: {  	[tilespmem:s2+$0x6490] =	vst v0  }
.Ltmp0:
0x1c: {  	[tilespmem:s2+$0x64A0] =	vst v0;
	(pc) =	sbr.rel @p0 .LBB2_2-.Ltmp0, $4  }
0x1d: {  	[tilespmem:s2+$0x64B0] =	vst v0  }
0x1e: {  	[tilespmem:s2+$0x64C0] =	vst v0  }
0x1f: {  	[tilespmem:s2+$0x64D0] =	vst v0  }
0x20: {  	[tilespmem:s2+$0x64E0] =	vst v0;
	s2 =	sshra.s32 s24, $0x2;
	s24 =	sadd.s32 $0x200, s24  }
0x21: {  	[tilespmem:s2+$0x64F0] =	vst v0  }
0x22: {  	[tilespmem:s2+$0x6480] =	vst v0  }
0x23: {  	[tilespmem:s2+$0x6490] =	vst v0  }
0x24: {  	[tilespmem:s2+$0x64A0] =	vst v0  }
0x25: {  	[tilespmem:s2+$0x64B0] =	vst v0  }
0x26: {  	[tilespmem:s2+$0x64C0] =	vst v0  }
0x27: {  	[tilespmem:s2+$0x64D0] =	vst v0  }
0x28: {  	[tilespmem:s2+$0x64E0] =	vst v0  }
0x29: {  	v14 =	vld [tilespmem:$0x0]  }
0x2a: {  	v15 =	vld [tilespmem:$0x10]  }
0x2b: {  	s2 =	simm.s32 $0x0  }
0x2c: {  	v16 =	vmov s2  }
0x2d: {  	vm0 =	vlt.s32 v16, $0xF;
	vm1 =	vgt.s32 v16, $0x10  }
0x2e: {  	v17 =	vnsel vm0, $0xF, v16;
	v16 =	vnsel vm1, $0x10, v16  }
0x2f: {  	v17 =	vperm.xlane v14, v17;
	v16 =	vperm.xlane v15, v16  }
0x30: {  	p0 =	por $0x1, $0x1;
	s25 =	simm.s32 $0x1  }
0x31: {  	v18 =	vmov s25;
	v17 =	vpsel p0, v17, v16  }
0x32: {  	vm1 =	vlt.s32 v18, $0xF;
	vm0 =	vlt.s32 v17, v2  }
0x33: {  	s24 =	simm.s32 $0xA4E0;
	v19 =	vnsel vm1, $0xF, v18;
	vm1 =	vlt.s32 v17, v1;
	v16 =	vsel vm0, $0x0, v2  }
0x34: {  	vm0 =	vlt.s32 v17, v3;
	v20 =	vsel vm1, $0x0, v1;
	[tilespmem:s24+$0xFFFFFFB0] =	vst v16  }
0x35: {  	v16 =	vsel vm0, $0x0, v3;
	vm0 =	vlt.s32 v17, v4;
	[tilespmem:s24+$0xFFFFFFA0] =	vst v20  }
0x36: {  	[tilespmem:s24+$0xFFFFFFC0] =	vst v16;
	v16 =	vsel vm0, $0x0, v4;
	vm0 =	vlt.s32 v17, v5  }
0x37: {  	[tilespmem:s24+$0xFFFFFFD0] =	vst v16;
	v16 =	vsel vm0, $0x0, v5;
	vm0 =	vlt.s32 v17, v6  }
0x38: {  	[tilespmem:s24+$0xFFFFFFE0] =	vst v16;
	v16 =	vsel vm0, $0x0, v6;
	vm0 =	vlt.s32 v17, v7  }
0x39: {  	vm2 =	vgt.s32 v18, $0x10;
	[tilespmem:s24+$0xFFFFFFF0] =	vst v16;
	v16 =	vsel vm0, $0x0, v7;
	vm0 =	vlt.s32 v17, v8  }
0x3a: {  	v18 =	vnsel vm2, $0x10, v18;
	[tilespmem:s24+$0x0] =	vst v16;
	v16 =	vsel vm0, $0x0, v8;
	vm0 =	vlt.s32 v17, v9  }
0x3b: {  	s31 =	sand.u32 $0x1FF8, s2;
	[tilespmem:s24+$0x10] =	vst v16;
	v16 =	vperm.xlane v14, v19;
	v19 =	vsel vm0, $0x0, v9;
	vm0 =	vlt.s32 v17, v10  }
0x3c: {  	v18 =	vperm.xlane v15, v18;
	[tilespmem:s31+$0xA500] =	vst v19;
	v19 =	vsel vm0, $0x0, v10;
	vm0 =	vlt.s32 v17, v11  }
0x3d: {  	p6 =	por $0x1, $0x1;
	[tilespmem:s24+$0x30] =	vst v19;
	v19 =	vsel vm0, $0x0, v11;
	vm0 =	vlt.s32 v17, v12  }
0x3e: {  	v16 =	vpsel p6, v16, v18;
	[tilespmem:s24+$0x40] =	vst v19;
	v18 =	vsel vm0, $0x0, v12;
	vm0 =	vlt.s32 v17, v13  }
0x3f: {  	vm1 =	vlt.s32 v16, v2;
	[tilespmem:s24+$0x50] =	vst v18;
	v17 =	vsel vm0, $0x0, v13  }
0x40: {  	v18 =	vsel vm1, $0x0, v2;
	vm0 =	vlt.s32 v16, v3;
	[tilespmem:s24+$0x60] =	vst v17;
	s24 =	simm.s32 $0xA5A8  }
0x41: {  	s25 =	simm.s32 $0x2;
	v17 =	vsel vm0, $0x0, v3;
	vm0 =	vlt.s32 v16, v4;
	[tilespmem:s24+$0xFFFFFFB0] =	vst v18  }
.LBB2_4:
0x42: {  	p0 =	sne.s32 s25, $0x1F;
	[tilespmem:s24+$0xFFFFFFC0] =	vst v17;
	v17 =	vsel vm0, $0x0, v4;
	vm0 =	vlt.s32 v16, v5  }
0x43: {  	v18 =	vmov s25;
	[tilespmem:s24+$0xFFFFFFD0] =	vst v17;
	v17 =	vsel vm0, $0x0, v5;
	vm0 =	vlt.s32 v16, v6  }
0x44: {  	vm1 =	vlt.s32 v18, $0xF;
	[tilespmem:s24+$0xFFFFFFE0] =	vst v17;
	v17 =	vsel vm0, $0x0, v6;
	vm0 =	vlt.s32 v16, v7  }
0x45: {  	vm2 =	vgt.s32 v18, $0x10;
	[tilespmem:s24+$0xFFFFFFF0] =	vst v17;
	v17 =	vsel vm0, $0x0, v7;
	vm0 =	vlt.s32 v16, v8  }
0x46: {  	v19 =	vnsel vm1, $0xF, v18;
	vm1 =	vlt.s32 v16, v1;
	[tilespmem:s24+$0x0] =	vst v17;
	v17 =	vsel vm0, $0x0, v8  }
0x47: {  	s2 =	sadd.s32 $0xC8, s2;
	v18 =	vnsel vm2, $0x10, v18;
	v20 =	vsel vm1, $0x0, v1;
	vm0 =	vlt.s32 v16, v9;
	[tilespmem:s24+$0x10] =	vst v17  }
0x48: {  	s26 =	sand.u32 $0x1FF8, s2;
	v17 =	vperm.xlane v14, v19;
	v19 =	vsel vm0, $0x0, v9;
	vm0 =	vlt.s32 v16, v10;
	[tilespmem:s24+$0xFFFFFFA0] =	vst v20  }
0x49: {  	v18 =	vperm.xlane v15, v18;
	[tilespmem:s26+$0xA500] =	vst v19;
	v19 =	vsel vm0, $0x0, v10;
	vm0 =	vlt.s32 v16, v11  }
.Ltmp1:
0x4a: {  	p1 =	slt.u32 s25, $0x10;
	[tilespmem:s24+$0x30] =	vst v19;
	v19 =	vsel vm0, $0x0, v11;
	vm0 =	vlt.s32 v16, v12;
	(pc) =	sbr.rel @p0 .LBB2_4-.Ltmp1, $4  }
0x4b: {  	[tilespmem:s24+$0x40] =	vst v19;
	v19 =	vsel vm0, $0x0, v12;
	vm0 =	vlt.s32 v16, v13;
	v16 =	vpsel p1, v17, v18  }
0x4c: {  	vm1 =	vlt.s32 v16, v2;
	[tilespmem:s24+$0x50] =	vst v19;
	v17 =	vsel vm0, $0x0, v13  }
0x4d: {  	vm0 =	vlt.s32 v16, v3;
	v18 =	vsel vm1, $0x0, v2;
	[tilespmem:s24+$0x60] =	vst v17;
	s24 =	sadd.s32 $0xC8, s24  }
0x4e: {  	s25 =	sadd.s32 $0x1, s25;
	v17 =	vsel vm0, $0x0, v3;
	vm0 =	vlt.s32 v16, v4;
	[tilespmem:s24+$0xFFFFFFB0] =	vst v18  }
0x4f: {  	[tilespmem:s24+$0xFFFFFFC0] =	vst v17;
	v14 =	vsel vm0, $0x0, v4;
	vm7 =	vlt.s32 v16, v5  }
0x50: {  	vm1 =	vlt.s32 v16, v1;
	[tilespmem:s24+$0xFFFFFFD0] =	vst v14;
	v14 =	vsel vm7, $0x0, v5  }
0x51: {  	vm8 =	vlt.s32 v16, v6;
	v15 =	vsel vm1, $0x0, v1;
	[tilespmem:s24+$0xFFFFFFE0] =	vst v14  }
0x52: {  	vm9 =	vlt.s32 v16, v7;
	v14 =	vsel vm8, $0x0, v6;
	[tilespmem:s24+$0xFFFFFFA0] =	vst v15  }
0x53: {  	vm10 =	vlt.s32 v16, v8;
	[tilespmem:s24+$0xFFFFFFF0] =	vst v14;
	v14 =	vsel vm9, $0x0, v7  }
0x54: {  	vm11 =	vlt.s32 v16, v9;
	s2 =	sadd.s32 $0xC8, s2;
	[tilespmem:s24+$0x0] =	vst v14;
	v14 =	vsel vm10, $0x0, v8  }
0x55: {  	vm12 =	vlt.s32 v16, v10;
	s2 =	sand.u32 $0x1FF8, s2;
	[tilespmem:s24+$0x10] =	vst v14;
	v14 =	vsel vm11, $0x0, v9  }
0x56: {  	vm13 =	vlt.s32 v16, v11;
	[tilespmem:s2+$0xA500] =	vst v14;
	v14 =	vsel vm12, $0x0, v10  }
.Ltmp2:
0x57: {  	vm14 =	vlt.s32 v16, v12;
	[tilespmem:s24+$0x30] =	vst v14;
	v14 =	vsel vm13, $0x0, v11;
	(pc) =	sbr.rel .LBB2_6-.Ltmp2, $4  }
0x58: {  	vm15 =	vlt.s32 v16, v13;
	[tilespmem:s24+$0x40] =	vst v14;
	v14 =	vsel vm14, $0x0, v12  }
0x59: {  	s25 =	smov.u32 s8;
	[tilespmem:s24+$0x50] =	vst v14;
	v14 =	vsel vm15, $0x0, v13  }
0x5a: {  	s26 =	simm.s32 $0x0;
	s28 =	simm.s32 $0x0;
	[tilespmem:s24+$0x60] =	vst v14;
	s24 =	simm.s32 $0x0  }
0x5b: {  	[hbm4b:s6+s24] =	stream.linear.scatter [tilespmem:s12], [sflag:$0x1], $0x1900, $0x38;
	[tilespmem:$0xCE00] =	vst v63  }
.LBB2_12:
0x5c: {  	s0 =	simm.s32 @!p0 $0x6  }
0x5d: {  	_ =	swait.ge @!p0 [sflag:s0], $0x400  }
0x5e: {  	s2 =	sshll.u32 s29, $0x9;
	[sflag:s0] =	ssyncset.done @!p0 $0x0  }
0x5f: {  	s2 =	sshra.s32 s2, $0x2;
	[sflag:s0] =	ssyncadd.s32 @!p0 $0xFFFFFC00  }
0x60: {  	v14 =	vld [tilespmem:s2+$0x80];
	_ =	sdelay $0x3  }
0x61: {  	p6 =	seq.s32 s31, $0x0  }
0x62: {  	v14 =	vpsel p6, $0x0, v14  }
0x63: {  	[tilespmem:$0xCA00] =	vst v14  }
0x64: {  	v14 =	vld [tilespmem:s2+$0x90];
	_ =	sdelay $0x4  }
0x65: {  	v14 =	vpsel p6, $0x0, v14  }
0x66: {  	[tilespmem:$0xCA10] =	vst v14  }
0x67: {  	v14 =	vld [tilespmem:s2+$0xA0];
	_ =	sdelay $0x4  }
0x68: {  	v14 =	vpsel p6, $0x0, v14  }
0x69: {  	[tilespmem:$0xCA20] =	vst v14  }
0x6a: {  	v14 =	vld [tilespmem:s2+$0xB0];
	_ =	sdelay $0x4  }
0x6b: {  	v14 =	vpsel p6, $0x0, v14  }
0x6c: {  	[tilespmem:$0xCA30] =	vst v14  }
0x6d: {  	v14 =	vld [tilespmem:s2+$0xC0];
	_ =	sdelay $0x4  }
0x6e: {  	v14 =	vpsel p6, $0x0, v14  }
0x6f: {  	[tilespmem:$0xCA40] =	vst v14  }
0x70: {  	v14 =	vld [tilespmem:s2+$0xD0];
	_ =	sdelay $0x4  }
0x71: {  	v14 =	vpsel p6, $0x0, v14  }
0x72: {  	[tilespmem:$0xCA50] =	vst v14  }
0x73: {  	v14 =	vld [tilespmem:s2+$0xE0];
	_ =	sdelay $0x4  }
0x74: {  	v14 =	vpsel p6, $0x0, v14  }
0x75: {  	[tilespmem:$0xCA60] =	vst v14  }
0x76: {  	v14 =	vld [tilespmem:s2+$0xF0];
	_ =	sdelay $0x4  }
0x77: {  	v14 =	vpsel p6, $0x0, v14  }
0x78: {  	[tilespmem:$0xCA70] =	vst v14  }
0x79: {  	v14 =	vld [tilespmem:s2+$0x100];
	_ =	sdelay $0x3  }
0x7a: {  	p1 =	sgt.u32 s31, $0x1  }
0x7b: {  	v14 =	vpsel !p1, $0x0, v14  }
0x7c: {  	[tilespmem:$0xCA80] =	vst v14  }
0x7d: {  	v14 =	vld [tilespmem:s2+$0x110];
	_ =	sdelay $0x4  }
0x7e: {  	v14 =	vpsel !p1, $0x0, v14  }
0x7f: {  	[tilespmem:$0xCA90] =	vst v14  }
0x80: {  	v14 =	vld [tilespmem:s2+$0x120];
	_ =	sdelay $0x4  }
0x81: {  	v14 =	vpsel !p1, $0x0, v14  }
0x82: {  	[tilespmem:$0xCAA0] =	vst v14  }
0x83: {  	v14 =	vld [tilespmem:s2+$0x130];
	_ =	sdelay $0x4  }
0x84: {  	v14 =	vpsel !p1, $0x0, v14  }
0x85: {  	[tilespmem:$0xCAB0] =	vst v14  }
0x86: {  	v14 =	vld [tilespmem:s2+$0x140];
	_ =	sdelay $0x4  }
0x87: {  	v14 =	vpsel !p1, $0x0, v14  }
0x88: {  	[tilespmem:$0xCAC0] =	vst v14  }
0x89: {  	v14 =	vld [tilespmem:s2+$0x150];
	_ =	sdelay $0x4  }
0x8a: {  	v14 =	vpsel !p1, $0x0, v14  }
0x8b: {  	[tilespmem:$0xCAD0] =	vst v14  }
0x8c: {  	v14 =	vld [tilespmem:s2+$0x160];
	_ =	sdelay $0x4  }
0x8d: {  	v14 =	vpsel !p1, $0x0, v14  }
0x8e: {  	[tilespmem:$0xCAE0] =	vst v14  }
0x8f: {  	v14 =	vld [tilespmem:s2+$0x170];
	_ =	sdelay $0x4  }
0x90: {  	v14 =	vpsel !p1, $0x0, v14  }
0x91: {  	[tilespmem:$0xCAF0] =	vst v14  }
0x92: {  	v14 =	vld [tilespmem:s2+$0x180];
	_ =	sdelay $0x3  }
0x93: {  	p2 =	sgt.u32 s31, $0x2  }
0x94: {  	v14 =	vpsel !p2, $0x0, v14  }
0x95: {  	[tilespmem:$0xCB00] =	vst v14  }
0x96: {  	v14 =	vld [tilespmem:s2+$0x190];
	_ =	sdelay $0x4  }
0x97: {  	v14 =	vpsel !p2, $0x0, v14  }
0x98: {  	[tilespmem:$0xCB10] =	vst v14  }
0x99: {  	v14 =	vld [tilespmem:s2+$0x1A0];
	_ =	sdelay $0x4  }
0x9a: {  	v14 =	vpsel !p2, $0x0, v14  }
0x9b: {  	[tilespmem:$0xCB20] =	vst v14  }
0x9c: {  	v14 =	vld [tilespmem:s2+$0x1B0];
	_ =	sdelay $0x4  }
0x9d: {  	v14 =	vpsel !p2, $0x0, v14  }
0x9e: {  	[tilespmem:$0xCB30] =	vst v14  }
0x9f: {  	v14 =	vld [tilespmem:s2+$0x1C0];
	_ =	sdelay $0x4  }
0xa0: {  	v14 =	vpsel !p2, $0x0, v14  }
0xa1: {  	[tilespmem:$0xCB40] =	vst v14  }
0xa2: {  	v14 =	vld [tilespmem:s2+$0x1D0];
	_ =	sdelay $0x4  }
0xa3: {  	v14 =	vpsel !p2, $0x0, v14  }
0xa4: {  	[tilespmem:$0xCB50] =	vst v14  }
0xa5: {  	v14 =	vld [tilespmem:s2+$0x1E0];
	_ =	sdelay $0x4  }
0xa6: {  	v14 =	vpsel !p2, $0x0, v14  }
0xa7: {  	[tilespmem:$0xCB60] =	vst v14  }
0xa8: {  	v14 =	vld [tilespmem:s2+$0x1F0];
	_ =	sdelay $0x4  }
0xa9: {  	v14 =	vpsel !p2, $0x0, v14  }
0xaa: {  	[tilespmem:$0xCB70] =	vst v14  }
0xab: {  	v14 =	vld [tilespmem:s2+$0x200];
	_ =	sdelay $0x3  }
0xac: {  	p3 =	sgt.u32 s31, $0x3  }
0xad: {  	v14 =	vpsel !p3, $0x0, v14  }
0xae: {  	[tilespmem:$0xCB80] =	vst v14  }
0xaf: {  	v14 =	vld [tilespmem:s2+$0x210];
	_ =	sdelay $0x4  }
0xb0: {  	v14 =	vpsel !p3, $0x0, v14  }
0xb1: {  	[tilespmem:$0xCB90] =	vst v14  }
0xb2: {  	v14 =	vld [tilespmem:s2+$0x220];
	_ =	sdelay $0x4  }
0xb3: {  	v14 =	vpsel !p3, $0x0, v14  }
0xb4: {  	[tilespmem:$0xCBA0] =	vst v14  }
0xb5: {  	v14 =	vld [tilespmem:s2+$0x230];
	_ =	sdelay $0x4  }
0xb6: {  	v14 =	vpsel !p3, $0x0, v14  }
0xb7: {  	[tilespmem:$0xCBB0] =	vst v14  }
0xb8: {  	v14 =	vld [tilespmem:s2+$0x240];
	_ =	sdelay $0x4  }
0xb9: {  	v14 =	vpsel !p3, $0x0, v14  }
0xba: {  	[tilespmem:$0xCBC0] =	vst v14  }
0xbb: {  	v14 =	vld [tilespmem:s2+$0x250];
	_ =	sdelay $0x4  }
0xbc: {  	v14 =	vpsel !p3, $0x0, v14  }
0xbd: {  	[tilespmem:$0xCBD0] =	vst v14  }
0xbe: {  	v14 =	vld [tilespmem:s2+$0x260];
	_ =	sdelay $0x4  }
0xbf: {  	v14 =	vpsel !p3, $0x0, v14  }
0xc0: {  	[tilespmem:$0xCBE0] =	vst v14  }
0xc1: {  	v14 =	vld [tilespmem:s2+$0x270];
	_ =	sdelay $0x4  }
0xc2: {  	v14 =	vpsel !p3, $0x0, v14  }
0xc3: {  	[tilespmem:$0xCBF0] =	vst v14  }
0xc4: {  	v14 =	vld [tilespmem:s2+$0x280];
	_ =	sdelay $0x3  }
0xc5: {  	p4 =	sgt.u32 s31, $0x4  }
0xc6: {  	v14 =	vpsel !p4, $0x0, v14  }
0xc7: {  	[tilespmem:$0xCC00] =	vst v14  }
0xc8: {  	v14 =	vld [tilespmem:s2+$0x290];
	_ =	sdelay $0x4  }
0xc9: {  	v14 =	vpsel !p4, $0x0, v14  }
0xca: {  	[tilespmem:$0xCC10] =	vst v14  }
0xcb: {  	v14 =	vld [tilespmem:s2+$0x2A0];
	_ =	sdelay $0x4  }
0xcc: {  	v14 =	vpsel !p4, $0x0, v14  }
0xcd: {  	[tilespmem:$0xCC20] =	vst v14  }
0xce: {  	v14 =	vld [tilespmem:s2+$0x2B0];
	_ =	sdelay $0x4  }
0xcf: {  	v14 =	vpsel !p4, $0x0, v14  }
0xd0: {  	[tilespmem:$0xCC30] =	vst v14  }
0xd1: {  	v14 =	vld [tilespmem:s2+$0x2C0];
	_ =	sdelay $0x4  }
0xd2: {  	v14 =	vpsel !p4, $0x0, v14  }
0xd3: {  	[tilespmem:$0xCC40] =	vst v14  }
0xd4: {  	v14 =	vld [tilespmem:s2+$0x2D0];
	_ =	sdelay $0x4  }
0xd5: {  	v14 =	vpsel !p4, $0x0, v14  }
0xd6: {  	[tilespmem:$0xCC50] =	vst v14  }
0xd7: {  	v14 =	vld [tilespmem:s2+$0x2E0];
	_ =	sdelay $0x4  }
0xd8: {  	v14 =	vpsel !p4, $0x0, v14  }
0xd9: {  	[tilespmem:$0xCC60] =	vst v14  }
0xda: {  	v14 =	vld [tilespmem:s2+$0x2F0];
	_ =	sdelay $0x4  }
0xdb: {  	v14 =	vpsel !p4, $0x0, v14  }
0xdc: {  	[tilespmem:$0xCC70] =	vst v14  }
0xdd: {  	v14 =	vld [tilespmem:s2+$0x300];
	_ =	sdelay $0x3  }
0xde: {  	p5 =	sgt.u32 s31, $0x5  }
0xdf: {  	v14 =	vpsel !p5, $0x0, v14  }
0xe0: {  	[tilespmem:$0xCC80] =	vst v14  }
0xe1: {  	v14 =	vld [tilespmem:s2+$0x310];
	_ =	sdelay $0x4  }
0xe2: {  	v14 =	vpsel !p5, $0x0, v14  }
0xe3: {  	[tilespmem:$0xCC90] =	vst v14  }
0xe4: {  	v14 =	vld [tilespmem:s2+$0x320];
	_ =	sdelay $0x4  }
0xe5: {  	v14 =	vpsel !p5, $0x0, v14  }
0xe6: {  	[tilespmem:$0xCCA0] =	vst v14  }
0xe7: {  	v14 =	vld [tilespmem:s2+$0x330];
	_ =	sdelay $0x4  }
0xe8: {  	v14 =	vpsel !p5, $0x0, v14  }
0xe9: {  	[tilespmem:$0xCCB0] =	vst v14  }
0xea: {  	v14 =	vld [tilespmem:s2+$0x340];
	_ =	sdelay $0x4  }
0xeb: {  	v14 =	vpsel !p5, $0x0, v14  }
0xec: {  	[tilespmem:$0xCCC0] =	vst v14  }
0xed: {  	v14 =	vld [tilespmem:s2+$0x350];
	_ =	sdelay $0x4  }
0xee: {  	v14 =	vpsel !p5, $0x0, v14  }
0xef: {  	[tilespmem:$0xCCD0] =	vst v14  }
0xf0: {  	v14 =	vld [tilespmem:s2+$0x360];
	_ =	sdelay $0x4  }
0xf1: {  	v14 =	vpsel !p5, $0x0, v14  }
0xf2: {  	[tilespmem:$0xCCE0] =	vst v14  }
0xf3: {  	v14 =	vld [tilespmem:s2+$0x370];
	_ =	sdelay $0x4  }
0xf4: {  	v14 =	vpsel !p5, $0x0, v14  }
0xf5: {  	[tilespmem:$0xCCF0] =	vst v14  }
0xf6: {  	v14 =	vld [tilespmem:s2+$0x380];
	_ =	sdelay $0x3  }
0xf7: {  	p6 =	seq.s32 s31, $0x7  }
0xf8: {  	v14 =	vpsel !p6, $0x0, v14  }
0xf9: {  	[tilespmem:$0xCD00] =	vst v14  }
0xfa: {  	v14 =	vld [tilespmem:s2+$0x390];
	_ =	sdelay $0x4  }
0xfb: {  	v14 =	vpsel !p6, $0x0, v14  }
0xfc: {  	[tilespmem:$0xCD10] =	vst v14  }
0xfd: {  	v14 =	vld [tilespmem:s2+$0x3A0];
	_ =	sdelay $0x4  }
0xfe: {  	v14 =	vpsel !p6, $0x0, v14  }
0xff: {  	[tilespmem:$0xCD20] =	vst v14  }
0x100: {  	v14 =	vld [tilespmem:s2+$0x3B0];
	_ =	sdelay $0x4  }
0x101: {  	v14 =	vpsel !p6, $0x0, v14  }
0x102: {  	[tilespmem:$0xCD30] =	vst v14  }
0x103: {  	v14 =	vld [tilespmem:s2+$0x3C0];
	_ =	sdelay $0x4  }
0x104: {  	v14 =	vpsel !p6, $0x0, v14  }
0x105: {  	[tilespmem:$0xCD40] =	vst v14  }
0x106: {  	v14 =	vld [tilespmem:s2+$0x3D0];
	_ =	sdelay $0x4  }
0x107: {  	v14 =	vpsel !p6, $0x0, v14  }
0x108: {  	[tilespmem:$0xCD50] =	vst v14  }
0x109: {  	v14 =	vld [tilespmem:s2+$0x3E0];
	_ =	sdelay $0x4  }
0x10a: {  	v14 =	vpsel !p6, $0x0, v14  }
0x10b: {  	[tilespmem:$0xCD60] =	vst v14  }
0x10c: {  	v14 =	vld [tilespmem:s2+$0x3F0];
	[tilespmem:$0xCD80] =	vst v0  }
0x10d: {  	[tilespmem:$0xCD90] =	vst v0  }
0x10e: {  	[tilespmem:$0xCDA0] =	vst v0  }
0x10f: {  	[tilespmem:$0xCDB0] =	vst v0  }
0x110: {  	[tilespmem:$0xCDC0] =	vst v0  }
0x111: {  	[tilespmem:$0xCDD0] =	vst v0  }
0x112: {  	s30 =	sshll.u32 s30, $0x4;
	[tilespmem:$0xCDE0] =	vst v0  }
0x113: {  	s0 =	sand.u32 $0xFFFFFF80, s30;
	s31 =	sadd.s32 s26, s9;
	[tilespmem:$0xCDF0] =	vst v0;
	v14 =	vpsel !p6, $0x0, v14  }
0x114: {  	s0 =	sadd.s32 s0, s31;
	[tilespmem:$0xCD70] =	vst v14  }
0x115: {  	[hbm4b:s0+s4] =	stream.linear.scatter [tilespmem:s22], [sflag:$0x6], $0x400, $0x38;
	[tilespmem:$0xCE00] =	vst v63  }
.LBB2_13:
0x116: {  	s0 =	ssub.s32 $0xC0, s29  }
0x117: {  	s2 =	sand.u32 $0x80, s0  }
0x118: {  	p0 =	seq.s32 s2, $0x0  }
0x119: {  	s2 =	sand.u32 @!p0 $0xFFFFF00, s0  }
0x11a: {  	s2 =	sadd.s32 @!p0 s29, s2  }
0x11b: {  	s2 =	sadd.s32 @!p0 s2, s25  }
0x11c: {  	s2 =	sshll.u32 @!p0 s2, $0x4  }
0x11d: {  	s30 =	simm.s32 @!p0 $0x0;
	s31 =	simm.s32 @!p0 $0x6480;
	s2 =	sadd.s32 @!p0 s3, s2  }
0x11e: {  	[hbm4b:s2+s30] =	stream.linear.scatter @!p0 [tilespmem:s31], [sflag:$0x2], $0x4000, $0x38;
	[tilespmem:$0xCE00] =	vst v63  }
0x11f: {  	s30 =	sand.u32 $0x40, s0  }
0x120: {  	p0 =	seq.s32 s30, $0x0  }
0x121: {  	s2 =	sand.u32 @!p0 $0xFFFFF80, s0  }
0x122: {  	s2 =	sadd.s32 @!p0 s29, s2  }
0x123: {  	s2 =	sadd.s32 @!p0 s2, s25  }
0x124: {  	s2 =	sshll.u32 @!p0 s2, $0x4  }
0x125: {  	s30 =	simm.s32 @!p0 $0x0;
	s31 =	simm.s32 @!p0 $0x6480;
	s2 =	sadd.s32 @!p0 s3, s2  }
0x126: {  	[hbm4b:s2+s30] =	stream.linear.scatter @!p0 [tilespmem:s31], [sflag:$0x2], $0x2000, $0x38;
	[tilespmem:$0xCE00] =	vst v63  }
0x127: {  	s31 =	sand.u32 $0x20, s0  }
0x128: {  	p0 =	seq.s32 s31, $0x0  }
0x129: {  	s2 =	sand.u32 @!p0 $0xFFFFFC0, s0  }
0x12a: {  	s2 =	sadd.s32 @!p0 s29, s2  }
0x12b: {  	s2 =	sadd.s32 @!p0 s2, s25  }
0x12c: {  	s2 =	sshll.u32 @!p0 s2, $0x4  }
0x12d: {  	s30 =	simm.s32 @!p0 $0x0;
	s31 =	simm.s32 @!p0 $0x6480;
	s2 =	sadd.s32 @!p0 s3, s2  }
0x12e: {  	[hbm4b:s2+s30] =	stream.linear.scatter @!p0 [tilespmem:s31], [sflag:$0x2], $0x1000, $0x38;
	[tilespmem:$0xCE00] =	vst v63  }
0x12f: {  	s30 =	sand.u32 $0x10, s0  }
0x130: {  	p0 =	seq.s32 s30, $0x0  }
0x131: {  	s2 =	sand.u32 @!p0 $0xFFFFFE0, s0  }
0x132: {  	s2 =	sadd.s32 @!p0 s29, s2  }
0x133: {  	s2 =	sadd.s32 @!p0 s2, s25  }
0x134: {  	s2 =	sshll.u32 @!p0 s2, $0x4  }
0x135: {  	s30 =	simm.s32 @!p0 $0x0;
	s31 =	simm.s32 @!p0 $0x6480;
	s2 =	sadd.s32 @!p0 s3, s2  }
0x136: {  	[hbm4b:s2+s30] =	stream.linear.scatter @!p0 [tilespmem:s31], [sflag:$0x2], $0x800, $0x38;
	[tilespmem:$0xCE00] =	vst v63  }
0x137: {  	s31 =	sand.u32 $0x8, s0  }
0x138: {  	p0 =	seq.s32 s31, $0x0  }
0x139: {  	s0 =	sand.u32 @!p0 $0xFFFFFF0, s0  }
0x13a: {  	s0 =	sadd.s32 @!p0 s29, s0  }
0x13b: {  	s0 =	sadd.s32 @!p0 s0, s25  }
0x13c: {  	s26 =	sadd.s32 $0xC80, s26;
	s0 =	sshll.u32 @!p0 s0, $0x4  }
0x13d: {  	s2 =	simm.s32 @!p0 $0x0;
	s29 =	simm.s32 @!p0 $0x6480;
	s0 =	sadd.s32 @!p0 s3, s0  }
0x13e: {  	[hbm4b:s0+s2] =	stream.linear.scatter @!p0 [tilespmem:s29], [sflag:$0x2], $0x400, $0x38;
	[tilespmem:$0xCE00] =	vst v63  }
0x13f: {  	p0 =	sne.s32 s26, $0x19000  }
.Ltmp3:
0x140: {  	_ = 	snop;
	(pc) =	sbr.rel @!p0 .LBB2_14-.Ltmp3, $2  }
0x141: {  	_ =	sdelay $0x2  }
0x142: {  	s28 =	sadd.s32 $0x1, s28;
	s24 =	sadd.s32 $0x1, s24;
	s25 =	sadd.s32 $0xC8, s25  }
.LBB2_6:
0x143: {  	v14 =	vld [tilespmem:s24+$0x0];
	_ =	sdelay $0x4  }
0x144: {  	(v2sf) =	vpush v14, $0x0;
	_ =	sdelay $0xe  }
0x145: {  	s30 =	spop (v2sf)  }
0x146: {  	s2 =	sand.u32 $0x80, s30  }
0x147: {  	p0 =	seq.s32 s2, $0x0  }
0x148: {  	s2 =	sand.u32 @!p0 $0x7FFF00, s30  }
0x149: {  	s0 =	sand.u32 $0x40, s30;
	s29 =	sshll.u32 @!p0 s30, $0x4;
	s2 =	sshll.u32 @!p0 s2, $0x9  }
0x14a: {  	s31 =	sadd.s32 @!p0 s26, s9;
	s29 =	sand.u32 @!p0 $0xFFFFF000, s29;
	s2 =	sshra.s32 @!p0 s2, $0x2  }
0x14b: {  	s29 =	sadd.s32 @!p0 s29, s31;
	s31 =	simm.s32 @!p0 $0x0;
	s2 =	sor.u32 @!p0 $0x80, s2  }
0x14c: {  	[hbm4b:s29+s31] =	stream.linear.scatter @!p0 [tilespmem:s2], [sflag:$0x2], $0x4000, $0x38;
	[tilespmem:$0xCE00] =	vst v63  }
0x14d: {  	p0 =	seq.s32 s0, $0x0  }
0x14e: {  	s2 =	sand.u32 @!p0 $0x7FFF80, s30  }
0x14f: {  	s0 =	sand.u32 $0x20, s30;
	s29 =	sshll.u32 @!p0 s30, $0x4;
	s2 =	sshll.u32 @!p0 s2, $0x9  }
0x150: {  	s31 =	sadd.s32 @!p0 s26, s9;
	s29 =	sand.u32 @!p0 $0xFFFFF800, s29;
	s2 =	sshra.s32 @!p0 s2, $0x2  }
0x151: {  	s29 =	sadd.s32 @!p0 s29, s31;
	s31 =	simm.s32 @!p0 $0x0;
	s2 =	sor.u32 @!p0 $0x80, s2  }
0x152: {  	[hbm4b:s29+s31] =	stream.linear.scatter @!p0 [tilespmem:s2], [sflag:$0x2], $0x2000, $0x38;
	[tilespmem:$0xCE00] =	vst v63  }
0x153: {  	p0 =	seq.s32 s0, $0x0  }
0x154: {  	s2 =	sand.u32 @!p0 $0x7FFFC0, s30  }
0x155: {  	s0 =	sand.u32 $0x10, s30;
	s29 =	sshll.u32 @!p0 s30, $0x4;
	s2 =	sshll.u32 @!p0 s2, $0x9  }
0x156: {  	s31 =	sadd.s32 @!p0 s26, s9;
	s29 =	sand.u32 @!p0 $0xFFFFFC00, s29;
	s2 =	sshra.s32 @!p0 s2, $0x2  }
0x157: {  	s29 =	sadd.s32 @!p0 s29, s31;
	s31 =	simm.s32 @!p0 $0x0;
	s2 =	sor.u32 @!p0 $0x80, s2  }
0x158: {  	[hbm4b:s29+s31] =	stream.linear.scatter @!p0 [tilespmem:s2], [sflag:$0x2], $0x1000, $0x38;
	[tilespmem:$0xCE00] =	vst v63  }
0x159: {  	p0 =	seq.s32 s0, $0x0  }
0x15a: {  	s2 =	sand.u32 @!p0 $0x7FFFE0, s30  }
0x15b: {  	s0 =	sand.u32 $0x8, s30;
	s29 =	sshll.u32 @!p0 s30, $0x4;
	s2 =	sshll.u32 @!p0 s2, $0x9  }
0x15c: {  	s31 =	sadd.s32 @!p0 s26, s9;
	s29 =	sand.u32 @!p0 $0xFFFFFE00, s29;
	s2 =	sshra.s32 @!p0 s2, $0x2  }
0x15d: {  	s29 =	sadd.s32 @!p0 s29, s31;
	s31 =	simm.s32 @!p0 $0x0;
	s2 =	sor.u32 @!p0 $0x80, s2  }
0x15e: {  	[hbm4b:s29+s31] =	stream.linear.scatter @!p0 [tilespmem:s2], [sflag:$0x2], $0x800, $0x38;
	[tilespmem:$0xCE00] =	vst v63  }
0x15f: {  	p0 =	seq.s32 s0, $0x0  }
0x160: {  	s2 =	sand.u32 @!p0 $0x7FFFF0, s30  }
0x161: {  	s29 =	sshll.u32 @!p0 s30, $0x4;
	s2 =	sshll.u32 @!p0 s2, $0x9  }
0x162: {  	s31 =	sadd.s32 @!p0 s26, s9;
	s29 =	sand.u32 @!p0 $0xFFFFFF00, s29;
	s2 =	sshra.s32 @!p0 s2, $0x2  }
0x163: {  	s29 =	sadd.s32 @!p0 s29, s31;
	s31 =	simm.s32 @!p0 $0x0;
	s2 =	sor.u32 @!p0 $0x80, s2  }
0x164: {  	[hbm4b:s29+s31] =	stream.linear.scatter @!p0 [tilespmem:s2], [sflag:$0x2], $0x400, $0x38;
	[tilespmem:$0xCE00] =	vst v63  }
0x165: {  	s2 =	sand.u32 $0x3, s28  }
0x166: {  	p0 =	sgt.s32 s2, $0x1  }
.Ltmp4:
0x167: {  	_ = 	snop;
	(pc) =	sbr.rel @p0 .LBB2_11-.Ltmp4, $2  }
0x168: {  	_ =	sdelay $0x2  }
0x169: {  	s29 =	sand.u32 $0xFFFFFFF8, s30;
	s31 =	sand.u32 $0x7, s30  }
0x16a: {  	p0 =	seq.s32 s2, $0x0  }
.Ltmp5:
0x16b: {  	_ = 	snop;
	(pc) =	sbr.rel @!p0 .LBB2_9-.Ltmp5, $1  }
0x16c: {  	_ =	sdelay $0x3  }
0x16d: {  	p0 =	slt.u32 s28, $0x4  }
0x16e: {  	s2 =	simm.s32 @!p0 $0x3  }
0x16f: {  	_ =	swait.ge @!p0 [sflag:s2], $0x400  }
0x170: {  	s0 =	sshll.u32 s29, $0x9;
	[sflag:s2] =	ssyncset.done @!p0 $0x0  }
0x171: {  	s0 =	sshra.s32 s0, $0x2;
	[sflag:s2] =	ssyncadd.s32 @!p0 $0xFFFFFC00  }
0x172: {  	v14 =	vld [tilespmem:s0+$0x80];
	_ =	sdelay $0x3  }
0x173: {  	p6 =	seq.s32 s31, $0x0  }
0x174: {  	v14 =	vpsel p6, $0x0, v14  }
0x175: {  	[tilespmem:$0xBE00] =	vst v14  }
0x176: {  	v14 =	vld [tilespmem:s0+$0x90];
	_ =	sdelay $0x4  }
0x177: {  	v14 =	vpsel p6, $0x0, v14  }
0x178: {  	[tilespmem:$0xBE10] =	vst v14  }
0x179: {  	v14 =	vld [tilespmem:s0+$0xA0];
	_ =	sdelay $0x4  }
0x17a: {  	v14 =	vpsel p6, $0x0, v14  }
0x17b: {  	[tilespmem:$0xBE20] =	vst v14  }
0x17c: {  	v14 =	vld [tilespmem:s0+$0xB0];
	_ =	sdelay $0x4  }
0x17d: {  	v14 =	vpsel p6, $0x0, v14  }
0x17e: {  	[tilespmem:$0xBE30] =	vst v14  }
0x17f: {  	v14 =	vld [tilespmem:s0+$0xC0];
	_ =	sdelay $0x4  }
0x180: {  	v14 =	vpsel p6, $0x0, v14  }
0x181: {  	[tilespmem:$0xBE40] =	vst v14  }
0x182: {  	v14 =	vld [tilespmem:s0+$0xD0];
	_ =	sdelay $0x4  }
0x183: {  	v14 =	vpsel p6, $0x0, v14  }
0x184: {  	[tilespmem:$0xBE50] =	vst v14  }
0x185: {  	v14 =	vld [tilespmem:s0+$0xE0];
	_ =	sdelay $0x4  }
0x186: {  	v14 =	vpsel p6, $0x0, v14  }
0x187: {  	[tilespmem:$0xBE60] =	vst v14  }
0x188: {  	v14 =	vld [tilespmem:s0+$0xF0];
	_ =	sdelay $0x4  }
0x189: {  	v14 =	vpsel p6, $0x0, v14  }
0x18a: {  	[tilespmem:$0xBE70] =	vst v14  }
0x18b: {  	v14 =	vld [tilespmem:s0+$0x100];
	_ =	sdelay $0x3  }
0x18c: {  	p1 =	sgt.u32 s31, $0x1  }
0x18d: {  	v14 =	vpsel !p1, $0x0, v14  }
0x18e: {  	[tilespmem:$0xBE80] =	vst v14  }
0x18f: {  	v14 =	vld [tilespmem:s0+$0x110];
	_ =	sdelay $0x4  }
0x190: {  	v14 =	vpsel !p1, $0x0, v14  }
0x191: {  	[tilespmem:$0xBE90] =	vst v14  }
0x192: {  	v14 =	vld [tilespmem:s0+$0x120];
	_ =	sdelay $0x4  }
0x193: {  	v14 =	vpsel !p1, $0x0, v14  }
0x194: {  	[tilespmem:$0xBEA0] =	vst v14  }
0x195: {  	v14 =	vld [tilespmem:s0+$0x130];
	_ =	sdelay $0x4  }
0x196: {  	v14 =	vpsel !p1, $0x0, v14  }
0x197: {  	[tilespmem:$0xBEB0] =	vst v14  }
0x198: {  	v14 =	vld [tilespmem:s0+$0x140];
	_ =	sdelay $0x4  }
0x199: {  	v14 =	vpsel !p1, $0x0, v14  }
0x19a: {  	[tilespmem:$0xBEC0] =	vst v14  }
0x19b: {  	v14 =	vld [tilespmem:s0+$0x150];
	_ =	sdelay $0x4  }
0x19c: {  	v14 =	vpsel !p1, $0x0, v14  }
0x19d: {  	[tilespmem:$0xBED0] =	vst v14  }
0x19e: {  	v14 =	vld [tilespmem:s0+$0x160];
	_ =	sdelay $0x4  }
0x19f: {  	v14 =	vpsel !p1, $0x0, v14  }
0x1a0: {  	[tilespmem:$0xBEE0] =	vst v14  }
0x1a1: {  	v14 =	vld [tilespmem:s0+$0x170];
	_ =	sdelay $0x4  }
0x1a2: {  	v14 =	vpsel !p1, $0x0, v14  }
0x1a3: {  	[tilespmem:$0xBEF0] =	vst v14  }
0x1a4: {  	v14 =	vld [tilespmem:s0+$0x180];
	_ =	sdelay $0x3  }
0x1a5: {  	p2 =	sgt.u32 s31, $0x2  }
0x1a6: {  	v14 =	vpsel !p2, $0x0, v14  }
0x1a7: {  	[tilespmem:$0xBF00] =	vst v14  }
0x1a8: {  	v14 =	vld [tilespmem:s0+$0x190];
	_ =	sdelay $0x4  }
0x1a9: {  	v14 =	vpsel !p2, $0x0, v14  }
0x1aa: {  	[tilespmem:$0xBF10] =	vst v14  }
0x1ab: {  	v14 =	vld [tilespmem:s0+$0x1A0];
	_ =	sdelay $0x4  }
0x1ac: {  	v14 =	vpsel !p2, $0x0, v14  }
0x1ad: {  	[tilespmem:$0xBF20] =	vst v14  }
0x1ae: {  	v14 =	vld [tilespmem:s0+$0x1B0];
	_ =	sdelay $0x4  }
0x1af: {  	v14 =	vpsel !p2, $0x0, v14  }
0x1b0: {  	[tilespmem:$0xBF30] =	vst v14  }
0x1b1: {  	v14 =	vld [tilespmem:s0+$0x1C0];
	_ =	sdelay $0x4  }
0x1b2: {  	v14 =	vpsel !p2, $0x0, v14  }
0x1b3: {  	[tilespmem:$0xBF40] =	vst v14  }
0x1b4: {  	v14 =	vld [tilespmem:s0+$0x1D0];
	_ =	sdelay $0x4  }
0x1b5: {  	v14 =	vpsel !p2, $0x0, v14  }
0x1b6: {  	[tilespmem:$0xBF50] =	vst v14  }
0x1b7: {  	v14 =	vld [tilespmem:s0+$0x1E0];
	_ =	sdelay $0x4  }
0x1b8: {  	v14 =	vpsel !p2, $0x0, v14  }
0x1b9: {  	[tilespmem:$0xBF60] =	vst v14  }
0x1ba: {  	v14 =	vld [tilespmem:s0+$0x1F0];
	_ =	sdelay $0x4  }
0x1bb: {  	v14 =	vpsel !p2, $0x0, v14  }
0x1bc: {  	[tilespmem:$0xBF70] =	vst v14  }
0x1bd: {  	v14 =	vld [tilespmem:s0+$0x200];
	_ =	sdelay $0x3  }
0x1be: {  	p3 =	sgt.u32 s31, $0x3  }
0x1bf: {  	v14 =	vpsel !p3, $0x0, v14  }
0x1c0: {  	[tilespmem:$0xBF80] =	vst v14  }
0x1c1: {  	v14 =	vld [tilespmem:s0+$0x210];
	_ =	sdelay $0x4  }
0x1c2: {  	v14 =	vpsel !p3, $0x0, v14  }
0x1c3: {  	[tilespmem:$0xBF90] =	vst v14  }
0x1c4: {  	v14 =	vld [tilespmem:s0+$0x220];
	_ =	sdelay $0x4  }
0x1c5: {  	v14 =	vpsel !p3, $0x0, v14  }
0x1c6: {  	[tilespmem:$0xBFA0] =	vst v14  }
0x1c7: {  	v14 =	vld [tilespmem:s0+$0x230];
	_ =	sdelay $0x4  }
0x1c8: {  	v14 =	vpsel !p3, $0x0, v14  }
0x1c9: {  	[tilespmem:$0xBFB0] =	vst v14  }
0x1ca: {  	v14 =	vld [tilespmem:s0+$0x240];
	_ =	sdelay $0x4  }
0x1cb: {  	v14 =	vpsel !p3, $0x0, v14  }
0x1cc: {  	[tilespmem:$0xBFC0] =	vst v14  }
0x1cd: {  	v14 =	vld [tilespmem:s0+$0x250];
	_ =	sdelay $0x4  }
0x1ce: {  	v14 =	vpsel !p3, $0x0, v14  }
0x1cf: {  	[tilespmem:$0xBFD0] =	vst v14  }
0x1d0: {  	v14 =	vld [tilespmem:s0+$0x260];
	_ =	sdelay $0x4  }
0x1d1: {  	v14 =	vpsel !p3, $0x0, v14  }
0x1d2: {  	[tilespmem:$0xBFE0] =	vst v14  }
0x1d3: {  	v14 =	vld [tilespmem:s0+$0x270];
	_ =	sdelay $0x4  }
0x1d4: {  	v14 =	vpsel !p3, $0x0, v14  }
0x1d5: {  	[tilespmem:$0xBFF0] =	vst v14  }
0x1d6: {  	v14 =	vld [tilespmem:s0+$0x280];
	_ =	sdelay $0x3  }
0x1d7: {  	p4 =	sgt.u32 s31, $0x4  }
0x1d8: {  	v14 =	vpsel !p4, $0x0, v14  }
0x1d9: {  	[tilespmem:$0xC000] =	vst v14  }
0x1da: {  	v14 =	vld [tilespmem:s0+$0x290];
	_ =	sdelay $0x4  }
0x1db: {  	v14 =	vpsel !p4, $0x0, v14  }
0x1dc: {  	[tilespmem:$0xC010] =	vst v14  }
0x1dd: {  	v14 =	vld [tilespmem:s0+$0x2A0];
	_ =	sdelay $0x4  }
0x1de: {  	v14 =	vpsel !p4, $0x0, v14  }
0x1df: {  	[tilespmem:$0xC020] =	vst v14  }
0x1e0: {  	v14 =	vld [tilespmem:s0+$0x2B0];
	_ =	sdelay $0x4  }
0x1e1: {  	v14 =	vpsel !p4, $0x0, v14  }
0x1e2: {  	[tilespmem:$0xC030] =	vst v14  }
0x1e3: {  	v14 =	vld [tilespmem:s0+$0x2C0];
	_ =	sdelay $0x4  }
0x1e4: {  	v14 =	vpsel !p4, $0x0, v14  }
0x1e5: {  	[tilespmem:$0xC040] =	vst v14  }
0x1e6: {  	v14 =	vld [tilespmem:s0+$0x2D0];
	_ =	sdelay $0x4  }
0x1e7: {  	v14 =	vpsel !p4, $0x0, v14  }
0x1e8: {  	[tilespmem:$0xC050] =	vst v14  }
0x1e9: {  	v14 =	vld [tilespmem:s0+$0x2E0];
	_ =	sdelay $0x4  }
0x1ea: {  	v14 =	vpsel !p4, $0x0, v14  }
0x1eb: {  	[tilespmem:$0xC060] =	vst v14  }
0x1ec: {  	v14 =	vld [tilespmem:s0+$0x2F0];
	_ =	sdelay $0x4  }
0x1ed: {  	v14 =	vpsel !p4, $0x0, v14  }
0x1ee: {  	[tilespmem:$0xC070] =	vst v14  }
0x1ef: {  	v14 =	vld [tilespmem:s0+$0x300];
	_ =	sdelay $0x3  }
0x1f0: {  	p5 =	sgt.u32 s31, $0x5  }
0x1f1: {  	v14 =	vpsel !p5, $0x0, v14  }
0x1f2: {  	[tilespmem:$0xC080] =	vst v14  }
0x1f3: {  	v14 =	vld [tilespmem:s0+$0x310];
	_ =	sdelay $0x4  }
0x1f4: {  	v14 =	vpsel !p5, $0x0, v14  }
0x1f5: {  	[tilespmem:$0xC090] =	vst v14  }
0x1f6: {  	v14 =	vld [tilespmem:s0+$0x320];
	_ =	sdelay $0x4  }
0x1f7: {  	v14 =	vpsel !p5, $0x0, v14  }
0x1f8: {  	[tilespmem:$0xC0A0] =	vst v14  }
0x1f9: {  	v14 =	vld [tilespmem:s0+$0x330];
	_ =	sdelay $0x4  }
0x1fa: {  	v14 =	vpsel !p5, $0x0, v14  }
0x1fb: {  	[tilespmem:$0xC0B0] =	vst v14  }
0x1fc: {  	v14 =	vld [tilespmem:s0+$0x340];
	_ =	sdelay $0x4  }
0x1fd: {  	v14 =	vpsel !p5, $0x0, v14  }
0x1fe: {  	[tilespmem:$0xC0C0] =	vst v14  }
0x1ff: {  	v14 =	vld [tilespmem:s0+$0x350];
	_ =	sdelay $0x4  }
0x200: {  	v14 =	vpsel !p5, $0x0, v14  }
0x201: {  	[tilespmem:$0xC0D0] =	vst v14  }
0x202: {  	v14 =	vld [tilespmem:s0+$0x360];
	_ =	sdelay $0x4  }
0x203: {  	v14 =	vpsel !p5, $0x0, v14  }
0x204: {  	[tilespmem:$0xC0E0] =	vst v14  }
0x205: {  	v14 =	vld [tilespmem:s0+$0x370];
	_ =	sdelay $0x4  }
0x206: {  	v14 =	vpsel !p5, $0x0, v14  }
0x207: {  	[tilespmem:$0xC0F0] =	vst v14  }
0x208: {  	v14 =	vld [tilespmem:s0+$0x380];
	_ =	sdelay $0x3  }
0x209: {  	p6 =	seq.s32 s31, $0x7  }
0x20a: {  	v14 =	vpsel !p6, $0x0, v14  }
0x20b: {  	[tilespmem:$0xC100] =	vst v14  }
0x20c: {  	v14 =	vld [tilespmem:s0+$0x390];
	_ =	sdelay $0x4  }
0x20d: {  	v14 =	vpsel !p6, $0x0, v14  }
0x20e: {  	[tilespmem:$0xC110] =	vst v14  }
0x20f: {  	v14 =	vld [tilespmem:s0+$0x3A0];
	_ =	sdelay $0x4  }
0x210: {  	v14 =	vpsel !p6, $0x0, v14  }
0x211: {  	[tilespmem:$0xC120] =	vst v14  }
0x212: {  	v14 =	vld [tilespmem:s0+$0x3B0];
	_ =	sdelay $0x4  }
0x213: {  	v14 =	vpsel !p6, $0x0, v14  }
0x214: {  	[tilespmem:$0xC130] =	vst v14  }
0x215: {  	v14 =	vld [tilespmem:s0+$0x3C0];
	_ =	sdelay $0x4  }
0x216: {  	v14 =	vpsel !p6, $0x0, v14  }
0x217: {  	[tilespmem:$0xC140] =	vst v14  }
0x218: {  	v14 =	vld [tilespmem:s0+$0x3D0];
	_ =	sdelay $0x4  }
0x219: {  	v14 =	vpsel !p6, $0x0, v14  }
0x21a: {  	[tilespmem:$0xC150] =	vst v14  }
0x21b: {  	v14 =	vld [tilespmem:s0+$0x3E0];
	_ =	sdelay $0x4  }
0x21c: {  	v14 =	vpsel !p6, $0x0, v14  }
0x21d: {  	[tilespmem:$0xC160] =	vst v14  }
0x21e: {  	v14 =	vld [tilespmem:s0+$0x3F0];
	[tilespmem:$0xC180] =	vst v0  }
0x21f: {  	[tilespmem:$0xC190] =	vst v0  }
0x220: {  	[tilespmem:$0xC1A0] =	vst v0  }
0x221: {  	[tilespmem:$0xC1B0] =	vst v0  }
0x222: {  	[tilespmem:$0xC1C0] =	vst v0  }
.Ltmp6:
0x223: {  	[tilespmem:$0xC1D0] =	vst v0;
	(pc) =	sbr.rel .LBB2_13-.Ltmp6, $4  }
0x224: {  	s30 =	sshll.u32 s30, $0x4;
	[tilespmem:$0xC1E0] =	vst v0  }
0x225: {  	s31 =	sadd.s32 s26, s9;
	s0 =	sand.u32 $0xFFFFFF80, s30;
	[tilespmem:$0xC1F0] =	vst v0;
	v14 =	vpsel !p6, $0x0, v14  }
0x226: {  	s0 =	sadd.s32 s0, s31;
	[tilespmem:$0xC170] =	vst v14  }
0x227: {  	[hbm4b:s0+s4] =	stream.linear.scatter [tilespmem:s13], [sflag:$0x3], $0x400, $0x38;
	[tilespmem:$0xCE00] =	vst v63  }
.LBB2_11:
0x228: {  	p1 =	seq.s32 s2, $0x2  }
.Ltmp7:
0x229: {  	_ = 	snop;
	(pc) =	sbr.rel @!p1 .LBB2_12-.Ltmp7, $2  }
0x22a: {  	_ =	sdelay $0x2  }
0x22b: {  	p0 =	slt.u32 s28, $0x4  }
0x22c: {  	s0 =	simm.s32 @!p0 $0x5  }
0x22d: {  	_ =	swait.ge @!p0 [sflag:s0], $0x400  }
0x22e: {  	s2 =	sshll.u32 s29, $0x9;
	[sflag:s0] =	ssyncset.done @!p0 $0x0  }
0x22f: {  	s2 =	sshra.s32 s2, $0x2;
	[sflag:s0] =	ssyncadd.s32 @!p0 $0xFFFFFC00  }
0x230: {  	v14 =	vld [tilespmem:s2+$0x80];
	_ =	sdelay $0x3  }
0x231: {  	p6 =	seq.s32 s31, $0x0  }
0x232: {  	v14 =	vpsel p6, $0x0, v14  }
0x233: {  	[tilespmem:$0xC600] =	vst v14  }
0x234: {  	v14 =	vld [tilespmem:s2+$0x90];
	_ =	sdelay $0x4  }
0x235: {  	v14 =	vpsel p6, $0x0, v14  }
0x236: {  	[tilespmem:$0xC610] =	vst v14  }
0x237: {  	v14 =	vld [tilespmem:s2+$0xA0];
	_ =	sdelay $0x4  }
0x238: {  	v14 =	vpsel p6, $0x0, v14  }
0x239: {  	[tilespmem:$0xC620] =	vst v14  }
0x23a: {  	v14 =	vld [tilespmem:s2+$0xB0];
	_ =	sdelay $0x4  }
0x23b: {  	v14 =	vpsel p6, $0x0, v14  }
0x23c: {  	[tilespmem:$0xC630] =	vst v14  }
0x23d: {  	v14 =	vld [tilespmem:s2+$0xC0];
	_ =	sdelay $0x4  }
0x23e: {  	v14 =	vpsel p6, $0x0, v14  }
0x23f: {  	[tilespmem:$0xC640] =	vst v14  }
0x240: {  	v14 =	vld [tilespmem:s2+$0xD0];
	_ =	sdelay $0x4  }
0x241: {  	v14 =	vpsel p6, $0x0, v14  }
0x242: {  	[tilespmem:$0xC650] =	vst v14  }
0x243: {  	v14 =	vld [tilespmem:s2+$0xE0];
	_ =	sdelay $0x4  }
0x244: {  	v14 =	vpsel p6, $0x0, v14  }
0x245: {  	[tilespmem:$0xC660] =	vst v14  }
0x246: {  	v14 =	vld [tilespmem:s2+$0xF0];
	_ =	sdelay $0x4  }
0x247: {  	v14 =	vpsel p6, $0x0, v14  }
0x248: {  	[tilespmem:$0xC670] =	vst v14  }
0x249: {  	v14 =	vld [tilespmem:s2+$0x100];
	_ =	sdelay $0x3  }
0x24a: {  	p1 =	sgt.u32 s31, $0x1  }
0x24b: {  	v14 =	vpsel !p1, $0x0, v14  }
0x24c: {  	[tilespmem:$0xC680] =	vst v14  }
0x24d: {  	v14 =	vld [tilespmem:s2+$0x110];
	_ =	sdelay $0x4  }
0x24e: {  	v14 =	vpsel !p1, $0x0, v14  }
0x24f: {  	[tilespmem:$0xC690] =	vst v14  }
0x250: {  	v14 =	vld [tilespmem:s2+$0x120];
	_ =	sdelay $0x4  }
0x251: {  	v14 =	vpsel !p1, $0x0, v14  }
0x252: {  	[tilespmem:$0xC6A0] =	vst v14  }
0x253: {  	v14 =	vld [tilespmem:s2+$0x130];
	_ =	sdelay $0x4  }
0x254: {  	v14 =	vpsel !p1, $0x0, v14  }
0x255: {  	[tilespmem:$0xC6B0] =	vst v14  }
0x256: {  	v14 =	vld [tilespmem:s2+$0x140];
	_ =	sdelay $0x4  }
0x257: {  	v14 =	vpsel !p1, $0x0, v14  }
0x258: {  	[tilespmem:$0xC6C0] =	vst v14  }
0x259: {  	v14 =	vld [tilespmem:s2+$0x150];
	_ =	sdelay $0x4  }
0x25a: {  	v14 =	vpsel !p1, $0x0, v14  }
0x25b: {  	[tilespmem:$0xC6D0] =	vst v14  }
0x25c: {  	v14 =	vld [tilespmem:s2+$0x160];
	_ =	sdelay $0x4  }
0x25d: {  	v14 =	vpsel !p1, $0x0, v14  }
0x25e: {  	[tilespmem:$0xC6E0] =	vst v14  }
0x25f: {  	v14 =	vld [tilespmem:s2+$0x170];
	_ =	sdelay $0x4  }
0x260: {  	v14 =	vpsel !p1, $0x0, v14  }
0x261: {  	[tilespmem:$0xC6F0] =	vst v14  }
0x262: {  	v14 =	vld [tilespmem:s2+$0x180];
	_ =	sdelay $0x3  }
0x263: {  	p2 =	sgt.u32 s31, $0x2  }
0x264: {  	v14 =	vpsel !p2, $0x0, v14  }
0x265: {  	[tilespmem:$0xC700] =	vst v14  }
0x266: {  	v14 =	vld [tilespmem:s2+$0x190];
	_ =	sdelay $0x4  }
0x267: {  	v14 =	vpsel !p2, $0x0, v14  }
0x268: {  	[tilespmem:$0xC710] =	vst v14  }
0x269: {  	v14 =	vld [tilespmem:s2+$0x1A0];
	_ =	sdelay $0x4  }
0x26a: {  	v14 =	vpsel !p2, $0x0, v14  }
0x26b: {  	[tilespmem:$0xC720] =	vst v14  }
0x26c: {  	v14 =	vld [tilespmem:s2+$0x1B0];
	_ =	sdelay $0x4  }
0x26d: {  	v14 =	vpsel !p2, $0x0, v14  }
0x26e: {  	[tilespmem:$0xC730] =	vst v14  }
0x26f: {  	v14 =	vld [tilespmem:s2+$0x1C0];
	_ =	sdelay $0x4  }
0x270: {  	v14 =	vpsel !p2, $0x0, v14  }
0x271: {  	[tilespmem:$0xC740] =	vst v14  }
0x272: {  	v14 =	vld [tilespmem:s2+$0x1D0];
	_ =	sdelay $0x4  }
0x273: {  	v14 =	vpsel !p2, $0x0, v14  }
0x274: {  	[tilespmem:$0xC750] =	vst v14  }
0x275: {  	v14 =	vld [tilespmem:s2+$0x1E0];
	_ =	sdelay $0x4  }
0x276: {  	v14 =	vpsel !p2, $0x0, v14  }
0x277: {  	[tilespmem:$0xC760] =	vst v14  }
0x278: {  	v14 =	vld [tilespmem:s2+$0x1F0];
	_ =	sdelay $0x4  }
0x279: {  	v14 =	vpsel !p2, $0x0, v14  }
0x27a: {  	[tilespmem:$0xC770] =	vst v14  }
0x27b: {  	v14 =	vld [tilespmem:s2+$0x200];
	_ =	sdelay $0x3  }
0x27c: {  	p3 =	sgt.u32 s31, $0x3  }
0x27d: {  	v14 =	vpsel !p3, $0x0, v14  }
0x27e: {  	[tilespmem:$0xC780] =	vst v14  }
0x27f: {  	v14 =	vld [tilespmem:s2+$0x210];
	_ =	sdelay $0x4  }
0x280: {  	v14 =	vpsel !p3, $0x0, v14  }
0x281: {  	[tilespmem:$0xC790] =	vst v14  }
0x282: {  	v14 =	vld [tilespmem:s2+$0x220];
	_ =	sdelay $0x4  }
0x283: {  	v14 =	vpsel !p3, $0x0, v14  }
0x284: {  	[tilespmem:$0xC7A0] =	vst v14  }
0x285: {  	v14 =	vld [tilespmem:s2+$0x230];
	_ =	sdelay $0x4  }
0x286: {  	v14 =	vpsel !p3, $0x0, v14  }
0x287: {  	[tilespmem:$0xC7B0] =	vst v14  }
0x288: {  	v14 =	vld [tilespmem:s2+$0x240];
	_ =	sdelay $0x4  }
0x289: {  	v14 =	vpsel !p3, $0x0, v14  }
0x28a: {  	[tilespmem:$0xC7C0] =	vst v14  }
0x28b: {  	v14 =	vld [tilespmem:s2+$0x250];
	_ =	sdelay $0x4  }
0x28c: {  	v14 =	vpsel !p3, $0x0, v14  }
0x28d: {  	[tilespmem:$0xC7D0] =	vst v14  }
0x28e: {  	v14 =	vld [tilespmem:s2+$0x260];
	_ =	sdelay $0x4  }
0x28f: {  	v14 =	vpsel !p3, $0x0, v14  }
0x290: {  	[tilespmem:$0xC7E0] =	vst v14  }
0x291: {  	v14 =	vld [tilespmem:s2+$0x270];
	_ =	sdelay $0x4  }
0x292: {  	v14 =	vpsel !p3, $0x0, v14  }
0x293: {  	[tilespmem:$0xC7F0] =	vst v14  }
0x294: {  	v14 =	vld [tilespmem:s2+$0x280];
	_ =	sdelay $0x3  }
0x295: {  	p4 =	sgt.u32 s31, $0x4  }
0x296: {  	v14 =	vpsel !p4, $0x0, v14  }
0x297: {  	[tilespmem:$0xC800] =	vst v14  }
0x298: {  	v14 =	vld [tilespmem:s2+$0x290];
	_ =	sdelay $0x4  }
0x299: {  	v14 =	vpsel !p4, $0x0, v14  }
0x29a: {  	[tilespmem:$0xC810] =	vst v14  }
0x29b: {  	v14 =	vld [tilespmem:s2+$0x2A0];
	_ =	sdelay $0x4  }
0x29c: {  	v14 =	vpsel !p4, $0x0, v14  }
0x29d: {  	[tilespmem:$0xC820] =	vst v14  }
0x29e: {  	v14 =	vld [tilespmem:s2+$0x2B0];
	_ =	sdelay $0x4  }
0x29f: {  	v14 =	vpsel !p4, $0x0, v14  }
0x2a0: {  	[tilespmem:$0xC830] =	vst v14  }
0x2a1: {  	v14 =	vld [tilespmem:s2+$0x2C0];
	_ =	sdelay $0x4  }
0x2a2: {  	v14 =	vpsel !p4, $0x0, v14  }
0x2a3: {  	[tilespmem:$0xC840] =	vst v14  }
0x2a4: {  	v14 =	vld [tilespmem:s2+$0x2D0];
	_ =	sdelay $0x4  }
0x2a5: {  	v14 =	vpsel !p4, $0x0, v14  }
0x2a6: {  	[tilespmem:$0xC850] =	vst v14  }
0x2a7: {  	v14 =	vld [tilespmem:s2+$0x2E0];
	_ =	sdelay $0x4  }
0x2a8: {  	v14 =	vpsel !p4, $0x0, v14  }
0x2a9: {  	[tilespmem:$0xC860] =	vst v14  }
0x2aa: {  	v14 =	vld [tilespmem:s2+$0x2F0];
	_ =	sdelay $0x4  }
0x2ab: {  	v14 =	vpsel !p4, $0x0, v14  }
0x2ac: {  	[tilespmem:$0xC870] =	vst v14  }
0x2ad: {  	v14 =	vld [tilespmem:s2+$0x300];
	_ =	sdelay $0x3  }
0x2ae: {  	p5 =	sgt.u32 s31, $0x5  }
0x2af: {  	v14 =	vpsel !p5, $0x0, v14  }
0x2b0: {  	[tilespmem:$0xC880] =	vst v14  }
0x2b1: {  	v14 =	vld [tilespmem:s2+$0x310];
	_ =	sdelay $0x4  }
0x2b2: {  	v14 =	vpsel !p5, $0x0, v14  }
0x2b3: {  	[tilespmem:$0xC890] =	vst v14  }
0x2b4: {  	v14 =	vld [tilespmem:s2+$0x320];
	_ =	sdelay $0x4  }
0x2b5: {  	v14 =	vpsel !p5, $0x0, v14  }
0x2b6: {  	[tilespmem:$0xC8A0] =	vst v14  }
0x2b7: {  	v14 =	vld [tilespmem:s2+$0x330];
	_ =	sdelay $0x4  }
0x2b8: {  	v14 =	vpsel !p5, $0x0, v14  }
0x2b9: {  	[tilespmem:$0xC8B0] =	vst v14  }
0x2ba: {  	v14 =	vld [tilespmem:s2+$0x340];
	_ =	sdelay $0x4  }
0x2bb: {  	v14 =	vpsel !p5, $0x0, v14  }
0x2bc: {  	[tilespmem:$0xC8C0] =	vst v14  }
0x2bd: {  	v14 =	vld [tilespmem:s2+$0x350];
	_ =	sdelay $0x4  }
0x2be: {  	v14 =	vpsel !p5, $0x0, v14  }
0x2bf: {  	[tilespmem:$0xC8D0] =	vst v14  }
0x2c0: {  	v14 =	vld [tilespmem:s2+$0x360];
	_ =	sdelay $0x4  }
0x2c1: {  	v14 =	vpsel !p5, $0x0, v14  }
0x2c2: {  	[tilespmem:$0xC8E0] =	vst v14  }
0x2c3: {  	v14 =	vld [tilespmem:s2+$0x370];
	_ =	sdelay $0x4  }
0x2c4: {  	v14 =	vpsel !p5, $0x0, v14  }
0x2c5: {  	[tilespmem:$0xC8F0] =	vst v14  }
0x2c6: {  	v14 =	vld [tilespmem:s2+$0x380];
	_ =	sdelay $0x3  }
0x2c7: {  	p6 =	seq.s32 s31, $0x7  }
0x2c8: {  	v14 =	vpsel !p6, $0x0, v14  }
0x2c9: {  	[tilespmem:$0xC900] =	vst v14  }
0x2ca: {  	v14 =	vld [tilespmem:s2+$0x390];
	_ =	sdelay $0x4  }
0x2cb: {  	v14 =	vpsel !p6, $0x0, v14  }
0x2cc: {  	[tilespmem:$0xC910] =	vst v14  }
0x2cd: {  	v14 =	vld [tilespmem:s2+$0x3A0];
	_ =	sdelay $0x4  }
0x2ce: {  	v14 =	vpsel !p6, $0x0, v14  }
0x2cf: {  	[tilespmem:$0xC920] =	vst v14  }
0x2d0: {  	v14 =	vld [tilespmem:s2+$0x3B0];
	_ =	sdelay $0x4  }
0x2d1: {  	v14 =	vpsel !p6, $0x0, v14  }
0x2d2: {  	[tilespmem:$0xC930] =	vst v14  }
0x2d3: {  	v14 =	vld [tilespmem:s2+$0x3C0];
	_ =	sdelay $0x4  }
0x2d4: {  	v14 =	vpsel !p6, $0x0, v14  }
0x2d5: {  	[tilespmem:$0xC940] =	vst v14  }
0x2d6: {  	v14 =	vld [tilespmem:s2+$0x3D0];
	_ =	sdelay $0x4  }
0x2d7: {  	v14 =	vpsel !p6, $0x0, v14  }
0x2d8: {  	[tilespmem:$0xC950] =	vst v14  }
0x2d9: {  	v14 =	vld [tilespmem:s2+$0x3E0];
	_ =	sdelay $0x4  }
0x2da: {  	v14 =	vpsel !p6, $0x0, v14  }
0x2db: {  	[tilespmem:$0xC960] =	vst v14  }
0x2dc: {  	v14 =	vld [tilespmem:s2+$0x3F0];
	[tilespmem:$0xC980] =	vst v0  }
0x2dd: {  	[tilespmem:$0xC990] =	vst v0  }
0x2de: {  	[tilespmem:$0xC9A0] =	vst v0  }
0x2df: {  	[tilespmem:$0xC9B0] =	vst v0  }
0x2e0: {  	[tilespmem:$0xC9C0] =	vst v0  }
.Ltmp8:
0x2e1: {  	[tilespmem:$0xC9D0] =	vst v0;
	(pc) =	sbr.rel .LBB2_13-.Ltmp8, $4  }
0x2e2: {  	s30 =	sshll.u32 s30, $0x4;
	[tilespmem:$0xC9E0] =	vst v0  }
0x2e3: {  	s0 =	sand.u32 $0xFFFFFF80, s30;
	s31 =	sadd.s32 s26, s9;
	[tilespmem:$0xC9F0] =	vst v0;
	v14 =	vpsel !p6, $0x0, v14  }
0x2e4: {  	s0 =	sadd.s32 s0, s31;
	[tilespmem:$0xC970] =	vst v14  }
0x2e5: {  	[hbm4b:s0+s4] =	stream.linear.scatter [tilespmem:s21], [sflag:$0x5], $0x400, $0x38;
	[tilespmem:$0xCE00] =	vst v63  }
.LBB2_9:
0x2e6: {  	p0 =	slt.u32 s28, $0x4  }
0x2e7: {  	s0 =	simm.s32 @!p0 $0x4  }
0x2e8: {  	_ =	swait.ge @!p0 [sflag:s0], $0x400  }
0x2e9: {  	s2 =	sshll.u32 s29, $0x9;
	[sflag:s0] =	ssyncset.done @!p0 $0x0  }
0x2ea: {  	s2 =	sshra.s32 s2, $0x2;
	[sflag:s0] =	ssyncadd.s32 @!p0 $0xFFFFFC00  }
0x2eb: {  	v14 =	vld [tilespmem:s2+$0x80];
	_ =	sdelay $0x3  }
0x2ec: {  	p6 =	seq.s32 s31, $0x0  }
0x2ed: {  	v14 =	vpsel p6, $0x0, v14  }
0x2ee: {  	[tilespmem:$0xC200] =	vst v14  }
0x2ef: {  	v14 =	vld [tilespmem:s2+$0x90];
	_ =	sdelay $0x4  }
0x2f0: {  	v14 =	vpsel p6, $0x0, v14  }
0x2f1: {  	[tilespmem:$0xC210] =	vst v14  }
0x2f2: {  	v14 =	vld [tilespmem:s2+$0xA0];
	_ =	sdelay $0x4  }
0x2f3: {  	v14 =	vpsel p6, $0x0, v14  }
0x2f4: {  	[tilespmem:$0xC220] =	vst v14  }
0x2f5: {  	v14 =	vld [tilespmem:s2+$0xB0];
	_ =	sdelay $0x4  }
0x2f6: {  	v14 =	vpsel p6, $0x0, v14  }
0x2f7: {  	[tilespmem:$0xC230] =	vst v14  }
0x2f8: {  	v14 =	vld [tilespmem:s2+$0xC0];
	_ =	sdelay $0x4  }
0x2f9: {  	v14 =	vpsel p6, $0x0, v14  }
0x2fa: {  	[tilespmem:$0xC240] =	vst v14  }
0x2fb: {  	v14 =	vld [tilespmem:s2+$0xD0];
	_ =	sdelay $0x4  }
0x2fc: {  	v14 =	vpsel p6, $0x0, v14  }
0x2fd: {  	[tilespmem:$0xC250] =	vst v14  }
0x2fe: {  	v14 =	vld [tilespmem:s2+$0xE0];
	_ =	sdelay $0x4  }
0x2ff: {  	v14 =	vpsel p6, $0x0, v14  }
0x300: {  	[tilespmem:$0xC260] =	vst v14  }
0x301: {  	v14 =	vld [tilespmem:s2+$0xF0];
	_ =	sdelay $0x4  }
0x302: {  	v14 =	vpsel p6, $0x0, v14  }
0x303: {  	[tilespmem:$0xC270] =	vst v14  }
0x304: {  	v14 =	vld [tilespmem:s2+$0x100];
	_ =	sdelay $0x3  }
0x305: {  	p1 =	sgt.u32 s31, $0x1  }
0x306: {  	v14 =	vpsel !p1, $0x0, v14  }
0x307: {  	[tilespmem:$0xC280] =	vst v14  }
0x308: {  	v14 =	vld [tilespmem:s2+$0x110];
	_ =	sdelay $0x4  }
0x309: {  	v14 =	vpsel !p1, $0x0, v14  }
0x30a: {  	[tilespmem:$0xC290] =	vst v14  }
0x30b: {  	v14 =	vld [tilespmem:s2+$0x120];
	_ =	sdelay $0x4  }
0x30c: {  	v14 =	vpsel !p1, $0x0, v14  }
0x30d: {  	[tilespmem:$0xC2A0] =	vst v14  }
0x30e: {  	v14 =	vld [tilespmem:s2+$0x130];
	_ =	sdelay $0x4  }
0x30f: {  	v14 =	vpsel !p1, $0x0, v14  }
0x310: {  	[tilespmem:$0xC2B0] =	vst v14  }
0x311: {  	v14 =	vld [tilespmem:s2+$0x140];
	_ =	sdelay $0x4  }
0x312: {  	v14 =	vpsel !p1, $0x0, v14  }
0x313: {  	[tilespmem:$0xC2C0] =	vst v14  }
0x314: {  	v14 =	vld [tilespmem:s2+$0x150];
	_ =	sdelay $0x4  }
0x315: {  	v14 =	vpsel !p1, $0x0, v14  }
0x316: {  	[tilespmem:$0xC2D0] =	vst v14  }
0x317: {  	v14 =	vld [tilespmem:s2+$0x160];
	_ =	sdelay $0x4  }
0x318: {  	v14 =	vpsel !p1, $0x0, v14  }
0x319: {  	[tilespmem:$0xC2E0] =	vst v14  }
0x31a: {  	v14 =	vld [tilespmem:s2+$0x170];
	_ =	sdelay $0x4  }
0x31b: {  	v14 =	vpsel !p1, $0x0, v14  }
0x31c: {  	[tilespmem:$0xC2F0] =	vst v14  }
0x31d: {  	v14 =	vld [tilespmem:s2+$0x180];
	_ =	sdelay $0x3  }
0x31e: {  	p2 =	sgt.u32 s31, $0x2  }
0x31f: {  	v14 =	vpsel !p2, $0x0, v14  }
0x320: {  	[tilespmem:$0xC300] =	vst v14  }
0x321: {  	v14 =	vld [tilespmem:s2+$0x190];
	_ =	sdelay $0x4  }
0x322: {  	v14 =	vpsel !p2, $0x0, v14  }
0x323: {  	[tilespmem:$0xC310] =	vst v14  }
0x324: {  	v14 =	vld [tilespmem:s2+$0x1A0];
	_ =	sdelay $0x4  }
0x325: {  	v14 =	vpsel !p2, $0x0, v14  }
0x326: {  	[tilespmem:$0xC320] =	vst v14  }
0x327: {  	v14 =	vld [tilespmem:s2+$0x1B0];
	_ =	sdelay $0x4  }
0x328: {  	v14 =	vpsel !p2, $0x0, v14  }
0x329: {  	[tilespmem:$0xC330] =	vst v14  }
0x32a: {  	v14 =	vld [tilespmem:s2+$0x1C0];
	_ =	sdelay $0x4  }
0x32b: {  	v14 =	vpsel !p2, $0x0, v14  }
0x32c: {  	[tilespmem:$0xC340] =	vst v14  }
0x32d: {  	v14 =	vld [tilespmem:s2+$0x1D0];
	_ =	sdelay $0x4  }
0x32e: {  	v14 =	vpsel !p2, $0x0, v14  }
0x32f: {  	[tilespmem:$0xC350] =	vst v14  }
0x330: {  	v14 =	vld [tilespmem:s2+$0x1E0];
	_ =	sdelay $0x4  }
0x331: {  	v14 =	vpsel !p2, $0x0, v14  }
0x332: {  	[tilespmem:$0xC360] =	vst v14  }
0x333: {  	v14 =	vld [tilespmem:s2+$0x1F0];
	_ =	sdelay $0x4  }
0x334: {  	v14 =	vpsel !p2, $0x0, v14  }
0x335: {  	[tilespmem:$0xC370] =	vst v14  }
0x336: {  	v14 =	vld [tilespmem:s2+$0x200];
	_ =	sdelay $0x3  }
0x337: {  	p3 =	sgt.u32 s31, $0x3  }
0x338: {  	v14 =	vpsel !p3, $0x0, v14  }
0x339: {  	[tilespmem:$0xC380] =	vst v14  }
0x33a: {  	v14 =	vld [tilespmem:s2+$0x210];
	_ =	sdelay $0x4  }
0x33b: {  	v14 =	vpsel !p3, $0x0, v14  }
0x33c: {  	[tilespmem:$0xC390] =	vst v14  }
0x33d: {  	v14 =	vld [tilespmem:s2+$0x220];
	_ =	sdelay $0x4  }
0x33e: {  	v14 =	vpsel !p3, $0x0, v14  }
0x33f: {  	[tilespmem:$0xC3A0] =	vst v14  }
0x340: {  	v14 =	vld [tilespmem:s2+$0x230];
	_ =	sdelay $0x4  }
0x341: {  	v14 =	vpsel !p3, $0x0, v14  }
0x342: {  	[tilespmem:$0xC3B0] =	vst v14  }
0x343: {  	v14 =	vld [tilespmem:s2+$0x240];
	_ =	sdelay $0x4  }
0x344: {  	v14 =	vpsel !p3, $0x0, v14  }
0x345: {  	[tilespmem:$0xC3C0] =	vst v14  }
0x346: {  	v14 =	vld [tilespmem:s2+$0x250];
	_ =	sdelay $0x4  }
0x347: {  	v14 =	vpsel !p3, $0x0, v14  }
0x348: {  	[tilespmem:$0xC3D0] =	vst v14  }
0x349: {  	v14 =	vld [tilespmem:s2+$0x260];
	_ =	sdelay $0x4  }
0x34a: {  	v14 =	vpsel !p3, $0x0, v14  }
0x34b: {  	[tilespmem:$0xC3E0] =	vst v14  }
0x34c: {  	v14 =	vld [tilespmem:s2+$0x270];
	_ =	sdelay $0x4  }
0x34d: {  	v14 =	vpsel !p3, $0x0, v14  }
0x34e: {  	[tilespmem:$0xC3F0] =	vst v14  }
0x34f: {  	v14 =	vld [tilespmem:s2+$0x280];
	_ =	sdelay $0x3  }
0x350: {  	p4 =	sgt.u32 s31, $0x4  }
0x351: {  	v14 =	vpsel !p4, $0x0, v14  }
0x352: {  	[tilespmem:$0xC400] =	vst v14  }
0x353: {  	v14 =	vld [tilespmem:s2+$0x290];
	_ =	sdelay $0x4  }
0x354: {  	v14 =	vpsel !p4, $0x0, v14  }
0x355: {  	[tilespmem:$0xC410] =	vst v14  }
0x356: {  	v14 =	vld [tilespmem:s2+$0x2A0];
	_ =	sdelay $0x4  }
0x357: {  	v14 =	vpsel !p4, $0x0, v14  }
0x358: {  	[tilespmem:$0xC420] =	vst v14  }
0x359: {  	v14 =	vld [tilespmem:s2+$0x2B0];
	_ =	sdelay $0x4  }
0x35a: {  	v14 =	vpsel !p4, $0x0, v14  }
0x35b: {  	[tilespmem:$0xC430] =	vst v14  }
0x35c: {  	v14 =	vld [tilespmem:s2+$0x2C0];
	_ =	sdelay $0x4  }
0x35d: {  	v14 =	vpsel !p4, $0x0, v14  }
0x35e: {  	[tilespmem:$0xC440] =	vst v14  }
0x35f: {  	v14 =	vld [tilespmem:s2+$0x2D0];
	_ =	sdelay $0x4  }
0x360: {  	v14 =	vpsel !p4, $0x0, v14  }
0x361: {  	[tilespmem:$0xC450] =	vst v14  }
0x362: {  	v14 =	vld [tilespmem:s2+$0x2E0];
	_ =	sdelay $0x4  }
0x363: {  	v14 =	vpsel !p4, $0x0, v14  }
0x364: {  	[tilespmem:$0xC460] =	vst v14  }
0x365: {  	v14 =	vld [tilespmem:s2+$0x2F0];
	_ =	sdelay $0x4  }
0x366: {  	v14 =	vpsel !p4, $0x0, v14  }
0x367: {  	[tilespmem:$0xC470] =	vst v14  }
0x368: {  	v14 =	vld [tilespmem:s2+$0x300];
	_ =	sdelay $0x3  }
0x369: {  	p5 =	sgt.u32 s31, $0x5  }
0x36a: {  	v14 =	vpsel !p5, $0x0, v14  }
0x36b: {  	[tilespmem:$0xC480] =	vst v14  }
0x36c: {  	v14 =	vld [tilespmem:s2+$0x310];
	_ =	sdelay $0x4  }
0x36d: {  	v14 =	vpsel !p5, $0x0, v14  }
0x36e: {  	[tilespmem:$0xC490] =	vst v14  }
0x36f: {  	v14 =	vld [tilespmem:s2+$0x320];
	_ =	sdelay $0x4  }
0x370: {  	v14 =	vpsel !p5, $0x0, v14  }
0x371: {  	[tilespmem:$0xC4A0] =	vst v14  }
0x372: {  	v14 =	vld [tilespmem:s2+$0x330];
	_ =	sdelay $0x4  }
0x373: {  	v14 =	vpsel !p5, $0x0, v14  }
0x374: {  	[tilespmem:$0xC4B0] =	vst v14  }
0x375: {  	v14 =	vld [tilespmem:s2+$0x340];
	_ =	sdelay $0x4  }
0x376: {  	v14 =	vpsel !p5, $0x0, v14  }
0x377: {  	[tilespmem:$0xC4C0] =	vst v14  }
0x378: {  	v14 =	vld [tilespmem:s2+$0x350];
	_ =	sdelay $0x4  }
0x379: {  	v14 =	vpsel !p5, $0x0, v14  }
0x37a: {  	[tilespmem:$0xC4D0] =	vst v14  }
0x37b: {  	v14 =	vld [tilespmem:s2+$0x360];
	_ =	sdelay $0x4  }
0x37c: {  	v14 =	vpsel !p5, $0x0, v14  }
0x37d: {  	[tilespmem:$0xC4E0] =	vst v14  }
0x37e: {  	v14 =	vld [tilespmem:s2+$0x370];
	_ =	sdelay $0x4  }
0x37f: {  	v14 =	vpsel !p5, $0x0, v14  }
0x380: {  	[tilespmem:$0xC4F0] =	vst v14  }
0x381: {  	v14 =	vld [tilespmem:s2+$0x380];
	_ =	sdelay $0x3  }
0x382: {  	p6 =	seq.s32 s31, $0x7  }
0x383: {  	v14 =	vpsel !p6, $0x0, v14  }
0x384: {  	[tilespmem:$0xC500] =	vst v14  }
0x385: {  	v14 =	vld [tilespmem:s2+$0x390];
	_ =	sdelay $0x4  }
0x386: {  	v14 =	vpsel !p6, $0x0, v14  }
0x387: {  	[tilespmem:$0xC510] =	vst v14  }
0x388: {  	v14 =	vld [tilespmem:s2+$0x3A0];
	_ =	sdelay $0x4  }
0x389: {  	v14 =	vpsel !p6, $0x0, v14  }
0x38a: {  	[tilespmem:$0xC520] =	vst v14  }
0x38b: {  	v14 =	vld [tilespmem:s2+$0x3B0];
	_ =	sdelay $0x4  }
0x38c: {  	v14 =	vpsel !p6, $0x0, v14  }
0x38d: {  	[tilespmem:$0xC530] =	vst v14  }
0x38e: {  	v14 =	vld [tilespmem:s2+$0x3C0];
	_ =	sdelay $0x4  }
0x38f: {  	v14 =	vpsel !p6, $0x0, v14  }
0x390: {  	[tilespmem:$0xC540] =	vst v14  }
0x391: {  	v14 =	vld [tilespmem:s2+$0x3D0];
	_ =	sdelay $0x4  }
0x392: {  	v14 =	vpsel !p6, $0x0, v14  }
0x393: {  	[tilespmem:$0xC550] =	vst v14  }
0x394: {  	v14 =	vld [tilespmem:s2+$0x3E0];
	_ =	sdelay $0x4  }
0x395: {  	v14 =	vpsel !p6, $0x0, v14  }
0x396: {  	[tilespmem:$0xC560] =	vst v14  }
0x397: {  	v14 =	vld [tilespmem:s2+$0x3F0];
	[tilespmem:$0xC580] =	vst v0  }
0x398: {  	[tilespmem:$0xC590] =	vst v0  }
0x399: {  	[tilespmem:$0xC5A0] =	vst v0  }
0x39a: {  	[tilespmem:$0xC5B0] =	vst v0  }
0x39b: {  	[tilespmem:$0xC5C0] =	vst v0  }
.Ltmp9:
0x39c: {  	[tilespmem:$0xC5D0] =	vst v0;
	(pc) =	sbr.rel .LBB2_13-.Ltmp9, $4  }
0x39d: {  	s30 =	sshll.u32 s30, $0x4;
	[tilespmem:$0xC5E0] =	vst v0  }
0x39e: {  	s0 =	sand.u32 $0xFFFFFF80, s30;
	s31 =	sadd.s32 s26, s9;
	[tilespmem:$0xC5F0] =	vst v0;
	v14 =	vpsel !p6, $0x0, v14  }
0x39f: {  	s0 =	sadd.s32 s0, s31;
	[tilespmem:$0xC570] =	vst v14  }
0x3a0: {  	[hbm4b:s0+s4] =	stream.linear.scatter [tilespmem:s14], [sflag:$0x4], $0x400, $0x38;
	[tilespmem:$0xCE00] =	vst v63  }
.LBB2_14:
0x3a1: {  	_ =	swait.ge [sflag:s15], $0x4000  }
0x3a2: {  	s2 =	simm.s32 $0x2F;
	[sflag:s15] =	ssyncset.done $0x0  }
.LBB2_15:
0x3a3: {  	p0 =	sne.s32 s2, $0x1;
	s2 =	sadd.s32 $0xFFFFFFFF, s2;
	[sflag:s15] =	ssyncadd.s32 $0xFFFFC000  }
.Ltmp10:
0x3a4: {  	(pc) =	sbr.rel @p0 .LBB2_15-.Ltmp10, $3  }
0x3a5: {  	_ =	sdelay $0x1  }
0x3a6: {  	_ =	swait.ge [sflag:s15], $0x4000  }
0x3a7: {  	[sflag:s15] =	ssyncset.done $0x0  }
0x3a8: {  	[sflag:s15] =	ssyncadd.s32 $0xFFFFC000  }
0x3a9: {  	_ =	swait.ge [sflag:s16], $0x400  }
0x3aa: {  	[sflag:s16] =	ssyncset.done $0x0  }
0x3ab: {  	[sflag:s16] =	ssyncadd.s32 $0xFFFFFC00  }
0x3ac: {  	_ =	swait.ge [sflag:s17], $0x400  }
0x3ad: {  	[sflag:s17] =	ssyncset.done $0x0  }
0x3ae: {  	[sflag:s17] =	ssyncadd.s32 $0xFFFFFC00  }
0x3af: {  	_ =	swait.ge [sflag:s18], $0x400  }
0x3b0: {  	[sflag:s18] =	ssyncset.done $0x0  }
0x3b1: {  	s23 =	sadd.s32 $0x1, s23;
	[sflag:s18] =	ssyncadd.s32 $0xFFFFFC00  }
0x3b2: {  	p0 =	sne.s32 s23, s7;
	_ =	swait.ge [sflag:s19], $0x400  }
.Ltmp11:
0x3b3: {  	[sflag:s19] =	ssyncset.done $0x0;
	(pc) =	sbr.rel @p0 .LBB2_1-.Ltmp11, $4  }
0x3b4: {  	[sflag:s19] =	ssyncadd.s32 $0xFFFFFC00  }
0x3b5: {  	_ =	swait.ge [sflag:s20], $0x1900  }
0x3b6: {  	[sflag:s20] =	ssyncset.done $0x0  }
0x3b7: {  	[sflag:s20] =	ssyncadd.s32 $0xFFFFE700  }
0x3b8: {  	_ =	sfence.sel $0x180000  }
0x3b9: {  	[bflag:$0x0] =	sbarrier.arrive $0xFFFF  }
0x3ba: {  	_ =	strace $0x90000047  }
0x3bb: {  	s0 =	stileid.u32;
	[bflag:$0x2] =	sbarrier.arrive $0xFFFF  }
0x3bc: {  	p0 =	sne.s32 s0, $0x0;
	s0 =	rddreg [dreg:$0x4]  }
0x3bd: {  	s0 =	sadd.s32 @!p0 $0x100000, s0  }
0x3be: {  	[sflag:s0] =	ssyncadd.tile.s32 @!p0 $0x1;
	_ =	shalt  }
.Lfunc_end2:
_tile_overlayer_lowered:
.L_overlay_start_2:
0x3bf: {  	(tag) =	ssettag $0x2  }
0x3c0: {  	s0 =	rddreg [dreg:$0x0];
	s2 =	stileid.u32  }
0x3c1: {  	s1 =	rddreg [dreg:$0x1];
	p0 =	sne.s32 s2, $0x0  }
0x3c2: {  	s3 =	rddreg [dreg:$0x2];
	[bflag:$0x3] =	sbarrier.arrive $0xFFFF;
	s2 =	simm.s32 @!p0 $0x1C07  }
0x3c3: {  	[timem:s3], [sflag:s2] =	dma.local @!p0 [hbm:s0], s1  }
0x3c4: {  	s0 =	simm.s32 @!p0 $0x7  }
0x3c5: {  	_ =	swait.ge @!p0 [sflag:s0], s1  }
0x3c6: {  	s1 =	ssub.s32 @!p0 $0x0, s1;
	[sflag:s0] =	ssyncset.done @!p0 $0x0  }
0x3c7: {  	[sflag:s0] =	ssyncadd.s32 @!p0 s1  }
0x3c8: {  	[bflag:$0x3] =	sbarrier.arrive $0xFFFF  }
0x3c9: {  	_ =	shalt  }

</sc_bundles>
